<compile_context>
chip_gen: v7x
topology: tpu7x:2x2x1
jax: 0.10.2.dev20260603
libtpu: 0.0.44.dev20260713+nightly
codegen_flags: <defaults>
</compile_context>

<pallas_src>
import functools

import jax
import jax.numpy as jnp
from jax import lax
from jax.experimental import pallas as pl
from jax.experimental.pallas import tpu as pltpu
from jax.experimental.pallas import tpu_sc as plsc

B, S, F = 2, 8192, 2048
L = 16
NC, NS = 2, 16
NW = NC * NS
GPW = 8
FW = GPW * L
WPB = NW // B
CHUNK = 64
NCHUNK = S // CHUNK
NBUF = 4
NROUND = NCHUNK // NBUF

_mesh = plsc.VectorSubcoreMesh(core_axis_name="c", subcore_axis_name="s")


@functools.partial(
    pl.kernel,
    mesh=_mesh,
    out_type=jax.ShapeDtypeStruct((B, S, F), jnp.float32),
    compiler_params=pltpu.CompilerParams(
        use_tc_tiling_on_sc=True, needs_layout_passes=False),
    scratch_types=(
        [pltpu.VMEM((NBUF, CHUNK, FW), jnp.float32)]
        + [pltpu.SemaphoreType.DMA] * (2 * NBUF)
    ),
)
def _cumsum_sc(x_hbm, out_hbm, buf, *sems):
    in_sems, out_sems = sems[:NBUF], sems[NBUF:]
    wid = lax.axis_index("s") * NC + lax.axis_index("c")
    b = wid // WPB
    f0 = (wid % WPB) * FW

    def src(ci):
        return x_hbm.at[b, pl.ds(ci * CHUNK, CHUNK), pl.ds(f0, FW)]

    def dst(ci):
        return out_hbm.at[b, pl.ds(ci * CHUNK, CHUNK), pl.ds(f0, FW)]

    def chunk_body(ci, j, accs, first, last):
        pltpu.make_async_copy(src(ci), buf.at[j], in_sems[j]).wait()

        @plsc.parallel_loop(0, CHUNK, 1, unroll=16, carry=accs)
        def row_body(i, accs, j=j):
            new = []
            for g in range(GPW):
                v = buf[j, i, pl.ds(g * L, L)]
                buf[j, i, pl.ds(g * L, L)] = accs[g]
                new.append(accs[g] + v)
            return tuple(new)

        accs = row_body
        pltpu.async_copy(buf.at[j], dst(ci), out_sems[j])
        if not last:
            nj = (j + NBUF - 1) % NBUF
            if not (first and j == 0):
                pltpu.make_async_copy(
                    buf.at[nj], dst(ci - 1), out_sems[nj]).wait()
            pltpu.async_copy(src(ci + NBUF - 1), buf.at[nj], in_sems[nj])
        return accs

    for ci in range(NBUF - 1):
        pltpu.async_copy(src(ci), buf.at[ci], in_sems[ci])

    accs = tuple(jnp.zeros((L,), jnp.float32) for _ in range(GPW))

    for j in range(NBUF):
        accs = chunk_body(j, j, accs, first=True, last=False)

    def round_body(r, accs):
        for j in range(NBUF):
            accs = chunk_body(r * NBUF + j, j, accs, first=False, last=False)
        return accs

    accs = lax.fori_loop(1, NROUND - 1, round_body, accs)

    for j in range(NBUF):
        ci = NCHUNK - NBUF + j
        accs = chunk_body(ci, j, accs, first=False, last=(j > 0))

    for j in range(NBUF):
        pltpu.make_async_copy(
            buf.at[j], dst(NCHUNK - NBUF + j), out_sems[j]).wait()


def kernel(x):
    return _cumsum_sc(x)

# --- scband reference (transcript-rebuilt; emitter-appended) ---
"""Pipeline reference for scband-model-new-17514876633492 (READ-ONLY COPY).

The authoritative reference and input builder live on the scoring server;
editing this copy changes nothing except your own understanding.
"""

import jax, jax.numpy as jnp
import numpy as np

DIM = 1

def setup_inputs(seed: int = 0) -> dict:
    key = jax.random.key(seed)
    x = jax.random.normal(key, (2, 8192, 2048), dtype=jnp.float32)
    return {"x": x}

def reference(x):
    # Exclusive cumulative sum along DIM: out[i] = sum(x[0..i-1]), out[0] = 0.
    c = jnp.cumsum(x, axis=DIM)
    n = x.shape[DIM]
    shifted = jax.lax.slice_in_dim(c, 0, n - 1, axis=DIM)
    zero_shape = list(x.shape)
    zero_shape[DIM] = 1
    pad = jnp.zeros(zero_shape, dtype=x.dtype)
    out = jnp.concatenate([pad, shifted], axis=DIM)
    return out

if __name__ == "__main__":
    import jax
    _d = setup_inputs()
    print(jax.jit(kernel)(*tuple(_d.values())))

</pallas_src>

<mosaic_0001>
#map = affine_map<(d0, d1) -> (0, 0, 0)>
module attributes {stable_mosaic.version = 14 : i64} {
  func.func @_cumsum_sc(%arg0: i32, %arg1: i32, %arg2: memref<2x8192x2048xf32, #tpu.memory_space<hbm>>, %arg3: memref<2x8192x2048xf32, #tpu.memory_space<hbm>>, %arg4: memref<4x64x128xf32, #tpu.memory_space<vmem>>, %arg5: memref<!tpu.dma_semaphore, #tpu.memory_space<semaphore_mem>>, %arg6: memref<!tpu.dma_semaphore, #tpu.memory_space<semaphore_mem>>, %arg7: memref<!tpu.dma_semaphore, #tpu.memory_space<semaphore_mem>>, %arg8: memref<!tpu.dma_semaphore, #tpu.memory_space<semaphore_mem>>, %arg9: memref<!tpu.dma_semaphore, #tpu.memory_space<semaphore_mem>>, %arg10: memref<!tpu.dma_semaphore, #tpu.memory_space<semaphore_mem>>, %arg11: memref<!tpu.dma_semaphore, #tpu.memory_space<semaphore_mem>>, %arg12: memref<!tpu.dma_semaphore, #tpu.memory_space<semaphore_mem>>) attributes {dimension_semantics = [#tpu.dimension_semantics<core_parallel>, #tpu.dimension_semantics<subcore_parallel>], iteration_bounds = array<i64: 2, 16>, scalar_prefetch = 0 : i64, scratch_operands = 9 : i64, tpu.core_type = #tpu.core_type<sc_vector_subcore>, window_params = [{transform_indices = #map}, {transform_indices = #map}]} {
    %mul3A = arith.constant 2 : i32
    %mul3A_0 = arith.muli %arg1, %mul3A : i32
    %add3A = arith.addi %mul3A_0, %arg0 : i32
    %jit3A = arith.constant 16 : i32
    %div3A = arith.divsi %add3A, %jit3A : i32
    %sign3A = arith.constant 0 : i32
    %sign3A_1 = arith.cmpi sgt, %add3A, %sign3A : i32
    %sign3A_2 = arith.extui %sign3A_1 : i1 to i32
    %sign3A_3 = arith.constant 0 : i32
    %sign3A_4 = arith.cmpi slt, %add3A, %sign3A_3 : i32
    %sign3A_5 = arith.extui %sign3A_4 : i1 to i32
    %sign3A_6 = arith.subi %sign3A_2, %sign3A_5 : i32
    %sign3A_7 = arith.constant 0 : i32
    %sign3A_8 = arith.cmpi sgt, %jit3A, %sign3A_7 : i32
    %sign3A_9 = arith.extui %sign3A_8 : i1 to i32
    %sign3A_10 = arith.constant 0 : i32
    %sign3A_11 = arith.cmpi slt, %jit3A, %sign3A_10 : i32
    %sign3A_12 = arith.extui %sign3A_11 : i1 to i32
    %sign3A_13 = arith.subi %sign3A_9, %sign3A_12 : i32
    %ne3A = arith.cmpi ne, %sign3A_6, %sign3A_13 : i32
    %rem3A = arith.remsi %add3A, %jit3A : i32
    %ne3A_14 = arith.constant 0 : i32
    %ne3A_15 = arith.cmpi ne, %rem3A, %ne3A_14 : i32
    %and3A = arith.andi %ne3A, %ne3A_15 : i1
    %sub3A = arith.constant 1 : i32
    %sub3A_16 = arith.subi %div3A, %sub3A : i32
    %select_n3A = arith.select %and3A, %sub3A_16, %div3A : i32
    %jit3A_17 = arith.constant 16 : i32
    %eq3A = arith.constant 0 : i32
    %eq3A_18 = arith.cmpi eq, %jit3A_17, %eq3A : i32
    %jit3A_19 = arith.constant 1 : i32
    %select_n3A_20 = arith.select %eq3A_18, %jit3A_19, %jit3A_17 : i32
    %rem3A_21 = arith.remsi %add3A, %select_n3A_20 : i32
    %ne3A_22 = arith.constant 0 : i32
    %ne3A_23 = arith.cmpi ne, %rem3A_21, %ne3A_22 : i32
    %lt3A = arith.constant 0 : i32
    %lt3A_24 = arith.cmpi slt, %rem3A_21, %lt3A : i32
    %lt3A_25 = arith.constant 0 : i32
    %lt3A_26 = arith.cmpi slt, %select_n3A_20, %lt3A_25 : i32
    %ne3A_27 = arith.xori %lt3A_24, %lt3A_26 : i1
    %and3A_28 = arith.andi %ne3A_27, %ne3A_23 : i1
    %add3A_29 = arith.addi %rem3A_21, %select_n3A_20 : i32
    %select_n3A_30 = arith.select %and3A_28, %add3A_29, %rem3A_21 : i32
    %mul3A_31 = arith.constant 128 : i32
    %mul3A_32 = arith.muli %select_n3A_30, %mul3A_31 : i32
    %dma_start3A = arith.constant 0 : i32
    %dma_start3A_33 = arith.constant 0 : i32
    %dma_start3A_34 = arith.constant 0 : i32
    %dma_start3A_35 = tpu.memref_slice %arg4[%dma_start3A, %dma_start3A_33, %dma_start3A_34] : memref<4x64x128xf32, #tpu.memory_space<vmem>> -> memref<1x64x128xf32, #tpu.memory_space<vmem>>
    %dma_start3A_36 = tpu.memref_squeeze %dma_start3A_35 : memref<1x64x128xf32, #tpu.memory_space<vmem>> -> memref<64x128xf32, #tpu.memory_space<vmem>>
    %dma_start3A_37 = arith.constant 0 : i32
    %dma_start3A_38 = tpu.memref_slice %arg2[%select_n3A, %dma_start3A_37, %mul3A_32] : memref<2x8192x2048xf32, #tpu.memory_space<hbm>> -> memref<1x64x128xf32, #tpu.memory_space<hbm>>
    %dma_start3A_39 = tpu.memref_squeeze %dma_start3A_38 : memref<1x64x128xf32, #tpu.memory_space<hbm>> -> memref<64x128xf32, #tpu.memory_space<hbm>>
    %dma_start3A_40 = arith.constant 0 : i32
    %dma_start3A_41 = arith.constant 0 : i32
    %dma_start3A_42 = tpu.memref_slice %arg4[%dma_start3A, %dma_start3A_40, %dma_start3A_41] : memref<4x64x128xf32, #tpu.memory_space<vmem>> -> memref<1x64x128xf32, #tpu.memory_space<vmem>>
    %dma_start3A_43 = tpu.memref_squeeze %dma_start3A_42 : memref<1x64x128xf32, #tpu.memory_space<vmem>> -> memref<64x128xf32, #tpu.memory_space<vmem>>
    %dma_start3A_44 = arith.constant 0 : i32
    %dma_start3A_45 = tpu.memref_slice %arg2[%select_n3A, %dma_start3A_44, %mul3A_32] : memref<2x8192x2048xf32, #tpu.memory_space<hbm>> -> memref<1x64x128xf32, #tpu.memory_space<hbm>>
    %dma_start3A_46 = tpu.memref_squeeze %dma_start3A_45 : memref<1x64x128xf32, #tpu.memory_space<hbm>> -> memref<64x128xf32, #tpu.memory_space<hbm>>
    tpu.enqueue_dma source(%dma_start3A_46 : memref<64x128xf32, #tpu.memory_space<hbm>>) target(%dma_start3A_43 : memref<64x128xf32, #tpu.memory_space<vmem>>) target_semaphore(%arg5 : memref<!tpu.dma_semaphore, #tpu.memory_space<semaphore_mem>>)
    %dma_start3A_47 = arith.constant 1 : i32
    %dma_start3A_48 = arith.constant 0 : i32
    %dma_start3A_49 = arith.constant 0 : i32
    %dma_start3A_50 = tpu.memref_slice %arg4[%dma_start3A_47, %dma_start3A_48, %dma_start3A_49] : memref<4x64x128xf32, #tpu.memory_space<vmem>> -> memref<1x64x128xf32, #tpu.memory_space<vmem>>
    %dma_start3A_51 = tpu.memref_squeeze %dma_start3A_50 : memref<1x64x128xf32, #tpu.memory_space<vmem>> -> memref<64x128xf32, #tpu.memory_space<vmem>>
    %dma_start3A_52 = arith.constant 64 : i32
    %dma_start3A_53 = tpu.memref_slice %arg2[%select_n3A, %dma_start3A_52, %mul3A_32] : memref<2x8192x2048xf32, #tpu.memory_space<hbm>> -> memref<1x64x128xf32, #tpu.memory_space<hbm>>
    %dma_start3A_54 = tpu.memref_squeeze %dma_start3A_53 : memref<1x64x128xf32, #tpu.memory_space<hbm>> -> memref<64x128xf32, #tpu.memory_space<hbm>>
    %dma_start3A_55 = arith.constant 0 : i32
    %dma_start3A_56 = arith.constant 0 : i32
    %dma_start3A_57 = tpu.memref_slice %arg4[%dma_start3A_47, %dma_start3A_55, %dma_start3A_56] : memref<4x64x128xf32, #tpu.memory_space<vmem>> -> memref<1x64x128xf32, #tpu.memory_space<vmem>>
    %dma_start3A_58 = tpu.memref_squeeze %dma_start3A_57 : memref<1x64x128xf32, #tpu.memory_space<vmem>> -> memref<64x128xf32, #tpu.memory_space<vmem>>
    %dma_start3A_59 = arith.constant 64 : i32
    %dma_start3A_60 = tpu.memref_slice %arg2[%select_n3A, %dma_start3A_59, %mul3A_32] : memref<2x8192x2048xf32, #tpu.memory_space<hbm>> -> memref<1x64x128xf32, #tpu.memory_space<hbm>>
    %dma_start3A_61 = tpu.memref_squeeze %dma_start3A_60 : memref<1x64x128xf32, #tpu.memory_space<hbm>> -> memref<64x128xf32, #tpu.memory_space<hbm>>
    tpu.enqueue_dma source(%dma_start3A_61 : memref<64x128xf32, #tpu.memory_space<hbm>>) target(%dma_start3A_58 : memref<64x128xf32, #tpu.memory_space<vmem>>) target_semaphore(%arg6 : memref<!tpu.dma_semaphore, #tpu.memory_space<semaphore_mem>>)
    %dma_start3A_62 = arith.constant 2 : i32
    %dma_start3A_63 = arith.constant 0 : i32
    %dma_start3A_64 = arith.constant 0 : i32
    %dma_start3A_65 = tpu.memref_slice %arg4[%dma_start3A_62, %dma_start3A_63, %dma_start3A_64] : memref<4x64x128xf32, #tpu.memory_space<vmem>> -> memref<1x64x128xf32, #tpu.memory_space<vmem>>
    %dma_start3A_66 = tpu.memref_squeeze %dma_start3A_65 : memref<1x64x128xf32, #tpu.memory_space<vmem>> -> memref<64x128xf32, #tpu.memory_space<vmem>>
    %dma_start3A_67 = arith.constant 128 : i32
    %dma_start3A_68 = tpu.memref_slice %arg2[%select_n3A, %dma_start3A_67, %mul3A_32] : memref<2x8192x2048xf32, #tpu.memory_space<hbm>> -> memref<1x64x128xf32, #tpu.memory_space<hbm>>
    %dma_start3A_69 = tpu.memref_squeeze %dma_start3A_68 : memref<1x64x128xf32, #tpu.memory_space<hbm>> -> memref<64x128xf32, #tpu.memory_space<hbm>>
    %dma_start3A_70 = arith.constant 0 : i32
    %dma_start3A_71 = arith.constant 0 : i32
    %dma_start3A_72 = tpu.memref_slice %arg4[%dma_start3A_62, %dma_start3A_70, %dma_start3A_71] : memref<4x64x128xf32, #tpu.memory_space<vmem>> -> memref<1x64x128xf32, #tpu.memory_space<vmem>>
    %dma_start3A_73 = tpu.memref_squeeze %dma_start3A_72 : memref<1x64x128xf32, #tpu.memory_space<vmem>> -> memref<64x128xf32, #tpu.memory_space<vmem>>
    %dma_start3A_74 = arith.constant 128 : i32
    %dma_start3A_75 = tpu.memref_slice %arg2[%select_n3A, %dma_start3A_74, %mul3A_32] : memref<2x8192x2048xf32, #tpu.memory_space<hbm>> -> memref<1x64x128xf32, #tpu.memory_space<hbm>>
    %dma_start3A_76 = tpu.memref_squeeze %dma_start3A_75 : memref<1x64x128xf32, #tpu.memory_space<hbm>> -> memref<64x128xf32, #tpu.memory_space<hbm>>
    tpu.enqueue_dma source(%dma_start3A_76 : memref<64x128xf32, #tpu.memory_space<hbm>>) target(%dma_start3A_73 : memref<64x128xf32, #tpu.memory_space<vmem>>) target_semaphore(%arg7 : memref<!tpu.dma_semaphore, #tpu.memory_space<semaphore_mem>>)
    %broadcast_in_dim3A = arith.constant 0.000000e+00 : f32
    %broadcast_in_dim3A_77 = vector.broadcast %broadcast_in_dim3A : f32 to vector<16xf32>
    %broadcast_in_dim3A_78 = arith.constant 0.000000e+00 : f32
    %broadcast_in_dim3A_79 = vector.broadcast %broadcast_in_dim3A_78 : f32 to vector<16xf32>
    %broadcast_in_dim3A_80 = arith.constant 0.000000e+00 : f32
    %broadcast_in_dim3A_81 = vector.broadcast %broadcast_in_dim3A_80 : f32 to vector<16xf32>
    %broadcast_in_dim3A_82 = arith.constant 0.000000e+00 : f32
    %broadcast_in_dim3A_83 = vector.broadcast %broadcast_in_dim3A_82 : f32 to vector<16xf32>
    %broadcast_in_dim3A_84 = arith.constant 0.000000e+00 : f32
    %broadcast_in_dim3A_85 = vector.broadcast %broadcast_in_dim3A_84 : f32 to vector<16xf32>
    %broadcast_in_dim3A_86 = arith.constant 0.000000e+00 : f32
    %broadcast_in_dim3A_87 = vector.broadcast %broadcast_in_dim3A_86 : f32 to vector<16xf32>
    %broadcast_in_dim3A_88 = arith.constant 0.000000e+00 : f32
    %broadcast_in_dim3A_89 = vector.broadcast %broadcast_in_dim3A_88 : f32 to vector<16xf32>
    %broadcast_in_dim3A_90 = arith.constant 0.000000e+00 : f32
    %broadcast_in_dim3A_91 = vector.broadcast %broadcast_in_dim3A_90 : f32 to vector<16xf32>
    %dma_wait3A = arith.constant 0 : i32
    %dma_wait3A_92 = arith.constant 0 : i32
    %dma_wait3A_93 = arith.constant 0 : i32
    %dma_wait3A_94 = tpu.memref_slice %arg4[%dma_wait3A, %dma_wait3A_92, %dma_wait3A_93] : memref<4x64x128xf32, #tpu.memory_space<vmem>> -> memref<1x64x128xf32, #tpu.memory_space<vmem>>
    %dma_wait3A_95 = tpu.memref_squeeze %dma_wait3A_94 : memref<1x64x128xf32, #tpu.memory_space<vmem>> -> memref<64x128xf32, #tpu.memory_space<vmem>>
    %dma_wait3A_96 = arith.constant 0 : i32
    %dma_wait3A_97 = tpu.memref_slice %arg2[%select_n3A, %dma_wait3A_96, %mul3A_32] : memref<2x8192x2048xf32, #tpu.memory_space<hbm>> -> memref<1x64x128xf32, #tpu.memory_space<hbm>>
    %dma_wait3A_98 = tpu.memref_squeeze %dma_wait3A_97 : memref<1x64x128xf32, #tpu.memory_space<hbm>> -> memref<64x128xf32, #tpu.memory_space<hbm>>
    %dma_wait3A_99 = arith.constant 0 : i32
    %dma_wait3A_100 = arith.constant 0 : i32
    %dma_wait3A_101 = tpu.memref_slice %arg4[%dma_wait3A, %dma_wait3A_99, %dma_wait3A_100] : memref<4x64x128xf32, #tpu.memory_space<vmem>> -> memref<1x64x128xf32, #tpu.memory_space<vmem>>
    %dma_wait3A_102 = tpu.memref_squeeze %dma_wait3A_101 : memref<1x64x128xf32, #tpu.memory_space<vmem>> -> memref<64x128xf32, #tpu.memory_space<vmem>>
    %dma_wait3A_103 = arith.constant 0 : i32
    %dma_wait3A_104 = tpu.memref_slice %arg2[%select_n3A, %dma_wait3A_103, %mul3A_32] : memref<2x8192x2048xf32, #tpu.memory_space<hbm>> -> memref<1x64x128xf32, #tpu.memory_space<hbm>>
    %dma_wait3A_105 = tpu.memref_squeeze %dma_wait3A_104 : memref<1x64x128xf32, #tpu.memory_space<hbm>> -> memref<64x128xf32, #tpu.memory_space<hbm>>
    tpu.wait_dma2 semaphore(%arg5 : memref<!tpu.dma_semaphore, #tpu.memory_space<semaphore_mem>>) src(%dma_wait3A_105 : memref<64x128xf32, #tpu.memory_space<hbm>>) dst(%dma_wait3A_102 : memref<64x128xf32, #tpu.memory_space<vmem>>)
    %parallel_loop3A = arith.constant 0 : i32
    %parallel_loop3A_106 = arith.constant 64 : i32
    %parallel_loop3A_107 = arith.constant 1 : i32
    %parallel_loop3A_108:8 = scf.for %parallel_loop3A_562 = %parallel_loop3A to %parallel_loop3A_106 step %parallel_loop3A_107 iter_args(%parallel_loop3A_563 = %broadcast_in_dim3A_77, %parallel_loop3A_564 = %broadcast_in_dim3A_79, %parallel_loop3A_565 = %broadcast_in_dim3A_81, %parallel_loop3A_566 = %broadcast_in_dim3A_83, %parallel_loop3A_567 = %broadcast_in_dim3A_85, %parallel_loop3A_568 = %broadcast_in_dim3A_87, %parallel_loop3A_569 = %broadcast_in_dim3A_89, %parallel_loop3A_570 = %broadcast_in_dim3A_91) -> (vector<16xf32>, vector<16xf32>, vector<16xf32>, vector<16xf32>, vector<16xf32>, vector<16xf32>, vector<16xf32>, vector<16xf32>)  : i32 {
      %parallel_loop3A_571 = arith.constant 0 : i32
      %parallel_loop3A_572 = arith.index_cast %parallel_loop3A_571 : i32 to index
      %parallel_loop3A_573 = arith.index_cast %parallel_loop3A_562 : i32 to index
      %parallel_loop3A_574 = arith.constant 0 : index
      %parallel_loop3A_575 = tpu.vector_load %arg4[%parallel_loop3A_572, %parallel_loop3A_573, %parallel_loop3A_574] {strides = array<i32>} : memref<4x64x128xf32, #tpu.memory_space<vmem>>, vector<16xf32>,
      %parallel_loop3A_576 = arith.constant 0 : i32
      %parallel_loop3A_577 = arith.index_cast %parallel_loop3A_576 : i32 to index
      %parallel_loop3A_578 = arith.index_cast %parallel_loop3A_562 : i32 to index
      %parallel_loop3A_579 = arith.constant 0 : index
      %parallel_loop3A_580 = tpu.vector_load %arg4[%parallel_loop3A_577, %parallel_loop3A_578, %parallel_loop3A_579] {strides = array<i32>} : memref<4x64x128xf32, #tpu.memory_space<vmem>>, vector<16xf32>,
      tpu.vector_store %arg4[%parallel_loop3A_577, %parallel_loop3A_578, %parallel_loop3A_579], %parallel_loop3A_563 {strides = array<i32>} : memref<4x64x128xf32, #tpu.memory_space<vmem>>, vector<16xf32>,
      %parallel_loop3A_581 = arith.addf %parallel_loop3A_563, %parallel_loop3A_575 : vector<16xf32>
      %parallel_loop3A_582 = arith.constant 0 : i32
      %parallel_loop3A_583 = arith.index_cast %parallel_loop3A_582 : i32 to index
      %parallel_loop3A_584 = arith.index_cast %parallel_loop3A_562 : i32 to index
      %parallel_loop3A_585 = arith.constant 16 : index
      %parallel_loop3A_586 = tpu.vector_load %arg4[%parallel_loop3A_583, %parallel_loop3A_584, %parallel_loop3A_585] {strides = array<i32>} : memref<4x64x128xf32, #tpu.memory_space<vmem>>, vector<16xf32>,
      %parallel_loop3A_587 = arith.constant 0 : i32
      %parallel_loop3A_588 = arith.index_cast %parallel_loop3A_587 : i32 to index
      %parallel_loop3A_589 = arith.index_cast %parallel_loop3A_562 : i32 to index
      %parallel_loop3A_590 = arith.constant 16 : index
      %parallel_loop3A_591 = tpu.vector_load %arg4[%parallel_loop3A_588, %parallel_loop3A_589, %parallel_loop3A_590] {strides = array<i32>} : memref<4x64x128xf32, #tpu.memory_space<vmem>>, vector<16xf32>,
      tpu.vector_store %arg4[%parallel_loop3A_588, %parallel_loop3A_589, %parallel_loop3A_590], %parallel_loop3A_564 {strides = array<i32>} : memref<4x64x128xf32, #tpu.memory_space<vmem>>, vector<16xf32>,
      %parallel_loop3A_592 = arith.addf %parallel_loop3A_564, %parallel_loop3A_586 : vector<16xf32>
      %parallel_loop3A_593 = arith.constant 0 : i32
      %parallel_loop3A_594 = arith.index_cast %parallel_loop3A_593 : i32 to index
      %parallel_loop3A_595 = arith.index_cast %parallel_loop3A_562 : i32 to index
      %parallel_loop3A_596 = arith.constant 32 : index
      %parallel_loop3A_597 = tpu.vector_load %arg4[%parallel_loop3A_594, %parallel_loop3A_595, %parallel_loop3A_596] {strides = array<i32>} : memref<4x64x128xf32, #tpu.memory_space<vmem>>, vector<16xf32>,
      %parallel_loop3A_598 = arith.constant 0 : i32
      %parallel_loop3A_599 = arith.index_cast %parallel_loop3A_598 : i32 to index
      %parallel_loop3A_600 = arith.index_cast %parallel_loop3A_562 : i32 to index
      %parallel_loop3A_601 = arith.constant 32 : index
      %parallel_loop3A_602 = tpu.vector_load %arg4[%parallel_loop3A_599, %parallel_loop3A_600, %parallel_loop3A_601] {strides = array<i32>} : memref<4x64x128xf32, #tpu.memory_space<vmem>>, vector<16xf32>,
      tpu.vector_store %arg4[%parallel_loop3A_599, %parallel_loop3A_600, %parallel_loop3A_601], %parallel_loop3A_565 {strides = array<i32>} : memref<4x64x128xf32, #tpu.memory_space<vmem>>, vector<16xf32>,
      %parallel_loop3A_603 = arith.addf %parallel_loop3A_565, %parallel_loop3A_597 : vector<16xf32>
      %parallel_loop3A_604 = arith.constant 0 : i32
      %parallel_loop3A_605 = arith.index_cast %parallel_loop3A_604 : i32 to index
      %parallel_loop3A_606 = arith.index_cast %parallel_loop3A_562 : i32 to index
      %parallel_loop3A_607 = arith.constant 48 : index
      %parallel_loop3A_608 = tpu.vector_load %arg4[%parallel_loop3A_605, %parallel_loop3A_606, %parallel_loop3A_607] {strides = array<i32>} : memref<4x64x128xf32, #tpu.memory_space<vmem>>, vector<16xf32>,
      %parallel_loop3A_609 = arith.constant 0 : i32
      %parallel_loop3A_610 = arith.index_cast %parallel_loop3A_609 : i32 to index
      %parallel_loop3A_611 = arith.index_cast %parallel_loop3A_562 : i32 to index
      %parallel_loop3A_612 = arith.constant 48 : index
      %parallel_loop3A_613 = tpu.vector_load %arg4[%parallel_loop3A_610, %parallel_loop3A_611, %parallel_loop3A_612] {strides = array<i32>} : memref<4x64x128xf32, #tpu.memory_space<vmem>>, vector<16xf32>,
      tpu.vector_store %arg4[%parallel_loop3A_610, %parallel_loop3A_611, %parallel_loop3A_612], %parallel_loop3A_566 {strides = array<i32>} : memref<4x64x128xf32, #tpu.memory_space<vmem>>, vector<16xf32>,
      %parallel_loop3A_614 = arith.addf %parallel_loop3A_566, %parallel_loop3A_608 : vector<16xf32>
      %parallel_loop3A_615 = arith.constant 0 : i32
      %parallel_loop3A_616 = arith.index_cast %parallel_loop3A_615 : i32 to index
      %parallel_loop3A_617 = arith.index_cast %parallel_loop3A_562 : i32 to index
      %parallel_loop3A_618 = arith.constant 64 : index
      %parallel_loop3A_619 = tpu.vector_load %arg4[%parallel_loop3A_616, %parallel_loop3A_617, %parallel_loop3A_618] {strides = array<i32>} : memref<4x64x128xf32, #tpu.memory_space<vmem>>, vector<16xf32>,
      %parallel_loop3A_620 = arith.constant 0 : i32
      %parallel_loop3A_621 = arith.index_cast %parallel_loop3A_620 : i32 to index
      %parallel_loop3A_622 = arith.index_cast %parallel_loop3A_562 : i32 to index
      %parallel_loop3A_623 = arith.constant 64 : index
      %parallel_loop3A_624 = tpu.vector_load %arg4[%parallel_loop3A_621, %parallel_loop3A_622, %parallel_loop3A_623] {strides = array<i32>} : memref<4x64x128xf32, #tpu.memory_space<vmem>>, vector<16xf32>,
      tpu.vector_store %arg4[%parallel_loop3A_621, %parallel_loop3A_622, %parallel_loop3A_623], %parallel_loop3A_567 {strides = array<i32>} : memref<4x64x128xf32, #tpu.memory_space<vmem>>, vector<16xf32>,
      %parallel_loop3A_625 = arith.addf %parallel_loop3A_567, %parallel_loop3A_619 : vector<16xf32>
      %parallel_loop3A_626 = arith.constant 0 : i32
      %parallel_loop3A_627 = arith.index_cast %parallel_loop3A_626 : i32 to index
      %parallel_loop3A_628 = arith.index_cast %parallel_loop3A_562 : i32 to index
      %parallel_loop3A_629 = arith.constant 80 : index
      %parallel_loop3A_630 = tpu.vector_load %arg4[%parallel_loop3A_627, %parallel_loop3A_628, %parallel_loop3A_629] {strides = array<i32>} : memref<4x64x128xf32, #tpu.memory_space<vmem>>, vector<16xf32>,
      %parallel_loop3A_631 = arith.constant 0 : i32
      %parallel_loop3A_632 = arith.index_cast %parallel_loop3A_631 : i32 to index
      %parallel_loop3A_633 = arith.index_cast %parallel_loop3A_562 : i32 to index
      %parallel_loop3A_634 = arith.constant 80 : index
      %parallel_loop3A_635 = tpu.vector_load %arg4[%parallel_loop3A_632, %parallel_loop3A_633, %parallel_loop3A_634] {strides = array<i32>} : memref<4x64x128xf32, #tpu.memory_space<vmem>>, vector<16xf32>,
      tpu.vector_store %arg4[%parallel_loop3A_632, %parallel_loop3A_633, %parallel_loop3A_634], %parallel_loop3A_568 {strides = array<i32>} : memref<4x64x128xf32, #tpu.memory_space<vmem>>, vector<16xf32>,
      %parallel_loop3A_636 = arith.addf %parallel_loop3A_568, %parallel_loop3A_630 : vector<16xf32>
      %parallel_loop3A_637 = arith.constant 0 : i32
      %parallel_loop3A_638 = arith.index_cast %parallel_loop3A_637 : i32 to index
      %parallel_loop3A_639 = arith.index_cast %parallel_loop3A_562 : i32 to index
      %parallel_loop3A_640 = arith.constant 96 : index
      %parallel_loop3A_641 = tpu.vector_load %arg4[%parallel_loop3A_638, %parallel_loop3A_639, %parallel_loop3A_640] {strides = array<i32>} : memref<4x64x128xf32, #tpu.memory_space<vmem>>, vector<16xf32>,
      %parallel_loop3A_642 = arith.constant 0 : i32
      %parallel_loop3A_643 = arith.index_cast %parallel_loop3A_642 : i32 to index
      %parallel_loop3A_644 = arith.index_cast %parallel_loop3A_562 : i32 to index
      %parallel_loop3A_645 = arith.constant 96 : index
      %parallel_loop3A_646 = tpu.vector_load %arg4[%parallel_loop3A_643, %parallel_loop3A_644, %parallel_loop3A_645] {strides = array<i32>} : memref<4x64x128xf32, #tpu.memory_space<vmem>>, vector<16xf32>,
      tpu.vector_store %arg4[%parallel_loop3A_643, %parallel_loop3A_644, %parallel_loop3A_645], %parallel_loop3A_569 {strides = array<i32>} : memref<4x64x128xf32, #tpu.memory_space<vmem>>, vector<16xf32>,
      %parallel_loop3A_647 = arith.addf %parallel_loop3A_569, %parallel_loop3A_641 : vector<16xf32>
      %parallel_loop3A_648 = arith.constant 0 : i32
      %parallel_loop3A_649 = arith.index_cast %parallel_loop3A_648 : i32 to index
      %parallel_loop3A_650 = arith.index_cast %parallel_loop3A_562 : i32 to index
      %parallel_loop3A_651 = arith.constant 112 : index
      %parallel_loop3A_652 = tpu.vector_load %arg4[%parallel_loop3A_649, %parallel_loop3A_650, %parallel_loop3A_651] {strides = array<i32>} : memref<4x64x128xf32, #tpu.memory_space<vmem>>, vector<16xf32>,
      %parallel_loop3A_653 = arith.constant 0 : i32
      %parallel_loop3A_654 = arith.index_cast %parallel_loop3A_653 : i32 to index
      %parallel_loop3A_655 = arith.index_cast %parallel_loop3A_562 : i32 to index
      %parallel_loop3A_656 = arith.constant 112 : index
      %parallel_loop3A_657 = tpu.vector_load %arg4[%parallel_loop3A_654, %parallel_loop3A_655, %parallel_loop3A_656] {strides = array<i32>} : memref<4x64x128xf32, #tpu.memory_space<vmem>>, vector<16xf32>,
      tpu.vector_store %arg4[%parallel_loop3A_654, %parallel_loop3A_655, %parallel_loop3A_656], %parallel_loop3A_570 {strides = array<i32>} : memref<4x64x128xf32, #tpu.memory_space<vmem>>, vector<16xf32>,
      %parallel_loop3A_658 = arith.addf %parallel_loop3A_570, %parallel_loop3A_652 : vector<16xf32>
      scf.yield %parallel_loop3A_581, %parallel_loop3A_592, %parallel_loop3A_603, %parallel_loop3A_614, %parallel_loop3A_625, %parallel_loop3A_636, %parallel_loop3A_647, %parallel_loop3A_658 : vector<16xf32>, vector<16xf32>, vector<16xf32>, vector<16xf32>, vector<16xf32>, vector<16xf32>, vector<16xf32>, vector<16xf32>
    } {sc.loop_unroll_factor = 16 : i64, sc.parallel_access}
    %dma_start3A_109 = arith.constant 0 : i32
    %dma_start3A_110 = arith.constant 0 : i32
    %dma_start3A_111 = arith.constant 0 : i32
    %dma_start3A_112 = tpu.memref_slice %arg4[%dma_start3A_109, %dma_start3A_110, %dma_start3A_111] : memref<4x64x128xf32, #tpu.memory_space<vmem>> -> memref<1x64x128xf32, #tpu.memory_space<vmem>>
    %dma_start3A_113 = tpu.memref_squeeze %dma_start3A_112 : memref<1x64x128xf32, #tpu.memory_space<vmem>> -> memref<64x128xf32, #tpu.memory_space<vmem>>
    %dma_start3A_114 = arith.constant 0 : i32
    %dma_start3A_115 = tpu.memref_slice %arg3[%select_n3A, %dma_start3A_114, %mul3A_32] : memref<2x8192x2048xf32, #tpu.memory_space<hbm>> -> memref<1x64x128xf32, #tpu.memory_space<hbm>>
    %dma_start3A_116 = tpu.memref_squeeze %dma_start3A_115 : memref<1x64x128xf32, #tpu.memory_space<hbm>> -> memref<64x128xf32, #tpu.memory_space<hbm>>
    %dma_start3A_117 = arith.constant 0 : i32
    %dma_start3A_118 = tpu.memref_slice %arg3[%select_n3A, %dma_start3A_117, %mul3A_32] : memref<2x8192x2048xf32, #tpu.memory_space<hbm>> -> memref<1x64x128xf32, #tpu.memory_space<hbm>>
    %dma_start3A_119 = tpu.memref_squeeze %dma_start3A_118 : memref<1x64x128xf32, #tpu.memory_space<hbm>> -> memref<64x128xf32, #tpu.memory_space<hbm>>
    %dma_start3A_120 = arith.constant 0 : i32
    %dma_start3A_121 = arith.constant 0 : i32
    %dma_start3A_122 = tpu.memref_slice %arg4[%dma_start3A_109, %dma_start3A_120, %dma_start3A_121] : memref<4x64x128xf32, #tpu.memory_space<vmem>> -> memref<1x64x128xf32, #tpu.memory_space<vmem>>
    %dma_start3A_123 = tpu.memref_squeeze %dma_start3A_122 : memref<1x64x128xf32, #tpu.memory_space<vmem>> -> memref<64x128xf32, #tpu.memory_space<vmem>>
    tpu.enqueue_dma source(%dma_start3A_123 : memref<64x128xf32, #tpu.memory_space<vmem>>) target(%dma_start3A_119 : memref<64x128xf32, #tpu.memory_space<hbm>>) target_semaphore(%arg9 : memref<!tpu.dma_semaphore, #tpu.memory_space<semaphore_mem>>)
    %dma_start3A_124 = arith.constant 3 : i32
    %dma_start3A_125 = arith.constant 0 : i32
    %dma_start3A_126 = arith.constant 0 : i32
    %dma_start3A_127 = tpu.memref_slice %arg4[%dma_start3A_124, %dma_start3A_125, %dma_start3A_126] : memref<4x64x128xf32, #tpu.memory_space<vmem>> -> memref<1x64x128xf32, #tpu.memory_space<vmem>>
    %dma_start3A_128 = tpu.memref_squeeze %dma_start3A_127 : memref<1x64x128xf32, #tpu.memory_space<vmem>> -> memref<64x128xf32, #tpu.memory_space<vmem>>
    %dma_start3A_129 = arith.constant 192 : i32
    %dma_start3A_130 = tpu.memref_slice %arg2[%select_n3A, %dma_start3A_129, %mul3A_32] : memref<2x8192x2048xf32, #tpu.memory_space<hbm>> -> memref<1x64x128xf32, #tpu.memory_space<hbm>>
    %dma_start3A_131 = tpu.memref_squeeze %dma_start3A_130 : memref<1x64x128xf32, #tpu.memory_space<hbm>> -> memref<64x128xf32, #tpu.memory_space<hbm>>
    %dma_start3A_132 = arith.constant 0 : i32
    %dma_start3A_133 = arith.constant 0 : i32
    %dma_start3A_134 = tpu.memref_slice %arg4[%dma_start3A_124, %dma_start3A_132, %dma_start3A_133] : memref<4x64x128xf32, #tpu.memory_space<vmem>> -> memref<1x64x128xf32, #tpu.memory_space<vmem>>
    %dma_start3A_135 = tpu.memref_squeeze %dma_start3A_134 : memref<1x64x128xf32, #tpu.memory_space<vmem>> -> memref<64x128xf32, #tpu.memory_space<vmem>>
    %dma_start3A_136 = arith.constant 192 : i32
    %dma_start3A_137 = tpu.memref_slice %arg2[%select_n3A, %dma_start3A_136, %mul3A_32] : memref<2x8192x2048xf32, #tpu.memory_space<hbm>> -> memref<1x64x128xf32, #tpu.memory_space<hbm>>
    %dma_start3A_138 = tpu.memref_squeeze %dma_start3A_137 : memref<1x64x128xf32, #tpu.memory_space<hbm>> -> memref<64x128xf32, #tpu.memory_space<hbm>>
    tpu.enqueue_dma source(%dma_start3A_138 : memref<64x128xf32, #tpu.memory_space<hbm>>) target(%dma_start3A_135 : memref<64x128xf32, #tpu.memory_space<vmem>>) target_semaphore(%arg8 : memref<!tpu.dma_semaphore, #tpu.memory_space<semaphore_mem>>)
    %dma_wait3A_139 = arith.constant 1 : i32
    %dma_wait3A_140 = arith.constant 0 : i32
    %dma_wait3A_141 = arith.constant 0 : i32
    %dma_wait3A_142 = tpu.memref_slice %arg4[%dma_wait3A_139, %dma_wait3A_140, %dma_wait3A_141] : memref<4x64x128xf32, #tpu.memory_space<vmem>> -> memref<1x64x128xf32, #tpu.memory_space<vmem>>
    %dma_wait3A_143 = tpu.memref_squeeze %dma_wait3A_142 : memref<1x64x128xf32, #tpu.memory_space<vmem>> -> memref<64x128xf32, #tpu.memory_space<vmem>>
    %dma_wait3A_144 = arith.constant 64 : i32
    %dma_wait3A_145 = tpu.memref_slice %arg2[%select_n3A, %dma_wait3A_144, %mul3A_32] : memref<2x8192x2048xf32, #tpu.memory_space<hbm>> -> memref<1x64x128xf32, #tpu.memory_space<hbm>>
    %dma_wait3A_146 = tpu.memref_squeeze %dma_wait3A_145 : memref<1x64x128xf32, #tpu.memory_space<hbm>> -> memref<64x128xf32, #tpu.memory_space<hbm>>
    %dma_wait3A_147 = arith.constant 0 : i32
    %dma_wait3A_148 = arith.constant 0 : i32
    %dma_wait3A_149 = tpu.memref_slice %arg4[%dma_wait3A_139, %dma_wait3A_147, %dma_wait3A_148] : memref<4x64x128xf32, #tpu.memory_space<vmem>> -> memref<1x64x128xf32, #tpu.memory_space<vmem>>
    %dma_wait3A_150 = tpu.memref_squeeze %dma_wait3A_149 : memref<1x64x128xf32, #tpu.memory_space<vmem>> -> memref<64x128xf32, #tpu.memory_space<vmem>>
    %dma_wait3A_151 = arith.constant 64 : i32
    %dma_wait3A_152 = tpu.memref_slice %arg2[%select_n3A, %dma_wait3A_151, %mul3A_32] : memref<2x8192x2048xf32, #tpu.memory_space<hbm>> -> memref<1x64x128xf32, #tpu.memory_space<hbm>>
    %dma_wait3A_153 = tpu.memref_squeeze %dma_wait3A_152 : memref<1x64x128xf32, #tpu.memory_space<hbm>> -> memref<64x128xf32, #tpu.memory_space<hbm>>
    tpu.wait_dma2 semaphore(%arg6 : memref<!tpu.dma_semaphore, #tpu.memory_space<semaphore_mem>>) src(%dma_wait3A_153 : memref<64x128xf32, #tpu.memory_space<hbm>>) dst(%dma_wait3A_150 : memref<64x128xf32, #tpu.memory_space<vmem>>)
    %parallel_loop3A_154 = arith.constant 0 : i32
    %parallel_loop3A_155 = arith.constant 64 : i32
    %parallel_loop3A_156 = arith.constant 1 : i32
    %parallel_loop3A_157:8 = scf.for %parallel_loop3A_562 = %parallel_loop3A_154 to %parallel_loop3A_155 step %parallel_loop3A_156 iter_args(%parallel_loop3A_563 = %parallel_loop3A_108#0, %parallel_loop3A_564 = %parallel_loop3A_108#1, %parallel_loop3A_565 = %parallel_loop3A_108#2, %parallel_loop3A_566 = %parallel_loop3A_108#3, %parallel_loop3A_567 = %parallel_loop3A_108#4, %parallel_loop3A_568 = %parallel_loop3A_108#5, %parallel_loop3A_569 = %parallel_loop3A_108#6, %parallel_loop3A_570 = %parallel_loop3A_108#7) -> (vector<16xf32>, vector<16xf32>, vector<16xf32>, vector<16xf32>, vector<16xf32>, vector<16xf32>, vector<16xf32>, vector<16xf32>)  : i32 {
      %parallel_loop3A_571 = arith.constant 1 : i32
      %parallel_loop3A_572 = arith.index_cast %parallel_loop3A_571 : i32 to index
      %parallel_loop3A_573 = arith.index_cast %parallel_loop3A_562 : i32 to index
      %parallel_loop3A_574 = arith.constant 0 : index
      %parallel_loop3A_575 = tpu.vector_load %arg4[%parallel_loop3A_572, %parallel_loop3A_573, %parallel_loop3A_574] {strides = array<i32>} : memref<4x64x128xf32, #tpu.memory_space<vmem>>, vector<16xf32>,
      %parallel_loop3A_576 = arith.constant 1 : i32
      %parallel_loop3A_577 = arith.index_cast %parallel_loop3A_576 : i32 to index
      %parallel_loop3A_578 = arith.index_cast %parallel_loop3A_562 : i32 to index
      %parallel_loop3A_579 = arith.constant 0 : index
      %parallel_loop3A_580 = tpu.vector_load %arg4[%parallel_loop3A_577, %parallel_loop3A_578, %parallel_loop3A_579] {strides = array<i32>} : memref<4x64x128xf32, #tpu.memory_space<vmem>>, vector<16xf32>,
      tpu.vector_store %arg4[%parallel_loop3A_577, %parallel_loop3A_578, %parallel_loop3A_579], %parallel_loop3A_563 {strides = array<i32>} : memref<4x64x128xf32, #tpu.memory_space<vmem>>, vector<16xf32>,
      %parallel_loop3A_581 = arith.addf %parallel_loop3A_563, %parallel_loop3A_575 : vector<16xf32>
      %parallel_loop3A_582 = arith.constant 1 : i32
      %parallel_loop3A_583 = arith.index_cast %parallel_loop3A_582 : i32 to index
      %parallel_loop3A_584 = arith.index_cast %parallel_loop3A_562 : i32 to index
      %parallel_loop3A_585 = arith.constant 16 : index
      %parallel_loop3A_586 = tpu.vector_load %arg4[%parallel_loop3A_583, %parallel_loop3A_584, %parallel_loop3A_585] {strides = array<i32>} : memref<4x64x128xf32, #tpu.memory_space<vmem>>, vector<16xf32>,
      %parallel_loop3A_587 = arith.constant 1 : i32
      %parallel_loop3A_588 = arith.index_cast %parallel_loop3A_587 : i32 to index
      %parallel_loop3A_589 = arith.index_cast %parallel_loop3A_562 : i32 to index
      %parallel_loop3A_590 = arith.constant 16 : index
      %parallel_loop3A_591 = tpu.vector_load %arg4[%parallel_loop3A_588, %parallel_loop3A_589, %parallel_loop3A_590] {strides = array<i32>} : memref<4x64x128xf32, #tpu.memory_space<vmem>>, vector<16xf32>,
      tpu.vector_store %arg4[%parallel_loop3A_588, %parallel_loop3A_589, %parallel_loop3A_590], %parallel_loop3A_564 {strides = array<i32>} : memref<4x64x128xf32, #tpu.memory_space<vmem>>, vector<16xf32>,
      %parallel_loop3A_592 = arith.addf %parallel_loop3A_564, %parallel_loop3A_586 : vector<16xf32>
      %parallel_loop3A_593 = arith.constant 1 : i32
      %parallel_loop3A_594 = arith.index_cast %parallel_loop3A_593 : i32 to index
      %parallel_loop3A_595 = arith.index_cast %parallel_loop3A_562 : i32 to index
      %parallel_loop3A_596 = arith.constant 32 : index
      %parallel_loop3A_597 = tpu.vector_load %arg4[%parallel_loop3A_594, %parallel_loop3A_595, %parallel_loop3A_596] {strides = array<i32>} : memref<4x64x128xf32, #tpu.memory_space<vmem>>, vector<16xf32>,
      %parallel_loop3A_598 = arith.constant 1 : i32
      %parallel_loop3A_599 = arith.index_cast %parallel_loop3A_598 : i32 to index
      %parallel_loop3A_600 = arith.index_cast %parallel_loop3A_562 : i32 to index
      %parallel_loop3A_601 = arith.constant 32 : index
      %parallel_loop3A_602 = tpu.vector_load %arg4[%parallel_loop3A_599, %parallel_loop3A_600, %parallel_loop3A_601] {strides = array<i32>} : memref<4x64x128xf32, #tpu.memory_space<vmem>>, vector<16xf32>,
      tpu.vector_store %arg4[%parallel_loop3A_599, %parallel_loop3A_600, %parallel_loop3A_601], %parallel_loop3A_565 {strides = array<i32>} : memref<4x64x128xf32, #tpu.memory_space<vmem>>, vector<16xf32>,
      %parallel_loop3A_603 = arith.addf %parallel_loop3A_565, %parallel_loop3A_597 : vector<16xf32>
      %parallel_loop3A_604 = arith.constant 1 : i32
      %parallel_loop3A_605 = arith.index_cast %parallel_loop3A_604 : i32 to index
      %parallel_loop3A_606 = arith.index_cast %parallel_loop3A_562 : i32 to index
      %parallel_loop3A_607 = arith.constant 48 : index
      %parallel_loop3A_608 = tpu.vector_load %arg4[%parallel_loop3A_605, %parallel_loop3A_606, %parallel_loop3A_607] {strides = array<i32>} : memref<4x64x128xf32, #tpu.memory_space<vmem>>, vector<16xf32>,
      %parallel_loop3A_609 = arith.constant 1 : i32
      %parallel_loop3A_610 = arith.index_cast %parallel_loop3A_609 : i32 to index
      %parallel_loop3A_611 = arith.index_cast %parallel_loop3A_562 : i32 to index
      %parallel_loop3A_612 = arith.constant 48 : index
      %parallel_loop3A_613 = tpu.vector_load %arg4[%parallel_loop3A_610, %parallel_loop3A_611, %parallel_loop3A_612] {strides = array<i32>} : memref<4x64x128xf32, #tpu.memory_space<vmem>>, vector<16xf32>,
      tpu.vector_store %arg4[%parallel_loop3A_610, %parallel_loop3A_611, %parallel_loop3A_612], %parallel_loop3A_566 {strides = array<i32>} : memref<4x64x128xf32, #tpu.memory_space<vmem>>, vector<16xf32>,
      %parallel_loop3A_614 = arith.addf %parallel_loop3A_566, %parallel_loop3A_608 : vector<16xf32>
      %parallel_loop3A_615 = arith.constant 1 : i32
      %parallel_loop3A_616 = arith.index_cast %parallel_loop3A_615 : i32 to index
      %parallel_loop3A_617 = arith.index_cast %parallel_loop3A_562 : i32 to index
      %parallel_loop3A_618 = arith.constant 64 : index
      %parallel_loop3A_619 = tpu.vector_load %arg4[%parallel_loop3A_616, %parallel_loop3A_617, %parallel_loop3A_618] {strides = array<i32>} : memref<4x64x128xf32, #tpu.memory_space<vmem>>, vector<16xf32>,
      %parallel_loop3A_620 = arith.constant 1 : i32
      %parallel_loop3A_621 = arith.index_cast %parallel_loop3A_620 : i32 to index
      %parallel_loop3A_622 = arith.index_cast %parallel_loop3A_562 : i32 to index
      %parallel_loop3A_623 = arith.constant 64 : index
      %parallel_loop3A_624 = tpu.vector_load %arg4[%parallel_loop3A_621, %parallel_loop3A_622, %parallel_loop3A_623] {strides = array<i32>} : memref<4x64x128xf32, #tpu.memory_space<vmem>>, vector<16xf32>,
      tpu.vector_store %arg4[%parallel_loop3A_621, %parallel_loop3A_622, %parallel_loop3A_623], %parallel_loop3A_567 {strides = array<i32>} : memref<4x64x128xf32, #tpu.memory_space<vmem>>, vector<16xf32>,
      %parallel_loop3A_625 = arith.addf %parallel_loop3A_567, %parallel_loop3A_619 : vector<16xf32>
      %parallel_loop3A_626 = arith.constant 1 : i32
      %parallel_loop3A_627 = arith.index_cast %parallel_loop3A_626 : i32 to index
      %parallel_loop3A_628 = arith.index_cast %parallel_loop3A_562 : i32 to index
      %parallel_loop3A_629 = arith.constant 80 : index
      %parallel_loop3A_630 = tpu.vector_load %arg4[%parallel_loop3A_627, %parallel_loop3A_628, %parallel_loop3A_629] {strides = array<i32>} : memref<4x64x128xf32, #tpu.memory_space<vmem>>, vector<16xf32>,
      %parallel_loop3A_631 = arith.constant 1 : i32
      %parallel_loop3A_632 = arith.index_cast %parallel_loop3A_631 : i32 to index
      %parallel_loop3A_633 = arith.index_cast %parallel_loop3A_562 : i32 to index
      %parallel_loop3A_634 = arith.constant 80 : index
      %parallel_loop3A_635 = tpu.vector_load %arg4[%parallel_loop3A_632, %parallel_loop3A_633, %parallel_loop3A_634] {strides = array<i32>} : memref<4x64x128xf32, #tpu.memory_space<vmem>>, vector<16xf32>,
      tpu.vector_store %arg4[%parallel_loop3A_632, %parallel_loop3A_633, %parallel_loop3A_634], %parallel_loop3A_568 {strides = array<i32>} : memref<4x64x128xf32, #tpu.memory_space<vmem>>, vector<16xf32>,
      %parallel_loop3A_636 = arith.addf %parallel_loop3A_568, %parallel_loop3A_630 : vector<16xf32>
      %parallel_loop3A_637 = arith.constant 1 : i32
      %parallel_loop3A_638 = arith.index_cast %parallel_loop3A_637 : i32 to index
      %parallel_loop3A_639 = arith.index_cast %parallel_loop3A_562 : i32 to index
      %parallel_loop3A_640 = arith.constant 96 : index
      %parallel_loop3A_641 = tpu.vector_load %arg4[%parallel_loop3A_638, %parallel_loop3A_639, %parallel_loop3A_640] {strides = array<i32>} : memref<4x64x128xf32, #tpu.memory_space<vmem>>, vector<16xf32>,
      %parallel_loop3A_642 = arith.constant 1 : i32
      %parallel_loop3A_643 = arith.index_cast %parallel_loop3A_642 : i32 to index
      %parallel_loop3A_644 = arith.index_cast %parallel_loop3A_562 : i32 to index
      %parallel_loop3A_645 = arith.constant 96 : index
      %parallel_loop3A_646 = tpu.vector_load %arg4[%parallel_loop3A_643, %parallel_loop3A_644, %parallel_loop3A_645] {strides = array<i32>} : memref<4x64x128xf32, #tpu.memory_space<vmem>>, vector<16xf32>,
      tpu.vector_store %arg4[%parallel_loop3A_643, %parallel_loop3A_644, %parallel_loop3A_645], %parallel_loop3A_569 {strides = array<i32>} : memref<4x64x128xf32, #tpu.memory_space<vmem>>, vector<16xf32>,
      %parallel_loop3A_647 = arith.addf %parallel_loop3A_569, %parallel_loop3A_641 : vector<16xf32>
      %parallel_loop3A_648 = arith.constant 1 : i32
      %parallel_loop3A_649 = arith.index_cast %parallel_loop3A_648 : i32 to index
      %parallel_loop3A_650 = arith.index_cast %parallel_loop3A_562 : i32 to index
      %parallel_loop3A_651 = arith.constant 112 : index
      %parallel_loop3A_652 = tpu.vector_load %arg4[%parallel_loop3A_649, %parallel_loop3A_650, %parallel_loop3A_651] {strides = array<i32>} : memref<4x64x128xf32, #tpu.memory_space<vmem>>, vector<16xf32>,
      %parallel_loop3A_653 = arith.constant 1 : i32
      %parallel_loop3A_654 = arith.index_cast %parallel_loop3A_653 : i32 to index
      %parallel_loop3A_655 = arith.index_cast %parallel_loop3A_562 : i32 to index
      %parallel_loop3A_656 = arith.constant 112 : index
      %parallel_loop3A_657 = tpu.vector_load %arg4[%parallel_loop3A_654, %parallel_loop3A_655, %parallel_loop3A_656] {strides = array<i32>} : memref<4x64x128xf32, #tpu.memory_space<vmem>>, vector<16xf32>,
      tpu.vector_store %arg4[%parallel_loop3A_654, %parallel_loop3A_655, %parallel_loop3A_656], %parallel_loop3A_570 {strides = array<i32>} : memref<4x64x128xf32, #tpu.memory_space<vmem>>, vector<16xf32>,
      %parallel_loop3A_658 = arith.addf %parallel_loop3A_570, %parallel_loop3A_652 : vector<16xf32>
      scf.yield %parallel_loop3A_581, %parallel_loop3A_592, %parallel_loop3A_603, %parallel_loop3A_614, %parallel_loop3A_625, %parallel_loop3A_636, %parallel_loop3A_647, %parallel_loop3A_658 : vector<16xf32>, vector<16xf32>, vector<16xf32>, vector<16xf32>, vector<16xf32>, vector<16xf32>, vector<16xf32>, vector<16xf32>
    } {sc.loop_unroll_factor = 16 : i64, sc.parallel_access}
    %dma_start3A_158 = arith.constant 1 : i32
    %dma_start3A_159 = arith.constant 0 : i32
    %dma_start3A_160 = arith.constant 0 : i32
    %dma_start3A_161 = tpu.memref_slice %arg4[%dma_start3A_158, %dma_start3A_159, %dma_start3A_160] : memref<4x64x128xf32, #tpu.memory_space<vmem>> -> memref<1x64x128xf32, #tpu.memory_space<vmem>>
    %dma_start3A_162 = tpu.memref_squeeze %dma_start3A_161 : memref<1x64x128xf32, #tpu.memory_space<vmem>> -> memref<64x128xf32, #tpu.memory_space<vmem>>
    %dma_start3A_163 = arith.constant 64 : i32
    %dma_start3A_164 = tpu.memref_slice %arg3[%select_n3A, %dma_start3A_163, %mul3A_32] : memref<2x8192x2048xf32, #tpu.memory_space<hbm>> -> memref<1x64x128xf32, #tpu.memory_space<hbm>>
    %dma_start3A_165 = tpu.memref_squeeze %dma_start3A_164 : memref<1x64x128xf32, #tpu.memory_space<hbm>> -> memref<64x128xf32, #tpu.memory_space<hbm>>
    %dma_start3A_166 = arith.constant 64 : i32
    %dma_start3A_167 = tpu.memref_slice %arg3[%select_n3A, %dma_start3A_166, %mul3A_32] : memref<2x8192x2048xf32, #tpu.memory_space<hbm>> -> memref<1x64x128xf32, #tpu.memory_space<hbm>>
    %dma_start3A_168 = tpu.memref_squeeze %dma_start3A_167 : memref<1x64x128xf32, #tpu.memory_space<hbm>> -> memref<64x128xf32, #tpu.memory_space<hbm>>
    %dma_start3A_169 = arith.constant 0 : i32
    %dma_start3A_170 = arith.constant 0 : i32
    %dma_start3A_171 = tpu.memref_slice %arg4[%dma_start3A_158, %dma_start3A_169, %dma_start3A_170] : memref<4x64x128xf32, #tpu.memory_space<vmem>> -> memref<1x64x128xf32, #tpu.memory_space<vmem>>
    %dma_start3A_172 = tpu.memref_squeeze %dma_start3A_171 : memref<1x64x128xf32, #tpu.memory_space<vmem>> -> memref<64x128xf32, #tpu.memory_space<vmem>>
    tpu.enqueue_dma source(%dma_start3A_172 : memref<64x128xf32, #tpu.memory_space<vmem>>) target(%dma_start3A_168 : memref<64x128xf32, #tpu.memory_space<hbm>>) target_semaphore(%arg10 : memref<!tpu.dma_semaphore, #tpu.memory_space<semaphore_mem>>)
    %dma_wait3A_173 = arith.constant 0 : i32
    %dma_wait3A_174 = arith.constant 0 : i32
    %dma_wait3A_175 = arith.constant 0 : i32
    %dma_wait3A_176 = tpu.memref_slice %arg4[%dma_wait3A_173, %dma_wait3A_174, %dma_wait3A_175] : memref<4x64x128xf32, #tpu.memory_space<vmem>> -> memref<1x64x128xf32, #tpu.memory_space<vmem>>
    %dma_wait3A_177 = tpu.memref_squeeze %dma_wait3A_176 : memref<1x64x128xf32, #tpu.memory_space<vmem>> -> memref<64x128xf32, #tpu.memory_space<vmem>>
    %dma_wait3A_178 = arith.constant 0 : i32
    %dma_wait3A_179 = tpu.memref_slice %arg3[%select_n3A, %dma_wait3A_178, %mul3A_32] : memref<2x8192x2048xf32, #tpu.memory_space<hbm>> -> memref<1x64x128xf32, #tpu.memory_space<hbm>>
    %dma_wait3A_180 = tpu.memref_squeeze %dma_wait3A_179 : memref<1x64x128xf32, #tpu.memory_space<hbm>> -> memref<64x128xf32, #tpu.memory_space<hbm>>
    %dma_wait3A_181 = arith.constant 0 : i32
    %dma_wait3A_182 = tpu.memref_slice %arg3[%select_n3A, %dma_wait3A_181, %mul3A_32] : memref<2x8192x2048xf32, #tpu.memory_space<hbm>> -> memref<1x64x128xf32, #tpu.memory_space<hbm>>
    %dma_wait3A_183 = tpu.memref_squeeze %dma_wait3A_182 : memref<1x64x128xf32, #tpu.memory_space<hbm>> -> memref<64x128xf32, #tpu.memory_space<hbm>>
    %dma_wait3A_184 = arith.constant 0 : i32
    %dma_wait3A_185 = arith.constant 0 : i32
    %dma_wait3A_186 = tpu.memref_slice %arg4[%dma_wait3A_173, %dma_wait3A_184, %dma_wait3A_185] : memref<4x64x128xf32, #tpu.memory_space<vmem>> -> memref<1x64x128xf32, #tpu.memory_space<vmem>>
    %dma_wait3A_187 = tpu.memref_squeeze %dma_wait3A_186 : memref<1x64x128xf32, #tpu.memory_space<vmem>> -> memref<64x128xf32, #tpu.memory_space<vmem>>
    tpu.wait_dma2 semaphore(%arg9 : memref<!tpu.dma_semaphore, #tpu.memory_space<semaphore_mem>>) src(%dma_wait3A_187 : memref<64x128xf32, #tpu.memory_space<vmem>>) dst(%dma_wait3A_183 : memref<64x128xf32, #tpu.memory_space<hbm>>)
    %dma_start3A_188 = arith.constant 0 : i32
    %dma_start3A_189 = arith.constant 0 : i32
    %dma_start3A_190 = arith.constant 0 : i32
    %dma_start3A_191 = tpu.memref_slice %arg4[%dma_start3A_188, %dma_start3A_189, %dma_start3A_190] : memref<4x64x128xf32, #tpu.memory_space<vmem>> -> memref<1x64x128xf32, #tpu.memory_space<vmem>>
    %dma_start3A_192 = tpu.memref_squeeze %dma_start3A_191 : memref<1x64x128xf32, #tpu.memory_space<vmem>> -> memref<64x128xf32, #tpu.memory_space<vmem>>
    %dma_start3A_193 = arith.constant 256 : i32
    %dma_start3A_194 = tpu.memref_slice %arg2[%select_n3A, %dma_start3A_193, %mul3A_32] : memref<2x8192x2048xf32, #tpu.memory_space<hbm>> -> memref<1x64x128xf32, #tpu.memory_space<hbm>>
    %dma_start3A_195 = tpu.memref_squeeze %dma_start3A_194 : memref<1x64x128xf32, #tpu.memory_space<hbm>> -> memref<64x128xf32, #tpu.memory_space<hbm>>
    %dma_start3A_196 = arith.constant 0 : i32
    %dma_start3A_197 = arith.constant 0 : i32
    %dma_start3A_198 = tpu.memref_slice %arg4[%dma_start3A_188, %dma_start3A_196, %dma_start3A_197] : memref<4x64x128xf32, #tpu.memory_space<vmem>> -> memref<1x64x128xf32, #tpu.memory_space<vmem>>
    %dma_start3A_199 = tpu.memref_squeeze %dma_start3A_198 : memref<1x64x128xf32, #tpu.memory_space<vmem>> -> memref<64x128xf32, #tpu.memory_space<vmem>>
    %dma_start3A_200 = arith.constant 256 : i32
    %dma_start3A_201 = tpu.memref_slice %arg2[%select_n3A, %dma_start3A_200, %mul3A_32] : memref<2x8192x2048xf32, #tpu.memory_space<hbm>> -> memref<1x64x128xf32, #tpu.memory_space<hbm>>
    %dma_start3A_202 = tpu.memref_squeeze %dma_start3A_201 : memref<1x64x128xf32, #tpu.memory_space<hbm>> -> memref<64x128xf32, #tpu.memory_space<hbm>>
    tpu.enqueue_dma source(%dma_start3A_202 : memref<64x128xf32, #tpu.memory_space<hbm>>) target(%dma_start3A_199 : memref<64x128xf32, #tpu.memory_space<vmem>>) target_semaphore(%arg5 : memref<!tpu.dma_semaphore, #tpu.memory_space<semaphore_mem>>)
    %dma_wait3A_203 = arith.constant 2 : i32
    %dma_wait3A_204 = arith.constant 0 : i32
    %dma_wait3A_205 = arith.constant 0 : i32
    %dma_wait3A_206 = tpu.memref_slice %arg4[%dma_wait3A_203, %dma_wait3A_204, %dma_wait3A_205] : memref<4x64x128xf32, #tpu.memory_space<vmem>> -> memref<1x64x128xf32, #tpu.memory_space<vmem>>
    %dma_wait3A_207 = tpu.memref_squeeze %dma_wait3A_206 : memref<1x64x128xf32, #tpu.memory_space<vmem>> -> memref<64x128xf32, #tpu.memory_space<vmem>>
    %dma_wait3A_208 = arith.constant 128 : i32
    %dma_wait3A_209 = tpu.memref_slice %arg2[%select_n3A, %dma_wait3A_208, %mul3A_32] : memref<2x8192x2048xf32, #tpu.memory_space<hbm>> -> memref<1x64x128xf32, #tpu.memory_space<hbm>>
    %dma_wait3A_210 = tpu.memref_squeeze %dma_wait3A_209 : memref<1x64x128xf32, #tpu.memory_space<hbm>> -> memref<64x128xf32, #tpu.memory_space<hbm>>
    %dma_wait3A_211 = arith.constant 0 : i32
    %dma_wait3A_212 = arith.constant 0 : i32
    %dma_wait3A_213 = tpu.memref_slice %arg4[%dma_wait3A_203, %dma_wait3A_211, %dma_wait3A_212] : memref<4x64x128xf32, #tpu.memory_space<vmem>> -> memref<1x64x128xf32, #tpu.memory_space<vmem>>
    %dma_wait3A_214 = tpu.memref_squeeze %dma_wait3A_213 : memref<1x64x128xf32, #tpu.memory_space<vmem>> -> memref<64x128xf32, #tpu.memory_space<vmem>>
    %dma_wait3A_215 = arith.constant 128 : i32
    %dma_wait3A_216 = tpu.memref_slice %arg2[%select_n3A, %dma_wait3A_215, %mul3A_32] : memref<2x8192x2048xf32, #tpu.memory_space<hbm>> -> memref<1x64x128xf32, #tpu.memory_space<hbm>>
    %dma_wait3A_217 = tpu.memref_squeeze %dma_wait3A_216 : memref<1x64x128xf32, #tpu.memory_space<hbm>> -> memref<64x128xf32, #tpu.memory_space<hbm>>
    tpu.wait_dma2 semaphore(%arg7 : memref<!tpu.dma_semaphore, #tpu.memory_space<semaphore_mem>>) src(%dma_wait3A_217 : memref<64x128xf32, #tpu.memory_space<hbm>>) dst(%dma_wait3A_214 : memref<64x128xf32, #tpu.memory_space<vmem>>)
    %parallel_loop3A_218 = arith.constant 0 : i32
    %parallel_loop3A_219 = arith.constant 64 : i32
    %parallel_loop3A_220 = arith.constant 1 : i32
    %parallel_loop3A_221:8 = scf.for %parallel_loop3A_562 = %parallel_loop3A_218 to %parallel_loop3A_219 step %parallel_loop3A_220 iter_args(%parallel_loop3A_563 = %parallel_loop3A_157#0, %parallel_loop3A_564 = %parallel_loop3A_157#1, %parallel_loop3A_565 = %parallel_loop3A_157#2, %parallel_loop3A_566 = %parallel_loop3A_157#3, %parallel_loop3A_567 = %parallel_loop3A_157#4, %parallel_loop3A_568 = %parallel_loop3A_157#5, %parallel_loop3A_569 = %parallel_loop3A_157#6, %parallel_loop3A_570 = %parallel_loop3A_157#7) -> (vector<16xf32>, vector<16xf32>, vector<16xf32>, vector<16xf32>, vector<16xf32>, vector<16xf32>, vector<16xf32>, vector<16xf32>)  : i32 {
      %parallel_loop3A_571 = arith.constant 2 : i32
      %parallel_loop3A_572 = arith.index_cast %parallel_loop3A_571 : i32 to index
      %parallel_loop3A_573 = arith.index_cast %parallel_loop3A_562 : i32 to index
      %parallel_loop3A_574 = arith.constant 0 : index
      %parallel_loop3A_575 = tpu.vector_load %arg4[%parallel_loop3A_572, %parallel_loop3A_573, %parallel_loop3A_574] {strides = array<i32>} : memref<4x64x128xf32, #tpu.memory_space<vmem>>, vector<16xf32>,
      %parallel_loop3A_576 = arith.constant 2 : i32
      %parallel_loop3A_577 = arith.index_cast %parallel_loop3A_576 : i32 to index
      %parallel_loop3A_578 = arith.index_cast %parallel_loop3A_562 : i32 to index
      %parallel_loop3A_579 = arith.constant 0 : index
      %parallel_loop3A_580 = tpu.vector_load %arg4[%parallel_loop3A_577, %parallel_loop3A_578, %parallel_loop3A_579] {strides = array<i32>} : memref<4x64x128xf32, #tpu.memory_space<vmem>>, vector<16xf32>,
      tpu.vector_store %arg4[%parallel_loop3A_577, %parallel_loop3A_578, %parallel_loop3A_579], %parallel_loop3A_563 {strides = array<i32>} : memref<4x64x128xf32, #tpu.memory_space<vmem>>, vector<16xf32>,
      %parallel_loop3A_581 = arith.addf %parallel_loop3A_563, %parallel_loop3A_575 : vector<16xf32>
      %parallel_loop3A_582 = arith.constant 2 : i32
      %parallel_loop3A_583 = arith.index_cast %parallel_loop3A_582 : i32 to index
      %parallel_loop3A_584 = arith.index_cast %parallel_loop3A_562 : i32 to index
      %parallel_loop3A_585 = arith.constant 16 : index
      %parallel_loop3A_586 = tpu.vector_load %arg4[%parallel_loop3A_583, %parallel_loop3A_584, %parallel_loop3A_585] {strides = array<i32>} : memref<4x64x128xf32, #tpu.memory_space<vmem>>, vector<16xf32>,
      %parallel_loop3A_587 = arith.constant 2 : i32
      %parallel_loop3A_588 = arith.index_cast %parallel_loop3A_587 : i32 to index
      %parallel_loop3A_589 = arith.index_cast %parallel_loop3A_562 : i32 to index
      %parallel_loop3A_590 = arith.constant 16 : index
      %parallel_loop3A_591 = tpu.vector_load %arg4[%parallel_loop3A_588, %parallel_loop3A_589, %parallel_loop3A_590] {strides = array<i32>} : memref<4x64x128xf32, #tpu.memory_space<vmem>>, vector<16xf32>,
      tpu.vector_store %arg4[%parallel_loop3A_588, %parallel_loop3A_589, %parallel_loop3A_590], %parallel_loop3A_564 {strides = array<i32>} : memref<4x64x128xf32, #tpu.memory_space<vmem>>, vector<16xf32>,
      %parallel_loop3A_592 = arith.addf %parallel_loop3A_564, %parallel_loop3A_586 : vector<16xf32>
      %parallel_loop3A_593 = arith.constant 2 : i32
      %parallel_loop3A_594 = arith.index_cast %parallel_loop3A_593 : i32 to index
      %parallel_loop3A_595 = arith.index_cast %parallel_loop3A_562 : i32 to index
      %parallel_loop3A_596 = arith.constant 32 : index
      %parallel_loop3A_597 = tpu.vector_load %arg4[%parallel_loop3A_594, %parallel_loop3A_595, %parallel_loop3A_596] {strides = array<i32>} : memref<4x64x128xf32, #tpu.memory_space<vmem>>, vector<16xf32>,
      %parallel_loop3A_598 = arith.constant 2 : i32
      %parallel_loop3A_599 = arith.index_cast %parallel_loop3A_598 : i32 to index
      %parallel_loop3A_600 = arith.index_cast %parallel_loop3A_562 : i32 to index
      %parallel_loop3A_601 = arith.constant 32 : index
      %parallel_loop3A_602 = tpu.vector_load %arg4[%parallel_loop3A_599, %parallel_loop3A_600, %parallel_loop3A_601] {strides = array<i32>} : memref<4x64x128xf32, #tpu.memory_space<vmem>>, vector<16xf32>,
      tpu.vector_store %arg4[%parallel_loop3A_599, %parallel_loop3A_600, %parallel_loop3A_601], %parallel_loop3A_565 {strides = array<i32>} : memref<4x64x128xf32, #tpu.memory_space<vmem>>, vector<16xf32>,
      %parallel_loop3A_603 = arith.addf %parallel_loop3A_565, %parallel_loop3A_597 : vector<16xf32>
      %parallel_loop3A_604 = arith.constant 2 : i32
      %parallel_loop3A_605 = arith.index_cast %parallel_loop3A_604 : i32 to index
      %parallel_loop3A_606 = arith.index_cast %parallel_loop3A_562 : i32 to index
      %parallel_loop3A_607 = arith.constant 48 : index
      %parallel_loop3A_608 = tpu.vector_load %arg4[%parallel_loop3A_605, %parallel_loop3A_606, %parallel_loop3A_607] {strides = array<i32>} : memref<4x64x128xf32, #tpu.memory_space<vmem>>, vector<16xf32>,
      %parallel_loop3A_609 = arith.constant 2 : i32
      %parallel_loop3A_610 = arith.index_cast %parallel_loop3A_609 : i32 to index
      %parallel_loop3A_611 = arith.index_cast %parallel_loop3A_562 : i32 to index
      %parallel_loop3A_612 = arith.constant 48 : index
      %parallel_loop3A_613 = tpu.vector_load %arg4[%parallel_loop3A_610, %parallel_loop3A_611, %parallel_loop3A_612] {strides = array<i32>} : memref<4x64x128xf32, #tpu.memory_space<vmem>>, vector<16xf32>,
      tpu.vector_store %arg4[%parallel_loop3A_610, %parallel_loop3A_611, %parallel_loop3A_612], %parallel_loop3A_566 {strides = array<i32>} : memref<4x64x128xf32, #tpu.memory_space<vmem>>, vector<16xf32>,
      %parallel_loop3A_614 = arith.addf %parallel_loop3A_566, %parallel_loop3A_608 : vector<16xf32>
      %parallel_loop3A_615 = arith.constant 2 : i32
      %parallel_loop3A_616 = arith.index_cast %parallel_loop3A_615 : i32 to index
      %parallel_loop3A_617 = arith.index_cast %parallel_loop3A_562 : i32 to index
      %parallel_loop3A_618 = arith.constant 64 : index
      %parallel_loop3A_619 = tpu.vector_load %arg4[%parallel_loop3A_616, %parallel_loop3A_617, %parallel_loop3A_618] {strides = array<i32>} : memref<4x64x128xf32, #tpu.memory_space<vmem>>, vector<16xf32>,
      %parallel_loop3A_620 = arith.constant 2 : i32
      %parallel_loop3A_621 = arith.index_cast %parallel_loop3A_620 : i32 to index
      %parallel_loop3A_622 = arith.index_cast %parallel_loop3A_562 : i32 to index
      %parallel_loop3A_623 = arith.constant 64 : index
      %parallel_loop3A_624 = tpu.vector_load %arg4[%parallel_loop3A_621, %parallel_loop3A_622, %parallel_loop3A_623] {strides = array<i32>} : memref<4x64x128xf32, #tpu.memory_space<vmem>>, vector<16xf32>,
      tpu.vector_store %arg4[%parallel_loop3A_621, %parallel_loop3A_622, %parallel_loop3A_623], %parallel_loop3A_567 {strides = array<i32>} : memref<4x64x128xf32, #tpu.memory_space<vmem>>, vector<16xf32>,
      %parallel_loop3A_625 = arith.addf %parallel_loop3A_567, %parallel_loop3A_619 : vector<16xf32>
      %parallel_loop3A_626 = arith.constant 2 : i32
      %parallel_loop3A_627 = arith.index_cast %parallel_loop3A_626 : i32 to index
      %parallel_loop3A_628 = arith.index_cast %parallel_loop3A_562 : i32 to index
      %parallel_loop3A_629 = arith.constant 80 : index
      %parallel_loop3A_630 = tpu.vector_load %arg4[%parallel_loop3A_627, %parallel_loop3A_628, %parallel_loop3A_629] {strides = array<i32>} : memref<4x64x128xf32, #tpu.memory_space<vmem>>, vector<16xf32>,
      %parallel_loop3A_631 = arith.constant 2 : i32
      %parallel_loop3A_632 = arith.index_cast %parallel_loop3A_631 : i32 to index
      %parallel_loop3A_633 = arith.index_cast %parallel_loop3A_562 : i32 to index
      %parallel_loop3A_634 = arith.constant 80 : index
      %parallel_loop3A_635 = tpu.vector_load %arg4[%parallel_loop3A_632, %parallel_loop3A_633, %parallel_loop3A_634] {strides = array<i32>} : memref<4x64x128xf32, #tpu.memory_space<vmem>>, vector<16xf32>,
      tpu.vector_store %arg4[%parallel_loop3A_632, %parallel_loop3A_633, %parallel_loop3A_634], %parallel_loop3A_568 {strides = array<i32>} : memref<4x64x128xf32, #tpu.memory_space<vmem>>, vector<16xf32>,
      %parallel_loop3A_636 = arith.addf %parallel_loop3A_568, %parallel_loop3A_630 : vector<16xf32>
      %parallel_loop3A_637 = arith.constant 2 : i32
      %parallel_loop3A_638 = arith.index_cast %parallel_loop3A_637 : i32 to index
      %parallel_loop3A_639 = arith.index_cast %parallel_loop3A_562 : i32 to index
      %parallel_loop3A_640 = arith.constant 96 : index
      %parallel_loop3A_641 = tpu.vector_load %arg4[%parallel_loop3A_638, %parallel_loop3A_639, %parallel_loop3A_640] {strides = array<i32>} : memref<4x64x128xf32, #tpu.memory_space<vmem>>, vector<16xf32>,
      %parallel_loop3A_642 = arith.constant 2 : i32
      %parallel_loop3A_643 = arith.index_cast %parallel_loop3A_642 : i32 to index
      %parallel_loop3A_644 = arith.index_cast %parallel_loop3A_562 : i32 to index
      %parallel_loop3A_645 = arith.constant 96 : index
      %parallel_loop3A_646 = tpu.vector_load %arg4[%parallel_loop3A_643, %parallel_loop3A_644, %parallel_loop3A_645] {strides = array<i32>} : memref<4x64x128xf32, #tpu.memory_space<vmem>>, vector<16xf32>,
      tpu.vector_store %arg4[%parallel_loop3A_643, %parallel_loop3A_644, %parallel_loop3A_645], %parallel_loop3A_569 {strides = array<i32>} : memref<4x64x128xf32, #tpu.memory_space<vmem>>, vector<16xf32>,
      %parallel_loop3A_647 = arith.addf %parallel_loop3A_569, %parallel_loop3A_641 : vector<16xf32>
      %parallel_loop3A_648 = arith.constant 2 : i32
      %parallel_loop3A_649 = arith.index_cast %parallel_loop3A_648 : i32 to index
      %parallel_loop3A_650 = arith.index_cast %parallel_loop3A_562 : i32 to index
      %parallel_loop3A_651 = arith.constant 112 : index
      %parallel_loop3A_652 = tpu.vector_load %arg4[%parallel_loop3A_649, %parallel_loop3A_650, %parallel_loop3A_651] {strides = array<i32>} : memref<4x64x128xf32, #tpu.memory_space<vmem>>, vector<16xf32>,
      %parallel_loop3A_653 = arith.constant 2 : i32
      %parallel_loop3A_654 = arith.index_cast %parallel_loop3A_653 : i32 to index
      %parallel_loop3A_655 = arith.index_cast %parallel_loop3A_562 : i32 to index
      %parallel_loop3A_656 = arith.constant 112 : index
      %parallel_loop3A_657 = tpu.vector_load %arg4[%parallel_loop3A_654, %parallel_loop3A_655, %parallel_loop3A_656] {strides = array<i32>} : memref<4x64x128xf32, #tpu.memory_space<vmem>>, vector<16xf32>,
      tpu.vector_store %arg4[%parallel_loop3A_654, %parallel_loop3A_655, %parallel_loop3A_656], %parallel_loop3A_570 {strides = array<i32>} : memref<4x64x128xf32, #tpu.memory_space<vmem>>, vector<16xf32>,
      %parallel_loop3A_658 = arith.addf %parallel_loop3A_570, %parallel_loop3A_652 : vector<16xf32>
      scf.yield %parallel_loop3A_581, %parallel_loop3A_592, %parallel_loop3A_603, %parallel_loop3A_614, %parallel_loop3A_625, %parallel_loop3A_636, %parallel_loop3A_647, %parallel_loop3A_658 : vector<16xf32>, vector<16xf32>, vector<16xf32>, vector<16xf32>, vector<16xf32>, vector<16xf32>, vector<16xf32>, vector<16xf32>
    } {sc.loop_unroll_factor = 16 : i64, sc.parallel_access}
    %dma_start3A_222 = arith.constant 2 : i32
    %dma_start3A_223 = arith.constant 0 : i32
    %dma_start3A_224 = arith.constant 0 : i32
    %dma_start3A_225 = tpu.memref_slice %arg4[%dma_start3A_222, %dma_start3A_223, %dma_start3A_224] : memref<4x64x128xf32, #tpu.memory_space<vmem>> -> memref<1x64x128xf32, #tpu.memory_space<vmem>>
    %dma_start3A_226 = tpu.memref_squeeze %dma_start3A_225 : memref<1x64x128xf32, #tpu.memory_space<vmem>> -> memref<64x128xf32, #tpu.memory_space<vmem>>
    %dma_start3A_227 = arith.constant 128 : i32
    %dma_start3A_228 = tpu.memref_slice %arg3[%select_n3A, %dma_start3A_227, %mul3A_32] : memref<2x8192x2048xf32, #tpu.memory_space<hbm>> -> memref<1x64x128xf32, #tpu.memory_space<hbm>>
    %dma_start3A_229 = tpu.memref_squeeze %dma_start3A_228 : memref<1x64x128xf32, #tpu.memory_space<hbm>> -> memref<64x128xf32, #tpu.memory_space<hbm>>
    %dma_start3A_230 = arith.constant 128 : i32
    %dma_start3A_231 = tpu.memref_slice %arg3[%select_n3A, %dma_start3A_230, %mul3A_32] : memref<2x8192x2048xf32, #tpu.memory_space<hbm>> -> memref<1x64x128xf32, #tpu.memory_space<hbm>>
    %dma_start3A_232 = tpu.memref_squeeze %dma_start3A_231 : memref<1x64x128xf32, #tpu.memory_space<hbm>> -> memref<64x128xf32, #tpu.memory_space<hbm>>
    %dma_start3A_233 = arith.constant 0 : i32
    %dma_start3A_234 = arith.constant 0 : i32
    %dma_start3A_235 = tpu.memref_slice %arg4[%dma_start3A_222, %dma_start3A_233, %dma_start3A_234] : memref<4x64x128xf32, #tpu.memory_space<vmem>> -> memref<1x64x128xf32, #tpu.memory_space<vmem>>
    %dma_start3A_236 = tpu.memref_squeeze %dma_start3A_235 : memref<1x64x128xf32, #tpu.memory_space<vmem>> -> memref<64x128xf32, #tpu.memory_space<vmem>>
    tpu.enqueue_dma source(%dma_start3A_236 : memref<64x128xf32, #tpu.memory_space<vmem>>) target(%dma_start3A_232 : memref<64x128xf32, #tpu.memory_space<hbm>>) target_semaphore(%arg11 : memref<!tpu.dma_semaphore, #tpu.memory_space<semaphore_mem>>)
    %dma_wait3A_237 = arith.constant 1 : i32
    %dma_wait3A_238 = arith.constant 0 : i32
    %dma_wait3A_239 = arith.constant 0 : i32
    %dma_wait3A_240 = tpu.memref_slice %arg4[%dma_wait3A_237, %dma_wait3A_238, %dma_wait3A_239] : memref<4x64x128xf32, #tpu.memory_space<vmem>> -> memref<1x64x128xf32, #tpu.memory_space<vmem>>
    %dma_wait3A_241 = tpu.memref_squeeze %dma_wait3A_240 : memref<1x64x128xf32, #tpu.memory_space<vmem>> -> memref<64x128xf32, #tpu.memory_space<vmem>>
    %dma_wait3A_242 = arith.constant 64 : i32
    %dma_wait3A_243 = tpu.memref_slice %arg3[%select_n3A, %dma_wait3A_242, %mul3A_32] : memref<2x8192x2048xf32, #tpu.memory_space<hbm>> -> memref<1x64x128xf32, #tpu.memory_space<hbm>>
    %dma_wait3A_244 = tpu.memref_squeeze %dma_wait3A_243 : memref<1x64x128xf32, #tpu.memory_space<hbm>> -> memref<64x128xf32, #tpu.memory_space<hbm>>
    %dma_wait3A_245 = arith.constant 64 : i32
    %dma_wait3A_246 = tpu.memref_slice %arg3[%select_n3A, %dma_wait3A_245, %mul3A_32] : memref<2x8192x2048xf32, #tpu.memory_space<hbm>> -> memref<1x64x128xf32, #tpu.memory_space<hbm>>
    %dma_wait3A_247 = tpu.memref_squeeze %dma_wait3A_246 : memref<1x64x128xf32, #tpu.memory_space<hbm>> -> memref<64x128xf32, #tpu.memory_space<hbm>>
    %dma_wait3A_248 = arith.constant 0 : i32
    %dma_wait3A_249 = arith.constant 0 : i32
    %dma_wait3A_250 = tpu.memref_slice %arg4[%dma_wait3A_237, %dma_wait3A_248, %dma_wait3A_249] : memref<4x64x128xf32, #tpu.memory_space<vmem>> -> memref<1x64x128xf32, #tpu.memory_space<vmem>>
    %dma_wait3A_251 = tpu.memref_squeeze %dma_wait3A_250 : memref<1x64x128xf32, #tpu.memory_space<vmem>> -> memref<64x128xf32, #tpu.memory_space<vmem>>
    tpu.wait_dma2 semaphore(%arg10 : memref<!tpu.dma_semaphore, #tpu.memory_space<semaphore_mem>>) src(%dma_wait3A_251 : memref<64x128xf32, #tpu.memory_space<vmem>>) dst(%dma_wait3A_247 : memref<64x128xf32, #tpu.memory_space<hbm>>)
    %dma_start3A_252 = arith.constant 1 : i32
    %dma_start3A_253 = arith.constant 0 : i32
    %dma_start3A_254 = arith.constant 0 : i32
    %dma_start3A_255 = tpu.memref_slice %arg4[%dma_start3A_252, %dma_start3A_253, %dma_start3A_254] : memref<4x64x128xf32, #tpu.memory_space<vmem>> -> memref<1x64x128xf32, #tpu.memory_space<vmem>>
    %dma_start3A_256 = tpu.memref_squeeze %dma_start3A_255 : memref<1x64x128xf32, #tpu.memory_space<vmem>> -> memref<64x128xf32, #tpu.memory_space<vmem>>
    %dma_start3A_257 = arith.constant 320 : i32
    %dma_start3A_258 = tpu.memref_slice %arg2[%select_n3A, %dma_start3A_257, %mul3A_32] : memref<2x8192x2048xf32, #tpu.memory_space<hbm>> -> memref<1x64x128xf32, #tpu.memory_space<hbm>>
    %dma_start3A_259 = tpu.memref_squeeze %dma_start3A_258 : memref<1x64x128xf32, #tpu.memory_space<hbm>> -> memref<64x128xf32, #tpu.memory_space<hbm>>
    %dma_start3A_260 = arith.constant 0 : i32
    %dma_start3A_261 = arith.constant 0 : i32
    %dma_start3A_262 = tpu.memref_slice %arg4[%dma_start3A_252, %dma_start3A_260, %dma_start3A_261] : memref<4x64x128xf32, #tpu.memory_space<vmem>> -> memref<1x64x128xf32, #tpu.memory_space<vmem>>
    %dma_start3A_263 = tpu.memref_squeeze %dma_start3A_262 : memref<1x64x128xf32, #tpu.memory_space<vmem>> -> memref<64x128xf32, #tpu.memory_space<vmem>>
    %dma_start3A_264 = arith.constant 320 : i32
    %dma_start3A_265 = tpu.memref_slice %arg2[%select_n3A, %dma_start3A_264, %mul3A_32] : memref<2x8192x2048xf32, #tpu.memory_space<hbm>> -> memref<1x64x128xf32, #tpu.memory_space<hbm>>
    %dma_start3A_266 = tpu.memref_squeeze %dma_start3A_265 : memref<1x64x128xf32, #tpu.memory_space<hbm>> -> memref<64x128xf32, #tpu.memory_space<hbm>>
    tpu.enqueue_dma source(%dma_start3A_266 : memref<64x128xf32, #tpu.memory_space<hbm>>) target(%dma_start3A_263 : memref<64x128xf32, #tpu.memory_space<vmem>>) target_semaphore(%arg6 : memref<!tpu.dma_semaphore, #tpu.memory_space<semaphore_mem>>)
    %dma_wait3A_267 = arith.constant 3 : i32
    %dma_wait3A_268 = arith.constant 0 : i32
    %dma_wait3A_269 = arith.constant 0 : i32
    %dma_wait3A_270 = tpu.memref_slice %arg4[%dma_wait3A_267, %dma_wait3A_268, %dma_wait3A_269] : memref<4x64x128xf32, #tpu.memory_space<vmem>> -> memref<1x64x128xf32, #tpu.memory_space<vmem>>
    %dma_wait3A_271 = tpu.memref_squeeze %dma_wait3A_270 : memref<1x64x128xf32, #tpu.memory_space<vmem>> -> memref<64x128xf32, #tpu.memory_space<vmem>>
    %dma_wait3A_272 = arith.constant 192 : i32
    %dma_wait3A_273 = tpu.memref_slice %arg2[%select_n3A, %dma_wait3A_272, %mul3A_32] : memref<2x8192x2048xf32, #tpu.memory_space<hbm>> -> memref<1x64x128xf32, #tpu.memory_space<hbm>>
    %dma_wait3A_274 = tpu.memref_squeeze %dma_wait3A_273 : memref<1x64x128xf32, #tpu.memory_space<hbm>> -> memref<64x128xf32, #tpu.memory_space<hbm>>
    %dma_wait3A_275 = arith.constant 0 : i32
    %dma_wait3A_276 = arith.constant 0 : i32
    %dma_wait3A_277 = tpu.memref_slice %arg4[%dma_wait3A_267, %dma_wait3A_275, %dma_wait3A_276] : memref<4x64x128xf32, #tpu.memory_space<vmem>> -> memref<1x64x128xf32, #tpu.memory_space<vmem>>
    %dma_wait3A_278 = tpu.memref_squeeze %dma_wait3A_277 : memref<1x64x128xf32, #tpu.memory_space<vmem>> -> memref<64x128xf32, #tpu.memory_space<vmem>>
    %dma_wait3A_279 = arith.constant 192 : i32
    %dma_wait3A_280 = tpu.memref_slice %arg2[%select_n3A, %dma_wait3A_279, %mul3A_32] : memref<2x8192x2048xf32, #tpu.memory_space<hbm>> -> memref<1x64x128xf32, #tpu.memory_space<hbm>>
    %dma_wait3A_281 = tpu.memref_squeeze %dma_wait3A_280 : memref<1x64x128xf32, #tpu.memory_space<hbm>> -> memref<64x128xf32, #tpu.memory_space<hbm>>
    tpu.wait_dma2 semaphore(%arg8 : memref<!tpu.dma_semaphore, #tpu.memory_space<semaphore_mem>>) src(%dma_wait3A_281 : memref<64x128xf32, #tpu.memory_space<hbm>>) dst(%dma_wait3A_278 : memref<64x128xf32, #tpu.memory_space<vmem>>)
    %parallel_loop3A_282 = arith.constant 0 : i32
    %parallel_loop3A_283 = arith.constant 64 : i32
    %parallel_loop3A_284 = arith.constant 1 : i32
    %parallel_loop3A_285:8 = scf.for %parallel_loop3A_562 = %parallel_loop3A_282 to %parallel_loop3A_283 step %parallel_loop3A_284 iter_args(%parallel_loop3A_563 = %parallel_loop3A_221#0, %parallel_loop3A_564 = %parallel_loop3A_221#1, %parallel_loop3A_565 = %parallel_loop3A_221#2, %parallel_loop3A_566 = %parallel_loop3A_221#3, %parallel_loop3A_567 = %parallel_loop3A_221#4, %parallel_loop3A_568 = %parallel_loop3A_221#5, %parallel_loop3A_569 = %parallel_loop3A_221#6, %parallel_loop3A_570 = %parallel_loop3A_221#7) -> (vector<16xf32>, vector<16xf32>, vector<16xf32>, vector<16xf32>, vector<16xf32>, vector<16xf32>, vector<16xf32>, vector<16xf32>)  : i32 {
      %parallel_loop3A_571 = arith.constant 3 : i32
      %parallel_loop3A_572 = arith.index_cast %parallel_loop3A_571 : i32 to index
      %parallel_loop3A_573 = arith.index_cast %parallel_loop3A_562 : i32 to index
      %parallel_loop3A_574 = arith.constant 0 : index
      %parallel_loop3A_575 = tpu.vector_load %arg4[%parallel_loop3A_572, %parallel_loop3A_573, %parallel_loop3A_574] {strides = array<i32>} : memref<4x64x128xf32, #tpu.memory_space<vmem>>, vector<16xf32>,
      %parallel_loop3A_576 = arith.constant 3 : i32
      %parallel_loop3A_577 = arith.index_cast %parallel_loop3A_576 : i32 to index
      %parallel_loop3A_578 = arith.index_cast %parallel_loop3A_562 : i32 to index
      %parallel_loop3A_579 = arith.constant 0 : index
      %parallel_loop3A_580 = tpu.vector_load %arg4[%parallel_loop3A_577, %parallel_loop3A_578, %parallel_loop3A_579] {strides = array<i32>} : memref<4x64x128xf32, #tpu.memory_space<vmem>>, vector<16xf32>,
      tpu.vector_store %arg4[%parallel_loop3A_577, %parallel_loop3A_578, %parallel_loop3A_579], %parallel_loop3A_563 {strides = array<i32>} : memref<4x64x128xf32, #tpu.memory_space<vmem>>, vector<16xf32>,
      %parallel_loop3A_581 = arith.addf %parallel_loop3A_563, %parallel_loop3A_575 : vector<16xf32>
      %parallel_loop3A_582 = arith.constant 3 : i32
      %parallel_loop3A_583 = arith.index_cast %parallel_loop3A_582 : i32 to index
      %parallel_loop3A_584 = arith.index_cast %parallel_loop3A_562 : i32 to index
      %parallel_loop3A_585 = arith.constant 16 : index
      %parallel_loop3A_586 = tpu.vector_load %arg4[%parallel_loop3A_583, %parallel_loop3A_584, %parallel_loop3A_585] {strides = array<i32>} : memref<4x64x128xf32, #tpu.memory_space<vmem>>, vector<16xf32>,
      %parallel_loop3A_587 = arith.constant 3 : i32
      %parallel_loop3A_588 = arith.index_cast %parallel_loop3A_587 : i32 to index
      %parallel_loop3A_589 = arith.index_cast %parallel_loop3A_562 : i32 to index
      %parallel_loop3A_590 = arith.constant 16 : index
      %parallel_loop3A_591 = tpu.vector_load %arg4[%parallel_loop3A_588, %parallel_loop3A_589, %parallel_loop3A_590] {strides = array<i32>} : memref<4x64x128xf32, #tpu.memory_space<vmem>>, vector<16xf32>,
      tpu.vector_store %arg4[%parallel_loop3A_588, %parallel_loop3A_589, %parallel_loop3A_590], %parallel_loop3A_564 {strides = array<i32>} : memref<4x64x128xf32, #tpu.memory_space<vmem>>, vector<16xf32>,
      %parallel_loop3A_592 = arith.addf %parallel_loop3A_564, %parallel_loop3A_586 : vector<16xf32>
      %parallel_loop3A_593 = arith.constant 3 : i32
      %parallel_loop3A_594 = arith.index_cast %parallel_loop3A_593 : i32 to index
      %parallel_loop3A_595 = arith.index_cast %parallel_loop3A_562 : i32 to index
      %parallel_loop3A_596 = arith.constant 32 : index
      %parallel_loop3A_597 = tpu.vector_load %arg4[%parallel_loop3A_594, %parallel_loop3A_595, %parallel_loop3A_596] {strides = array<i32>} : memref<4x64x128xf32, #tpu.memory_space<vmem>>, vector<16xf32>,
      %parallel_loop3A_598 = arith.constant 3 : i32
      %parallel_loop3A_599 = arith.index_cast %parallel_loop3A_598 : i32 to index
      %parallel_loop3A_600 = arith.index_cast %parallel_loop3A_562 : i32 to index
      %parallel_loop3A_601 = arith.constant 32 : index
      %parallel_loop3A_602 = tpu.vector_load %arg4[%parallel_loop3A_599, %parallel_loop3A_600, %parallel_loop3A_601] {strides = array<i32>} : memref<4x64x128xf32, #tpu.memory_space<vmem>>, vector<16xf32>,
      tpu.vector_store %arg4[%parallel_loop3A_599, %parallel_loop3A_600, %parallel_loop3A_601], %parallel_loop3A_565 {strides = array<i32>} : memref<4x64x128xf32, #tpu.memory_space<vmem>>, vector<16xf32>,
      %parallel_loop3A_603 = arith.addf %parallel_loop3A_565, %parallel_loop3A_597 : vector<16xf32>
      %parallel_loop3A_604 = arith.constant 3 : i32
      %parallel_loop3A_605 = arith.index_cast %parallel_loop3A_604 : i32 to index
      %parallel_loop3A_606 = arith.index_cast %parallel_loop3A_562 : i32 to index
      %parallel_loop3A_607 = arith.constant 48 : index
      %parallel_loop3A_608 = tpu.vector_load %arg4[%parallel_loop3A_605, %parallel_loop3A_606, %parallel_loop3A_607] {strides = array<i32>} : memref<4x64x128xf32, #tpu.memory_space<vmem>>, vector<16xf32>,
      %parallel_loop3A_609 = arith.constant 3 : i32
      %parallel_loop3A_610 = arith.index_cast %parallel_loop3A_609 : i32 to index
      %parallel_loop3A_611 = arith.index_cast %parallel_loop3A_562 : i32 to index
      %parallel_loop3A_612 = arith.constant 48 : index
      %parallel_loop3A_613 = tpu.vector_load %arg4[%parallel_loop3A_610, %parallel_loop3A_611, %parallel_loop3A_612] {strides = array<i32>} : memref<4x64x128xf32, #tpu.memory_space<vmem>>, vector<16xf32>,
      tpu.vector_store %arg4[%parallel_loop3A_610, %parallel_loop3A_611, %parallel_loop3A_612], %parallel_loop3A_566 {strides = array<i32>} : memref<4x64x128xf32, #tpu.memory_space<vmem>>, vector<16xf32>,
      %parallel_loop3A_614 = arith.addf %parallel_loop3A_566, %parallel_loop3A_608 : vector<16xf32>
      %parallel_loop3A_615 = arith.constant 3 : i32
      %parallel_loop3A_616 = arith.index_cast %parallel_loop3A_615 : i32 to index
      %parallel_loop3A_617 = arith.index_cast %parallel_loop3A_562 : i32 to index
      %parallel_loop3A_618 = arith.constant 64 : index
      %parallel_loop3A_619 = tpu.vector_load %arg4[%parallel_loop3A_616, %parallel_loop3A_617, %parallel_loop3A_618] {strides = array<i32>} : memref<4x64x128xf32, #tpu.memory_space<vmem>>, vector<16xf32>,
      %parallel_loop3A_620 = arith.constant 3 : i32
      %parallel_loop3A_621 = arith.index_cast %parallel_loop3A_620 : i32 to index
      %parallel_loop3A_622 = arith.index_cast %parallel_loop3A_562 : i32 to index
      %parallel_loop3A_623 = arith.constant 64 : index
      %parallel_loop3A_624 = tpu.vector_load %arg4[%parallel_loop3A_621, %parallel_loop3A_622, %parallel_loop3A_623] {strides = array<i32>} : memref<4x64x128xf32, #tpu.memory_space<vmem>>, vector<16xf32>,
      tpu.vector_store %arg4[%parallel_loop3A_621, %parallel_loop3A_622, %parallel_loop3A_623], %parallel_loop3A_567 {strides = array<i32>} : memref<4x64x128xf32, #tpu.memory_space<vmem>>, vector<16xf32>,
      %parallel_loop3A_625 = arith.addf %parallel_loop3A_567, %parallel_loop3A_619 : vector<16xf32>
      %parallel_loop3A_626 = arith.constant 3 : i32
      %parallel_loop3A_627 = arith.index_cast %parallel_loop3A_626 : i32 to index
      %parallel_loop3A_628 = arith.index_cast %parallel_loop3A_562 : i32 to index
      %parallel_loop3A_629 = arith.constant 80 : index
      %parallel_loop3A_630 = tpu.vector_load %arg4[%parallel_loop3A_627, %parallel_loop3A_628, %parallel_loop3A_629] {strides = array<i32>} : memref<4x64x128xf32, #tpu.memory_space<vmem>>, vector<16xf32>,
      %parallel_loop3A_631 = arith.constant 3 : i32
      %parallel_loop3A_632 = arith.index_cast %parallel_loop3A_631 : i32 to index
      %parallel_loop3A_633 = arith.index_cast %parallel_loop3A_562 : i32 to index
      %parallel_loop3A_634 = arith.constant 80 : index
      %parallel_loop3A_635 = tpu.vector_load %arg4[%parallel_loop3A_632, %parallel_loop3A_633, %parallel_loop3A_634] {strides = array<i32>} : memref<4x64x128xf32, #tpu.memory_space<vmem>>, vector<16xf32>,
      tpu.vector_store %arg4[%parallel_loop3A_632, %parallel_loop3A_633, %parallel_loop3A_634], %parallel_loop3A_568 {strides = array<i32>} : memref<4x64x128xf32, #tpu.memory_space<vmem>>, vector<16xf32>,
      %parallel_loop3A_636 = arith.addf %parallel_loop3A_568, %parallel_loop3A_630 : vector<16xf32>
      %parallel_loop3A_637 = arith.constant 3 : i32
      %parallel_loop3A_638 = arith.index_cast %parallel_loop3A_637 : i32 to index
      %parallel_loop3A_639 = arith.index_cast %parallel_loop3A_562 : i32 to index
      %parallel_loop3A_640 = arith.constant 96 : index
      %parallel_loop3A_641 = tpu.vector_load %arg4[%parallel_loop3A_638, %parallel_loop3A_639, %parallel_loop3A_640] {strides = array<i32>} : memref<4x64x128xf32, #tpu.memory_space<vmem>>, vector<16xf32>,
      %parallel_loop3A_642 = arith.constant 3 : i32
      %parallel_loop3A_643 = arith.index_cast %parallel_loop3A_642 : i32 to index
      %parallel_loop3A_644 = arith.index_cast %parallel_loop3A_562 : i32 to index
      %parallel_loop3A_645 = arith.constant 96 : index
      %parallel_loop3A_646 = tpu.vector_load %arg4[%parallel_loop3A_643, %parallel_loop3A_644, %parallel_loop3A_645] {strides = array<i32>} : memref<4x64x128xf32, #tpu.memory_space<vmem>>, vector<16xf32>,
      tpu.vector_store %arg4[%parallel_loop3A_643, %parallel_loop3A_644, %parallel_loop3A_645], %parallel_loop3A_569 {strides = array<i32>} : memref<4x64x128xf32, #tpu.memory_space<vmem>>, vector<16xf32>,
      %parallel_loop3A_647 = arith.addf %parallel_loop3A_569, %parallel_loop3A_641 : vector<16xf32>
      %parallel_loop3A_648 = arith.constant 3 : i32
      %parallel_loop3A_649 = arith.index_cast %parallel_loop3A_648 : i32 to index
      %parallel_loop3A_650 = arith.index_cast %parallel_loop3A_562 : i32 to index
      %parallel_loop3A_651 = arith.constant 112 : index
      %parallel_loop3A_652 = tpu.vector_load %arg4[%parallel_loop3A_649, %parallel_loop3A_650, %parallel_loop3A_651] {strides = array<i32>} : memref<4x64x128xf32, #tpu.memory_space<vmem>>, vector<16xf32>,
      %parallel_loop3A_653 = arith.constant 3 : i32
      %parallel_loop3A_654 = arith.index_cast %parallel_loop3A_653 : i32 to index
      %parallel_loop3A_655 = arith.index_cast %parallel_loop3A_562 : i32 to index
      %parallel_loop3A_656 = arith.constant 112 : index
      %parallel_loop3A_657 = tpu.vector_load %arg4[%parallel_loop3A_654, %parallel_loop3A_655, %parallel_loop3A_656] {strides = array<i32>} : memref<4x64x128xf32, #tpu.memory_space<vmem>>, vector<16xf32>,
      tpu.vector_store %arg4[%parallel_loop3A_654, %parallel_loop3A_655, %parallel_loop3A_656], %parallel_loop3A_570 {strides = array<i32>} : memref<4x64x128xf32, #tpu.memory_space<vmem>>, vector<16xf32>,
      %parallel_loop3A_658 = arith.addf %parallel_loop3A_570, %parallel_loop3A_652 : vector<16xf32>
      scf.yield %parallel_loop3A_581, %parallel_loop3A_592, %parallel_loop3A_603, %parallel_loop3A_614, %parallel_loop3A_625, %parallel_loop3A_636, %parallel_loop3A_647, %parallel_loop3A_658 : vector<16xf32>, vector<16xf32>, vector<16xf32>, vector<16xf32>, vector<16xf32>, vector<16xf32>, vector<16xf32>, vector<16xf32>
    } {sc.loop_unroll_factor = 16 : i64, sc.parallel_access}
    %dma_start3A_286 = arith.constant 3 : i32
    %dma_start3A_287 = arith.constant 0 : i32
    %dma_start3A_288 = arith.constant 0 : i32
    %dma_start3A_289 = tpu.memref_slice %arg4[%dma_start3A_286, %dma_start3A_287, %dma_start3A_288] : memref<4x64x128xf32, #tpu.memory_space<vmem>> -> memref<1x64x128xf32, #tpu.memory_space<vmem>>
    %dma_start3A_290 = tpu.memref_squeeze %dma_start3A_289 : memref<1x64x128xf32, #tpu.memory_space<vmem>> -> memref<64x128xf32, #tpu.memory_space<vmem>>
    %dma_start3A_291 = arith.constant 192 : i32
    %dma_start3A_292 = tpu.memref_slice %arg3[%select_n3A, %dma_start3A_291, %mul3A_32] : memref<2x8192x2048xf32, #tpu.memory_space<hbm>> -> memref<1x64x128xf32, #tpu.memory_space<hbm>>
    %dma_start3A_293 = tpu.memref_squeeze %dma_start3A_292 : memref<1x64x128xf32, #tpu.memory_space<hbm>> -> memref<64x128xf32, #tpu.memory_space<hbm>>
    %dma_start3A_294 = arith.constant 192 : i32
    %dma_start3A_295 = tpu.memref_slice %arg3[%select_n3A, %dma_start3A_294, %mul3A_32] : memref<2x8192x2048xf32, #tpu.memory_space<hbm>> -> memref<1x64x128xf32, #tpu.memory_space<hbm>>
    %dma_start3A_296 = tpu.memref_squeeze %dma_start3A_295 : memref<1x64x128xf32, #tpu.memory_space<hbm>> -> memref<64x128xf32, #tpu.memory_space<hbm>>
    %dma_start3A_297 = arith.constant 0 : i32
    %dma_start3A_298 = arith.constant 0 : i32
    %dma_start3A_299 = tpu.memref_slice %arg4[%dma_start3A_286, %dma_start3A_297, %dma_start3A_298] : memref<4x64x128xf32, #tpu.memory_space<vmem>> -> memref<1x64x128xf32, #tpu.memory_space<vmem>>
    %dma_start3A_300 = tpu.memref_squeeze %dma_start3A_299 : memref<1x64x128xf32, #tpu.memory_space<vmem>> -> memref<64x128xf32, #tpu.memory_space<vmem>>
    tpu.enqueue_dma source(%dma_start3A_300 : memref<64x128xf32, #tpu.memory_space<vmem>>) target(%dma_start3A_296 : memref<64x128xf32, #tpu.memory_space<hbm>>) target_semaphore(%arg12 : memref<!tpu.dma_semaphore, #tpu.memory_space<semaphore_mem>>)
    %dma_wait3A_301 = arith.constant 2 : i32
    %dma_wait3A_302 = arith.constant 0 : i32
    %dma_wait3A_303 = arith.constant 0 : i32
    %dma_wait3A_304 = tpu.memref_slice %arg4[%dma_wait3A_301, %dma_wait3A_302, %dma_wait3A_303] : memref<4x64x128xf32, #tpu.memory_space<vmem>> -> memref<1x64x128xf32, #tpu.memory_space<vmem>>
    %dma_wait3A_305 = tpu.memref_squeeze %dma_wait3A_304 : memref<1x64x128xf32, #tpu.memory_space<vmem>> -> memref<64x128xf32, #tpu.memory_space<vmem>>
    %dma_wait3A_306 = arith.constant 128 : i32
    %dma_wait3A_307 = tpu.memref_slice %arg3[%select_n3A, %dma_wait3A_306, %mul3A_32] : memref<2x8192x2048xf32, #tpu.memory_space<hbm>> -> memref<1x64x128xf32, #tpu.memory_space<hbm>>
    %dma_wait3A_308 = tpu.memref_squeeze %dma_wait3A_307 : memref<1x64x128xf32, #tpu.memory_space<hbm>> -> memref<64x128xf32, #tpu.memory_space<hbm>>
    %dma_wait3A_309 = arith.constant 128 : i32
    %dma_wait3A_310 = tpu.memref_slice %arg3[%select_n3A, %dma_wait3A_309, %mul3A_32] : memref<2x8192x2048xf32, #tpu.memory_space<hbm>> -> memref<1x64x128xf32, #tpu.memory_space<hbm>>
    %dma_wait3A_311 = tpu.memref_squeeze %dma_wait3A_310 : memref<1x64x128xf32, #tpu.memory_space<hbm>> -> memref<64x128xf32, #tpu.memory_space<hbm>>
    %dma_wait3A_312 = arith.constant 0 : i32
    %dma_wait3A_313 = arith.constant 0 : i32
    %dma_wait3A_314 = tpu.memref_slice %arg4[%dma_wait3A_301, %dma_wait3A_312, %dma_wait3A_313] : memref<4x64x128xf32, #tpu.memory_space<vmem>> -> memref<1x64x128xf32, #tpu.memory_space<vmem>>
    %dma_wait3A_315 = tpu.memref_squeeze %dma_wait3A_314 : memref<1x64x128xf32, #tpu.memory_space<vmem>> -> memref<64x128xf32, #tpu.memory_space<vmem>>
    tpu.wait_dma2 semaphore(%arg11 : memref<!tpu.dma_semaphore, #tpu.memory_space<semaphore_mem>>) src(%dma_wait3A_315 : memref<64x128xf32, #tpu.memory_space<vmem>>) dst(%dma_wait3A_311 : memref<64x128xf32, #tpu.memory_space<hbm>>)
    %dma_start3A_316 = arith.constant 2 : i32
    %dma_start3A_317 = arith.constant 0 : i32
    %dma_start3A_318 = arith.constant 0 : i32
    %dma_start3A_319 = tpu.memref_slice %arg4[%dma_start3A_316, %dma_start3A_317, %dma_start3A_318] : memref<4x64x128xf32, #tpu.memory_space<vmem>> -> memref<1x64x128xf32, #tpu.memory_space<vmem>>
    %dma_start3A_320 = tpu.memref_squeeze %dma_start3A_319 : memref<1x64x128xf32, #tpu.memory_space<vmem>> -> memref<64x128xf32, #tpu.memory_space<vmem>>
    %dma_start3A_321 = arith.constant 384 : i32
    %dma_start3A_322 = tpu.memref_slice %arg2[%select_n3A, %dma_start3A_321, %mul3A_32] : memref<2x8192x2048xf32, #tpu.memory_space<hbm>> -> memref<1x64x128xf32, #tpu.memory_space<hbm>>
    %dma_start3A_323 = tpu.memref_squeeze %dma_start3A_322 : memref<1x64x128xf32, #tpu.memory_space<hbm>> -> memref<64x128xf32, #tpu.memory_space<hbm>>
    %dma_start3A_324 = arith.constant 0 : i32
    %dma_start3A_325 = arith.constant 0 : i32
    %dma_start3A_326 = tpu.memref_slice %arg4[%dma_start3A_316, %dma_start3A_324, %dma_start3A_325] : memref<4x64x128xf32, #tpu.memory_space<vmem>> -> memref<1x64x128xf32, #tpu.memory_space<vmem>>
    %dma_start3A_327 = tpu.memref_squeeze %dma_start3A_326 : memref<1x64x128xf32, #tpu.memory_space<vmem>> -> memref<64x128xf32, #tpu.memory_space<vmem>>
    %dma_start3A_328 = arith.constant 384 : i32
    %dma_start3A_329 = tpu.memref_slice %arg2[%select_n3A, %dma_start3A_328, %mul3A_32] : memref<2x8192x2048xf32, #tpu.memory_space<hbm>> -> memref<1x64x128xf32, #tpu.memory_space<hbm>>
    %dma_start3A_330 = tpu.memref_squeeze %dma_start3A_329 : memref<1x64x128xf32, #tpu.memory_space<hbm>> -> memref<64x128xf32, #tpu.memory_space<hbm>>
    tpu.enqueue_dma source(%dma_start3A_330 : memref<64x128xf32, #tpu.memory_space<hbm>>) target(%dma_start3A_327 : memref<64x128xf32, #tpu.memory_space<vmem>>) target_semaphore(%arg7 : memref<!tpu.dma_semaphore, #tpu.memory_space<semaphore_mem>>)
    %scan3A = arith.constant 1 : i32
    %scan3A_331 = arith.constant 30 : i32
    %scan3A_332 = arith.addi %scan3A, %scan3A_331 : i32
    %scan3A_333 = arith.constant 1 : i32
    %scan3A_334:8 = scf.for %scan3A_562 = %scan3A to %scan3A_332 step %scan3A_333 iter_args(%scan3A_563 = %parallel_loop3A_285#0, %scan3A_564 = %parallel_loop3A_285#1, %scan3A_565 = %parallel_loop3A_285#2, %scan3A_566 = %parallel_loop3A_285#3, %scan3A_567 = %parallel_loop3A_285#4, %scan3A_568 = %parallel_loop3A_285#5, %scan3A_569 = %parallel_loop3A_285#6, %scan3A_570 = %parallel_loop3A_285#7) -> (vector<16xf32>, vector<16xf32>, vector<16xf32>, vector<16xf32>, vector<16xf32>, vector<16xf32>, vector<16xf32>, vector<16xf32>)  : i32 {
      %mul3A_571 = arith.constant 4 : i32
      %mul3A_572 = arith.muli %scan3A_562, %mul3A_571 : i32
      %add3A_573 = arith.constant 0 : i32
      %add3A_574 = arith.addi %mul3A_572, %add3A_573 : i32
      %mul3A_575 = arith.constant 64 : i32
      %mul3A_576 = arith.muli %add3A_574, %mul3A_575 : i32
      %dma_wait3A_577 = arith.constant 0 : i32
      %dma_wait3A_578 = arith.constant 0 : i32
      %dma_wait3A_579 = arith.constant 0 : i32
      %dma_wait3A_580 = tpu.memref_slice %arg4[%dma_wait3A_577, %dma_wait3A_578, %dma_wait3A_579] : memref<4x64x128xf32, #tpu.memory_space<vmem>> -> memref<1x64x128xf32, #tpu.memory_space<vmem>>
      %dma_wait3A_581 = tpu.memref_squeeze %dma_wait3A_580 : memref<1x64x128xf32, #tpu.memory_space<vmem>> -> memref<64x128xf32, #tpu.memory_space<vmem>>
      %dma_wait3A_582 = tpu.memref_slice %arg2[%select_n3A, %mul3A_576, %mul3A_32] : memref<2x8192x2048xf32, #tpu.memory_space<hbm>> -> memref<1x64x128xf32, #tpu.memory_space<hbm>>
      %dma_wait3A_583 = tpu.memref_squeeze %dma_wait3A_582 : memref<1x64x128xf32, #tpu.memory_space<hbm>> -> memref<64x128xf32, #tpu.memory_space<hbm>>
      %dma_wait3A_584 = arith.constant 0 : i32
      %dma_wait3A_585 = arith.constant 0 : i32
      %dma_wait3A_586 = tpu.memref_slice %arg4[%dma_wait3A_577, %dma_wait3A_584, %dma_wait3A_585] : memref<4x64x128xf32, #tpu.memory_space<vmem>> -> memref<1x64x128xf32, #tpu.memory_space<vmem>>
      %dma_wait3A_587 = tpu.memref_squeeze %dma_wait3A_586 : memref<1x64x128xf32, #tpu.memory_space<vmem>> -> memref<64x128xf32, #tpu.memory_space<vmem>>
      %dma_wait3A_588 = tpu.memref_slice %arg2[%select_n3A, %mul3A_576, %mul3A_32] : memref<2x8192x2048xf32, #tpu.memory_space<hbm>> -> memref<1x64x128xf32, #tpu.memory_space<hbm>>
      %dma_wait3A_589 = tpu.memref_squeeze %dma_wait3A_588 : memref<1x64x128xf32, #tpu.memory_space<hbm>> -> memref<64x128xf32, #tpu.memory_space<hbm>>
      tpu.wait_dma2 semaphore(%arg5 : memref<!tpu.dma_semaphore, #tpu.memory_space<semaphore_mem>>) src(%dma_wait3A_589 : memref<64x128xf32, #tpu.memory_space<hbm>>) dst(%dma_wait3A_587 : memref<64x128xf32, #tpu.memory_space<vmem>>)
      %parallel_loop3A_590 = arith.constant 0 : i32
      %parallel_loop3A_591 = arith.constant 64 : i32
      %parallel_loop3A_592 = arith.constant 1 : i32
      %parallel_loop3A_593:8 = scf.for %parallel_loop3A_867 = %parallel_loop3A_590 to %parallel_loop3A_591 step %parallel_loop3A_592 iter_args(%parallel_loop3A_868 = %scan3A_563, %parallel_loop3A_869 = %scan3A_564, %parallel_loop3A_870 = %scan3A_565, %parallel_loop3A_871 = %scan3A_566, %parallel_loop3A_872 = %scan3A_567, %parallel_loop3A_873 = %scan3A_568, %parallel_loop3A_874 = %scan3A_569, %parallel_loop3A_875 = %scan3A_570) -> (vector<16xf32>, vector<16xf32>, vector<16xf32>, vector<16xf32>, vector<16xf32>, vector<16xf32>, vector<16xf32>, vector<16xf32>)  : i32 {
        %parallel_loop3A_876 = arith.constant 0 : i32
        %parallel_loop3A_877 = arith.index_cast %parallel_loop3A_876 : i32 to index
        %parallel_loop3A_878 = arith.index_cast %parallel_loop3A_867 : i32 to index
        %parallel_loop3A_879 = arith.constant 0 : index
        %parallel_loop3A_880 = tpu.vector_load %arg4[%parallel_loop3A_877, %parallel_loop3A_878, %parallel_loop3A_879] {strides = array<i32>} : memref<4x64x128xf32, #tpu.memory_space<vmem>>, vector<16xf32>,
        %parallel_loop3A_881 = arith.constant 0 : i32
        %parallel_loop3A_882 = arith.index_cast %parallel_loop3A_881 : i32 to index
        %parallel_loop3A_883 = arith.index_cast %parallel_loop3A_867 : i32 to index
        %parallel_loop3A_884 = arith.constant 0 : index
        %parallel_loop3A_885 = tpu.vector_load %arg4[%parallel_loop3A_882, %parallel_loop3A_883, %parallel_loop3A_884] {strides = array<i32>} : memref<4x64x128xf32, #tpu.memory_space<vmem>>, vector<16xf32>,
        tpu.vector_store %arg4[%parallel_loop3A_882, %parallel_loop3A_883, %parallel_loop3A_884], %parallel_loop3A_868 {strides = array<i32>} : memref<4x64x128xf32, #tpu.memory_space<vmem>>, vector<16xf32>,
        %parallel_loop3A_886 = arith.addf %parallel_loop3A_868, %parallel_loop3A_880 : vector<16xf32>
        %parallel_loop3A_887 = arith.constant 0 : i32
        %parallel_loop3A_888 = arith.index_cast %parallel_loop3A_887 : i32 to index
        %parallel_loop3A_889 = arith.index_cast %parallel_loop3A_867 : i32 to index
        %parallel_loop3A_890 = arith.constant 16 : index
        %parallel_loop3A_891 = tpu.vector_load %arg4[%parallel_loop3A_888, %parallel_loop3A_889, %parallel_loop3A_890] {strides = array<i32>} : memref<4x64x128xf32, #tpu.memory_space<vmem>>, vector<16xf32>,
        %parallel_loop3A_892 = arith.constant 0 : i32
        %parallel_loop3A_893 = arith.index_cast %parallel_loop3A_892 : i32 to index
        %parallel_loop3A_894 = arith.index_cast %parallel_loop3A_867 : i32 to index
        %parallel_loop3A_895 = arith.constant 16 : index
        %parallel_loop3A_896 = tpu.vector_load %arg4[%parallel_loop3A_893, %parallel_loop3A_894, %parallel_loop3A_895] {strides = array<i32>} : memref<4x64x128xf32, #tpu.memory_space<vmem>>, vector<16xf32>,
        tpu.vector_store %arg4[%parallel_loop3A_893, %parallel_loop3A_894, %parallel_loop3A_895], %parallel_loop3A_869 {strides = array<i32>} : memref<4x64x128xf32, #tpu.memory_space<vmem>>, vector<16xf32>,
        %parallel_loop3A_897 = arith.addf %parallel_loop3A_869, %parallel_loop3A_891 : vector<16xf32>
        %parallel_loop3A_898 = arith.constant 0 : i32
        %parallel_loop3A_899 = arith.index_cast %parallel_loop3A_898 : i32 to index
        %parallel_loop3A_900 = arith.index_cast %parallel_loop3A_867 : i32 to index
        %parallel_loop3A_901 = arith.constant 32 : index
        %parallel_loop3A_902 = tpu.vector_load %arg4[%parallel_loop3A_899, %parallel_loop3A_900, %parallel_loop3A_901] {strides = array<i32>} : memref<4x64x128xf32, #tpu.memory_space<vmem>>, vector<16xf32>,
        %parallel_loop3A_903 = arith.constant 0 : i32
        %parallel_loop3A_904 = arith.index_cast %parallel_loop3A_903 : i32 to index
        %parallel_loop3A_905 = arith.index_cast %parallel_loop3A_867 : i32 to index
        %parallel_loop3A_906 = arith.constant 32 : index
        %parallel_loop3A_907 = tpu.vector_load %arg4[%parallel_loop3A_904, %parallel_loop3A_905, %parallel_loop3A_906] {strides = array<i32>} : memref<4x64x128xf32, #tpu.memory_space<vmem>>, vector<16xf32>,
        tpu.vector_store %arg4[%parallel_loop3A_904, %parallel_loop3A_905, %parallel_loop3A_906], %parallel_loop3A_870 {strides = array<i32>} : memref<4x64x128xf32, #tpu.memory_space<vmem>>, vector<16xf32>,
        %parallel_loop3A_908 = arith.addf %parallel_loop3A_870, %parallel_loop3A_902 : vector<16xf32>
        %parallel_loop3A_909 = arith.constant 0 : i32
        %parallel_loop3A_910 = arith.index_cast %parallel_loop3A_909 : i32 to index
        %parallel_loop3A_911 = arith.index_cast %parallel_loop3A_867 : i32 to index
        %parallel_loop3A_912 = arith.constant 48 : index
        %parallel_loop3A_913 = tpu.vector_load %arg4[%parallel_loop3A_910, %parallel_loop3A_911, %parallel_loop3A_912] {strides = array<i32>} : memref<4x64x128xf32, #tpu.memory_space<vmem>>, vector<16xf32>,
        %parallel_loop3A_914 = arith.constant 0 : i32
        %parallel_loop3A_915 = arith.index_cast %parallel_loop3A_914 : i32 to index
        %parallel_loop3A_916 = arith.index_cast %parallel_loop3A_867 : i32 to index
        %parallel_loop3A_917 = arith.constant 48 : index
        %parallel_loop3A_918 = tpu.vector_load %arg4[%parallel_loop3A_915, %parallel_loop3A_916, %parallel_loop3A_917] {strides = array<i32>} : memref<4x64x128xf32, #tpu.memory_space<vmem>>, vector<16xf32>,
        tpu.vector_store %arg4[%parallel_loop3A_915, %parallel_loop3A_916, %parallel_loop3A_917], %parallel_loop3A_871 {strides = array<i32>} : memref<4x64x128xf32, #tpu.memory_space<vmem>>, vector<16xf32>,
        %parallel_loop3A_919 = arith.addf %parallel_loop3A_871, %parallel_loop3A_913 : vector<16xf32>
        %parallel_loop3A_920 = arith.constant 0 : i32
        %parallel_loop3A_921 = arith.index_cast %parallel_loop3A_920 : i32 to index
        %parallel_loop3A_922 = arith.index_cast %parallel_loop3A_867 : i32 to index
        %parallel_loop3A_923 = arith.constant 64 : index
        %parallel_loop3A_924 = tpu.vector_load %arg4[%parallel_loop3A_921, %parallel_loop3A_922, %parallel_loop3A_923] {strides = array<i32>} : memref<4x64x128xf32, #tpu.memory_space<vmem>>, vector<16xf32>,
        %parallel_loop3A_925 = arith.constant 0 : i32
        %parallel_loop3A_926 = arith.index_cast %parallel_loop3A_925 : i32 to index
        %parallel_loop3A_927 = arith.index_cast %parallel_loop3A_867 : i32 to index
        %parallel_loop3A_928 = arith.constant 64 : index
        %parallel_loop3A_929 = tpu.vector_load %arg4[%parallel_loop3A_926, %parallel_loop3A_927, %parallel_loop3A_928] {strides = array<i32>} : memref<4x64x128xf32, #tpu.memory_space<vmem>>, vector<16xf32>,
        tpu.vector_store %arg4[%parallel_loop3A_926, %parallel_loop3A_927, %parallel_loop3A_928], %parallel_loop3A_872 {strides = array<i32>} : memref<4x64x128xf32, #tpu.memory_space<vmem>>, vector<16xf32>,
        %parallel_loop3A_930 = arith.addf %parallel_loop3A_872, %parallel_loop3A_924 : vector<16xf32>
        %parallel_loop3A_931 = arith.constant 0 : i32
        %parallel_loop3A_932 = arith.index_cast %parallel_loop3A_931 : i32 to index
        %parallel_loop3A_933 = arith.index_cast %parallel_loop3A_867 : i32 to index
        %parallel_loop3A_934 = arith.constant 80 : index
        %parallel_loop3A_935 = tpu.vector_load %arg4[%parallel_loop3A_932, %parallel_loop3A_933, %parallel_loop3A_934] {strides = array<i32>} : memref<4x64x128xf32, #tpu.memory_space<vmem>>, vector<16xf32>,
        %parallel_loop3A_936 = arith.constant 0 : i32
        %parallel_loop3A_937 = arith.index_cast %parallel_loop3A_936 : i32 to index
        %parallel_loop3A_938 = arith.index_cast %parallel_loop3A_867 : i32 to index
        %parallel_loop3A_939 = arith.constant 80 : index
        %parallel_loop3A_940 = tpu.vector_load %arg4[%parallel_loop3A_937, %parallel_loop3A_938, %parallel_loop3A_939] {strides = array<i32>} : memref<4x64x128xf32, #tpu.memory_space<vmem>>, vector<16xf32>,
        tpu.vector_store %arg4[%parallel_loop3A_937, %parallel_loop3A_938, %parallel_loop3A_939], %parallel_loop3A_873 {strides = array<i32>} : memref<4x64x128xf32, #tpu.memory_space<vmem>>, vector<16xf32>,
        %parallel_loop3A_941 = arith.addf %parallel_loop3A_873, %parallel_loop3A_935 : vector<16xf32>
        %parallel_loop3A_942 = arith.constant 0 : i32
        %parallel_loop3A_943 = arith.index_cast %parallel_loop3A_942 : i32 to index
        %parallel_loop3A_944 = arith.index_cast %parallel_loop3A_867 : i32 to index
        %parallel_loop3A_945 = arith.constant 96 : index
        %parallel_loop3A_946 = tpu.vector_load %arg4[%parallel_loop3A_943, %parallel_loop3A_944, %parallel_loop3A_945] {strides = array<i32>} : memref<4x64x128xf32, #tpu.memory_space<vmem>>, vector<16xf32>,
        %parallel_loop3A_947 = arith.constant 0 : i32
        %parallel_loop3A_948 = arith.index_cast %parallel_loop3A_947 : i32 to index
        %parallel_loop3A_949 = arith.index_cast %parallel_loop3A_867 : i32 to index
        %parallel_loop3A_950 = arith.constant 96 : index
        %parallel_loop3A_951 = tpu.vector_load %arg4[%parallel_loop3A_948, %parallel_loop3A_949, %parallel_loop3A_950] {strides = array<i32>} : memref<4x64x128xf32, #tpu.memory_space<vmem>>, vector<16xf32>,
        tpu.vector_store %arg4[%parallel_loop3A_948, %parallel_loop3A_949, %parallel_loop3A_950], %parallel_loop3A_874 {strides = array<i32>} : memref<4x64x128xf32, #tpu.memory_space<vmem>>, vector<16xf32>,
        %parallel_loop3A_952 = arith.addf %parallel_loop3A_874, %parallel_loop3A_946 : vector<16xf32>
        %parallel_loop3A_953 = arith.constant 0 : i32
        %parallel_loop3A_954 = arith.index_cast %parallel_loop3A_953 : i32 to index
        %parallel_loop3A_955 = arith.index_cast %parallel_loop3A_867 : i32 to index
        %parallel_loop3A_956 = arith.constant 112 : index
        %parallel_loop3A_957 = tpu.vector_load %arg4[%parallel_loop3A_954, %parallel_loop3A_955, %parallel_loop3A_956] {strides = array<i32>} : memref<4x64x128xf32, #tpu.memory_space<vmem>>, vector<16xf32>,
        %parallel_loop3A_958 = arith.constant 0 : i32
        %parallel_loop3A_959 = arith.index_cast %parallel_loop3A_958 : i32 to index
        %parallel_loop3A_960 = arith.index_cast %parallel_loop3A_867 : i32 to index
        %parallel_loop3A_961 = arith.constant 112 : index
        %parallel_loop3A_962 = tpu.vector_load %arg4[%parallel_loop3A_959, %parallel_loop3A_960, %parallel_loop3A_961] {strides = array<i32>} : memref<4x64x128xf32, #tpu.memory_space<vmem>>, vector<16xf32>,
        tpu.vector_store %arg4[%parallel_loop3A_959, %parallel_loop3A_960, %parallel_loop3A_961], %parallel_loop3A_875 {strides = array<i32>} : memref<4x64x128xf32, #tpu.memory_space<vmem>>, vector<16xf32>,
        %parallel_loop3A_963 = arith.addf %parallel_loop3A_875, %parallel_loop3A_957 : vector<16xf32>
        scf.yield %parallel_loop3A_886, %parallel_loop3A_897, %parallel_loop3A_908, %parallel_loop3A_919, %parallel_loop3A_930, %parallel_loop3A_941, %parallel_loop3A_952, %parallel_loop3A_963 : vector<16xf32>, vector<16xf32>, vector<16xf32>, vector<16xf32>, vector<16xf32>, vector<16xf32>, vector<16xf32>, vector<16xf32>
      } {sc.loop_unroll_factor = 16 : i64, sc.parallel_access}
      %mul3A_594 = arith.constant 64 : i32
      %mul3A_595 = arith.muli %add3A_574, %mul3A_594 : i32
      %dma_start3A_596 = arith.constant 0 : i32
      %dma_start3A_597 = arith.constant 0 : i32
      %dma_start3A_598 = arith.constant 0 : i32
      %dma_start3A_599 = tpu.memref_slice %arg4[%dma_start3A_596, %dma_start3A_597, %dma_start3A_598] : memref<4x64x128xf32, #tpu.memory_space<vmem>> -> memref<1x64x128xf32, #tpu.memory_space<vmem>>
      %dma_start3A_600 = tpu.memref_squeeze %dma_start3A_599 : memref<1x64x128xf32, #tpu.memory_space<vmem>> -> memref<64x128xf32, #tpu.memory_space<vmem>>
      %dma_start3A_601 = tpu.memref_slice %arg3[%select_n3A, %mul3A_595, %mul3A_32] : memref<2x8192x2048xf32, #tpu.memory_space<hbm>> -> memref<1x64x128xf32, #tpu.memory_space<hbm>>
      %dma_start3A_602 = tpu.memref_squeeze %dma_start3A_601 : memref<1x64x128xf32, #tpu.memory_space<hbm>> -> memref<64x128xf32, #tpu.memory_space<hbm>>
      %dma_start3A_603 = tpu.memref_slice %arg3[%select_n3A, %mul3A_595, %mul3A_32] : memref<2x8192x2048xf32, #tpu.memory_space<hbm>> -> memref<1x64x128xf32, #tpu.memory_space<hbm>>
      %dma_start3A_604 = tpu.memref_squeeze %dma_start3A_603 : memref<1x64x128xf32, #tpu.memory_space<hbm>> -> memref<64x128xf32, #tpu.memory_space<hbm>>
      %dma_start3A_605 = arith.constant 0 : i32
      %dma_start3A_606 = arith.constant 0 : i32
      %dma_start3A_607 = tpu.memref_slice %arg4[%dma_start3A_596, %dma_start3A_605, %dma_start3A_606] : memref<4x64x128xf32, #tpu.memory_space<vmem>> -> memref<1x64x128xf32, #tpu.memory_space<vmem>>
      %dma_start3A_608 = tpu.memref_squeeze %dma_start3A_607 : memref<1x64x128xf32, #tpu.memory_space<vmem>> -> memref<64x128xf32, #tpu.memory_space<vmem>>
      tpu.enqueue_dma source(%dma_start3A_608 : memref<64x128xf32, #tpu.memory_space<vmem>>) target(%dma_start3A_604 : memref<64x128xf32, #tpu.memory_space<hbm>>) target_semaphore(%arg9 : memref<!tpu.dma_semaphore, #tpu.memory_space<semaphore_mem>>)
      %sub3A_609 = arith.constant 1 : i32
      %sub3A_610 = arith.subi %add3A_574, %sub3A_609 : i32
      %mul3A_611 = arith.constant 64 : i32
      %mul3A_612 = arith.muli %sub3A_610, %mul3A_611 : i32
      %dma_wait3A_613 = arith.constant 3 : i32
      %dma_wait3A_614 = arith.constant 0 : i32
      %dma_wait3A_615 = arith.constant 0 : i32
      %dma_wait3A_616 = tpu.memref_slice %arg4[%dma_wait3A_613, %dma_wait3A_614, %dma_wait3A_615] : memref<4x64x128xf32, #tpu.memory_space<vmem>> -> memref<1x64x128xf32, #tpu.memory_space<vmem>>
      %dma_wait3A_617 = tpu.memref_squeeze %dma_wait3A_616 : memref<1x64x128xf32, #tpu.memory_space<vmem>> -> memref<64x128xf32, #tpu.memory_space<vmem>>
      %dma_wait3A_618 = tpu.memref_slice %arg3[%select_n3A, %mul3A_612, %mul3A_32] : memref<2x8192x2048xf32, #tpu.memory_space<hbm>> -> memref<1x64x128xf32, #tpu.memory_space<hbm>>
      %dma_wait3A_619 = tpu.memref_squeeze %dma_wait3A_618 : memref<1x64x128xf32, #tpu.memory_space<hbm>> -> memref<64x128xf32, #tpu.memory_space<hbm>>
      %dma_wait3A_620 = tpu.memref_slice %arg3[%select_n3A, %mul3A_612, %mul3A_32] : memref<2x8192x2048xf32, #tpu.memory_space<hbm>> -> memref<1x64x128xf32, #tpu.memory_space<hbm>>
      %dma_wait3A_621 = tpu.memref_squeeze %dma_wait3A_620 : memref<1x64x128xf32, #tpu.memory_space<hbm>> -> memref<64x128xf32, #tpu.memory_space<hbm>>
      %dma_wait3A_622 = arith.constant 0 : i32
      %dma_wait3A_623 = arith.constant 0 : i32
      %dma_wait3A_624 = tpu.memref_slice %arg4[%dma_wait3A_613, %dma_wait3A_622, %dma_wait3A_623] : memref<4x64x128xf32, #tpu.memory_space<vmem>> -> memref<1x64x128xf32, #tpu.memory_space<vmem>>
      %dma_wait3A_625 = tpu.memref_squeeze %dma_wait3A_624 : memref<1x64x128xf32, #tpu.memory_space<vmem>> -> memref<64x128xf32, #tpu.memory_space<vmem>>
      tpu.wait_dma2 semaphore(%arg12 : memref<!tpu.dma_semaphore, #tpu.memory_space<semaphore_mem>>) src(%dma_wait3A_625 : memref<64x128xf32, #tpu.memory_space<vmem>>) dst(%dma_wait3A_621 : memref<64x128xf32, #tpu.memory_space<hbm>>)
      %add3A_626 = arith.constant 4 : i32
      %add3A_627 = arith.addi %add3A_574, %add3A_626 : i32
      %sub3A_628 = arith.constant 1 : i32
      %sub3A_629 = arith.subi %add3A_627, %sub3A_628 : i32
      %mul3A_630 = arith.constant 64 : i32
      %mul3A_631 = arith.muli %sub3A_629, %mul3A_630 : i32
      %dma_start3A_632 = arith.constant 3 : i32
      %dma_start3A_633 = arith.constant 0 : i32
      %dma_start3A_634 = arith.constant 0 : i32
      %dma_start3A_635 = tpu.memref_slice %arg4[%dma_start3A_632, %dma_start3A_633, %dma_start3A_634] : memref<4x64x128xf32, #tpu.memory_space<vmem>> -> memref<1x64x128xf32, #tpu.memory_space<vmem>>
      %dma_start3A_636 = tpu.memref_squeeze %dma_start3A_635 : memref<1x64x128xf32, #tpu.memory_space<vmem>> -> memref<64x128xf32, #tpu.memory_space<vmem>>
      %dma_start3A_637 = tpu.memref_slice %arg2[%select_n3A, %mul3A_631, %mul3A_32] : memref<2x8192x2048xf32, #tpu.memory_space<hbm>> -> memref<1x64x128xf32, #tpu.memory_space<hbm>>
      %dma_start3A_638 = tpu.memref_squeeze %dma_start3A_637 : memref<1x64x128xf32, #tpu.memory_space<hbm>> -> memref<64x128xf32, #tpu.memory_space<hbm>>
      %dma_start3A_639 = arith.constant 0 : i32
      %dma_start3A_640 = arith.constant 0 : i32
      %dma_start3A_641 = tpu.memref_slice %arg4[%dma_start3A_632, %dma_start3A_639, %dma_start3A_640] : memref<4x64x128xf32, #tpu.memory_space<vmem>> -> memref<1x64x128xf32, #tpu.memory_space<vmem>>
      %dma_start3A_642 = tpu.memref_squeeze %dma_start3A_641 : memref<1x64x128xf32, #tpu.memory_space<vmem>> -> memref<64x128xf32, #tpu.memory_space<vmem>>
      %dma_start3A_643 = tpu.memref_slice %arg2[%select_n3A, %mul3A_631, %mul3A_32] : memref<2x8192x2048xf32, #tpu.memory_space<hbm>> -> memref<1x64x128xf32, #tpu.memory_space<hbm>>
      %dma_start3A_644 = tpu.memref_squeeze %dma_start3A_643 : memref<1x64x128xf32, #tpu.memory_space<hbm>> -> memref<64x128xf32, #tpu.memory_space<hbm>>
      tpu.enqueue_dma source(%dma_start3A_644 : memref<64x128xf32, #tpu.memory_space<hbm>>) target(%dma_start3A_642 : memref<64x128xf32, #tpu.memory_space<vmem>>) target_semaphore(%arg8 : memref<!tpu.dma_semaphore, #tpu.memory_space<semaphore_mem>>)
      %mul3A_645 = arith.constant 4 : i32
      %mul3A_646 = arith.muli %scan3A_562, %mul3A_645 : i32
      %add3A_647 = arith.constant 1 : i32
      %add3A_648 = arith.addi %mul3A_646, %add3A_647 : i32
      %mul3A_649 = arith.constant 64 : i32
      %mul3A_650 = arith.muli %add3A_648, %mul3A_649 : i32
      %dma_wait3A_651 = arith.constant 1 : i32
      %dma_wait3A_652 = arith.constant 0 : i32
      %dma_wait3A_653 = arith.constant 0 : i32
      %dma_wait3A_654 = tpu.memref_slice %arg4[%dma_wait3A_651, %dma_wait3A_652, %dma_wait3A_653] : memref<4x64x128xf32, #tpu.memory_space<vmem>> -> memref<1x64x128xf32, #tpu.memory_space<vmem>>
      %dma_wait3A_655 = tpu.memref_squeeze %dma_wait3A_654 : memref<1x64x128xf32, #tpu.memory_space<vmem>> -> memref<64x128xf32, #tpu.memory_space<vmem>>
      %dma_wait3A_656 = tpu.memref_slice %arg2[%select_n3A, %mul3A_650, %mul3A_32] : memref<2x8192x2048xf32, #tpu.memory_space<hbm>> -> memref<1x64x128xf32, #tpu.memory_space<hbm>>
      %dma_wait3A_657 = tpu.memref_squeeze %dma_wait3A_656 : memref<1x64x128xf32, #tpu.memory_space<hbm>> -> memref<64x128xf32, #tpu.memory_space<hbm>>
      %dma_wait3A_658 = arith.constant 0 : i32
      %dma_wait3A_659 = arith.constant 0 : i32
      %dma_wait3A_660 = tpu.memref_slice %arg4[%dma_wait3A_651, %dma_wait3A_658, %dma_wait3A_659] : memref<4x64x128xf32, #tpu.memory_space<vmem>> -> memref<1x64x128xf32, #tpu.memory_space<vmem>>
      %dma_wait3A_661 = tpu.memref_squeeze %dma_wait3A_660 : memref<1x64x128xf32, #tpu.memory_space<vmem>> -> memref<64x128xf32, #tpu.memory_space<vmem>>
      %dma_wait3A_662 = tpu.memref_slice %arg2[%select_n3A, %mul3A_650, %mul3A_32] : memref<2x8192x2048xf32, #tpu.memory_space<hbm>> -> memref<1x64x128xf32, #tpu.memory_space<hbm>>
      %dma_wait3A_663 = tpu.memref_squeeze %dma_wait3A_662 : memref<1x64x128xf32, #tpu.memory_space<hbm>> -> memref<64x128xf32, #tpu.memory_space<hbm>>
      tpu.wait_dma2 semaphore(%arg6 : memref<!tpu.dma_semaphore, #tpu.memory_space<semaphore_mem>>) src(%dma_wait3A_663 : memref<64x128xf32, #tpu.memory_space<hbm>>) dst(%dma_wait3A_661 : memref<64x128xf32, #tpu.memory_space<vmem>>)
      %parallel_loop3A_664 = arith.constant 0 : i32
      %parallel_loop3A_665 = arith.constant 64 : i32
      %parallel_loop3A_666 = arith.constant 1 : i32
      %parallel_loop3A_667:8 = scf.for %parallel_loop3A_867 = %parallel_loop3A_664 to %parallel_loop3A_665 step %parallel_loop3A_666 iter_args(%parallel_loop3A_868 = %parallel_loop3A_593#0, %parallel_loop3A_869 = %parallel_loop3A_593#1, %parallel_loop3A_870 = %parallel_loop3A_593#2, %parallel_loop3A_871 = %parallel_loop3A_593#3, %parallel_loop3A_872 = %parallel_loop3A_593#4, %parallel_loop3A_873 = %parallel_loop3A_593#5, %parallel_loop3A_874 = %parallel_loop3A_593#6, %parallel_loop3A_875 = %parallel_loop3A_593#7) -> (vector<16xf32>, vector<16xf32>, vector<16xf32>, vector<16xf32>, vector<16xf32>, vector<16xf32>, vector<16xf32>, vector<16xf32>)  : i32 {
        %parallel_loop3A_876 = arith.constant 1 : i32
        %parallel_loop3A_877 = arith.index_cast %parallel_loop3A_876 : i32 to index
        %parallel_loop3A_878 = arith.index_cast %parallel_loop3A_867 : i32 to index
        %parallel_loop3A_879 = arith.constant 0 : index
        %parallel_loop3A_880 = tpu.vector_load %arg4[%parallel_loop3A_877, %parallel_loop3A_878, %parallel_loop3A_879] {strides = array<i32>} : memref<4x64x128xf32, #tpu.memory_space<vmem>>, vector<16xf32>,
        %parallel_loop3A_881 = arith.constant 1 : i32
        %parallel_loop3A_882 = arith.index_cast %parallel_loop3A_881 : i32 to index
        %parallel_loop3A_883 = arith.index_cast %parallel_loop3A_867 : i32 to index
        %parallel_loop3A_884 = arith.constant 0 : index
        %parallel_loop3A_885 = tpu.vector_load %arg4[%parallel_loop3A_882, %parallel_loop3A_883, %parallel_loop3A_884] {strides = array<i32>} : memref<4x64x128xf32, #tpu.memory_space<vmem>>, vector<16xf32>,
        tpu.vector_store %arg4[%parallel_loop3A_882, %parallel_loop3A_883, %parallel_loop3A_884], %parallel_loop3A_868 {strides = array<i32>} : memref<4x64x128xf32, #tpu.memory_space<vmem>>, vector<16xf32>,
        %parallel_loop3A_886 = arith.addf %parallel_loop3A_868, %parallel_loop3A_880 : vector<16xf32>
        %parallel_loop3A_887 = arith.constant 1 : i32
        %parallel_loop3A_888 = arith.index_cast %parallel_loop3A_887 : i32 to index
        %parallel_loop3A_889 = arith.index_cast %parallel_loop3A_867 : i32 to index
        %parallel_loop3A_890 = arith.constant 16 : index
        %parallel_loop3A_891 = tpu.vector_load %arg4[%parallel_loop3A_888, %parallel_loop3A_889, %parallel_loop3A_890] {strides = array<i32>} : memref<4x64x128xf32, #tpu.memory_space<vmem>>, vector<16xf32>,
        %parallel_loop3A_892 = arith.constant 1 : i32
        %parallel_loop3A_893 = arith.index_cast %parallel_loop3A_892 : i32 to index
        %parallel_loop3A_894 = arith.index_cast %parallel_loop3A_867 : i32 to index
        %parallel_loop3A_895 = arith.constant 16 : index
        %parallel_loop3A_896 = tpu.vector_load %arg4[%parallel_loop3A_893, %parallel_loop3A_894, %parallel_loop3A_895] {strides = array<i32>} : memref<4x64x128xf32, #tpu.memory_space<vmem>>, vector<16xf32>,
        tpu.vector_store %arg4[%parallel_loop3A_893, %parallel_loop3A_894, %parallel_loop3A_895], %parallel_loop3A_869 {strides = array<i32>} : memref<4x64x128xf32, #tpu.memory_space<vmem>>, vector<16xf32>,
        %parallel_loop3A_897 = arith.addf %parallel_loop3A_869, %parallel_loop3A_891 : vector<16xf32>
        %parallel_loop3A_898 = arith.constant 1 : i32
        %parallel_loop3A_899 = arith.index_cast %parallel_loop3A_898 : i32 to index
        %parallel_loop3A_900 = arith.index_cast %parallel_loop3A_867 : i32 to index
        %parallel_loop3A_901 = arith.constant 32 : index
        %parallel_loop3A_902 = tpu.vector_load %arg4[%parallel_loop3A_899, %parallel_loop3A_900, %parallel_loop3A_901] {strides = array<i32>} : memref<4x64x128xf32, #tpu.memory_space<vmem>>, vector<16xf32>,
        %parallel_loop3A_903 = arith.constant 1 : i32
        %parallel_loop3A_904 = arith.index_cast %parallel_loop3A_903 : i32 to index
        %parallel_loop3A_905 = arith.index_cast %parallel_loop3A_867 : i32 to index
        %parallel_loop3A_906 = arith.constant 32 : index
        %parallel_loop3A_907 = tpu.vector_load %arg4[%parallel_loop3A_904, %parallel_loop3A_905, %parallel_loop3A_906] {strides = array<i32>} : memref<4x64x128xf32, #tpu.memory_space<vmem>>, vector<16xf32>,
        tpu.vector_store %arg4[%parallel_loop3A_904, %parallel_loop3A_905, %parallel_loop3A_906], %parallel_loop3A_870 {strides = array<i32>} : memref<4x64x128xf32, #tpu.memory_space<vmem>>, vector<16xf32>,
        %parallel_loop3A_908 = arith.addf %parallel_loop3A_870, %parallel_loop3A_902 : vector<16xf32>
        %parallel_loop3A_909 = arith.constant 1 : i32
        %parallel_loop3A_910 = arith.index_cast %parallel_loop3A_909 : i32 to index
        %parallel_loop3A_911 = arith.index_cast %parallel_loop3A_867 : i32 to index
        %parallel_loop3A_912 = arith.constant 48 : index
        %parallel_loop3A_913 = tpu.vector_load %arg4[%parallel_loop3A_910, %parallel_loop3A_911, %parallel_loop3A_912] {strides = array<i32>} : memref<4x64x128xf32, #tpu.memory_space<vmem>>, vector<16xf32>,
        %parallel_loop3A_914 = arith.constant 1 : i32
        %parallel_loop3A_915 = arith.index_cast %parallel_loop3A_914 : i32 to index
        %parallel_loop3A_916 = arith.index_cast %parallel_loop3A_867 : i32 to index
        %parallel_loop3A_917 = arith.constant 48 : index
        %parallel_loop3A_918 = tpu.vector_load %arg4[%parallel_loop3A_915, %parallel_loop3A_916, %parallel_loop3A_917] {strides = array<i32>} : memref<4x64x128xf32, #tpu.memory_space<vmem>>, vector<16xf32>,
        tpu.vector_store %arg4[%parallel_loop3A_915, %parallel_loop3A_916, %parallel_loop3A_917], %parallel_loop3A_871 {strides = array<i32>} : memref<4x64x128xf32, #tpu.memory_space<vmem>>, vector<16xf32>,
        %parallel_loop3A_919 = arith.addf %parallel_loop3A_871, %parallel_loop3A_913 : vector<16xf32>
        %parallel_loop3A_920 = arith.constant 1 : i32
        %parallel_loop3A_921 = arith.index_cast %parallel_loop3A_920 : i32 to index
        %parallel_loop3A_922 = arith.index_cast %parallel_loop3A_867 : i32 to index
        %parallel_loop3A_923 = arith.constant 64 : index
        %parallel_loop3A_924 = tpu.vector_load %arg4[%parallel_loop3A_921, %parallel_loop3A_922, %parallel_loop3A_923] {strides = array<i32>} : memref<4x64x128xf32, #tpu.memory_space<vmem>>, vector<16xf32>,
        %parallel_loop3A_925 = arith.constant 1 : i32
        %parallel_loop3A_926 = arith.index_cast %parallel_loop3A_925 : i32 to index
        %parallel_loop3A_927 = arith.index_cast %parallel_loop3A_867 : i32 to index
        %parallel_loop3A_928 = arith.constant 64 : index
        %parallel_loop3A_929 = tpu.vector_load %arg4[%parallel_loop3A_926, %parallel_loop3A_927, %parallel_loop3A_928] {strides = array<i32>} : memref<4x64x128xf32, #tpu.memory_space<vmem>>, vector<16xf32>,
        tpu.vector_store %arg4[%parallel_loop3A_926, %parallel_loop3A_927, %parallel_loop3A_928], %parallel_loop3A_872 {strides = array<i32>} : memref<4x64x128xf32, #tpu.memory_space<vmem>>, vector<16xf32>,
        %parallel_loop3A_930 = arith.addf %parallel_loop3A_872, %parallel_loop3A_924 : vector<16xf32>
        %parallel_loop3A_931 = arith.constant 1 : i32
        %parallel_loop3A_932 = arith.index_cast %parallel_loop3A_931 : i32 to index
        %parallel_loop3A_933 = arith.index_cast %parallel_loop3A_867 : i32 to index
        %parallel_loop3A_934 = arith.constant 80 : index
        %parallel_loop3A_935 = tpu.vector_load %arg4[%parallel_loop3A_932, %parallel_loop3A_933, %parallel_loop3A_934] {strides = array<i32>} : memref<4x64x128xf32, #tpu.memory_space<vmem>>, vector<16xf32>,
        %parallel_loop3A_936 = arith.constant 1 : i32
        %parallel_loop3A_937 = arith.index_cast %parallel_loop3A_936 : i32 to index
        %parallel_loop3A_938 = arith.index_cast %parallel_loop3A_867 : i32 to index
        %parallel_loop3A_939 = arith.constant 80 : index
        %parallel_loop3A_940 = tpu.vector_load %arg4[%parallel_loop3A_937, %parallel_loop3A_938, %parallel_loop3A_939] {strides = array<i32>} : memref<4x64x128xf32, #tpu.memory_space<vmem>>, vector<16xf32>,
        tpu.vector_store %arg4[%parallel_loop3A_937, %parallel_loop3A_938, %parallel_loop3A_939], %parallel_loop3A_873 {strides = array<i32>} : memref<4x64x128xf32, #tpu.memory_space<vmem>>, vector<16xf32>,
        %parallel_loop3A_941 = arith.addf %parallel_loop3A_873, %parallel_loop3A_935 : vector<16xf32>
        %parallel_loop3A_942 = arith.constant 1 : i32
        %parallel_loop3A_943 = arith.index_cast %parallel_loop3A_942 : i32 to index
        %parallel_loop3A_944 = arith.index_cast %parallel_loop3A_867 : i32 to index
        %parallel_loop3A_945 = arith.constant 96 : index
        %parallel_loop3A_946 = tpu.vector_load %arg4[%parallel_loop3A_943, %parallel_loop3A_944, %parallel_loop3A_945] {strides = array<i32>} : memref<4x64x128xf32, #tpu.memory_space<vmem>>, vector<16xf32>,
        %parallel_loop3A_947 = arith.constant 1 : i32
        %parallel_loop3A_948 = arith.index_cast %parallel_loop3A_947 : i32 to index
        %parallel_loop3A_949 = arith.index_cast %parallel_loop3A_867 : i32 to index
        %parallel_loop3A_950 = arith.constant 96 : index
        %parallel_loop3A_951 = tpu.vector_load %arg4[%parallel_loop3A_948, %parallel_loop3A_949, %parallel_loop3A_950] {strides = array<i32>} : memref<4x64x128xf32, #tpu.memory_space<vmem>>, vector<16xf32>,
        tpu.vector_store %arg4[%parallel_loop3A_948, %parallel_loop3A_949, %parallel_loop3A_950], %parallel_loop3A_874 {strides = array<i32>} : memref<4x64x128xf32, #tpu.memory_space<vmem>>, vector<16xf32>,
        %parallel_loop3A_952 = arith.addf %parallel_loop3A_874, %parallel_loop3A_946 : vector<16xf32>
        %parallel_loop3A_953 = arith.constant 1 : i32
        %parallel_loop3A_954 = arith.index_cast %parallel_loop3A_953 : i32 to index
        %parallel_loop3A_955 = arith.index_cast %parallel_loop3A_867 : i32 to index
        %parallel_loop3A_956 = arith.constant 112 : index
        %parallel_loop3A_957 = tpu.vector_load %arg4[%parallel_loop3A_954, %parallel_loop3A_955, %parallel_loop3A_956] {strides = array<i32>} : memref<4x64x128xf32, #tpu.memory_space<vmem>>, vector<16xf32>,
        %parallel_loop3A_958 = arith.constant 1 : i32
        %parallel_loop3A_959 = arith.index_cast %parallel_loop3A_958 : i32 to index
        %parallel_loop3A_960 = arith.index_cast %parallel_loop3A_867 : i32 to index
        %parallel_loop3A_961 = arith.constant 112 : index
        %parallel_loop3A_962 = tpu.vector_load %arg4[%parallel_loop3A_959, %parallel_loop3A_960, %parallel_loop3A_961] {strides = array<i32>} : memref<4x64x128xf32, #tpu.memory_space<vmem>>, vector<16xf32>,
        tpu.vector_store %arg4[%parallel_loop3A_959, %parallel_loop3A_960, %parallel_loop3A_961], %parallel_loop3A_875 {strides = array<i32>} : memref<4x64x128xf32, #tpu.memory_space<vmem>>, vector<16xf32>,
        %parallel_loop3A_963 = arith.addf %parallel_loop3A_875, %parallel_loop3A_957 : vector<16xf32>
        scf.yield %parallel_loop3A_886, %parallel_loop3A_897, %parallel_loop3A_908, %parallel_loop3A_919, %parallel_loop3A_930, %parallel_loop3A_941, %parallel_loop3A_952, %parallel_loop3A_963 : vector<16xf32>, vector<16xf32>, vector<16xf32>, vector<16xf32>, vector<16xf32>, vector<16xf32>, vector<16xf32>, vector<16xf32>
      } {sc.loop_unroll_factor = 16 : i64, sc.parallel_access}
      %mul3A_668 = arith.constant 64 : i32
      %mul3A_669 = arith.muli %add3A_648, %mul3A_668 : i32
      %dma_start3A_670 = arith.constant 1 : i32
      %dma_start3A_671 = arith.constant 0 : i32
      %dma_start3A_672 = arith.constant 0 : i32
      %dma_start3A_673 = tpu.memref_slice %arg4[%dma_start3A_670, %dma_start3A_671, %dma_start3A_672] : memref<4x64x128xf32, #tpu.memory_space<vmem>> -> memref<1x64x128xf32, #tpu.memory_space<vmem>>
      %dma_start3A_674 = tpu.memref_squeeze %dma_start3A_673 : memref<1x64x128xf32, #tpu.memory_space<vmem>> -> memref<64x128xf32, #tpu.memory_space<vmem>>
      %dma_start3A_675 = tpu.memref_slice %arg3[%select_n3A, %mul3A_669, %mul3A_32] : memref<2x8192x2048xf32, #tpu.memory_space<hbm>> -> memref<1x64x128xf32, #tpu.memory_space<hbm>>
      %dma_start3A_676 = tpu.memref_squeeze %dma_start3A_675 : memref<1x64x128xf32, #tpu.memory_space<hbm>> -> memref<64x128xf32, #tpu.memory_space<hbm>>
      %dma_start3A_677 = tpu.memref_slice %arg3[%select_n3A, %mul3A_669, %mul3A_32] : memref<2x8192x2048xf32, #tpu.memory_space<hbm>> -> memref<1x64x128xf32, #tpu.memory_space<hbm>>
      %dma_start3A_678 = tpu.memref_squeeze %dma_start3A_677 : memref<1x64x128xf32, #tpu.memory_space<hbm>> -> memref<64x128xf32, #tpu.memory_space<hbm>>
      %dma_start3A_679 = arith.constant 0 : i32
      %dma_start3A_680 = arith.constant 0 : i32
      %dma_start3A_681 = tpu.memref_slice %arg4[%dma_start3A_670, %dma_start3A_679, %dma_start3A_680] : memref<4x64x128xf32, #tpu.memory_space<vmem>> -> memref<1x64x128xf32, #tpu.memory_space<vmem>>
      %dma_start3A_682 = tpu.memref_squeeze %dma_start3A_681 : memref<1x64x128xf32, #tpu.memory_space<vmem>> -> memref<64x128xf32, #tpu.memory_space<vmem>>
      tpu.enqueue_dma source(%dma_start3A_682 : memref<64x128xf32, #tpu.memory_space<vmem>>) target(%dma_start3A_678 : memref<64x128xf32, #tpu.memory_space<hbm>>) target_semaphore(%arg10 : memref<!tpu.dma_semaphore, #tpu.memory_space<semaphore_mem>>)
      %sub3A_683 = arith.constant 1 : i32
      %sub3A_684 = arith.subi %add3A_648, %sub3A_683 : i32
      %mul3A_685 = arith.constant 64 : i32
      %mul3A_686 = arith.muli %sub3A_684, %mul3A_685 : i32
      %dma_wait3A_687 = arith.constant 0 : i32
      %dma_wait3A_688 = arith.constant 0 : i32
      %dma_wait3A_689 = arith.constant 0 : i32
      %dma_wait3A_690 = tpu.memref_slice %arg4[%dma_wait3A_687, %dma_wait3A_688, %dma_wait3A_689] : memref<4x64x128xf32, #tpu.memory_space<vmem>> -> memref<1x64x128xf32, #tpu.memory_space<vmem>>
      %dma_wait3A_691 = tpu.memref_squeeze %dma_wait3A_690 : memref<1x64x128xf32, #tpu.memory_space<vmem>> -> memref<64x128xf32, #tpu.memory_space<vmem>>
      %dma_wait3A_692 = tpu.memref_slice %arg3[%select_n3A, %mul3A_686, %mul3A_32] : memref<2x8192x2048xf32, #tpu.memory_space<hbm>> -> memref<1x64x128xf32, #tpu.memory_space<hbm>>
      %dma_wait3A_693 = tpu.memref_squeeze %dma_wait3A_692 : memref<1x64x128xf32, #tpu.memory_space<hbm>> -> memref<64x128xf32, #tpu.memory_space<hbm>>
      %dma_wait3A_694 = tpu.memref_slice %arg3[%select_n3A, %mul3A_686, %mul3A_32] : memref<2x8192x2048xf32, #tpu.memory_space<hbm>> -> memref<1x64x128xf32, #tpu.memory_space<hbm>>
      %dma_wait3A_695 = tpu.memref_squeeze %dma_wait3A_694 : memref<1x64x128xf32, #tpu.memory_space<hbm>> -> memref<64x128xf32, #tpu.memory_space<hbm>>
      %dma_wait3A_696 = arith.constant 0 : i32
      %dma_wait3A_697 = arith.constant 0 : i32
      %dma_wait3A_698 = tpu.memref_slice %arg4[%dma_wait3A_687, %dma_wait3A_696, %dma_wait3A_697] : memref<4x64x128xf32, #tpu.memory_space<vmem>> -> memref<1x64x128xf32, #tpu.memory_space<vmem>>
      %dma_wait3A_699 = tpu.memref_squeeze %dma_wait3A_698 : memref<1x64x128xf32, #tpu.memory_space<vmem>> -> memref<64x128xf32, #tpu.memory_space<vmem>>
      tpu.wait_dma2 semaphore(%arg9 : memref<!tpu.dma_semaphore, #tpu.memory_space<semaphore_mem>>) src(%dma_wait3A_699 : memref<64x128xf32, #tpu.memory_space<vmem>>) dst(%dma_wait3A_695 : memref<64x128xf32, #tpu.memory_space<hbm>>)
      %add3A_700 = arith.constant 4 : i32
      %add3A_701 = arith.addi %add3A_648, %add3A_700 : i32
      %sub3A_702 = arith.constant 1 : i32
      %sub3A_703 = arith.subi %add3A_701, %sub3A_702 : i32
      %mul3A_704 = arith.constant 64 : i32
      %mul3A_705 = arith.muli %sub3A_703, %mul3A_704 : i32
      %dma_start3A_706 = arith.constant 0 : i32
      %dma_start3A_707 = arith.constant 0 : i32
      %dma_start3A_708 = arith.constant 0 : i32
      %dma_start3A_709 = tpu.memref_slice %arg4[%dma_start3A_706, %dma_start3A_707, %dma_start3A_708] : memref<4x64x128xf32, #tpu.memory_space<vmem>> -> memref<1x64x128xf32, #tpu.memory_space<vmem>>
      %dma_start3A_710 = tpu.memref_squeeze %dma_start3A_709 : memref<1x64x128xf32, #tpu.memory_space<vmem>> -> memref<64x128xf32, #tpu.memory_space<vmem>>
      %dma_start3A_711 = tpu.memref_slice %arg2[%select_n3A, %mul3A_705, %mul3A_32] : memref<2x8192x2048xf32, #tpu.memory_space<hbm>> -> memref<1x64x128xf32, #tpu.memory_space<hbm>>
      %dma_start3A_712 = tpu.memref_squeeze %dma_start3A_711 : memref<1x64x128xf32, #tpu.memory_space<hbm>> -> memref<64x128xf32, #tpu.memory_space<hbm>>
      %dma_start3A_713 = arith.constant 0 : i32
      %dma_start3A_714 = arith.constant 0 : i32
      %dma_start3A_715 = tpu.memref_slice %arg4[%dma_start3A_706, %dma_start3A_713, %dma_start3A_714] : memref<4x64x128xf32, #tpu.memory_space<vmem>> -> memref<1x64x128xf32, #tpu.memory_space<vmem>>
      %dma_start3A_716 = tpu.memref_squeeze %dma_start3A_715 : memref<1x64x128xf32, #tpu.memory_space<vmem>> -> memref<64x128xf32, #tpu.memory_space<vmem>>
      %dma_start3A_717 = tpu.memref_slice %arg2[%select_n3A, %mul3A_705, %mul3A_32] : memref<2x8192x2048xf32, #tpu.memory_space<hbm>> -> memref<1x64x128xf32, #tpu.memory_space<hbm>>
      %dma_start3A_718 = tpu.memref_squeeze %dma_start3A_717 : memref<1x64x128xf32, #tpu.memory_space<hbm>> -> memref<64x128xf32, #tpu.memory_space<hbm>>
      tpu.enqueue_dma source(%dma_start3A_718 : memref<64x128xf32, #tpu.memory_space<hbm>>) target(%dma_start3A_716 : memref<64x128xf32, #tpu.memory_space<vmem>>) target_semaphore(%arg5 : memref<!tpu.dma_semaphore, #tpu.memory_space<semaphore_mem>>)
      %mul3A_719 = arith.constant 4 : i32
      %mul3A_720 = arith.muli %scan3A_562, %mul3A_719 : i32
      %add3A_721 = arith.constant 2 : i32
      %add3A_722 = arith.addi %mul3A_720, %add3A_721 : i32
      %mul3A_723 = arith.constant 64 : i32
      %mul3A_724 = arith.muli %add3A_722, %mul3A_723 : i32
      %dma_wait3A_725 = arith.constant 2 : i32
      %dma_wait3A_726 = arith.constant 0 : i32
      %dma_wait3A_727 = arith.constant 0 : i32
      %dma_wait3A_728 = tpu.memref_slice %arg4[%dma_wait3A_725, %dma_wait3A_726, %dma_wait3A_727] : memref<4x64x128xf32, #tpu.memory_space<vmem>> -> memref<1x64x128xf32, #tpu.memory_space<vmem>>
      %dma_wait3A_729 = tpu.memref_squeeze %dma_wait3A_728 : memref<1x64x128xf32, #tpu.memory_space<vmem>> -> memref<64x128xf32, #tpu.memory_space<vmem>>
      %dma_wait3A_730 = tpu.memref_slice %arg2[%select_n3A, %mul3A_724, %mul3A_32] : memref<2x8192x2048xf32, #tpu.memory_space<hbm>> -> memref<1x64x128xf32, #tpu.memory_space<hbm>>
      %dma_wait3A_731 = tpu.memref_squeeze %dma_wait3A_730 : memref<1x64x128xf32, #tpu.memory_space<hbm>> -> memref<64x128xf32, #tpu.memory_space<hbm>>
      %dma_wait3A_732 = arith.constant 0 : i32
      %dma_wait3A_733 = arith.constant 0 : i32
      %dma_wait3A_734 = tpu.memref_slice %arg4[%dma_wait3A_725, %dma_wait3A_732, %dma_wait3A_733] : memref<4x64x128xf32, #tpu.memory_space<vmem>> -> memref<1x64x128xf32, #tpu.memory_space<vmem>>
      %dma_wait3A_735 = tpu.memref_squeeze %dma_wait3A_734 : memref<1x64x128xf32, #tpu.memory_space<vmem>> -> memref<64x128xf32, #tpu.memory_space<vmem>>
      %dma_wait3A_736 = tpu.memref_slice %arg2[%select_n3A, %mul3A_724, %mul3A_32] : memref<2x8192x2048xf32, #tpu.memory_space<hbm>> -> memref<1x64x128xf32, #tpu.memory_space<hbm>>
      %dma_wait3A_737 = tpu.memref_squeeze %dma_wait3A_736 : memref<1x64x128xf32, #tpu.memory_space<hbm>> -> memref<64x128xf32, #tpu.memory_space<hbm>>
      tpu.wait_dma2 semaphore(%arg7 : memref<!tpu.dma_semaphore, #tpu.memory_space<semaphore_mem>>) src(%dma_wait3A_737 : memref<64x128xf32, #tpu.memory_space<hbm>>) dst(%dma_wait3A_735 : memref<64x128xf32, #tpu.memory_space<vmem>>)
      %parallel_loop3A_738 = arith.constant 0 : i32
      %parallel_loop3A_739 = arith.constant 64 : i32
      %parallel_loop3A_740 = arith.constant 1 : i32
      %parallel_loop3A_741:8 = scf.for %parallel_loop3A_867 = %parallel_loop3A_738 to %parallel_loop3A_739 step %parallel_loop3A_740 iter_args(%parallel_loop3A_868 = %parallel_loop3A_667#0, %parallel_loop3A_869 = %parallel_loop3A_667#1, %parallel_loop3A_870 = %parallel_loop3A_667#2, %parallel_loop3A_871 = %parallel_loop3A_667#3, %parallel_loop3A_872 = %parallel_loop3A_667#4, %parallel_loop3A_873 = %parallel_loop3A_667#5, %parallel_loop3A_874 = %parallel_loop3A_667#6, %parallel_loop3A_875 = %parallel_loop3A_667#7) -> (vector<16xf32>, vector<16xf32>, vector<16xf32>, vector<16xf32>, vector<16xf32>, vector<16xf32>, vector<16xf32>, vector<16xf32>)  : i32 {
        %parallel_loop3A_876 = arith.constant 2 : i32
        %parallel_loop3A_877 = arith.index_cast %parallel_loop3A_876 : i32 to index
        %parallel_loop3A_878 = arith.index_cast %parallel_loop3A_867 : i32 to index
        %parallel_loop3A_879 = arith.constant 0 : index
        %parallel_loop3A_880 = tpu.vector_load %arg4[%parallel_loop3A_877, %parallel_loop3A_878, %parallel_loop3A_879] {strides = array<i32>} : memref<4x64x128xf32, #tpu.memory_space<vmem>>, vector<16xf32>,
        %parallel_loop3A_881 = arith.constant 2 : i32
        %parallel_loop3A_882 = arith.index_cast %parallel_loop3A_881 : i32 to index
        %parallel_loop3A_883 = arith.index_cast %parallel_loop3A_867 : i32 to index
        %parallel_loop3A_884 = arith.constant 0 : index
        %parallel_loop3A_885 = tpu.vector_load %arg4[%parallel_loop3A_882, %parallel_loop3A_883, %parallel_loop3A_884] {strides = array<i32>} : memref<4x64x128xf32, #tpu.memory_space<vmem>>, vector<16xf32>,
        tpu.vector_store %arg4[%parallel_loop3A_882, %parallel_loop3A_883, %parallel_loop3A_884], %parallel_loop3A_868 {strides = array<i32>} : memref<4x64x128xf32, #tpu.memory_space<vmem>>, vector<16xf32>,
        %parallel_loop3A_886 = arith.addf %parallel_loop3A_868, %parallel_loop3A_880 : vector<16xf32>
        %parallel_loop3A_887 = arith.constant 2 : i32
        %parallel_loop3A_888 = arith.index_cast %parallel_loop3A_887 : i32 to index
        %parallel_loop3A_889 = arith.index_cast %parallel_loop3A_867 : i32 to index
        %parallel_loop3A_890 = arith.constant 16 : index
        %parallel_loop3A_891 = tpu.vector_load %arg4[%parallel_loop3A_888, %parallel_loop3A_889, %parallel_loop3A_890] {strides = array<i32>} : memref<4x64x128xf32, #tpu.memory_space<vmem>>, vector<16xf32>,
        %parallel_loop3A_892 = arith.constant 2 : i32
        %parallel_loop3A_893 = arith.index_cast %parallel_loop3A_892 : i32 to index
        %parallel_loop3A_894 = arith.index_cast %parallel_loop3A_867 : i32 to index
        %parallel_loop3A_895 = arith.constant 16 : index
        %parallel_loop3A_896 = tpu.vector_load %arg4[%parallel_loop3A_893, %parallel_loop3A_894, %parallel_loop3A_895] {strides = array<i32>} : memref<4x64x128xf32, #tpu.memory_space<vmem>>, vector<16xf32>,
        tpu.vector_store %arg4[%parallel_loop3A_893, %parallel_loop3A_894, %parallel_loop3A_895], %parallel_loop3A_869 {strides = array<i32>} : memref<4x64x128xf32, #tpu.memory_space<vmem>>, vector<16xf32>,
        %parallel_loop3A_897 = arith.addf %parallel_loop3A_869, %parallel_loop3A_891 : vector<16xf32>
        %parallel_loop3A_898 = arith.constant 2 : i32
        %parallel_loop3A_899 = arith.index_cast %parallel_loop3A_898 : i32 to index
        %parallel_loop3A_900 = arith.index_cast %parallel_loop3A_867 : i32 to index
        %parallel_loop3A_901 = arith.constant 32 : index
        %parallel_loop3A_902 = tpu.vector_load %arg4[%parallel_loop3A_899, %parallel_loop3A_900, %parallel_loop3A_901] {strides = array<i32>} : memref<4x64x128xf32, #tpu.memory_space<vmem>>, vector<16xf32>,
        %parallel_loop3A_903 = arith.constant 2 : i32
        %parallel_loop3A_904 = arith.index_cast %parallel_loop3A_903 : i32 to index
        %parallel_loop3A_905 = arith.index_cast %parallel_loop3A_867 : i32 to index
        %parallel_loop3A_906 = arith.constant 32 : index
        %parallel_loop3A_907 = tpu.vector_load %arg4[%parallel_loop3A_904, %parallel_loop3A_905, %parallel_loop3A_906] {strides = array<i32>} : memref<4x64x128xf32, #tpu.memory_space<vmem>>, vector<16xf32>,
        tpu.vector_store %arg4[%parallel_loop3A_904, %parallel_loop3A_905, %parallel_loop3A_906], %parallel_loop3A_870 {strides = array<i32>} : memref<4x64x128xf32, #tpu.memory_space<vmem>>, vector<16xf32>,
        %parallel_loop3A_908 = arith.addf %parallel_loop3A_870, %parallel_loop3A_902 : vector<16xf32>
        %parallel_loop3A_909 = arith.constant 2 : i32
        %parallel_loop3A_910 = arith.index_cast %parallel_loop3A_909 : i32 to index
        %parallel_loop3A_911 = arith.index_cast %parallel_loop3A_867 : i32 to index
        %parallel_loop3A_912 = arith.constant 48 : index
        %parallel_loop3A_913 = tpu.vector_load %arg4[%parallel_loop3A_910, %parallel_loop3A_911, %parallel_loop3A_912] {strides = array<i32>} : memref<4x64x128xf32, #tpu.memory_space<vmem>>, vector<16xf32>,
        %parallel_loop3A_914 = arith.constant 2 : i32
        %parallel_loop3A_915 = arith.index_cast %parallel_loop3A_914 : i32 to index
        %parallel_loop3A_916 = arith.index_cast %parallel_loop3A_867 : i32 to index
        %parallel_loop3A_917 = arith.constant 48 : index
        %parallel_loop3A_918 = tpu.vector_load %arg4[%parallel_loop3A_915, %parallel_loop3A_916, %parallel_loop3A_917] {strides = array<i32>} : memref<4x64x128xf32, #tpu.memory_space<vmem>>, vector<16xf32>,
        tpu.vector_store %arg4[%parallel_loop3A_915, %parallel_loop3A_916, %parallel_loop3A_917], %parallel_loop3A_871 {strides = array<i32>} : memref<4x64x128xf32, #tpu.memory_space<vmem>>, vector<16xf32>,
        %parallel_loop3A_919 = arith.addf %parallel_loop3A_871, %parallel_loop3A_913 : vector<16xf32>
        %parallel_loop3A_920 = arith.constant 2 : i32
        %parallel_loop3A_921 = arith.index_cast %parallel_loop3A_920 : i32 to index
        %parallel_loop3A_922 = arith.index_cast %parallel_loop3A_867 : i32 to index
        %parallel_loop3A_923 = arith.constant 64 : index
        %parallel_loop3A_924 = tpu.vector_load %arg4[%parallel_loop3A_921, %parallel_loop3A_922, %parallel_loop3A_923] {strides = array<i32>} : memref<4x64x128xf32, #tpu.memory_space<vmem>>, vector<16xf32>,
        %parallel_loop3A_925 = arith.constant 2 : i32
        %parallel_loop3A_926 = arith.index_cast %parallel_loop3A_925 : i32 to index
        %parallel_loop3A_927 = arith.index_cast %parallel_loop3A_867 : i32 to index
        %parallel_loop3A_928 = arith.constant 64 : index
        %parallel_loop3A_929 = tpu.vector_load %arg4[%parallel_loop3A_926, %parallel_loop3A_927, %parallel_loop3A_928] {strides = array<i32>} : memref<4x64x128xf32, #tpu.memory_space<vmem>>, vector<16xf32>,
        tpu.vector_store %arg4[%parallel_loop3A_926, %parallel_loop3A_927, %parallel_loop3A_928], %parallel_loop3A_872 {strides = array<i32>} : memref<4x64x128xf32, #tpu.memory_space<vmem>>, vector<16xf32>,
        %parallel_loop3A_930 = arith.addf %parallel_loop3A_872, %parallel_loop3A_924 : vector<16xf32>
        %parallel_loop3A_931 = arith.constant 2 : i32
        %parallel_loop3A_932 = arith.index_cast %parallel_loop3A_931 : i32 to index
        %parallel_loop3A_933 = arith.index_cast %parallel_loop3A_867 : i32 to index
        %parallel_loop3A_934 = arith.constant 80 : index
        %parallel_loop3A_935 = tpu.vector_load %arg4[%parallel_loop3A_932, %parallel_loop3A_933, %parallel_loop3A_934] {strides = array<i32>} : memref<4x64x128xf32, #tpu.memory_space<vmem>>, vector<16xf32>,
        %parallel_loop3A_936 = arith.constant 2 : i32
        %parallel_loop3A_937 = arith.index_cast %parallel_loop3A_936 : i32 to index
        %parallel_loop3A_938 = arith.index_cast %parallel_loop3A_867 : i32 to index
        %parallel_loop3A_939 = arith.constant 80 : index
        %parallel_loop3A_940 = tpu.vector_load %arg4[%parallel_loop3A_937, %parallel_loop3A_938, %parallel_loop3A_939] {strides = array<i32>} : memref<4x64x128xf32, #tpu.memory_space<vmem>>, vector<16xf32>,
        tpu.vector_store %arg4[%parallel_loop3A_937, %parallel_loop3A_938, %parallel_loop3A_939], %parallel_loop3A_873 {strides = array<i32>} : memref<4x64x128xf32, #tpu.memory_space<vmem>>, vector<16xf32>,
        %parallel_loop3A_941 = arith.addf %parallel_loop3A_873, %parallel_loop3A_935 : vector<16xf32>
        %parallel_loop3A_942 = arith.constant 2 : i32
        %parallel_loop3A_943 = arith.index_cast %parallel_loop3A_942 : i32 to index
        %parallel_loop3A_944 = arith.index_cast %parallel_loop3A_867 : i32 to index
        %parallel_loop3A_945 = arith.constant 96 : index
        %parallel_loop3A_946 = tpu.vector_load %arg4[%parallel_loop3A_943, %parallel_loop3A_944, %parallel_loop3A_945] {strides = array<i32>} : memref<4x64x128xf32, #tpu.memory_space<vmem>>, vector<16xf32>,
        %parallel_loop3A_947 = arith.constant 2 : i32
        %parallel_loop3A_948 = arith.index_cast %parallel_loop3A_947 : i32 to index
        %parallel_loop3A_949 = arith.index_cast %parallel_loop3A_867 : i32 to index
        %parallel_loop3A_950 = arith.constant 96 : index
        %parallel_loop3A_951 = tpu.vector_load %arg4[%parallel_loop3A_948, %parallel_loop3A_949, %parallel_loop3A_950] {strides = array<i32>} : memref<4x64x128xf32, #tpu.memory_space<vmem>>, vector<16xf32>,
        tpu.vector_store %arg4[%parallel_loop3A_948, %parallel_loop3A_949, %parallel_loop3A_950], %parallel_loop3A_874 {strides = array<i32>} : memref<4x64x128xf32, #tpu.memory_space<vmem>>, vector<16xf32>,
        %parallel_loop3A_952 = arith.addf %parallel_loop3A_874, %parallel_loop3A_946 : vector<16xf32>
        %parallel_loop3A_953 = arith.constant 2 : i32
        %parallel_loop3A_954 = arith.index_cast %parallel_loop3A_953 : i32 to index
        %parallel_loop3A_955 = arith.index_cast %parallel_loop3A_867 : i32 to index
        %parallel_loop3A_956 = arith.constant 112 : index
        %parallel_loop3A_957 = tpu.vector_load %arg4[%parallel_loop3A_954, %parallel_loop3A_955, %parallel_loop3A_956] {strides = array<i32>} : memref<4x64x128xf32, #tpu.memory_space<vmem>>, vector<16xf32>,
        %parallel_loop3A_958 = arith.constant 2 : i32
        %parallel_loop3A_959 = arith.index_cast %parallel_loop3A_958 : i32 to index
        %parallel_loop3A_960 = arith.index_cast %parallel_loop3A_867 : i32 to index
        %parallel_loop3A_961 = arith.constant 112 : index
        %parallel_loop3A_962 = tpu.vector_load %arg4[%parallel_loop3A_959, %parallel_loop3A_960, %parallel_loop3A_961] {strides = array<i32>} : memref<4x64x128xf32, #tpu.memory_space<vmem>>, vector<16xf32>,
        tpu.vector_store %arg4[%parallel_loop3A_959, %parallel_loop3A_960, %parallel_loop3A_961], %parallel_loop3A_875 {strides = array<i32>} : memref<4x64x128xf32, #tpu.memory_space<vmem>>, vector<16xf32>,
        %parallel_loop3A_963 = arith.addf %parallel_loop3A_875, %parallel_loop3A_957 : vector<16xf32>
        scf.yield %parallel_loop3A_886, %parallel_loop3A_897, %parallel_loop3A_908, %parallel_loop3A_919, %parallel_loop3A_930, %parallel_loop3A_941, %parallel_loop3A_952, %parallel_loop3A_963 : vector<16xf32>, vector<16xf32>, vector<16xf32>, vector<16xf32>, vector<16xf32>, vector<16xf32>, vector<16xf32>, vector<16xf32>
      } {sc.loop_unroll_factor = 16 : i64, sc.parallel_access}
      %mul3A_742 = arith.constant 64 : i32
      %mul3A_743 = arith.muli %add3A_722, %mul3A_742 : i32
      %dma_start3A_744 = arith.constant 2 : i32
      %dma_start3A_745 = arith.constant 0 : i32
      %dma_start3A_746 = arith.constant 0 : i32
      %dma_start3A_747 = tpu.memref_slice %arg4[%dma_start3A_744, %dma_start3A_745, %dma_start3A_746] : memref<4x64x128xf32, #tpu.memory_space<vmem>> -> memref<1x64x128xf32, #tpu.memory_space<vmem>>
      %dma_start3A_748 = tpu.memref_squeeze %dma_start3A_747 : memref<1x64x128xf32, #tpu.memory_space<vmem>> -> memref<64x128xf32, #tpu.memory_space<vmem>>
      %dma_start3A_749 = tpu.memref_slice %arg3[%select_n3A, %mul3A_743, %mul3A_32] : memref<2x8192x2048xf32, #tpu.memory_space<hbm>> -> memref<1x64x128xf32, #tpu.memory_space<hbm>>
      %dma_start3A_750 = tpu.memref_squeeze %dma_start3A_749 : memref<1x64x128xf32, #tpu.memory_space<hbm>> -> memref<64x128xf32, #tpu.memory_space<hbm>>
      %dma_start3A_751 = tpu.memref_slice %arg3[%select_n3A, %mul3A_743, %mul3A_32] : memref<2x8192x2048xf32, #tpu.memory_space<hbm>> -> memref<1x64x128xf32, #tpu.memory_space<hbm>>
      %dma_start3A_752 = tpu.memref_squeeze %dma_start3A_751 : memref<1x64x128xf32, #tpu.memory_space<hbm>> -> memref<64x128xf32, #tpu.memory_space<hbm>>
      %dma_start3A_753 = arith.constant 0 : i32
      %dma_start3A_754 = arith.constant 0 : i32
      %dma_start3A_755 = tpu.memref_slice %arg4[%dma_start3A_744, %dma_start3A_753, %dma_start3A_754] : memref<4x64x128xf32, #tpu.memory_space<vmem>> -> memref<1x64x128xf32, #tpu.memory_space<vmem>>
      %dma_start3A_756 = tpu.memref_squeeze %dma_start3A_755 : memref<1x64x128xf32, #tpu.memory_space<vmem>> -> memref<64x128xf32, #tpu.memory_space<vmem>>
      tpu.enqueue_dma source(%dma_start3A_756 : memref<64x128xf32, #tpu.memory_space<vmem>>) target(%dma_start3A_752 : memref<64x128xf32, #tpu.memory_space<hbm>>) target_semaphore(%arg11 : memref<!tpu.dma_semaphore, #tpu.memory_space<semaphore_mem>>)
      %sub3A_757 = arith.constant 1 : i32
      %sub3A_758 = arith.subi %add3A_722, %sub3A_757 : i32
      %mul3A_759 = arith.constant 64 : i32
      %mul3A_760 = arith.muli %sub3A_758, %mul3A_759 : i32
      %dma_wait3A_761 = arith.constant 1 : i32
      %dma_wait3A_762 = arith.constant 0 : i32
      %dma_wait3A_763 = arith.constant 0 : i32
      %dma_wait3A_764 = tpu.memref_slice %arg4[%dma_wait3A_761, %dma_wait3A_762, %dma_wait3A_763] : memref<4x64x128xf32, #tpu.memory_space<vmem>> -> memref<1x64x128xf32, #tpu.memory_space<vmem>>
      %dma_wait3A_765 = tpu.memref_squeeze %dma_wait3A_764 : memref<1x64x128xf32, #tpu.memory_space<vmem>> -> memref<64x128xf32, #tpu.memory_space<vmem>>
      %dma_wait3A_766 = tpu.memref_slice %arg3[%select_n3A, %mul3A_760, %mul3A_32] : memref<2x8192x2048xf32, #tpu.memory_space<hbm>> -> memref<1x64x128xf32, #tpu.memory_space<hbm>>
      %dma_wait3A_767 = tpu.memref_squeeze %dma_wait3A_766 : memref<1x64x128xf32, #tpu.memory_space<hbm>> -> memref<64x128xf32, #tpu.memory_space<hbm>>
      %dma_wait3A_768 = tpu.memref_slice %arg3[%select_n3A, %mul3A_760, %mul3A_32] : memref<2x8192x2048xf32, #tpu.memory_space<hbm>> -> memref<1x64x128xf32, #tpu.memory_space<hbm>>
      %dma_wait3A_769 = tpu.memref_squeeze %dma_wait3A_768 : memref<1x64x128xf32, #tpu.memory_space<hbm>> -> memref<64x128xf32, #tpu.memory_space<hbm>>
      %dma_wait3A_770 = arith.constant 0 : i32
      %dma_wait3A_771 = arith.constant 0 : i32
      %dma_wait3A_772 = tpu.memref_slice %arg4[%dma_wait3A_761, %dma_wait3A_770, %dma_wait3A_771] : memref<4x64x128xf32, #tpu.memory_space<vmem>> -> memref<1x64x128xf32, #tpu.memory_space<vmem>>
      %dma_wait3A_773 = tpu.memref_squeeze %dma_wait3A_772 : memref<1x64x128xf32, #tpu.memory_space<vmem>> -> memref<64x128xf32, #tpu.memory_space<vmem>>
      tpu.wait_dma2 semaphore(%arg10 : memref<!tpu.dma_semaphore, #tpu.memory_space<semaphore_mem>>) src(%dma_wait3A_773 : memref<64x128xf32, #tpu.memory_space<vmem>>) dst(%dma_wait3A_769 : memref<64x128xf32, #tpu.memory_space<hbm>>)
      %add3A_774 = arith.constant 4 : i32
      %add3A_775 = arith.addi %add3A_722, %add3A_774 : i32
      %sub3A_776 = arith.constant 1 : i32
      %sub3A_777 = arith.subi %add3A_775, %sub3A_776 : i32
      %mul3A_778 = arith.constant 64 : i32
      %mul3A_779 = arith.muli %sub3A_777, %mul3A_778 : i32
      %dma_start3A_780 = arith.constant 1 : i32
      %dma_start3A_781 = arith.constant 0 : i32
      %dma_start3A_782 = arith.constant 0 : i32
      %dma_start3A_783 = tpu.memref_slice %arg4[%dma_start3A_780, %dma_start3A_781, %dma_start3A_782] : memref<4x64x128xf32, #tpu.memory_space<vmem>> -> memref<1x64x128xf32, #tpu.memory_space<vmem>>
      %dma_start3A_784 = tpu.memref_squeeze %dma_start3A_783 : memref<1x64x128xf32, #tpu.memory_space<vmem>> -> memref<64x128xf32, #tpu.memory_space<vmem>>
      %dma_start3A_785 = tpu.memref_slice %arg2[%select_n3A, %mul3A_779, %mul3A_32] : memref<2x8192x2048xf32, #tpu.memory_space<hbm>> -> memref<1x64x128xf32, #tpu.memory_space<hbm>>
      %dma_start3A_786 = tpu.memref_squeeze %dma_start3A_785 : memref<1x64x128xf32, #tpu.memory_space<hbm>> -> memref<64x128xf32, #tpu.memory_space<hbm>>
      %dma_start3A_787 = arith.constant 0 : i32
      %dma_start3A_788 = arith.constant 0 : i32
      %dma_start3A_789 = tpu.memref_slice %arg4[%dma_start3A_780, %dma_start3A_787, %dma_start3A_788] : memref<4x64x128xf32, #tpu.memory_space<vmem>> -> memref<1x64x128xf32, #tpu.memory_space<vmem>>
      %dma_start3A_790 = tpu.memref_squeeze %dma_start3A_789 : memref<1x64x128xf32, #tpu.memory_space<vmem>> -> memref<64x128xf32, #tpu.memory_space<vmem>>
      %dma_start3A_791 = tpu.memref_slice %arg2[%select_n3A, %mul3A_779, %mul3A_32] : memref<2x8192x2048xf32, #tpu.memory_space<hbm>> -> memref<1x64x128xf32, #tpu.memory_space<hbm>>
      %dma_start3A_792 = tpu.memref_squeeze %dma_start3A_791 : memref<1x64x128xf32, #tpu.memory_space<hbm>> -> memref<64x128xf32, #tpu.memory_space<hbm>>
      tpu.enqueue_dma source(%dma_start3A_792 : memref<64x128xf32, #tpu.memory_space<hbm>>) target(%dma_start3A_790 : memref<64x128xf32, #tpu.memory_space<vmem>>) target_semaphore(%arg6 : memref<!tpu.dma_semaphore, #tpu.memory_space<semaphore_mem>>)
      %mul3A_793 = arith.constant 4 : i32
      %mul3A_794 = arith.muli %scan3A_562, %mul3A_793 : i32
      %add3A_795 = arith.constant 3 : i32
      %add3A_796 = arith.addi %mul3A_794, %add3A_795 : i32
      %mul3A_797 = arith.constant 64 : i32
      %mul3A_798 = arith.muli %add3A_796, %mul3A_797 : i32
      %dma_wait3A_799 = arith.constant 3 : i32
      %dma_wait3A_800 = arith.constant 0 : i32
      %dma_wait3A_801 = arith.constant 0 : i32
      %dma_wait3A_802 = tpu.memref_slice %arg4[%dma_wait3A_799, %dma_wait3A_800, %dma_wait3A_801] : memref<4x64x128xf32, #tpu.memory_space<vmem>> -> memref<1x64x128xf32, #tpu.memory_space<vmem>>
      %dma_wait3A_803 = tpu.memref_squeeze %dma_wait3A_802 : memref<1x64x128xf32, #tpu.memory_space<vmem>> -> memref<64x128xf32, #tpu.memory_space<vmem>>
      %dma_wait3A_804 = tpu.memref_slice %arg2[%select_n3A, %mul3A_798, %mul3A_32] : memref<2x8192x2048xf32, #tpu.memory_space<hbm>> -> memref<1x64x128xf32, #tpu.memory_space<hbm>>
      %dma_wait3A_805 = tpu.memref_squeeze %dma_wait3A_804 : memref<1x64x128xf32, #tpu.memory_space<hbm>> -> memref<64x128xf32, #tpu.memory_space<hbm>>
      %dma_wait3A_806 = arith.constant 0 : i32
      %dma_wait3A_807 = arith.constant 0 : i32
      %dma_wait3A_808 = tpu.memref_slice %arg4[%dma_wait3A_799, %dma_wait3A_806, %dma_wait3A_807] : memref<4x64x128xf32, #tpu.memory_space<vmem>> -> memref<1x64x128xf32, #tpu.memory_space<vmem>>
      %dma_wait3A_809 = tpu.memref_squeeze %dma_wait3A_808 : memref<1x64x128xf32, #tpu.memory_space<vmem>> -> memref<64x128xf32, #tpu.memory_space<vmem>>
      %dma_wait3A_810 = tpu.memref_slice %arg2[%select_n3A, %mul3A_798, %mul3A_32] : memref<2x8192x2048xf32, #tpu.memory_space<hbm>> -> memref<1x64x128xf32, #tpu.memory_space<hbm>>
      %dma_wait3A_811 = tpu.memref_squeeze %dma_wait3A_810 : memref<1x64x128xf32, #tpu.memory_space<hbm>> -> memref<64x128xf32, #tpu.memory_space<hbm>>
      tpu.wait_dma2 semaphore(%arg8 : memref<!tpu.dma_semaphore, #tpu.memory_space<semaphore_mem>>) src(%dma_wait3A_811 : memref<64x128xf32, #tpu.memory_space<hbm>>) dst(%dma_wait3A_809 : memref<64x128xf32, #tpu.memory_space<vmem>>)
      %parallel_loop3A_812 = arith.constant 0 : i32
      %parallel_loop3A_813 = arith.constant 64 : i32
      %parallel_loop3A_814 = arith.constant 1 : i32
      %parallel_loop3A_815:8 = scf.for %parallel_loop3A_867 = %parallel_loop3A_812 to %parallel_loop3A_813 step %parallel_loop3A_814 iter_args(%parallel_loop3A_868 = %parallel_loop3A_741#0, %parallel_loop3A_869 = %parallel_loop3A_741#1, %parallel_loop3A_870 = %parallel_loop3A_741#2, %parallel_loop3A_871 = %parallel_loop3A_741#3, %parallel_loop3A_872 = %parallel_loop3A_741#4, %parallel_loop3A_873 = %parallel_loop3A_741#5, %parallel_loop3A_874 = %parallel_loop3A_741#6, %parallel_loop3A_875 = %parallel_loop3A_741#7) -> (vector<16xf32>, vector<16xf32>, vector<16xf32>, vector<16xf32>, vector<16xf32>, vector<16xf32>, vector<16xf32>, vector<16xf32>)  : i32 {
        %parallel_loop3A_876 = arith.constant 3 : i32
        %parallel_loop3A_877 = arith.index_cast %parallel_loop3A_876 : i32 to index
        %parallel_loop3A_878 = arith.index_cast %parallel_loop3A_867 : i32 to index
        %parallel_loop3A_879 = arith.constant 0 : index
        %parallel_loop3A_880 = tpu.vector_load %arg4[%parallel_loop3A_877, %parallel_loop3A_878, %parallel_loop3A_879] {strides = array<i32>} : memref<4x64x128xf32, #tpu.memory_space<vmem>>, vector<16xf32>,
        %parallel_loop3A_881 = arith.constant 3 : i32
        %parallel_loop3A_882 = arith.index_cast %parallel_loop3A_881 : i32 to index
        %parallel_loop3A_883 = arith.index_cast %parallel_loop3A_867 : i32 to index
        %parallel_loop3A_884 = arith.constant 0 : index
        %parallel_loop3A_885 = tpu.vector_load %arg4[%parallel_loop3A_882, %parallel_loop3A_883, %parallel_loop3A_884] {strides = array<i32>} : memref<4x64x128xf32, #tpu.memory_space<vmem>>, vector<16xf32>,
        tpu.vector_store %arg4[%parallel_loop3A_882, %parallel_loop3A_883, %parallel_loop3A_884], %parallel_loop3A_868 {strides = array<i32>} : memref<4x64x128xf32, #tpu.memory_space<vmem>>, vector<16xf32>,
        %parallel_loop3A_886 = arith.addf %parallel_loop3A_868, %parallel_loop3A_880 : vector<16xf32>
        %parallel_loop3A_887 = arith.constant 3 : i32
        %parallel_loop3A_888 = arith.index_cast %parallel_loop3A_887 : i32 to index
        %parallel_loop3A_889 = arith.index_cast %parallel_loop3A_867 : i32 to index
        %parallel_loop3A_890 = arith.constant 16 : index
        %parallel_loop3A_891 = tpu.vector_load %arg4[%parallel_loop3A_888, %parallel_loop3A_889, %parallel_loop3A_890] {strides = array<i32>} : memref<4x64x128xf32, #tpu.memory_space<vmem>>, vector<16xf32>,
        %parallel_loop3A_892 = arith.constant 3 : i32
        %parallel_loop3A_893 = arith.index_cast %parallel_loop3A_892 : i32 to index
        %parallel_loop3A_894 = arith.index_cast %parallel_loop3A_867 : i32 to index
        %parallel_loop3A_895 = arith.constant 16 : index
        %parallel_loop3A_896 = tpu.vector_load %arg4[%parallel_loop3A_893, %parallel_loop3A_894, %parallel_loop3A_895] {strides = array<i32>} : memref<4x64x128xf32, #tpu.memory_space<vmem>>, vector<16xf32>,
        tpu.vector_store %arg4[%parallel_loop3A_893, %parallel_loop3A_894, %parallel_loop3A_895], %parallel_loop3A_869 {strides = array<i32>} : memref<4x64x128xf32, #tpu.memory_space<vmem>>, vector<16xf32>,
        %parallel_loop3A_897 = arith.addf %parallel_loop3A_869, %parallel_loop3A_891 : vector<16xf32>
        %parallel_loop3A_898 = arith.constant 3 : i32
        %parallel_loop3A_899 = arith.index_cast %parallel_loop3A_898 : i32 to index
        %parallel_loop3A_900 = arith.index_cast %parallel_loop3A_867 : i32 to index
        %parallel_loop3A_901 = arith.constant 32 : index
        %parallel_loop3A_902 = tpu.vector_load %arg4[%parallel_loop3A_899, %parallel_loop3A_900, %parallel_loop3A_901] {strides = array<i32>} : memref<4x64x128xf32, #tpu.memory_space<vmem>>, vector<16xf32>,
        %parallel_loop3A_903 = arith.constant 3 : i32
        %parallel_loop3A_904 = arith.index_cast %parallel_loop3A_903 : i32 to index
        %parallel_loop3A_905 = arith.index_cast %parallel_loop3A_867 : i32 to index
        %parallel_loop3A_906 = arith.constant 32 : index
        %parallel_loop3A_907 = tpu.vector_load %arg4[%parallel_loop3A_904, %parallel_loop3A_905, %parallel_loop3A_906] {strides = array<i32>} : memref<4x64x128xf32, #tpu.memory_space<vmem>>, vector<16xf32>,
        tpu.vector_store %arg4[%parallel_loop3A_904, %parallel_loop3A_905, %parallel_loop3A_906], %parallel_loop3A_870 {strides = array<i32>} : memref<4x64x128xf32, #tpu.memory_space<vmem>>, vector<16xf32>,
        %parallel_loop3A_908 = arith.addf %parallel_loop3A_870, %parallel_loop3A_902 : vector<16xf32>
        %parallel_loop3A_909 = arith.constant 3 : i32
        %parallel_loop3A_910 = arith.index_cast %parallel_loop3A_909 : i32 to index
        %parallel_loop3A_911 = arith.index_cast %parallel_loop3A_867 : i32 to index
        %parallel_loop3A_912 = arith.constant 48 : index
        %parallel_loop3A_913 = tpu.vector_load %arg4[%parallel_loop3A_910, %parallel_loop3A_911, %parallel_loop3A_912] {strides = array<i32>} : memref<4x64x128xf32, #tpu.memory_space<vmem>>, vector<16xf32>,
        %parallel_loop3A_914 = arith.constant 3 : i32
        %parallel_loop3A_915 = arith.index_cast %parallel_loop3A_914 : i32 to index
        %parallel_loop3A_916 = arith.index_cast %parallel_loop3A_867 : i32 to index
        %parallel_loop3A_917 = arith.constant 48 : index
        %parallel_loop3A_918 = tpu.vector_load %arg4[%parallel_loop3A_915, %parallel_loop3A_916, %parallel_loop3A_917] {strides = array<i32>} : memref<4x64x128xf32, #tpu.memory_space<vmem>>, vector<16xf32>,
        tpu.vector_store %arg4[%parallel_loop3A_915, %parallel_loop3A_916, %parallel_loop3A_917], %parallel_loop3A_871 {strides = array<i32>} : memref<4x64x128xf32, #tpu.memory_space<vmem>>, vector<16xf32>,
        %parallel_loop3A_919 = arith.addf %parallel_loop3A_871, %parallel_loop3A_913 : vector<16xf32>
        %parallel_loop3A_920 = arith.constant 3 : i32
        %parallel_loop3A_921 = arith.index_cast %parallel_loop3A_920 : i32 to index
        %parallel_loop3A_922 = arith.index_cast %parallel_loop3A_867 : i32 to index
        %parallel_loop3A_923 = arith.constant 64 : index
        %parallel_loop3A_924 = tpu.vector_load %arg4[%parallel_loop3A_921, %parallel_loop3A_922, %parallel_loop3A_923] {strides = array<i32>} : memref<4x64x128xf32, #tpu.memory_space<vmem>>, vector<16xf32>,
        %parallel_loop3A_925 = arith.constant 3 : i32
        %parallel_loop3A_926 = arith.index_cast %parallel_loop3A_925 : i32 to index
        %parallel_loop3A_927 = arith.index_cast %parallel_loop3A_867 : i32 to index
        %parallel_loop3A_928 = arith.constant 64 : index
        %parallel_loop3A_929 = tpu.vector_load %arg4[%parallel_loop3A_926, %parallel_loop3A_927, %parallel_loop3A_928] {strides = array<i32>} : memref<4x64x128xf32, #tpu.memory_space<vmem>>, vector<16xf32>,
        tpu.vector_store %arg4[%parallel_loop3A_926, %parallel_loop3A_927, %parallel_loop3A_928], %parallel_loop3A_872 {strides = array<i32>} : memref<4x64x128xf32, #tpu.memory_space<vmem>>, vector<16xf32>,
        %parallel_loop3A_930 = arith.addf %parallel_loop3A_872, %parallel_loop3A_924 : vector<16xf32>
        %parallel_loop3A_931 = arith.constant 3 : i32
        %parallel_loop3A_932 = arith.index_cast %parallel_loop3A_931 : i32 to index
        %parallel_loop3A_933 = arith.index_cast %parallel_loop3A_867 : i32 to index
        %parallel_loop3A_934 = arith.constant 80 : index
        %parallel_loop3A_935 = tpu.vector_load %arg4[%parallel_loop3A_932, %parallel_loop3A_933, %parallel_loop3A_934] {strides = array<i32>} : memref<4x64x128xf32, #tpu.memory_space<vmem>>, vector<16xf32>,
        %parallel_loop3A_936 = arith.constant 3 : i32
        %parallel_loop3A_937 = arith.index_cast %parallel_loop3A_936 : i32 to index
        %parallel_loop3A_938 = arith.index_cast %parallel_loop3A_867 : i32 to index
        %parallel_loop3A_939 = arith.constant 80 : index
        %parallel_loop3A_940 = tpu.vector_load %arg4[%parallel_loop3A_937, %parallel_loop3A_938, %parallel_loop3A_939] {strides = array<i32>} : memref<4x64x128xf32, #tpu.memory_space<vmem>>, vector<16xf32>,
        tpu.vector_store %arg4[%parallel_loop3A_937, %parallel_loop3A_938, %parallel_loop3A_939], %parallel_loop3A_873 {strides = array<i32>} : memref<4x64x128xf32, #tpu.memory_space<vmem>>, vector<16xf32>,
        %parallel_loop3A_941 = arith.addf %parallel_loop3A_873, %parallel_loop3A_935 : vector<16xf32>
        %parallel_loop3A_942 = arith.constant 3 : i32
        %parallel_loop3A_943 = arith.index_cast %parallel_loop3A_942 : i32 to index
        %parallel_loop3A_944 = arith.index_cast %parallel_loop3A_867 : i32 to index
        %parallel_loop3A_945 = arith.constant 96 : index
        %parallel_loop3A_946 = tpu.vector_load %arg4[%parallel_loop3A_943, %parallel_loop3A_944, %parallel_loop3A_945] {strides = array<i32>} : memref<4x64x128xf32, #tpu.memory_space<vmem>>, vector<16xf32>,
        %parallel_loop3A_947 = arith.constant 3 : i32
        %parallel_loop3A_948 = arith.index_cast %parallel_loop3A_947 : i32 to index
        %parallel_loop3A_949 = arith.index_cast %parallel_loop3A_867 : i32 to index
        %parallel_loop3A_950 = arith.constant 96 : index
        %parallel_loop3A_951 = tpu.vector_load %arg4[%parallel_loop3A_948, %parallel_loop3A_949, %parallel_loop3A_950] {strides = array<i32>} : memref<4x64x128xf32, #tpu.memory_space<vmem>>, vector<16xf32>,
        tpu.vector_store %arg4[%parallel_loop3A_948, %parallel_loop3A_949, %parallel_loop3A_950], %parallel_loop3A_874 {strides = array<i32>} : memref<4x64x128xf32, #tpu.memory_space<vmem>>, vector<16xf32>,
        %parallel_loop3A_952 = arith.addf %parallel_loop3A_874, %parallel_loop3A_946 : vector<16xf32>
        %parallel_loop3A_953 = arith.constant 3 : i32
        %parallel_loop3A_954 = arith.index_cast %parallel_loop3A_953 : i32 to index
        %parallel_loop3A_955 = arith.index_cast %parallel_loop3A_867 : i32 to index
        %parallel_loop3A_956 = arith.constant 112 : index
        %parallel_loop3A_957 = tpu.vector_load %arg4[%parallel_loop3A_954, %parallel_loop3A_955, %parallel_loop3A_956] {strides = array<i32>} : memref<4x64x128xf32, #tpu.memory_space<vmem>>, vector<16xf32>,
        %parallel_loop3A_958 = arith.constant 3 : i32
        %parallel_loop3A_959 = arith.index_cast %parallel_loop3A_958 : i32 to index
        %parallel_loop3A_960 = arith.index_cast %parallel_loop3A_867 : i32 to index
        %parallel_loop3A_961 = arith.constant 112 : index
        %parallel_loop3A_962 = tpu.vector_load %arg4[%parallel_loop3A_959, %parallel_loop3A_960, %parallel_loop3A_961] {strides = array<i32>} : memref<4x64x128xf32, #tpu.memory_space<vmem>>, vector<16xf32>,
        tpu.vector_store %arg4[%parallel_loop3A_959, %parallel_loop3A_960, %parallel_loop3A_961], %parallel_loop3A_875 {strides = array<i32>} : memref<4x64x128xf32, #tpu.memory_space<vmem>>, vector<16xf32>,
        %parallel_loop3A_963 = arith.addf %parallel_loop3A_875, %parallel_loop3A_957 : vector<16xf32>
        scf.yield %parallel_loop3A_886, %parallel_loop3A_897, %parallel_loop3A_908, %parallel_loop3A_919, %parallel_loop3A_930, %parallel_loop3A_941, %parallel_loop3A_952, %parallel_loop3A_963 : vector<16xf32>, vector<16xf32>, vector<16xf32>, vector<16xf32>, vector<16xf32>, vector<16xf32>, vector<16xf32>, vector<16xf32>
      } {sc.loop_unroll_factor = 16 : i64, sc.parallel_access}
      %mul3A_816 = arith.constant 64 : i32
      %mul3A_817 = arith.muli %add3A_796, %mul3A_816 : i32
      %dma_start3A_818 = arith.constant 3 : i32
      %dma_start3A_819 = arith.constant 0 : i32
      %dma_start3A_820 = arith.constant 0 : i32
      %dma_start3A_821 = tpu.memref_slice %arg4[%dma_start3A_818, %dma_start3A_819, %dma_start3A_820] : memref<4x64x128xf32, #tpu.memory_space<vmem>> -> memref<1x64x128xf32, #tpu.memory_space<vmem>>
      %dma_start3A_822 = tpu.memref_squeeze %dma_start3A_821 : memref<1x64x128xf32, #tpu.memory_space<vmem>> -> memref<64x128xf32, #tpu.memory_space<vmem>>
      %dma_start3A_823 = tpu.memref_slice %arg3[%select_n3A, %mul3A_817, %mul3A_32] : memref<2x8192x2048xf32, #tpu.memory_space<hbm>> -> memref<1x64x128xf32, #tpu.memory_space<hbm>>
      %dma_start3A_824 = tpu.memref_squeeze %dma_start3A_823 : memref<1x64x128xf32, #tpu.memory_space<hbm>> -> memref<64x128xf32, #tpu.memory_space<hbm>>
      %dma_start3A_825 = tpu.memref_slice %arg3[%select_n3A, %mul3A_817, %mul3A_32] : memref<2x8192x2048xf32, #tpu.memory_space<hbm>> -> memref<1x64x128xf32, #tpu.memory_space<hbm>>
      %dma_start3A_826 = tpu.memref_squeeze %dma_start3A_825 : memref<1x64x128xf32, #tpu.memory_space<hbm>> -> memref<64x128xf32, #tpu.memory_space<hbm>>
      %dma_start3A_827 = arith.constant 0 : i32
      %dma_start3A_828 = arith.constant 0 : i32
      %dma_start3A_829 = tpu.memref_slice %arg4[%dma_start3A_818, %dma_start3A_827, %dma_start3A_828] : memref<4x64x128xf32, #tpu.memory_space<vmem>> -> memref<1x64x128xf32, #tpu.memory_space<vmem>>
      %dma_start3A_830 = tpu.memref_squeeze %dma_start3A_829 : memref<1x64x128xf32, #tpu.memory_space<vmem>> -> memref<64x128xf32, #tpu.memory_space<vmem>>
      tpu.enqueue_dma source(%dma_start3A_830 : memref<64x128xf32, #tpu.memory_space<vmem>>) target(%dma_start3A_826 : memref<64x128xf32, #tpu.memory_space<hbm>>) target_semaphore(%arg12 : memref<!tpu.dma_semaphore, #tpu.memory_space<semaphore_mem>>)
      %sub3A_831 = arith.constant 1 : i32
      %sub3A_832 = arith.subi %add3A_796, %sub3A_831 : i32
      %mul3A_833 = arith.constant 64 : i32
      %mul3A_834 = arith.muli %sub3A_832, %mul3A_833 : i32
      %dma_wait3A_835 = arith.constant 2 : i32
      %dma_wait3A_836 = arith.constant 0 : i32
      %dma_wait3A_837 = arith.constant 0 : i32
      %dma_wait3A_838 = tpu.memref_slice %arg4[%dma_wait3A_835, %dma_wait3A_836, %dma_wait3A_837] : memref<4x64x128xf32, #tpu.memory_space<vmem>> -> memref<1x64x128xf32, #tpu.memory_space<vmem>>
      %dma_wait3A_839 = tpu.memref_squeeze %dma_wait3A_838 : memref<1x64x128xf32, #tpu.memory_space<vmem>> -> memref<64x128xf32, #tpu.memory_space<vmem>>
      %dma_wait3A_840 = tpu.memref_slice %arg3[%select_n3A, %mul3A_834, %mul3A_32] : memref<2x8192x2048xf32, #tpu.memory_space<hbm>> -> memref<1x64x128xf32, #tpu.memory_space<hbm>>
      %dma_wait3A_841 = tpu.memref_squeeze %dma_wait3A_840 : memref<1x64x128xf32, #tpu.memory_space<hbm>> -> memref<64x128xf32, #tpu.memory_space<hbm>>
      %dma_wait3A_842 = tpu.memref_slice %arg3[%select_n3A, %mul3A_834, %mul3A_32] : memref<2x8192x2048xf32, #tpu.memory_space<hbm>> -> memref<1x64x128xf32, #tpu.memory_space<hbm>>
      %dma_wait3A_843 = tpu.memref_squeeze %dma_wait3A_842 : memref<1x64x128xf32, #tpu.memory_space<hbm>> -> memref<64x128xf32, #tpu.memory_space<hbm>>
      %dma_wait3A_844 = arith.constant 0 : i32
      %dma_wait3A_845 = arith.constant 0 : i32
      %dma_wait3A_846 = tpu.memref_slice %arg4[%dma_wait3A_835, %dma_wait3A_844, %dma_wait3A_845] : memref<4x64x128xf32, #tpu.memory_space<vmem>> -> memref<1x64x128xf32, #tpu.memory_space<vmem>>
      %dma_wait3A_847 = tpu.memref_squeeze %dma_wait3A_846 : memref<1x64x128xf32, #tpu.memory_space<vmem>> -> memref<64x128xf32, #tpu.memory_space<vmem>>
      tpu.wait_dma2 semaphore(%arg11 : memref<!tpu.dma_semaphore, #tpu.memory_space<semaphore_mem>>) src(%dma_wait3A_847 : memref<64x128xf32, #tpu.memory_space<vmem>>) dst(%dma_wait3A_843 : memref<64x128xf32, #tpu.memory_space<hbm>>)
      %add3A_848 = arith.constant 4 : i32
      %add3A_849 = arith.addi %add3A_796, %add3A_848 : i32
      %sub3A_850 = arith.constant 1 : i32
      %sub3A_851 = arith.subi %add3A_849, %sub3A_850 : i32
      %mul3A_852 = arith.constant 64 : i32
      %mul3A_853 = arith.muli %sub3A_851, %mul3A_852 : i32
      %dma_start3A_854 = arith.constant 2 : i32
      %dma_start3A_855 = arith.constant 0 : i32
      %dma_start3A_856 = arith.constant 0 : i32
      %dma_start3A_857 = tpu.memref_slice %arg4[%dma_start3A_854, %dma_start3A_855, %dma_start3A_856] : memref<4x64x128xf32, #tpu.memory_space<vmem>> -> memref<1x64x128xf32, #tpu.memory_space<vmem>>
      %dma_start3A_858 = tpu.memref_squeeze %dma_start3A_857 : memref<1x64x128xf32, #tpu.memory_space<vmem>> -> memref<64x128xf32, #tpu.memory_space<vmem>>
      %dma_start3A_859 = tpu.memref_slice %arg2[%select_n3A, %mul3A_853, %mul3A_32] : memref<2x8192x2048xf32, #tpu.memory_space<hbm>> -> memref<1x64x128xf32, #tpu.memory_space<hbm>>
      %dma_start3A_860 = tpu.memref_squeeze %dma_start3A_859 : memref<1x64x128xf32, #tpu.memory_space<hbm>> -> memref<64x128xf32, #tpu.memory_space<hbm>>
      %dma_start3A_861 = arith.constant 0 : i32
      %dma_start3A_862 = arith.constant 0 : i32
      %dma_start3A_863 = tpu.memref_slice %arg4[%dma_start3A_854, %dma_start3A_861, %dma_start3A_862] : memref<4x64x128xf32, #tpu.memory_space<vmem>> -> memref<1x64x128xf32, #tpu.memory_space<vmem>>
      %dma_start3A_864 = tpu.memref_squeeze %dma_start3A_863 : memref<1x64x128xf32, #tpu.memory_space<vmem>> -> memref<64x128xf32, #tpu.memory_space<vmem>>
      %dma_start3A_865 = tpu.memref_slice %arg2[%select_n3A, %mul3A_853, %mul3A_32] : memref<2x8192x2048xf32, #tpu.memory_space<hbm>> -> memref<1x64x128xf32, #tpu.memory_space<hbm>>
      %dma_start3A_866 = tpu.memref_squeeze %dma_start3A_865 : memref<1x64x128xf32, #tpu.memory_space<hbm>> -> memref<64x128xf32, #tpu.memory_space<hbm>>
      tpu.enqueue_dma source(%dma_start3A_866 : memref<64x128xf32, #tpu.memory_space<hbm>>) target(%dma_start3A_864 : memref<64x128xf32, #tpu.memory_space<vmem>>) target_semaphore(%arg7 : memref<!tpu.dma_semaphore, #tpu.memory_space<semaphore_mem>>)
      scf.yield %parallel_loop3A_815#0, %parallel_loop3A_815#1, %parallel_loop3A_815#2, %parallel_loop3A_815#3, %parallel_loop3A_815#4, %parallel_loop3A_815#5, %parallel_loop3A_815#6, %parallel_loop3A_815#7 : vector<16xf32>, vector<16xf32>, vector<16xf32>, vector<16xf32>, vector<16xf32>, vector<16xf32>, vector<16xf32>, vector<16xf32>
    }
    %scan3A_335 = arith.constant 30 : i32
    %dma_wait3A_336 = arith.constant 0 : i32
    %dma_wait3A_337 = arith.constant 0 : i32
    %dma_wait3A_338 = arith.constant 0 : i32
    %dma_wait3A_339 = tpu.memref_slice %arg4[%dma_wait3A_336, %dma_wait3A_337, %dma_wait3A_338] : memref<4x64x128xf32, #tpu.memory_space<vmem>> -> memref<1x64x128xf32, #tpu.memory_space<vmem>>
    %dma_wait3A_340 = tpu.memref_squeeze %dma_wait3A_339 : memref<1x64x128xf32, #tpu.memory_space<vmem>> -> memref<64x128xf32, #tpu.memory_space<vmem>>
    %dma_wait3A_341 = arith.constant 7936 : i32
    %dma_wait3A_342 = tpu.memref_slice %arg2[%select_n3A, %dma_wait3A_341, %mul3A_32] : memref<2x8192x2048xf32, #tpu.memory_space<hbm>> -> memref<1x64x128xf32, #tpu.memory_space<hbm>>
    %dma_wait3A_343 = tpu.memref_squeeze %dma_wait3A_342 : memref<1x64x128xf32, #tpu.memory_space<hbm>> -> memref<64x128xf32, #tpu.memory_space<hbm>>
    %dma_wait3A_344 = arith.constant 0 : i32
    %dma_wait3A_345 = arith.constant 0 : i32
    %dma_wait3A_346 = tpu.memref_slice %arg4[%dma_wait3A_336, %dma_wait3A_344, %dma_wait3A_345] : memref<4x64x128xf32, #tpu.memory_space<vmem>> -> memref<1x64x128xf32, #tpu.memory_space<vmem>>
    %dma_wait3A_347 = tpu.memref_squeeze %dma_wait3A_346 : memref<1x64x128xf32, #tpu.memory_space<vmem>> -> memref<64x128xf32, #tpu.memory_space<vmem>>
    %dma_wait3A_348 = arith.constant 7936 : i32
    %dma_wait3A_349 = tpu.memref_slice %arg2[%select_n3A, %dma_wait3A_348, %mul3A_32] : memref<2x8192x2048xf32, #tpu.memory_space<hbm>> -> memref<1x64x128xf32, #tpu.memory_space<hbm>>
    %dma_wait3A_350 = tpu.memref_squeeze %dma_wait3A_349 : memref<1x64x128xf32, #tpu.memory_space<hbm>> -> memref<64x128xf32, #tpu.memory_space<hbm>>
    tpu.wait_dma2 semaphore(%arg5 : memref<!tpu.dma_semaphore, #tpu.memory_space<semaphore_mem>>) src(%dma_wait3A_350 : memref<64x128xf32, #tpu.memory_space<hbm>>) dst(%dma_wait3A_347 : memref<64x128xf32, #tpu.memory_space<vmem>>)
    %parallel_loop3A_351 = arith.constant 0 : i32
    %parallel_loop3A_352 = arith.constant 64 : i32
    %parallel_loop3A_353 = arith.constant 1 : i32
    %parallel_loop3A_354:8 = scf.for %parallel_loop3A_562 = %parallel_loop3A_351 to %parallel_loop3A_352 step %parallel_loop3A_353 iter_args(%parallel_loop3A_563 = %scan3A_334#0, %parallel_loop3A_564 = %scan3A_334#1, %parallel_loop3A_565 = %scan3A_334#2, %parallel_loop3A_566 = %scan3A_334#3, %parallel_loop3A_567 = %scan3A_334#4, %parallel_loop3A_568 = %scan3A_334#5, %parallel_loop3A_569 = %scan3A_334#6, %parallel_loop3A_570 = %scan3A_334#7) -> (vector<16xf32>, vector<16xf32>, vector<16xf32>, vector<16xf32>, vector<16xf32>, vector<16xf32>, vector<16xf32>, vector<16xf32>)  : i32 {
      %parallel_loop3A_571 = arith.constant 0 : i32
      %parallel_loop3A_572 = arith.index_cast %parallel_loop3A_571 : i32 to index
      %parallel_loop3A_573 = arith.index_cast %parallel_loop3A_562 : i32 to index
      %parallel_loop3A_574 = arith.constant 0 : index
      %parallel_loop3A_575 = tpu.vector_load %arg4[%parallel_loop3A_572, %parallel_loop3A_573, %parallel_loop3A_574] {strides = array<i32>} : memref<4x64x128xf32, #tpu.memory_space<vmem>>, vector<16xf32>,
      %parallel_loop3A_576 = arith.constant 0 : i32
      %parallel_loop3A_577 = arith.index_cast %parallel_loop3A_576 : i32 to index
      %parallel_loop3A_578 = arith.index_cast %parallel_loop3A_562 : i32 to index
      %parallel_loop3A_579 = arith.constant 0 : index
      %parallel_loop3A_580 = tpu.vector_load %arg4[%parallel_loop3A_577, %parallel_loop3A_578, %parallel_loop3A_579] {strides = array<i32>} : memref<4x64x128xf32, #tpu.memory_space<vmem>>, vector<16xf32>,
      tpu.vector_store %arg4[%parallel_loop3A_577, %parallel_loop3A_578, %parallel_loop3A_579], %parallel_loop3A_563 {strides = array<i32>} : memref<4x64x128xf32, #tpu.memory_space<vmem>>, vector<16xf32>,
      %parallel_loop3A_581 = arith.addf %parallel_loop3A_563, %parallel_loop3A_575 : vector<16xf32>
      %parallel_loop3A_582 = arith.constant 0 : i32
      %parallel_loop3A_583 = arith.index_cast %parallel_loop3A_582 : i32 to index
      %parallel_loop3A_584 = arith.index_cast %parallel_loop3A_562 : i32 to index
      %parallel_loop3A_585 = arith.constant 16 : index
      %parallel_loop3A_586 = tpu.vector_load %arg4[%parallel_loop3A_583, %parallel_loop3A_584, %parallel_loop3A_585] {strides = array<i32>} : memref<4x64x128xf32, #tpu.memory_space<vmem>>, vector<16xf32>,
      %parallel_loop3A_587 = arith.constant 0 : i32
      %parallel_loop3A_588 = arith.index_cast %parallel_loop3A_587 : i32 to index
      %parallel_loop3A_589 = arith.index_cast %parallel_loop3A_562 : i32 to index
      %parallel_loop3A_590 = arith.constant 16 : index
      %parallel_loop3A_591 = tpu.vector_load %arg4[%parallel_loop3A_588, %parallel_loop3A_589, %parallel_loop3A_590] {strides = array<i32>} : memref<4x64x128xf32, #tpu.memory_space<vmem>>, vector<16xf32>,
      tpu.vector_store %arg4[%parallel_loop3A_588, %parallel_loop3A_589, %parallel_loop3A_590], %parallel_loop3A_564 {strides = array<i32>} : memref<4x64x128xf32, #tpu.memory_space<vmem>>, vector<16xf32>,
      %parallel_loop3A_592 = arith.addf %parallel_loop3A_564, %parallel_loop3A_586 : vector<16xf32>
      %parallel_loop3A_593 = arith.constant 0 : i32
      %parallel_loop3A_594 = arith.index_cast %parallel_loop3A_593 : i32 to index
      %parallel_loop3A_595 = arith.index_cast %parallel_loop3A_562 : i32 to index
      %parallel_loop3A_596 = arith.constant 32 : index
      %parallel_loop3A_597 = tpu.vector_load %arg4[%parallel_loop3A_594, %parallel_loop3A_595, %parallel_loop3A_596] {strides = array<i32>} : memref<4x64x128xf32, #tpu.memory_space<vmem>>, vector<16xf32>,
      %parallel_loop3A_598 = arith.constant 0 : i32
      %parallel_loop3A_599 = arith.index_cast %parallel_loop3A_598 : i32 to index
      %parallel_loop3A_600 = arith.index_cast %parallel_loop3A_562 : i32 to index
      %parallel_loop3A_601 = arith.constant 32 : index
      %parallel_loop3A_602 = tpu.vector_load %arg4[%parallel_loop3A_599, %parallel_loop3A_600, %parallel_loop3A_601] {strides = array<i32>} : memref<4x64x128xf32, #tpu.memory_space<vmem>>, vector<16xf32>,
      tpu.vector_store %arg4[%parallel_loop3A_599, %parallel_loop3A_600, %parallel_loop3A_601], %parallel_loop3A_565 {strides = array<i32>} : memref<4x64x128xf32, #tpu.memory_space<vmem>>, vector<16xf32>,
      %parallel_loop3A_603 = arith.addf %parallel_loop3A_565, %parallel_loop3A_597 : vector<16xf32>
      %parallel_loop3A_604 = arith.constant 0 : i32
      %parallel_loop3A_605 = arith.index_cast %parallel_loop3A_604 : i32 to index
      %parallel_loop3A_606 = arith.index_cast %parallel_loop3A_562 : i32 to index
      %parallel_loop3A_607 = arith.constant 48 : index
      %parallel_loop3A_608 = tpu.vector_load %arg4[%parallel_loop3A_605, %parallel_loop3A_606, %parallel_loop3A_607] {strides = array<i32>} : memref<4x64x128xf32, #tpu.memory_space<vmem>>, vector<16xf32>,
      %parallel_loop3A_609 = arith.constant 0 : i32
      %parallel_loop3A_610 = arith.index_cast %parallel_loop3A_609 : i32 to index
      %parallel_loop3A_611 = arith.index_cast %parallel_loop3A_562 : i32 to index
      %parallel_loop3A_612 = arith.constant 48 : index
      %parallel_loop3A_613 = tpu.vector_load %arg4[%parallel_loop3A_610, %parallel_loop3A_611, %parallel_loop3A_612] {strides = array<i32>} : memref<4x64x128xf32, #tpu.memory_space<vmem>>, vector<16xf32>,
      tpu.vector_store %arg4[%parallel_loop3A_610, %parallel_loop3A_611, %parallel_loop3A_612], %parallel_loop3A_566 {strides = array<i32>} : memref<4x64x128xf32, #tpu.memory_space<vmem>>, vector<16xf32>,
      %parallel_loop3A_614 = arith.addf %parallel_loop3A_566, %parallel_loop3A_608 : vector<16xf32>
      %parallel_loop3A_615 = arith.constant 0 : i32
      %parallel_loop3A_616 = arith.index_cast %parallel_loop3A_615 : i32 to index
      %parallel_loop3A_617 = arith.index_cast %parallel_loop3A_562 : i32 to index
      %parallel_loop3A_618 = arith.constant 64 : index
      %parallel_loop3A_619 = tpu.vector_load %arg4[%parallel_loop3A_616, %parallel_loop3A_617, %parallel_loop3A_618] {strides = array<i32>} : memref<4x64x128xf32, #tpu.memory_space<vmem>>, vector<16xf32>,
      %parallel_loop3A_620 = arith.constant 0 : i32
      %parallel_loop3A_621 = arith.index_cast %parallel_loop3A_620 : i32 to index
      %parallel_loop3A_622 = arith.index_cast %parallel_loop3A_562 : i32 to index
      %parallel_loop3A_623 = arith.constant 64 : index
      %parallel_loop3A_624 = tpu.vector_load %arg4[%parallel_loop3A_621, %parallel_loop3A_622, %parallel_loop3A_623] {strides = array<i32>} : memref<4x64x128xf32, #tpu.memory_space<vmem>>, vector<16xf32>,
      tpu.vector_store %arg4[%parallel_loop3A_621, %parallel_loop3A_622, %parallel_loop3A_623], %parallel_loop3A_567 {strides = array<i32>} : memref<4x64x128xf32, #tpu.memory_space<vmem>>, vector<16xf32>,
      %parallel_loop3A_625 = arith.addf %parallel_loop3A_567, %parallel_loop3A_619 : vector<16xf32>
      %parallel_loop3A_626 = arith.constant 0 : i32
      %parallel_loop3A_627 = arith.index_cast %parallel_loop3A_626 : i32 to index
      %parallel_loop3A_628 = arith.index_cast %parallel_loop3A_562 : i32 to index
      %parallel_loop3A_629 = arith.constant 80 : index
      %parallel_loop3A_630 = tpu.vector_load %arg4[%parallel_loop3A_627, %parallel_loop3A_628, %parallel_loop3A_629] {strides = array<i32>} : memref<4x64x128xf32, #tpu.memory_space<vmem>>, vector<16xf32>,
      %parallel_loop3A_631 = arith.constant 0 : i32
      %parallel_loop3A_632 = arith.index_cast %parallel_loop3A_631 : i32 to index
      %parallel_loop3A_633 = arith.index_cast %parallel_loop3A_562 : i32 to index
      %parallel_loop3A_634 = arith.constant 80 : index
      %parallel_loop3A_635 = tpu.vector_load %arg4[%parallel_loop3A_632, %parallel_loop3A_633, %parallel_loop3A_634] {strides = array<i32>} : memref<4x64x128xf32, #tpu.memory_space<vmem>>, vector<16xf32>,
      tpu.vector_store %arg4[%parallel_loop3A_632, %parallel_loop3A_633, %parallel_loop3A_634], %parallel_loop3A_568 {strides = array<i32>} : memref<4x64x128xf32, #tpu.memory_space<vmem>>, vector<16xf32>,
      %parallel_loop3A_636 = arith.addf %parallel_loop3A_568, %parallel_loop3A_630 : vector<16xf32>
      %parallel_loop3A_637 = arith.constant 0 : i32
      %parallel_loop3A_638 = arith.index_cast %parallel_loop3A_637 : i32 to index
      %parallel_loop3A_639 = arith.index_cast %parallel_loop3A_562 : i32 to index
      %parallel_loop3A_640 = arith.constant 96 : index
      %parallel_loop3A_641 = tpu.vector_load %arg4[%parallel_loop3A_638, %parallel_loop3A_639, %parallel_loop3A_640] {strides = array<i32>} : memref<4x64x128xf32, #tpu.memory_space<vmem>>, vector<16xf32>,
      %parallel_loop3A_642 = arith.constant 0 : i32
      %parallel_loop3A_643 = arith.index_cast %parallel_loop3A_642 : i32 to index
      %parallel_loop3A_644 = arith.index_cast %parallel_loop3A_562 : i32 to index
      %parallel_loop3A_645 = arith.constant 96 : index
      %parallel_loop3A_646 = tpu.vector_load %arg4[%parallel_loop3A_643, %parallel_loop3A_644, %parallel_loop3A_645] {strides = array<i32>} : memref<4x64x128xf32, #tpu.memory_space<vmem>>, vector<16xf32>,
      tpu.vector_store %arg4[%parallel_loop3A_643, %parallel_loop3A_644, %parallel_loop3A_645], %parallel_loop3A_569 {strides = array<i32>} : memref<4x64x128xf32, #tpu.memory_space<vmem>>, vector<16xf32>,
      %parallel_loop3A_647 = arith.addf %parallel_loop3A_569, %parallel_loop3A_641 : vector<16xf32>
      %parallel_loop3A_648 = arith.constant 0 : i32
      %parallel_loop3A_649 = arith.index_cast %parallel_loop3A_648 : i32 to index
      %parallel_loop3A_650 = arith.index_cast %parallel_loop3A_562 : i32 to index
      %parallel_loop3A_651 = arith.constant 112 : index
      %parallel_loop3A_652 = tpu.vector_load %arg4[%parallel_loop3A_649, %parallel_loop3A_650, %parallel_loop3A_651] {strides = array<i32>} : memref<4x64x128xf32, #tpu.memory_space<vmem>>, vector<16xf32>,
      %parallel_loop3A_653 = arith.constant 0 : i32
      %parallel_loop3A_654 = arith.index_cast %parallel_loop3A_653 : i32 to index
      %parallel_loop3A_655 = arith.index_cast %parallel_loop3A_562 : i32 to index
      %parallel_loop3A_656 = arith.constant 112 : index
      %parallel_loop3A_657 = tpu.vector_load %arg4[%parallel_loop3A_654, %parallel_loop3A_655, %parallel_loop3A_656] {strides = array<i32>} : memref<4x64x128xf32, #tpu.memory_space<vmem>>, vector<16xf32>,
      tpu.vector_store %arg4[%parallel_loop3A_654, %parallel_loop3A_655, %parallel_loop3A_656], %parallel_loop3A_570 {strides = array<i32>} : memref<4x64x128xf32, #tpu.memory_space<vmem>>, vector<16xf32>,
      %parallel_loop3A_658 = arith.addf %parallel_loop3A_570, %parallel_loop3A_652 : vector<16xf32>
      scf.yield %parallel_loop3A_581, %parallel_loop3A_592, %parallel_loop3A_603, %parallel_loop3A_614, %parallel_loop3A_625, %parallel_loop3A_636, %parallel_loop3A_647, %parallel_loop3A_658 : vector<16xf32>, vector<16xf32>, vector<16xf32>, vector<16xf32>, vector<16xf32>, vector<16xf32>, vector<16xf32>, vector<16xf32>
    } {sc.loop_unroll_factor = 16 : i64, sc.parallel_access}
    %dma_start3A_355 = arith.constant 0 : i32
    %dma_start3A_356 = arith.constant 0 : i32
    %dma_start3A_357 = arith.constant 0 : i32
    %dma_start3A_358 = tpu.memref_slice %arg4[%dma_start3A_355, %dma_start3A_356, %dma_start3A_357] : memref<4x64x128xf32, #tpu.memory_space<vmem>> -> memref<1x64x128xf32, #tpu.memory_space<vmem>>
    %dma_start3A_359 = tpu.memref_squeeze %dma_start3A_358 : memref<1x64x128xf32, #tpu.memory_space<vmem>> -> memref<64x128xf32, #tpu.memory_space<vmem>>
    %dma_start3A_360 = arith.constant 7936 : i32
    %dma_start3A_361 = tpu.memref_slice %arg3[%select_n3A, %dma_start3A_360, %mul3A_32] : memref<2x8192x2048xf32, #tpu.memory_space<hbm>> -> memref<1x64x128xf32, #tpu.memory_space<hbm>>
    %dma_start3A_362 = tpu.memref_squeeze %dma_start3A_361 : memref<1x64x128xf32, #tpu.memory_space<hbm>> -> memref<64x128xf32, #tpu.memory_space<hbm>>
    %dma_start3A_363 = arith.constant 7936 : i32
    %dma_start3A_364 = tpu.memref_slice %arg3[%select_n3A, %dma_start3A_363, %mul3A_32] : memref<2x8192x2048xf32, #tpu.memory_space<hbm>> -> memref<1x64x128xf32, #tpu.memory_space<hbm>>
    %dma_start3A_365 = tpu.memref_squeeze %dma_start3A_364 : memref<1x64x128xf32, #tpu.memory_space<hbm>> -> memref<64x128xf32, #tpu.memory_space<hbm>>
    %dma_start3A_366 = arith.constant 0 : i32
    %dma_start3A_367 = arith.constant 0 : i32
    %dma_start3A_368 = tpu.memref_slice %arg4[%dma_start3A_355, %dma_start3A_366, %dma_start3A_367] : memref<4x64x128xf32, #tpu.memory_space<vmem>> -> memref<1x64x128xf32, #tpu.memory_space<vmem>>
    %dma_start3A_369 = tpu.memref_squeeze %dma_start3A_368 : memref<1x64x128xf32, #tpu.memory_space<vmem>> -> memref<64x128xf32, #tpu.memory_space<vmem>>
    tpu.enqueue_dma source(%dma_start3A_369 : memref<64x128xf32, #tpu.memory_space<vmem>>) target(%dma_start3A_365 : memref<64x128xf32, #tpu.memory_space<hbm>>) target_semaphore(%arg9 : memref<!tpu.dma_semaphore, #tpu.memory_space<semaphore_mem>>)
    %dma_wait3A_370 = arith.constant 3 : i32
    %dma_wait3A_371 = arith.constant 0 : i32
    %dma_wait3A_372 = arith.constant 0 : i32
    %dma_wait3A_373 = tpu.memref_slice %arg4[%dma_wait3A_370, %dma_wait3A_371, %dma_wait3A_372] : memref<4x64x128xf32, #tpu.memory_space<vmem>> -> memref<1x64x128xf32, #tpu.memory_space<vmem>>
    %dma_wait3A_374 = tpu.memref_squeeze %dma_wait3A_373 : memref<1x64x128xf32, #tpu.memory_space<vmem>> -> memref<64x128xf32, #tpu.memory_space<vmem>>
    %dma_wait3A_375 = arith.constant 7872 : i32
    %dma_wait3A_376 = tpu.memref_slice %arg3[%select_n3A, %dma_wait3A_375, %mul3A_32] : memref<2x8192x2048xf32, #tpu.memory_space<hbm>> -> memref<1x64x128xf32, #tpu.memory_space<hbm>>
    %dma_wait3A_377 = tpu.memref_squeeze %dma_wait3A_376 : memref<1x64x128xf32, #tpu.memory_space<hbm>> -> memref<64x128xf32, #tpu.memory_space<hbm>>
    %dma_wait3A_378 = arith.constant 7872 : i32
    %dma_wait3A_379 = tpu.memref_slice %arg3[%select_n3A, %dma_wait3A_378, %mul3A_32] : memref<2x8192x2048xf32, #tpu.memory_space<hbm>> -> memref<1x64x128xf32, #tpu.memory_space<hbm>>
    %dma_wait3A_380 = tpu.memref_squeeze %dma_wait3A_379 : memref<1x64x128xf32, #tpu.memory_space<hbm>> -> memref<64x128xf32, #tpu.memory_space<hbm>>
    %dma_wait3A_381 = arith.constant 0 : i32
    %dma_wait3A_382 = arith.constant 0 : i32
    %dma_wait3A_383 = tpu.memref_slice %arg4[%dma_wait3A_370, %dma_wait3A_381, %dma_wait3A_382] : memref<4x64x128xf32, #tpu.memory_space<vmem>> -> memref<1x64x128xf32, #tpu.memory_space<vmem>>
    %dma_wait3A_384 = tpu.memref_squeeze %dma_wait3A_383 : memref<1x64x128xf32, #tpu.memory_space<vmem>> -> memref<64x128xf32, #tpu.memory_space<vmem>>
    tpu.wait_dma2 semaphore(%arg12 : memref<!tpu.dma_semaphore, #tpu.memory_space<semaphore_mem>>) src(%dma_wait3A_384 : memref<64x128xf32, #tpu.memory_space<vmem>>) dst(%dma_wait3A_380 : memref<64x128xf32, #tpu.memory_space<hbm>>)
    %dma_start3A_385 = arith.constant 3 : i32
    %dma_start3A_386 = arith.constant 0 : i32
    %dma_start3A_387 = arith.constant 0 : i32
    %dma_start3A_388 = tpu.memref_slice %arg4[%dma_start3A_385, %dma_start3A_386, %dma_start3A_387] : memref<4x64x128xf32, #tpu.memory_space<vmem>> -> memref<1x64x128xf32, #tpu.memory_space<vmem>>
    %dma_start3A_389 = tpu.memref_squeeze %dma_start3A_388 : memref<1x64x128xf32, #tpu.memory_space<vmem>> -> memref<64x128xf32, #tpu.memory_space<vmem>>
    %dma_start3A_390 = arith.constant 8128 : i32
    %dma_start3A_391 = tpu.memref_slice %arg2[%select_n3A, %dma_start3A_390, %mul3A_32] : memref<2x8192x2048xf32, #tpu.memory_space<hbm>> -> memref<1x64x128xf32, #tpu.memory_space<hbm>>
    %dma_start3A_392 = tpu.memref_squeeze %dma_start3A_391 : memref<1x64x128xf32, #tpu.memory_space<hbm>> -> memref<64x128xf32, #tpu.memory_space<hbm>>
    %dma_start3A_393 = arith.constant 0 : i32
    %dma_start3A_394 = arith.constant 0 : i32
    %dma_start3A_395 = tpu.memref_slice %arg4[%dma_start3A_385, %dma_start3A_393, %dma_start3A_394] : memref<4x64x128xf32, #tpu.memory_space<vmem>> -> memref<1x64x128xf32, #tpu.memory_space<vmem>>
    %dma_start3A_396 = tpu.memref_squeeze %dma_start3A_395 : memref<1x64x128xf32, #tpu.memory_space<vmem>> -> memref<64x128xf32, #tpu.memory_space<vmem>>
    %dma_start3A_397 = arith.constant 8128 : i32
    %dma_start3A_398 = tpu.memref_slice %arg2[%select_n3A, %dma_start3A_397, %mul3A_32] : memref<2x8192x2048xf32, #tpu.memory_space<hbm>> -> memref<1x64x128xf32, #tpu.memory_space<hbm>>
    %dma_start3A_399 = tpu.memref_squeeze %dma_start3A_398 : memref<1x64x128xf32, #tpu.memory_space<hbm>> -> memref<64x128xf32, #tpu.memory_space<hbm>>
    tpu.enqueue_dma source(%dma_start3A_399 : memref<64x128xf32, #tpu.memory_space<hbm>>) target(%dma_start3A_396 : memref<64x128xf32, #tpu.memory_space<vmem>>) target_semaphore(%arg8 : memref<!tpu.dma_semaphore, #tpu.memory_space<semaphore_mem>>)
    %dma_wait3A_400 = arith.constant 1 : i32
    %dma_wait3A_401 = arith.constant 0 : i32
    %dma_wait3A_402 = arith.constant 0 : i32
    %dma_wait3A_403 = tpu.memref_slice %arg4[%dma_wait3A_400, %dma_wait3A_401, %dma_wait3A_402] : memref<4x64x128xf32, #tpu.memory_space<vmem>> -> memref<1x64x128xf32, #tpu.memory_space<vmem>>
    %dma_wait3A_404 = tpu.memref_squeeze %dma_wait3A_403 : memref<1x64x128xf32, #tpu.memory_space<vmem>> -> memref<64x128xf32, #tpu.memory_space<vmem>>
    %dma_wait3A_405 = arith.constant 8000 : i32
    %dma_wait3A_406 = tpu.memref_slice %arg2[%select_n3A, %dma_wait3A_405, %mul3A_32] : memref<2x8192x2048xf32, #tpu.memory_space<hbm>> -> memref<1x64x128xf32, #tpu.memory_space<hbm>>
    %dma_wait3A_407 = tpu.memref_squeeze %dma_wait3A_406 : memref<1x64x128xf32, #tpu.memory_space<hbm>> -> memref<64x128xf32, #tpu.memory_space<hbm>>
    %dma_wait3A_408 = arith.constant 0 : i32
    %dma_wait3A_409 = arith.constant 0 : i32
    %dma_wait3A_410 = tpu.memref_slice %arg4[%dma_wait3A_400, %dma_wait3A_408, %dma_wait3A_409] : memref<4x64x128xf32, #tpu.memory_space<vmem>> -> memref<1x64x128xf32, #tpu.memory_space<vmem>>
    %dma_wait3A_411 = tpu.memref_squeeze %dma_wait3A_410 : memref<1x64x128xf32, #tpu.memory_space<vmem>> -> memref<64x128xf32, #tpu.memory_space<vmem>>
    %dma_wait3A_412 = arith.constant 8000 : i32
    %dma_wait3A_413 = tpu.memref_slice %arg2[%select_n3A, %dma_wait3A_412, %mul3A_32] : memref<2x8192x2048xf32, #tpu.memory_space<hbm>> -> memref<1x64x128xf32, #tpu.memory_space<hbm>>
    %dma_wait3A_414 = tpu.memref_squeeze %dma_wait3A_413 : memref<1x64x128xf32, #tpu.memory_space<hbm>> -> memref<64x128xf32, #tpu.memory_space<hbm>>
    tpu.wait_dma2 semaphore(%arg6 : memref<!tpu.dma_semaphore, #tpu.memory_space<semaphore_mem>>) src(%dma_wait3A_414 : memref<64x128xf32, #tpu.memory_space<hbm>>) dst(%dma_wait3A_411 : memref<64x128xf32, #tpu.memory_space<vmem>>)
    %parallel_loop3A_415 = arith.constant 0 : i32
    %parallel_loop3A_416 = arith.constant 64 : i32
    %parallel_loop3A_417 = arith.constant 1 : i32
    %parallel_loop3A_418:8 = scf.for %parallel_loop3A_562 = %parallel_loop3A_415 to %parallel_loop3A_416 step %parallel_loop3A_417 iter_args(%parallel_loop3A_563 = %parallel_loop3A_354#0, %parallel_loop3A_564 = %parallel_loop3A_354#1, %parallel_loop3A_565 = %parallel_loop3A_354#2, %parallel_loop3A_566 = %parallel_loop3A_354#3, %parallel_loop3A_567 = %parallel_loop3A_354#4, %parallel_loop3A_568 = %parallel_loop3A_354#5, %parallel_loop3A_569 = %parallel_loop3A_354#6, %parallel_loop3A_570 = %parallel_loop3A_354#7) -> (vector<16xf32>, vector<16xf32>, vector<16xf32>, vector<16xf32>, vector<16xf32>, vector<16xf32>, vector<16xf32>, vector<16xf32>)  : i32 {
      %parallel_loop3A_571 = arith.constant 1 : i32
      %parallel_loop3A_572 = arith.index_cast %parallel_loop3A_571 : i32 to index
      %parallel_loop3A_573 = arith.index_cast %parallel_loop3A_562 : i32 to index
      %parallel_loop3A_574 = arith.constant 0 : index
      %parallel_loop3A_575 = tpu.vector_load %arg4[%parallel_loop3A_572, %parallel_loop3A_573, %parallel_loop3A_574] {strides = array<i32>} : memref<4x64x128xf32, #tpu.memory_space<vmem>>, vector<16xf32>,
      %parallel_loop3A_576 = arith.constant 1 : i32
      %parallel_loop3A_577 = arith.index_cast %parallel_loop3A_576 : i32 to index
      %parallel_loop3A_578 = arith.index_cast %parallel_loop3A_562 : i32 to index
      %parallel_loop3A_579 = arith.constant 0 : index
      %parallel_loop3A_580 = tpu.vector_load %arg4[%parallel_loop3A_577, %parallel_loop3A_578, %parallel_loop3A_579] {strides = array<i32>} : memref<4x64x128xf32, #tpu.memory_space<vmem>>, vector<16xf32>,
      tpu.vector_store %arg4[%parallel_loop3A_577, %parallel_loop3A_578, %parallel_loop3A_579], %parallel_loop3A_563 {strides = array<i32>} : memref<4x64x128xf32, #tpu.memory_space<vmem>>, vector<16xf32>,
      %parallel_loop3A_581 = arith.addf %parallel_loop3A_563, %parallel_loop3A_575 : vector<16xf32>
      %parallel_loop3A_582 = arith.constant 1 : i32
      %parallel_loop3A_583 = arith.index_cast %parallel_loop3A_582 : i32 to index
      %parallel_loop3A_584 = arith.index_cast %parallel_loop3A_562 : i32 to index
      %parallel_loop3A_585 = arith.constant 16 : index
      %parallel_loop3A_586 = tpu.vector_load %arg4[%parallel_loop3A_583, %parallel_loop3A_584, %parallel_loop3A_585] {strides = array<i32>} : memref<4x64x128xf32, #tpu.memory_space<vmem>>, vector<16xf32>,
      %parallel_loop3A_587 = arith.constant 1 : i32
      %parallel_loop3A_588 = arith.index_cast %parallel_loop3A_587 : i32 to index
      %parallel_loop3A_589 = arith.index_cast %parallel_loop3A_562 : i32 to index
      %parallel_loop3A_590 = arith.constant 16 : index
      %parallel_loop3A_591 = tpu.vector_load %arg4[%parallel_loop3A_588, %parallel_loop3A_589, %parallel_loop3A_590] {strides = array<i32>} : memref<4x64x128xf32, #tpu.memory_space<vmem>>, vector<16xf32>,
      tpu.vector_store %arg4[%parallel_loop3A_588, %parallel_loop3A_589, %parallel_loop3A_590], %parallel_loop3A_564 {strides = array<i32>} : memref<4x64x128xf32, #tpu.memory_space<vmem>>, vector<16xf32>,
      %parallel_loop3A_592 = arith.addf %parallel_loop3A_564, %parallel_loop3A_586 : vector<16xf32>
      %parallel_loop3A_593 = arith.constant 1 : i32
      %parallel_loop3A_594 = arith.index_cast %parallel_loop3A_593 : i32 to index
      %parallel_loop3A_595 = arith.index_cast %parallel_loop3A_562 : i32 to index
      %parallel_loop3A_596 = arith.constant 32 : index
      %parallel_loop3A_597 = tpu.vector_load %arg4[%parallel_loop3A_594, %parallel_loop3A_595, %parallel_loop3A_596] {strides = array<i32>} : memref<4x64x128xf32, #tpu.memory_space<vmem>>, vector<16xf32>,
      %parallel_loop3A_598 = arith.constant 1 : i32
      %parallel_loop3A_599 = arith.index_cast %parallel_loop3A_598 : i32 to index
      %parallel_loop3A_600 = arith.index_cast %parallel_loop3A_562 : i32 to index
      %parallel_loop3A_601 = arith.constant 32 : index
      %parallel_loop3A_602 = tpu.vector_load %arg4[%parallel_loop3A_599, %parallel_loop3A_600, %parallel_loop3A_601] {strides = array<i32>} : memref<4x64x128xf32, #tpu.memory_space<vmem>>, vector<16xf32>,
      tpu.vector_store %arg4[%parallel_loop3A_599, %parallel_loop3A_600, %parallel_loop3A_601], %parallel_loop3A_565 {strides = array<i32>} : memref<4x64x128xf32, #tpu.memory_space<vmem>>, vector<16xf32>,
      %parallel_loop3A_603 = arith.addf %parallel_loop3A_565, %parallel_loop3A_597 : vector<16xf32>
      %parallel_loop3A_604 = arith.constant 1 : i32
      %parallel_loop3A_605 = arith.index_cast %parallel_loop3A_604 : i32 to index
      %parallel_loop3A_606 = arith.index_cast %parallel_loop3A_562 : i32 to index
      %parallel_loop3A_607 = arith.constant 48 : index
      %parallel_loop3A_608 = tpu.vector_load %arg4[%parallel_loop3A_605, %parallel_loop3A_606, %parallel_loop3A_607] {strides = array<i32>} : memref<4x64x128xf32, #tpu.memory_space<vmem>>, vector<16xf32>,
      %parallel_loop3A_609 = arith.constant 1 : i32
      %parallel_loop3A_610 = arith.index_cast %parallel_loop3A_609 : i32 to index
      %parallel_loop3A_611 = arith.index_cast %parallel_loop3A_562 : i32 to index
      %parallel_loop3A_612 = arith.constant 48 : index
      %parallel_loop3A_613 = tpu.vector_load %arg4[%parallel_loop3A_610, %parallel_loop3A_611, %parallel_loop3A_612] {strides = array<i32>} : memref<4x64x128xf32, #tpu.memory_space<vmem>>, vector<16xf32>,
      tpu.vector_store %arg4[%parallel_loop3A_610, %parallel_loop3A_611, %parallel_loop3A_612], %parallel_loop3A_566 {strides = array<i32>} : memref<4x64x128xf32, #tpu.memory_space<vmem>>, vector<16xf32>,
      %parallel_loop3A_614 = arith.addf %parallel_loop3A_566, %parallel_loop3A_608 : vector<16xf32>
      %parallel_loop3A_615 = arith.constant 1 : i32
      %parallel_loop3A_616 = arith.index_cast %parallel_loop3A_615 : i32 to index
      %parallel_loop3A_617 = arith.index_cast %parallel_loop3A_562 : i32 to index
      %parallel_loop3A_618 = arith.constant 64 : index
      %parallel_loop3A_619 = tpu.vector_load %arg4[%parallel_loop3A_616, %parallel_loop3A_617, %parallel_loop3A_618] {strides = array<i32>} : memref<4x64x128xf32, #tpu.memory_space<vmem>>, vector<16xf32>,
      %parallel_loop3A_620 = arith.constant 1 : i32
      %parallel_loop3A_621 = arith.index_cast %parallel_loop3A_620 : i32 to index
      %parallel_loop3A_622 = arith.index_cast %parallel_loop3A_562 : i32 to index
      %parallel_loop3A_623 = arith.constant 64 : index
      %parallel_loop3A_624 = tpu.vector_load %arg4[%parallel_loop3A_621, %parallel_loop3A_622, %parallel_loop3A_623] {strides = array<i32>} : memref<4x64x128xf32, #tpu.memory_space<vmem>>, vector<16xf32>,
      tpu.vector_store %arg4[%parallel_loop3A_621, %parallel_loop3A_622, %parallel_loop3A_623], %parallel_loop3A_567 {strides = array<i32>} : memref<4x64x128xf32, #tpu.memory_space<vmem>>, vector<16xf32>,
      %parallel_loop3A_625 = arith.addf %parallel_loop3A_567, %parallel_loop3A_619 : vector<16xf32>
      %parallel_loop3A_626 = arith.constant 1 : i32
      %parallel_loop3A_627 = arith.index_cast %parallel_loop3A_626 : i32 to index
      %parallel_loop3A_628 = arith.index_cast %parallel_loop3A_562 : i32 to index
      %parallel_loop3A_629 = arith.constant 80 : index
      %parallel_loop3A_630 = tpu.vector_load %arg4[%parallel_loop3A_627, %parallel_loop3A_628, %parallel_loop3A_629] {strides = array<i32>} : memref<4x64x128xf32, #tpu.memory_space<vmem>>, vector<16xf32>,
      %parallel_loop3A_631 = arith.constant 1 : i32
      %parallel_loop3A_632 = arith.index_cast %parallel_loop3A_631 : i32 to index
      %parallel_loop3A_633 = arith.index_cast %parallel_loop3A_562 : i32 to index
      %parallel_loop3A_634 = arith.constant 80 : index
      %parallel_loop3A_635 = tpu.vector_load %arg4[%parallel_loop3A_632, %parallel_loop3A_633, %parallel_loop3A_634] {strides = array<i32>} : memref<4x64x128xf32, #tpu.memory_space<vmem>>, vector<16xf32>,
      tpu.vector_store %arg4[%parallel_loop3A_632, %parallel_loop3A_633, %parallel_loop3A_634], %parallel_loop3A_568 {strides = array<i32>} : memref<4x64x128xf32, #tpu.memory_space<vmem>>, vector<16xf32>,
      %parallel_loop3A_636 = arith.addf %parallel_loop3A_568, %parallel_loop3A_630 : vector<16xf32>
      %parallel_loop3A_637 = arith.constant 1 : i32
      %parallel_loop3A_638 = arith.index_cast %parallel_loop3A_637 : i32 to index
      %parallel_loop3A_639 = arith.index_cast %parallel_loop3A_562 : i32 to index
      %parallel_loop3A_640 = arith.constant 96 : index
      %parallel_loop3A_641 = tpu.vector_load %arg4[%parallel_loop3A_638, %parallel_loop3A_639, %parallel_loop3A_640] {strides = array<i32>} : memref<4x64x128xf32, #tpu.memory_space<vmem>>, vector<16xf32>,
      %parallel_loop3A_642 = arith.constant 1 : i32
      %parallel_loop3A_643 = arith.index_cast %parallel_loop3A_642 : i32 to index
      %parallel_loop3A_644 = arith.index_cast %parallel_loop3A_562 : i32 to index
      %parallel_loop3A_645 = arith.constant 96 : index
      %parallel_loop3A_646 = tpu.vector_load %arg4[%parallel_loop3A_643, %parallel_loop3A_644, %parallel_loop3A_645] {strides = array<i32>} : memref<4x64x128xf32, #tpu.memory_space<vmem>>, vector<16xf32>,
      tpu.vector_store %arg4[%parallel_loop3A_643, %parallel_loop3A_644, %parallel_loop3A_645], %parallel_loop3A_569 {strides = array<i32>} : memref<4x64x128xf32, #tpu.memory_space<vmem>>, vector<16xf32>,
      %parallel_loop3A_647 = arith.addf %parallel_loop3A_569, %parallel_loop3A_641 : vector<16xf32>
      %parallel_loop3A_648 = arith.constant 1 : i32
      %parallel_loop3A_649 = arith.index_cast %parallel_loop3A_648 : i32 to index
      %parallel_loop3A_650 = arith.index_cast %parallel_loop3A_562 : i32 to index
      %parallel_loop3A_651 = arith.constant 112 : index
      %parallel_loop3A_652 = tpu.vector_load %arg4[%parallel_loop3A_649, %parallel_loop3A_650, %parallel_loop3A_651] {strides = array<i32>} : memref<4x64x128xf32, #tpu.memory_space<vmem>>, vector<16xf32>,
      %parallel_loop3A_653 = arith.constant 1 : i32
      %parallel_loop3A_654 = arith.index_cast %parallel_loop3A_653 : i32 to index
      %parallel_loop3A_655 = arith.index_cast %parallel_loop3A_562 : i32 to index
      %parallel_loop3A_656 = arith.constant 112 : index
      %parallel_loop3A_657 = tpu.vector_load %arg4[%parallel_loop3A_654, %parallel_loop3A_655, %parallel_loop3A_656] {strides = array<i32>} : memref<4x64x128xf32, #tpu.memory_space<vmem>>, vector<16xf32>,
      tpu.vector_store %arg4[%parallel_loop3A_654, %parallel_loop3A_655, %parallel_loop3A_656], %parallel_loop3A_570 {strides = array<i32>} : memref<4x64x128xf32, #tpu.memory_space<vmem>>, vector<16xf32>,
      %parallel_loop3A_658 = arith.addf %parallel_loop3A_570, %parallel_loop3A_652 : vector<16xf32>
      scf.yield %parallel_loop3A_581, %parallel_loop3A_592, %parallel_loop3A_603, %parallel_loop3A_614, %parallel_loop3A_625, %parallel_loop3A_636, %parallel_loop3A_647, %parallel_loop3A_658 : vector<16xf32>, vector<16xf32>, vector<16xf32>, vector<16xf32>, vector<16xf32>, vector<16xf32>, vector<16xf32>, vector<16xf32>
    } {sc.loop_unroll_factor = 16 : i64, sc.parallel_access}
    %dma_start3A_419 = arith.constant 1 : i32
    %dma_start3A_420 = arith.constant 0 : i32
    %dma_start3A_421 = arith.constant 0 : i32
    %dma_start3A_422 = tpu.memref_slice %arg4[%dma_start3A_419, %dma_start3A_420, %dma_start3A_421] : memref<4x64x128xf32, #tpu.memory_space<vmem>> -> memref<1x64x128xf32, #tpu.memory_space<vmem>>
    %dma_start3A_423 = tpu.memref_squeeze %dma_start3A_422 : memref<1x64x128xf32, #tpu.memory_space<vmem>> -> memref<64x128xf32, #tpu.memory_space<vmem>>
    %dma_start3A_424 = arith.constant 8000 : i32
    %dma_start3A_425 = tpu.memref_slice %arg3[%select_n3A, %dma_start3A_424, %mul3A_32] : memref<2x8192x2048xf32, #tpu.memory_space<hbm>> -> memref<1x64x128xf32, #tpu.memory_space<hbm>>
    %dma_start3A_426 = tpu.memref_squeeze %dma_start3A_425 : memref<1x64x128xf32, #tpu.memory_space<hbm>> -> memref<64x128xf32, #tpu.memory_space<hbm>>
    %dma_start3A_427 = arith.constant 8000 : i32
    %dma_start3A_428 = tpu.memref_slice %arg3[%select_n3A, %dma_start3A_427, %mul3A_32] : memref<2x8192x2048xf32, #tpu.memory_space<hbm>> -> memref<1x64x128xf32, #tpu.memory_space<hbm>>
    %dma_start3A_429 = tpu.memref_squeeze %dma_start3A_428 : memref<1x64x128xf32, #tpu.memory_space<hbm>> -> memref<64x128xf32, #tpu.memory_space<hbm>>
    %dma_start3A_430 = arith.constant 0 : i32
    %dma_start3A_431 = arith.constant 0 : i32
    %dma_start3A_432 = tpu.memref_slice %arg4[%dma_start3A_419, %dma_start3A_430, %dma_start3A_431] : memref<4x64x128xf32, #tpu.memory_space<vmem>> -> memref<1x64x128xf32, #tpu.memory_space<vmem>>
    %dma_start3A_433 = tpu.memref_squeeze %dma_start3A_432 : memref<1x64x128xf32, #tpu.memory_space<vmem>> -> memref<64x128xf32, #tpu.memory_space<vmem>>
    tpu.enqueue_dma source(%dma_start3A_433 : memref<64x128xf32, #tpu.memory_space<vmem>>) target(%dma_start3A_429 : memref<64x128xf32, #tpu.memory_space<hbm>>) target_semaphore(%arg10 : memref<!tpu.dma_semaphore, #tpu.memory_space<semaphore_mem>>)
    %dma_wait3A_434 = arith.constant 2 : i32
    %dma_wait3A_435 = arith.constant 0 : i32
    %dma_wait3A_436 = arith.constant 0 : i32
    %dma_wait3A_437 = tpu.memref_slice %arg4[%dma_wait3A_434, %dma_wait3A_435, %dma_wait3A_436] : memref<4x64x128xf32, #tpu.memory_space<vmem>> -> memref<1x64x128xf32, #tpu.memory_space<vmem>>
    %dma_wait3A_438 = tpu.memref_squeeze %dma_wait3A_437 : memref<1x64x128xf32, #tpu.memory_space<vmem>> -> memref<64x128xf32, #tpu.memory_space<vmem>>
    %dma_wait3A_439 = arith.constant 8064 : i32
    %dma_wait3A_440 = tpu.memref_slice %arg2[%select_n3A, %dma_wait3A_439, %mul3A_32] : memref<2x8192x2048xf32, #tpu.memory_space<hbm>> -> memref<1x64x128xf32, #tpu.memory_space<hbm>>
    %dma_wait3A_441 = tpu.memref_squeeze %dma_wait3A_440 : memref<1x64x128xf32, #tpu.memory_space<hbm>> -> memref<64x128xf32, #tpu.memory_space<hbm>>
    %dma_wait3A_442 = arith.constant 0 : i32
    %dma_wait3A_443 = arith.constant 0 : i32
    %dma_wait3A_444 = tpu.memref_slice %arg4[%dma_wait3A_434, %dma_wait3A_442, %dma_wait3A_443] : memref<4x64x128xf32, #tpu.memory_space<vmem>> -> memref<1x64x128xf32, #tpu.memory_space<vmem>>
    %dma_wait3A_445 = tpu.memref_squeeze %dma_wait3A_444 : memref<1x64x128xf32, #tpu.memory_space<vmem>> -> memref<64x128xf32, #tpu.memory_space<vmem>>
    %dma_wait3A_446 = arith.constant 8064 : i32
    %dma_wait3A_447 = tpu.memref_slice %arg2[%select_n3A, %dma_wait3A_446, %mul3A_32] : memref<2x8192x2048xf32, #tpu.memory_space<hbm>> -> memref<1x64x128xf32, #tpu.memory_space<hbm>>
    %dma_wait3A_448 = tpu.memref_squeeze %dma_wait3A_447 : memref<1x64x128xf32, #tpu.memory_space<hbm>> -> memref<64x128xf32, #tpu.memory_space<hbm>>
    tpu.wait_dma2 semaphore(%arg7 : memref<!tpu.dma_semaphore, #tpu.memory_space<semaphore_mem>>) src(%dma_wait3A_448 : memref<64x128xf32, #tpu.memory_space<hbm>>) dst(%dma_wait3A_445 : memref<64x128xf32, #tpu.memory_space<vmem>>)
    %parallel_loop3A_449 = arith.constant 0 : i32
    %parallel_loop3A_450 = arith.constant 64 : i32
    %parallel_loop3A_451 = arith.constant 1 : i32
    %parallel_loop3A_452:8 = scf.for %parallel_loop3A_562 = %parallel_loop3A_449 to %parallel_loop3A_450 step %parallel_loop3A_451 iter_args(%parallel_loop3A_563 = %parallel_loop3A_418#0, %parallel_loop3A_564 = %parallel_loop3A_418#1, %parallel_loop3A_565 = %parallel_loop3A_418#2, %parallel_loop3A_566 = %parallel_loop3A_418#3, %parallel_loop3A_567 = %parallel_loop3A_418#4, %parallel_loop3A_568 = %parallel_loop3A_418#5, %parallel_loop3A_569 = %parallel_loop3A_418#6, %parallel_loop3A_570 = %parallel_loop3A_418#7) -> (vector<16xf32>, vector<16xf32>, vector<16xf32>, vector<16xf32>, vector<16xf32>, vector<16xf32>, vector<16xf32>, vector<16xf32>)  : i32 {
      %parallel_loop3A_571 = arith.constant 2 : i32
      %parallel_loop3A_572 = arith.index_cast %parallel_loop3A_571 : i32 to index
      %parallel_loop3A_573 = arith.index_cast %parallel_loop3A_562 : i32 to index
      %parallel_loop3A_574 = arith.constant 0 : index
      %parallel_loop3A_575 = tpu.vector_load %arg4[%parallel_loop3A_572, %parallel_loop3A_573, %parallel_loop3A_574] {strides = array<i32>} : memref<4x64x128xf32, #tpu.memory_space<vmem>>, vector<16xf32>,
      %parallel_loop3A_576 = arith.constant 2 : i32
      %parallel_loop3A_577 = arith.index_cast %parallel_loop3A_576 : i32 to index
      %parallel_loop3A_578 = arith.index_cast %parallel_loop3A_562 : i32 to index
      %parallel_loop3A_579 = arith.constant 0 : index
      %parallel_loop3A_580 = tpu.vector_load %arg4[%parallel_loop3A_577, %parallel_loop3A_578, %parallel_loop3A_579] {strides = array<i32>} : memref<4x64x128xf32, #tpu.memory_space<vmem>>, vector<16xf32>,
      tpu.vector_store %arg4[%parallel_loop3A_577, %parallel_loop3A_578, %parallel_loop3A_579], %parallel_loop3A_563 {strides = array<i32>} : memref<4x64x128xf32, #tpu.memory_space<vmem>>, vector<16xf32>,
      %parallel_loop3A_581 = arith.addf %parallel_loop3A_563, %parallel_loop3A_575 : vector<16xf32>
      %parallel_loop3A_582 = arith.constant 2 : i32
      %parallel_loop3A_583 = arith.index_cast %parallel_loop3A_582 : i32 to index
      %parallel_loop3A_584 = arith.index_cast %parallel_loop3A_562 : i32 to index
      %parallel_loop3A_585 = arith.constant 16 : index
      %parallel_loop3A_586 = tpu.vector_load %arg4[%parallel_loop3A_583, %parallel_loop3A_584, %parallel_loop3A_585] {strides = array<i32>} : memref<4x64x128xf32, #tpu.memory_space<vmem>>, vector<16xf32>,
      %parallel_loop3A_587 = arith.constant 2 : i32
      %parallel_loop3A_588 = arith.index_cast %parallel_loop3A_587 : i32 to index
      %parallel_loop3A_589 = arith.index_cast %parallel_loop3A_562 : i32 to index
      %parallel_loop3A_590 = arith.constant 16 : index
      %parallel_loop3A_591 = tpu.vector_load %arg4[%parallel_loop3A_588, %parallel_loop3A_589, %parallel_loop3A_590] {strides = array<i32>} : memref<4x64x128xf32, #tpu.memory_space<vmem>>, vector<16xf32>,
      tpu.vector_store %arg4[%parallel_loop3A_588, %parallel_loop3A_589, %parallel_loop3A_590], %parallel_loop3A_564 {strides = array<i32>} : memref<4x64x128xf32, #tpu.memory_space<vmem>>, vector<16xf32>,
      %parallel_loop3A_592 = arith.addf %parallel_loop3A_564, %parallel_loop3A_586 : vector<16xf32>
      %parallel_loop3A_593 = arith.constant 2 : i32
      %parallel_loop3A_594 = arith.index_cast %parallel_loop3A_593 : i32 to index
      %parallel_loop3A_595 = arith.index_cast %parallel_loop3A_562 : i32 to index
      %parallel_loop3A_596 = arith.constant 32 : index
      %parallel_loop3A_597 = tpu.vector_load %arg4[%parallel_loop3A_594, %parallel_loop3A_595, %parallel_loop3A_596] {strides = array<i32>} : memref<4x64x128xf32, #tpu.memory_space<vmem>>, vector<16xf32>,
      %parallel_loop3A_598 = arith.constant 2 : i32
      %parallel_loop3A_599 = arith.index_cast %parallel_loop3A_598 : i32 to index
      %parallel_loop3A_600 = arith.index_cast %parallel_loop3A_562 : i32 to index
      %parallel_loop3A_601 = arith.constant 32 : index
      %parallel_loop3A_602 = tpu.vector_load %arg4[%parallel_loop3A_599, %parallel_loop3A_600, %parallel_loop3A_601] {strides = array<i32>} : memref<4x64x128xf32, #tpu.memory_space<vmem>>, vector<16xf32>,
      tpu.vector_store %arg4[%parallel_loop3A_599, %parallel_loop3A_600, %parallel_loop3A_601], %parallel_loop3A_565 {strides = array<i32>} : memref<4x64x128xf32, #tpu.memory_space<vmem>>, vector<16xf32>,
      %parallel_loop3A_603 = arith.addf %parallel_loop3A_565, %parallel_loop3A_597 : vector<16xf32>
      %parallel_loop3A_604 = arith.constant 2 : i32
      %parallel_loop3A_605 = arith.index_cast %parallel_loop3A_604 : i32 to index
      %parallel_loop3A_606 = arith.index_cast %parallel_loop3A_562 : i32 to index
      %parallel_loop3A_607 = arith.constant 48 : index
      %parallel_loop3A_608 = tpu.vector_load %arg4[%parallel_loop3A_605, %parallel_loop3A_606, %parallel_loop3A_607] {strides = array<i32>} : memref<4x64x128xf32, #tpu.memory_space<vmem>>, vector<16xf32>,
      %parallel_loop3A_609 = arith.constant 2 : i32
      %parallel_loop3A_610 = arith.index_cast %parallel_loop3A_609 : i32 to index
      %parallel_loop3A_611 = arith.index_cast %parallel_loop3A_562 : i32 to index
      %parallel_loop3A_612 = arith.constant 48 : index
      %parallel_loop3A_613 = tpu.vector_load %arg4[%parallel_loop3A_610, %parallel_loop3A_611, %parallel_loop3A_612] {strides = array<i32>} : memref<4x64x128xf32, #tpu.memory_space<vmem>>, vector<16xf32>,
      tpu.vector_store %arg4[%parallel_loop3A_610, %parallel_loop3A_611, %parallel_loop3A_612], %parallel_loop3A_566 {strides = array<i32>} : memref<4x64x128xf32, #tpu.memory_space<vmem>>, vector<16xf32>,
      %parallel_loop3A_614 = arith.addf %parallel_loop3A_566, %parallel_loop3A_608 : vector<16xf32>
      %parallel_loop3A_615 = arith.constant 2 : i32
      %parallel_loop3A_616 = arith.index_cast %parallel_loop3A_615 : i32 to index
      %parallel_loop3A_617 = arith.index_cast %parallel_loop3A_562 : i32 to index
      %parallel_loop3A_618 = arith.constant 64 : index
      %parallel_loop3A_619 = tpu.vector_load %arg4[%parallel_loop3A_616, %parallel_loop3A_617, %parallel_loop3A_618] {strides = array<i32>} : memref<4x64x128xf32, #tpu.memory_space<vmem>>, vector<16xf32>,
      %parallel_loop3A_620 = arith.constant 2 : i32
      %parallel_loop3A_621 = arith.index_cast %parallel_loop3A_620 : i32 to index
      %parallel_loop3A_622 = arith.index_cast %parallel_loop3A_562 : i32 to index
      %parallel_loop3A_623 = arith.constant 64 : index
      %parallel_loop3A_624 = tpu.vector_load %arg4[%parallel_loop3A_621, %parallel_loop3A_622, %parallel_loop3A_623] {strides = array<i32>} : memref<4x64x128xf32, #tpu.memory_space<vmem>>, vector<16xf32>,
      tpu.vector_store %arg4[%parallel_loop3A_621, %parallel_loop3A_622, %parallel_loop3A_623], %parallel_loop3A_567 {strides = array<i32>} : memref<4x64x128xf32, #tpu.memory_space<vmem>>, vector<16xf32>,
      %parallel_loop3A_625 = arith.addf %parallel_loop3A_567, %parallel_loop3A_619 : vector<16xf32>
      %parallel_loop3A_626 = arith.constant 2 : i32
      %parallel_loop3A_627 = arith.index_cast %parallel_loop3A_626 : i32 to index
      %parallel_loop3A_628 = arith.index_cast %parallel_loop3A_562 : i32 to index
      %parallel_loop3A_629 = arith.constant 80 : index
      %parallel_loop3A_630 = tpu.vector_load %arg4[%parallel_loop3A_627, %parallel_loop3A_628, %parallel_loop3A_629] {strides = array<i32>} : memref<4x64x128xf32, #tpu.memory_space<vmem>>, vector<16xf32>,
      %parallel_loop3A_631 = arith.constant 2 : i32
      %parallel_loop3A_632 = arith.index_cast %parallel_loop3A_631 : i32 to index
      %parallel_loop3A_633 = arith.index_cast %parallel_loop3A_562 : i32 to index
      %parallel_loop3A_634 = arith.constant 80 : index
      %parallel_loop3A_635 = tpu.vector_load %arg4[%parallel_loop3A_632, %parallel_loop3A_633, %parallel_loop3A_634] {strides = array<i32>} : memref<4x64x128xf32, #tpu.memory_space<vmem>>, vector<16xf32>,
      tpu.vector_store %arg4[%parallel_loop3A_632, %parallel_loop3A_633, %parallel_loop3A_634], %parallel_loop3A_568 {strides = array<i32>} : memref<4x64x128xf32, #tpu.memory_space<vmem>>, vector<16xf32>,
      %parallel_loop3A_636 = arith.addf %parallel_loop3A_568, %parallel_loop3A_630 : vector<16xf32>
      %parallel_loop3A_637 = arith.constant 2 : i32
      %parallel_loop3A_638 = arith.index_cast %parallel_loop3A_637 : i32 to index
      %parallel_loop3A_639 = arith.index_cast %parallel_loop3A_562 : i32 to index
      %parallel_loop3A_640 = arith.constant 96 : index
      %parallel_loop3A_641 = tpu.vector_load %arg4[%parallel_loop3A_638, %parallel_loop3A_639, %parallel_loop3A_640] {strides = array<i32>} : memref<4x64x128xf32, #tpu.memory_space<vmem>>, vector<16xf32>,
      %parallel_loop3A_642 = arith.constant 2 : i32
      %parallel_loop3A_643 = arith.index_cast %parallel_loop3A_642 : i32 to index
      %parallel_loop3A_644 = arith.index_cast %parallel_loop3A_562 : i32 to index
      %parallel_loop3A_645 = arith.constant 96 : index
      %parallel_loop3A_646 = tpu.vector_load %arg4[%parallel_loop3A_643, %parallel_loop3A_644, %parallel_loop3A_645] {strides = array<i32>} : memref<4x64x128xf32, #tpu.memory_space<vmem>>, vector<16xf32>,
      tpu.vector_store %arg4[%parallel_loop3A_643, %parallel_loop3A_644, %parallel_loop3A_645], %parallel_loop3A_569 {strides = array<i32>} : memref<4x64x128xf32, #tpu.memory_space<vmem>>, vector<16xf32>,
      %parallel_loop3A_647 = arith.addf %parallel_loop3A_569, %parallel_loop3A_641 : vector<16xf32>
      %parallel_loop3A_648 = arith.constant 2 : i32
      %parallel_loop3A_649 = arith.index_cast %parallel_loop3A_648 : i32 to index
      %parallel_loop3A_650 = arith.index_cast %parallel_loop3A_562 : i32 to index
      %parallel_loop3A_651 = arith.constant 112 : index
      %parallel_loop3A_652 = tpu.vector_load %arg4[%parallel_loop3A_649, %parallel_loop3A_650, %parallel_loop3A_651] {strides = array<i32>} : memref<4x64x128xf32, #tpu.memory_space<vmem>>, vector<16xf32>,
      %parallel_loop3A_653 = arith.constant 2 : i32
      %parallel_loop3A_654 = arith.index_cast %parallel_loop3A_653 : i32 to index
      %parallel_loop3A_655 = arith.index_cast %parallel_loop3A_562 : i32 to index
      %parallel_loop3A_656 = arith.constant 112 : index
      %parallel_loop3A_657 = tpu.vector_load %arg4[%parallel_loop3A_654, %parallel_loop3A_655, %parallel_loop3A_656] {strides = array<i32>} : memref<4x64x128xf32, #tpu.memory_space<vmem>>, vector<16xf32>,
      tpu.vector_store %arg4[%parallel_loop3A_654, %parallel_loop3A_655, %parallel_loop3A_656], %parallel_loop3A_570 {strides = array<i32>} : memref<4x64x128xf32, #tpu.memory_space<vmem>>, vector<16xf32>,
      %parallel_loop3A_658 = arith.addf %parallel_loop3A_570, %parallel_loop3A_652 : vector<16xf32>
      scf.yield %parallel_loop3A_581, %parallel_loop3A_592, %parallel_loop3A_603, %parallel_loop3A_614, %parallel_loop3A_625, %parallel_loop3A_636, %parallel_loop3A_647, %parallel_loop3A_658 : vector<16xf32>, vector<16xf32>, vector<16xf32>, vector<16xf32>, vector<16xf32>, vector<16xf32>, vector<16xf32>, vector<16xf32>
    } {sc.loop_unroll_factor = 16 : i64, sc.parallel_access}
    %dma_start3A_453 = arith.constant 2 : i32
    %dma_start3A_454 = arith.constant 0 : i32
    %dma_start3A_455 = arith.constant 0 : i32
    %dma_start3A_456 = tpu.memref_slice %arg4[%dma_start3A_453, %dma_start3A_454, %dma_start3A_455] : memref<4x64x128xf32, #tpu.memory_space<vmem>> -> memref<1x64x128xf32, #tpu.memory_space<vmem>>
    %dma_start3A_457 = tpu.memref_squeeze %dma_start3A_456 : memref<1x64x128xf32, #tpu.memory_space<vmem>> -> memref<64x128xf32, #tpu.memory_space<vmem>>
    %dma_start3A_458 = arith.constant 8064 : i32
    %dma_start3A_459 = tpu.memref_slice %arg3[%select_n3A, %dma_start3A_458, %mul3A_32] : memref<2x8192x2048xf32, #tpu.memory_space<hbm>> -> memref<1x64x128xf32, #tpu.memory_space<hbm>>
    %dma_start3A_460 = tpu.memref_squeeze %dma_start3A_459 : memref<1x64x128xf32, #tpu.memory_space<hbm>> -> memref<64x128xf32, #tpu.memory_space<hbm>>
    %dma_start3A_461 = arith.constant 8064 : i32
    %dma_start3A_462 = tpu.memref_slice %arg3[%select_n3A, %dma_start3A_461, %mul3A_32] : memref<2x8192x2048xf32, #tpu.memory_space<hbm>> -> memref<1x64x128xf32, #tpu.memory_space<hbm>>
    %dma_start3A_463 = tpu.memref_squeeze %dma_start3A_462 : memref<1x64x128xf32, #tpu.memory_space<hbm>> -> memref<64x128xf32, #tpu.memory_space<hbm>>
    %dma_start3A_464 = arith.constant 0 : i32
    %dma_start3A_465 = arith.constant 0 : i32
    %dma_start3A_466 = tpu.memref_slice %arg4[%dma_start3A_453, %dma_start3A_464, %dma_start3A_465] : memref<4x64x128xf32, #tpu.memory_space<vmem>> -> memref<1x64x128xf32, #tpu.memory_space<vmem>>
    %dma_start3A_467 = tpu.memref_squeeze %dma_start3A_466 : memref<1x64x128xf32, #tpu.memory_space<vmem>> -> memref<64x128xf32, #tpu.memory_space<vmem>>
    tpu.enqueue_dma source(%dma_start3A_467 : memref<64x128xf32, #tpu.memory_space<vmem>>) target(%dma_start3A_463 : memref<64x128xf32, #tpu.memory_space<hbm>>) target_semaphore(%arg11 : memref<!tpu.dma_semaphore, #tpu.memory_space<semaphore_mem>>)
    %dma_wait3A_468 = arith.constant 3 : i32
    %dma_wait3A_469 = arith.constant 0 : i32
    %dma_wait3A_470 = arith.constant 0 : i32
    %dma_wait3A_471 = tpu.memref_slice %arg4[%dma_wait3A_468, %dma_wait3A_469, %dma_wait3A_470] : memref<4x64x128xf32, #tpu.memory_space<vmem>> -> memref<1x64x128xf32, #tpu.memory_space<vmem>>
    %dma_wait3A_472 = tpu.memref_squeeze %dma_wait3A_471 : memref<1x64x128xf32, #tpu.memory_space<vmem>> -> memref<64x128xf32, #tpu.memory_space<vmem>>
    %dma_wait3A_473 = arith.constant 8128 : i32
    %dma_wait3A_474 = tpu.memref_slice %arg2[%select_n3A, %dma_wait3A_473, %mul3A_32] : memref<2x8192x2048xf32, #tpu.memory_space<hbm>> -> memref<1x64x128xf32, #tpu.memory_space<hbm>>
    %dma_wait3A_475 = tpu.memref_squeeze %dma_wait3A_474 : memref<1x64x128xf32, #tpu.memory_space<hbm>> -> memref<64x128xf32, #tpu.memory_space<hbm>>
    %dma_wait3A_476 = arith.constant 0 : i32
    %dma_wait3A_477 = arith.constant 0 : i32
    %dma_wait3A_478 = tpu.memref_slice %arg4[%dma_wait3A_468, %dma_wait3A_476, %dma_wait3A_477] : memref<4x64x128xf32, #tpu.memory_space<vmem>> -> memref<1x64x128xf32, #tpu.memory_space<vmem>>
    %dma_wait3A_479 = tpu.memref_squeeze %dma_wait3A_478 : memref<1x64x128xf32, #tpu.memory_space<vmem>> -> memref<64x128xf32, #tpu.memory_space<vmem>>
    %dma_wait3A_480 = arith.constant 8128 : i32
    %dma_wait3A_481 = tpu.memref_slice %arg2[%select_n3A, %dma_wait3A_480, %mul3A_32] : memref<2x8192x2048xf32, #tpu.memory_space<hbm>> -> memref<1x64x128xf32, #tpu.memory_space<hbm>>
    %dma_wait3A_482 = tpu.memref_squeeze %dma_wait3A_481 : memref<1x64x128xf32, #tpu.memory_space<hbm>> -> memref<64x128xf32, #tpu.memory_space<hbm>>
    tpu.wait_dma2 semaphore(%arg8 : memref<!tpu.dma_semaphore, #tpu.memory_space<semaphore_mem>>) src(%dma_wait3A_482 : memref<64x128xf32, #tpu.memory_space<hbm>>) dst(%dma_wait3A_479 : memref<64x128xf32, #tpu.memory_space<vmem>>)
    %parallel_loop3A_483 = arith.constant 0 : i32
    %parallel_loop3A_484 = arith.constant 64 : i32
    %parallel_loop3A_485 = arith.constant 1 : i32
    %parallel_loop3A_486:8 = scf.for %parallel_loop3A_562 = %parallel_loop3A_483 to %parallel_loop3A_484 step %parallel_loop3A_485 iter_args(%parallel_loop3A_563 = %parallel_loop3A_452#0, %parallel_loop3A_564 = %parallel_loop3A_452#1, %parallel_loop3A_565 = %parallel_loop3A_452#2, %parallel_loop3A_566 = %parallel_loop3A_452#3, %parallel_loop3A_567 = %parallel_loop3A_452#4, %parallel_loop3A_568 = %parallel_loop3A_452#5, %parallel_loop3A_569 = %parallel_loop3A_452#6, %parallel_loop3A_570 = %parallel_loop3A_452#7) -> (vector<16xf32>, vector<16xf32>, vector<16xf32>, vector<16xf32>, vector<16xf32>, vector<16xf32>, vector<16xf32>, vector<16xf32>)  : i32 {
      %parallel_loop3A_571 = arith.constant 3 : i32
      %parallel_loop3A_572 = arith.index_cast %parallel_loop3A_571 : i32 to index
      %parallel_loop3A_573 = arith.index_cast %parallel_loop3A_562 : i32 to index
      %parallel_loop3A_574 = arith.constant 0 : index
      %parallel_loop3A_575 = tpu.vector_load %arg4[%parallel_loop3A_572, %parallel_loop3A_573, %parallel_loop3A_574] {strides = array<i32>} : memref<4x64x128xf32, #tpu.memory_space<vmem>>, vector<16xf32>,
      %parallel_loop3A_576 = arith.constant 3 : i32
      %parallel_loop3A_577 = arith.index_cast %parallel_loop3A_576 : i32 to index
      %parallel_loop3A_578 = arith.index_cast %parallel_loop3A_562 : i32 to index
      %parallel_loop3A_579 = arith.constant 0 : index
      %parallel_loop3A_580 = tpu.vector_load %arg4[%parallel_loop3A_577, %parallel_loop3A_578, %parallel_loop3A_579] {strides = array<i32>} : memref<4x64x128xf32, #tpu.memory_space<vmem>>, vector<16xf32>,
      tpu.vector_store %arg4[%parallel_loop3A_577, %parallel_loop3A_578, %parallel_loop3A_579], %parallel_loop3A_563 {strides = array<i32>} : memref<4x64x128xf32, #tpu.memory_space<vmem>>, vector<16xf32>,
      %parallel_loop3A_581 = arith.addf %parallel_loop3A_563, %parallel_loop3A_575 : vector<16xf32>
      %parallel_loop3A_582 = arith.constant 3 : i32
      %parallel_loop3A_583 = arith.index_cast %parallel_loop3A_582 : i32 to index
      %parallel_loop3A_584 = arith.index_cast %parallel_loop3A_562 : i32 to index
      %parallel_loop3A_585 = arith.constant 16 : index
      %parallel_loop3A_586 = tpu.vector_load %arg4[%parallel_loop3A_583, %parallel_loop3A_584, %parallel_loop3A_585] {strides = array<i32>} : memref<4x64x128xf32, #tpu.memory_space<vmem>>, vector<16xf32>,
      %parallel_loop3A_587 = arith.constant 3 : i32
      %parallel_loop3A_588 = arith.index_cast %parallel_loop3A_587 : i32 to index
      %parallel_loop3A_589 = arith.index_cast %parallel_loop3A_562 : i32 to index
      %parallel_loop3A_590 = arith.constant 16 : index
      %parallel_loop3A_591 = tpu.vector_load %arg4[%parallel_loop3A_588, %parallel_loop3A_589, %parallel_loop3A_590] {strides = array<i32>} : memref<4x64x128xf32, #tpu.memory_space<vmem>>, vector<16xf32>,
      tpu.vector_store %arg4[%parallel_loop3A_588, %parallel_loop3A_589, %parallel_loop3A_590], %parallel_loop3A_564 {strides = array<i32>} : memref<4x64x128xf32, #tpu.memory_space<vmem>>, vector<16xf32>,
      %parallel_loop3A_592 = arith.addf %parallel_loop3A_564, %parallel_loop3A_586 : vector<16xf32>
      %parallel_loop3A_593 = arith.constant 3 : i32
      %parallel_loop3A_594 = arith.index_cast %parallel_loop3A_593 : i32 to index
      %parallel_loop3A_595 = arith.index_cast %parallel_loop3A_562 : i32 to index
      %parallel_loop3A_596 = arith.constant 32 : index
      %parallel_loop3A_597 = tpu.vector_load %arg4[%parallel_loop3A_594, %parallel_loop3A_595, %parallel_loop3A_596] {strides = array<i32>} : memref<4x64x128xf32, #tpu.memory_space<vmem>>, vector<16xf32>,
      %parallel_loop3A_598 = arith.constant 3 : i32
      %parallel_loop3A_599 = arith.index_cast %parallel_loop3A_598 : i32 to index
      %parallel_loop3A_600 = arith.index_cast %parallel_loop3A_562 : i32 to index
      %parallel_loop3A_601 = arith.constant 32 : index
      %parallel_loop3A_602 = tpu.vector_load %arg4[%parallel_loop3A_599, %parallel_loop3A_600, %parallel_loop3A_601] {strides = array<i32>} : memref<4x64x128xf32, #tpu.memory_space<vmem>>, vector<16xf32>,
      tpu.vector_store %arg4[%parallel_loop3A_599, %parallel_loop3A_600, %parallel_loop3A_601], %parallel_loop3A_565 {strides = array<i32>} : memref<4x64x128xf32, #tpu.memory_space<vmem>>, vector<16xf32>,
      %parallel_loop3A_603 = arith.addf %parallel_loop3A_565, %parallel_loop3A_597 : vector<16xf32>
      %parallel_loop3A_604 = arith.constant 3 : i32
      %parallel_loop3A_605 = arith.index_cast %parallel_loop3A_604 : i32 to index
      %parallel_loop3A_606 = arith.index_cast %parallel_loop3A_562 : i32 to index
      %parallel_loop3A_607 = arith.constant 48 : index
      %parallel_loop3A_608 = tpu.vector_load %arg4[%parallel_loop3A_605, %parallel_loop3A_606, %parallel_loop3A_607] {strides = array<i32>} : memref<4x64x128xf32, #tpu.memory_space<vmem>>, vector<16xf32>,
      %parallel_loop3A_609 = arith.constant 3 : i32
      %parallel_loop3A_610 = arith.index_cast %parallel_loop3A_609 : i32 to index
      %parallel_loop3A_611 = arith.index_cast %parallel_loop3A_562 : i32 to index
      %parallel_loop3A_612 = arith.constant 48 : index
      %parallel_loop3A_613 = tpu.vector_load %arg4[%parallel_loop3A_610, %parallel_loop3A_611, %parallel_loop3A_612] {strides = array<i32>} : memref<4x64x128xf32, #tpu.memory_space<vmem>>, vector<16xf32>,
      tpu.vector_store %arg4[%parallel_loop3A_610, %parallel_loop3A_611, %parallel_loop3A_612], %parallel_loop3A_566 {strides = array<i32>} : memref<4x64x128xf32, #tpu.memory_space<vmem>>, vector<16xf32>,
      %parallel_loop3A_614 = arith.addf %parallel_loop3A_566, %parallel_loop3A_608 : vector<16xf32>
      %parallel_loop3A_615 = arith.constant 3 : i32
      %parallel_loop3A_616 = arith.index_cast %parallel_loop3A_615 : i32 to index
      %parallel_loop3A_617 = arith.index_cast %parallel_loop3A_562 : i32 to index
      %parallel_loop3A_618 = arith.constant 64 : index
      %parallel_loop3A_619 = tpu.vector_load %arg4[%parallel_loop3A_616, %parallel_loop3A_617, %parallel_loop3A_618] {strides = array<i32>} : memref<4x64x128xf32, #tpu.memory_space<vmem>>, vector<16xf32>,
      %parallel_loop3A_620 = arith.constant 3 : i32
      %parallel_loop3A_621 = arith.index_cast %parallel_loop3A_620 : i32 to index
      %parallel_loop3A_622 = arith.index_cast %parallel_loop3A_562 : i32 to index
      %parallel_loop3A_623 = arith.constant 64 : index
      %parallel_loop3A_624 = tpu.vector_load %arg4[%parallel_loop3A_621, %parallel_loop3A_622, %parallel_loop3A_623] {strides = array<i32>} : memref<4x64x128xf32, #tpu.memory_space<vmem>>, vector<16xf32>,
      tpu.vector_store %arg4[%parallel_loop3A_621, %parallel_loop3A_622, %parallel_loop3A_623], %parallel_loop3A_567 {strides = array<i32>} : memref<4x64x128xf32, #tpu.memory_space<vmem>>, vector<16xf32>,
      %parallel_loop3A_625 = arith.addf %parallel_loop3A_567, %parallel_loop3A_619 : vector<16xf32>
      %parallel_loop3A_626 = arith.constant 3 : i32
      %parallel_loop3A_627 = arith.index_cast %parallel_loop3A_626 : i32 to index
      %parallel_loop3A_628 = arith.index_cast %parallel_loop3A_562 : i32 to index
      %parallel_loop3A_629 = arith.constant 80 : index
      %parallel_loop3A_630 = tpu.vector_load %arg4[%parallel_loop3A_627, %parallel_loop3A_628, %parallel_loop3A_629] {strides = array<i32>} : memref<4x64x128xf32, #tpu.memory_space<vmem>>, vector<16xf32>,
      %parallel_loop3A_631 = arith.constant 3 : i32
      %parallel_loop3A_632 = arith.index_cast %parallel_loop3A_631 : i32 to index
      %parallel_loop3A_633 = arith.index_cast %parallel_loop3A_562 : i32 to index
      %parallel_loop3A_634 = arith.constant 80 : index
      %parallel_loop3A_635 = tpu.vector_load %arg4[%parallel_loop3A_632, %parallel_loop3A_633, %parallel_loop3A_634] {strides = array<i32>} : memref<4x64x128xf32, #tpu.memory_space<vmem>>, vector<16xf32>,
      tpu.vector_store %arg4[%parallel_loop3A_632, %parallel_loop3A_633, %parallel_loop3A_634], %parallel_loop3A_568 {strides = array<i32>} : memref<4x64x128xf32, #tpu.memory_space<vmem>>, vector<16xf32>,
      %parallel_loop3A_636 = arith.addf %parallel_loop3A_568, %parallel_loop3A_630 : vector<16xf32>
      %parallel_loop3A_637 = arith.constant 3 : i32
      %parallel_loop3A_638 = arith.index_cast %parallel_loop3A_637 : i32 to index
      %parallel_loop3A_639 = arith.index_cast %parallel_loop3A_562 : i32 to index
      %parallel_loop3A_640 = arith.constant 96 : index
      %parallel_loop3A_641 = tpu.vector_load %arg4[%parallel_loop3A_638, %parallel_loop3A_639, %parallel_loop3A_640] {strides = array<i32>} : memref<4x64x128xf32, #tpu.memory_space<vmem>>, vector<16xf32>,
      %parallel_loop3A_642 = arith.constant 3 : i32
      %parallel_loop3A_643 = arith.index_cast %parallel_loop3A_642 : i32 to index
      %parallel_loop3A_644 = arith.index_cast %parallel_loop3A_562 : i32 to index
      %parallel_loop3A_645 = arith.constant 96 : index
      %parallel_loop3A_646 = tpu.vector_load %arg4[%parallel_loop3A_643, %parallel_loop3A_644, %parallel_loop3A_645] {strides = array<i32>} : memref<4x64x128xf32, #tpu.memory_space<vmem>>, vector<16xf32>,
      tpu.vector_store %arg4[%parallel_loop3A_643, %parallel_loop3A_644, %parallel_loop3A_645], %parallel_loop3A_569 {strides = array<i32>} : memref<4x64x128xf32, #tpu.memory_space<vmem>>, vector<16xf32>,
      %parallel_loop3A_647 = arith.addf %parallel_loop3A_569, %parallel_loop3A_641 : vector<16xf32>
      %parallel_loop3A_648 = arith.constant 3 : i32
      %parallel_loop3A_649 = arith.index_cast %parallel_loop3A_648 : i32 to index
      %parallel_loop3A_650 = arith.index_cast %parallel_loop3A_562 : i32 to index
      %parallel_loop3A_651 = arith.constant 112 : index
      %parallel_loop3A_652 = tpu.vector_load %arg4[%parallel_loop3A_649, %parallel_loop3A_650, %parallel_loop3A_651] {strides = array<i32>} : memref<4x64x128xf32, #tpu.memory_space<vmem>>, vector<16xf32>,
      %parallel_loop3A_653 = arith.constant 3 : i32
      %parallel_loop3A_654 = arith.index_cast %parallel_loop3A_653 : i32 to index
      %parallel_loop3A_655 = arith.index_cast %parallel_loop3A_562 : i32 to index
      %parallel_loop3A_656 = arith.constant 112 : index
      %parallel_loop3A_657 = tpu.vector_load %arg4[%parallel_loop3A_654, %parallel_loop3A_655, %parallel_loop3A_656] {strides = array<i32>} : memref<4x64x128xf32, #tpu.memory_space<vmem>>, vector<16xf32>,
      tpu.vector_store %arg4[%parallel_loop3A_654, %parallel_loop3A_655, %parallel_loop3A_656], %parallel_loop3A_570 {strides = array<i32>} : memref<4x64x128xf32, #tpu.memory_space<vmem>>, vector<16xf32>,
      %parallel_loop3A_658 = arith.addf %parallel_loop3A_570, %parallel_loop3A_652 : vector<16xf32>
      scf.yield %parallel_loop3A_581, %parallel_loop3A_592, %parallel_loop3A_603, %parallel_loop3A_614, %parallel_loop3A_625, %parallel_loop3A_636, %parallel_loop3A_647, %parallel_loop3A_658 : vector<16xf32>, vector<16xf32>, vector<16xf32>, vector<16xf32>, vector<16xf32>, vector<16xf32>, vector<16xf32>, vector<16xf32>
    } {sc.loop_unroll_factor = 16 : i64, sc.parallel_access}
    %dma_start3A_487 = arith.constant 3 : i32
    %dma_start3A_488 = arith.constant 0 : i32
    %dma_start3A_489 = arith.constant 0 : i32
    %dma_start3A_490 = tpu.memref_slice %arg4[%dma_start3A_487, %dma_start3A_488, %dma_start3A_489] : memref<4x64x128xf32, #tpu.memory_space<vmem>> -> memref<1x64x128xf32, #tpu.memory_space<vmem>>
    %dma_start3A_491 = tpu.memref_squeeze %dma_start3A_490 : memref<1x64x128xf32, #tpu.memory_space<vmem>> -> memref<64x128xf32, #tpu.memory_space<vmem>>
    %dma_start3A_492 = arith.constant 8128 : i32
    %dma_start3A_493 = tpu.memref_slice %arg3[%select_n3A, %dma_start3A_492, %mul3A_32] : memref<2x8192x2048xf32, #tpu.memory_space<hbm>> -> memref<1x64x128xf32, #tpu.memory_space<hbm>>
    %dma_start3A_494 = tpu.memref_squeeze %dma_start3A_493 : memref<1x64x128xf32, #tpu.memory_space<hbm>> -> memref<64x128xf32, #tpu.memory_space<hbm>>
    %dma_start3A_495 = arith.constant 8128 : i32
    %dma_start3A_496 = tpu.memref_slice %arg3[%select_n3A, %dma_start3A_495, %mul3A_32] : memref<2x8192x2048xf32, #tpu.memory_space<hbm>> -> memref<1x64x128xf32, #tpu.memory_space<hbm>>
    %dma_start3A_497 = tpu.memref_squeeze %dma_start3A_496 : memref<1x64x128xf32, #tpu.memory_space<hbm>> -> memref<64x128xf32, #tpu.memory_space<hbm>>
    %dma_start3A_498 = arith.constant 0 : i32
    %dma_start3A_499 = arith.constant 0 : i32
    %dma_start3A_500 = tpu.memref_slice %arg4[%dma_start3A_487, %dma_start3A_498, %dma_start3A_499] : memref<4x64x128xf32, #tpu.memory_space<vmem>> -> memref<1x64x128xf32, #tpu.memory_space<vmem>>
    %dma_start3A_501 = tpu.memref_squeeze %dma_start3A_500 : memref<1x64x128xf32, #tpu.memory_space<vmem>> -> memref<64x128xf32, #tpu.memory_space<vmem>>
    tpu.enqueue_dma source(%dma_start3A_501 : memref<64x128xf32, #tpu.memory_space<vmem>>) target(%dma_start3A_497 : memref<64x128xf32, #tpu.memory_space<hbm>>) target_semaphore(%arg12 : memref<!tpu.dma_semaphore, #tpu.memory_space<semaphore_mem>>)
    %dma_wait3A_502 = arith.constant 0 : i32
    %dma_wait3A_503 = arith.constant 0 : i32
    %dma_wait3A_504 = arith.constant 0 : i32
    %dma_wait3A_505 = tpu.memref_slice %arg4[%dma_wait3A_502, %dma_wait3A_503, %dma_wait3A_504] : memref<4x64x128xf32, #tpu.memory_space<vmem>> -> memref<1x64x128xf32, #tpu.memory_space<vmem>>
    %dma_wait3A_506 = tpu.memref_squeeze %dma_wait3A_505 : memref<1x64x128xf32, #tpu.memory_space<vmem>> -> memref<64x128xf32, #tpu.memory_space<vmem>>
    %dma_wait3A_507 = arith.constant 7936 : i32
    %dma_wait3A_508 = tpu.memref_slice %arg3[%select_n3A, %dma_wait3A_507, %mul3A_32] : memref<2x8192x2048xf32, #tpu.memory_space<hbm>> -> memref<1x64x128xf32, #tpu.memory_space<hbm>>
    %dma_wait3A_509 = tpu.memref_squeeze %dma_wait3A_508 : memref<1x64x128xf32, #tpu.memory_space<hbm>> -> memref<64x128xf32, #tpu.memory_space<hbm>>
    %dma_wait3A_510 = arith.constant 7936 : i32
    %dma_wait3A_511 = tpu.memref_slice %arg3[%select_n3A, %dma_wait3A_510, %mul3A_32] : memref<2x8192x2048xf32, #tpu.memory_space<hbm>> -> memref<1x64x128xf32, #tpu.memory_space<hbm>>
    %dma_wait3A_512 = tpu.memref_squeeze %dma_wait3A_511 : memref<1x64x128xf32, #tpu.memory_space<hbm>> -> memref<64x128xf32, #tpu.memory_space<hbm>>
    %dma_wait3A_513 = arith.constant 0 : i32
    %dma_wait3A_514 = arith.constant 0 : i32
    %dma_wait3A_515 = tpu.memref_slice %arg4[%dma_wait3A_502, %dma_wait3A_513, %dma_wait3A_514] : memref<4x64x128xf32, #tpu.memory_space<vmem>> -> memref<1x64x128xf32, #tpu.memory_space<vmem>>
    %dma_wait3A_516 = tpu.memref_squeeze %dma_wait3A_515 : memref<1x64x128xf32, #tpu.memory_space<vmem>> -> memref<64x128xf32, #tpu.memory_space<vmem>>
    tpu.wait_dma2 semaphore(%arg9 : memref<!tpu.dma_semaphore, #tpu.memory_space<semaphore_mem>>) src(%dma_wait3A_516 : memref<64x128xf32, #tpu.memory_space<vmem>>) dst(%dma_wait3A_512 : memref<64x128xf32, #tpu.memory_space<hbm>>)
    %dma_wait3A_517 = arith.constant 1 : i32
    %dma_wait3A_518 = arith.constant 0 : i32
    %dma_wait3A_519 = arith.constant 0 : i32
    %dma_wait3A_520 = tpu.memref_slice %arg4[%dma_wait3A_517, %dma_wait3A_518, %dma_wait3A_519] : memref<4x64x128xf32, #tpu.memory_space<vmem>> -> memref<1x64x128xf32, #tpu.memory_space<vmem>>
    %dma_wait3A_521 = tpu.memref_squeeze %dma_wait3A_520 : memref<1x64x128xf32, #tpu.memory_space<vmem>> -> memref<64x128xf32, #tpu.memory_space<vmem>>
    %dma_wait3A_522 = arith.constant 8000 : i32
    %dma_wait3A_523 = tpu.memref_slice %arg3[%select_n3A, %dma_wait3A_522, %mul3A_32] : memref<2x8192x2048xf32, #tpu.memory_space<hbm>> -> memref<1x64x128xf32, #tpu.memory_space<hbm>>
    %dma_wait3A_524 = tpu.memref_squeeze %dma_wait3A_523 : memref<1x64x128xf32, #tpu.memory_space<hbm>> -> memref<64x128xf32, #tpu.memory_space<hbm>>
    %dma_wait3A_525 = arith.constant 8000 : i32
    %dma_wait3A_526 = tpu.memref_slice %arg3[%select_n3A, %dma_wait3A_525, %mul3A_32] : memref<2x8192x2048xf32, #tpu.memory_space<hbm>> -> memref<1x64x128xf32, #tpu.memory_space<hbm>>
    %dma_wait3A_527 = tpu.memref_squeeze %dma_wait3A_526 : memref<1x64x128xf32, #tpu.memory_space<hbm>> -> memref<64x128xf32, #tpu.memory_space<hbm>>
    %dma_wait3A_528 = arith.constant 0 : i32
    %dma_wait3A_529 = arith.constant 0 : i32
    %dma_wait3A_530 = tpu.memref_slice %arg4[%dma_wait3A_517, %dma_wait3A_528, %dma_wait3A_529] : memref<4x64x128xf32, #tpu.memory_space<vmem>> -> memref<1x64x128xf32, #tpu.memory_space<vmem>>
    %dma_wait3A_531 = tpu.memref_squeeze %dma_wait3A_530 : memref<1x64x128xf32, #tpu.memory_space<vmem>> -> memref<64x128xf32, #tpu.memory_space<vmem>>
    tpu.wait_dma2 semaphore(%arg10 : memref<!tpu.dma_semaphore, #tpu.memory_space<semaphore_mem>>) src(%dma_wait3A_531 : memref<64x128xf32, #tpu.memory_space<vmem>>) dst(%dma_wait3A_527 : memref<64x128xf32, #tpu.memory_space<hbm>>)
    %dma_wait3A_532 = arith.constant 2 : i32
    %dma_wait3A_533 = arith.constant 0 : i32
    %dma_wait3A_534 = arith.constant 0 : i32
    %dma_wait3A_535 = tpu.memref_slice %arg4[%dma_wait3A_532, %dma_wait3A_533, %dma_wait3A_534] : memref<4x64x128xf32, #tpu.memory_space<vmem>> -> memref<1x64x128xf32, #tpu.memory_space<vmem>>
    %dma_wait3A_536 = tpu.memref_squeeze %dma_wait3A_535 : memref<1x64x128xf32, #tpu.memory_space<vmem>> -> memref<64x128xf32, #tpu.memory_space<vmem>>
    %dma_wait3A_537 = arith.constant 8064 : i32
    %dma_wait3A_538 = tpu.memref_slice %arg3[%select_n3A, %dma_wait3A_537, %mul3A_32] : memref<2x8192x2048xf32, #tpu.memory_space<hbm>> -> memref<1x64x128xf32, #tpu.memory_space<hbm>>
    %dma_wait3A_539 = tpu.memref_squeeze %dma_wait3A_538 : memref<1x64x128xf32, #tpu.memory_space<hbm>> -> memref<64x128xf32, #tpu.memory_space<hbm>>
    %dma_wait3A_540 = arith.constant 8064 : i32
    %dma_wait3A_541 = tpu.memref_slice %arg3[%select_n3A, %dma_wait3A_540, %mul3A_32] : memref<2x8192x2048xf32, #tpu.memory_space<hbm>> -> memref<1x64x128xf32, #tpu.memory_space<hbm>>
    %dma_wait3A_542 = tpu.memref_squeeze %dma_wait3A_541 : memref<1x64x128xf32, #tpu.memory_space<hbm>> -> memref<64x128xf32, #tpu.memory_space<hbm>>
    %dma_wait3A_543 = arith.constant 0 : i32
    %dma_wait3A_544 = arith.constant 0 : i32
    %dma_wait3A_545 = tpu.memref_slice %arg4[%dma_wait3A_532, %dma_wait3A_543, %dma_wait3A_544] : memref<4x64x128xf32, #tpu.memory_space<vmem>> -> memref<1x64x128xf32, #tpu.memory_space<vmem>>
    %dma_wait3A_546 = tpu.memref_squeeze %dma_wait3A_545 : memref<1x64x128xf32, #tpu.memory_space<vmem>> -> memref<64x128xf32, #tpu.memory_space<vmem>>
    tpu.wait_dma2 semaphore(%arg11 : memref<!tpu.dma_semaphore, #tpu.memory_space<semaphore_mem>>) src(%dma_wait3A_546 : memref<64x128xf32, #tpu.memory_space<vmem>>) dst(%dma_wait3A_542 : memref<64x128xf32, #tpu.memory_space<hbm>>)
    %dma_wait3A_547 = arith.constant 3 : i32
    %dma_wait3A_548 = arith.constant 0 : i32
    %dma_wait3A_549 = arith.constant 0 : i32
    %dma_wait3A_550 = tpu.memref_slice %arg4[%dma_wait3A_547, %dma_wait3A_548, %dma_wait3A_549] : memref<4x64x128xf32, #tpu.memory_space<vmem>> -> memref<1x64x128xf32, #tpu.memory_space<vmem>>
    %dma_wait3A_551 = tpu.memref_squeeze %dma_wait3A_550 : memref<1x64x128xf32, #tpu.memory_space<vmem>> -> memref<64x128xf32, #tpu.memory_space<vmem>>
    %dma_wait3A_552 = arith.constant 8128 : i32
    %dma_wait3A_553 = tpu.memref_slice %arg3[%select_n3A, %dma_wait3A_552, %mul3A_32] : memref<2x8192x2048xf32, #tpu.memory_space<hbm>> -> memref<1x64x128xf32, #tpu.memory_space<hbm>>
    %dma_wait3A_554 = tpu.memref_squeeze %dma_wait3A_553 : memref<1x64x128xf32, #tpu.memory_space<hbm>> -> memref<64x128xf32, #tpu.memory_space<hbm>>
    %dma_wait3A_555 = arith.constant 8128 : i32
    %dma_wait3A_556 = tpu.memref_slice %arg3[%select_n3A, %dma_wait3A_555, %mul3A_32] : memref<2x8192x2048xf32, #tpu.memory_space<hbm>> -> memref<1x64x128xf32, #tpu.memory_space<hbm>>
    %dma_wait3A_557 = tpu.memref_squeeze %dma_wait3A_556 : memref<1x64x128xf32, #tpu.memory_space<hbm>> -> memref<64x128xf32, #tpu.memory_space<hbm>>
    %dma_wait3A_558 = arith.constant 0 : i32
    %dma_wait3A_559 = arith.constant 0 : i32
    %dma_wait3A_560 = tpu.memref_slice %arg4[%dma_wait3A_547, %dma_wait3A_558, %dma_wait3A_559] : memref<4x64x128xf32, #tpu.memory_space<vmem>> -> memref<1x64x128xf32, #tpu.memory_space<vmem>>
    %dma_wait3A_561 = tpu.memref_squeeze %dma_wait3A_560 : memref<1x64x128xf32, #tpu.memory_space<vmem>> -> memref<64x128xf32, #tpu.memory_space<vmem>>
    tpu.wait_dma2 semaphore(%arg12 : memref<!tpu.dma_semaphore, #tpu.memory_space<semaphore_mem>>) src(%dma_wait3A_561 : memref<64x128xf32, #tpu.memory_space<vmem>>) dst(%dma_wait3A_557 : memref<64x128xf32, #tpu.memory_space<hbm>>)
    return
  }
}

</mosaic_0001>

<sc_bundles>
// kernel: kernel.3.cloned.1.call-start
scs
__scs_entry_jumppad:
0x0: {  	(pc) =	sbr.rel $0x88, $3  }
0x1: {  	(tag) =	ssettag $0x0;
	lr =	simm.s32 $0x1  }
0x2: {  	[smem:$0x3FA0] =	sst lr;
	_ =	strace $0xD0000000  }
0x3: {  	_ = 	snop  }
0x4: {  	_ = 	snop  }
0x5: {  	_ = 	snop  }
0x6: {  	_ = 	snop  }
0x7: {  	_ = 	snop  }
__scs_overlays_trampoline_lowered:
0x8: {  	[smem:$0x3FAF] =	sst s0  }
0x9: {  	[smem:$0x3FB0] =	sst s1  }
0xa: {  	[smem:$0x3FB1] =	sst s2  }
0xb: {  	[smem:$0x3FB2] =	sst s3  }
0xc: {  	[smem:$0x3FB3] =	sst s4  }
0xd: {  	[smem:$0x3FB4] =	sst s5  }
0xe: {  	[smem:$0x3FB5] =	sst s6  }
0xf: {  	[smem:$0x3FB6] =	sst s7  }
0x10: {  	[smem:$0x3FB7] =	sst s8  }
0x11: {  	[smem:$0x3FB8] =	sst s9;
	s0 =	simm.s32 @!p0 $0x0  }
0x12: {  	s1 =	sld [smem:$0x3F9E];
	s0 =	simm.s32 @p0 $0x1  }
0x13: {  	[smem:$0x3FB9] =	sst s0;
	s0 =	simm.s32 @!p1 $0x0  }
0x14: {  	s2 =	sld [smem:$0x3F9D];
	s0 =	simm.s32 @p1 $0x1  }
0x15: {  	[smem:$0x3FBA] =	sst s0;
	s0 =	simm.s32 @!p2 $0x0  }
0x16: {  	s3 =	sld [smem:$0x3FDB];
	s0 =	simm.s32 @p2 $0x1  }
0x17: {  	s4 =	simm.s32 $0x1BF5;
	[smem:$0x3FBC] =	sst s0  }
0x18: {  	s0 =	sld [smem:$0x3F9F];
	_ =	swait.ge [sflag:s4], $0x0  }
0x19: {  	s7 =	sld [smem:$0x3FA0]  }
0x1a: {  	s8 =	sadd.s32 $0xFFFFE003, lr  }
0x1b: {  	s9 =	sadd.s32 $0xFFFFFEF7, lr;
	s5 =	simm.s32 $0xFFFFFFFF;
	p2 =	slt.u32 s8, $0xFFFFF086  }
0x1c: {  	p1 =	slt.u32 s9, $0xF7A;
	s5 =	simm.s32 @!p2 $0x0  }
0x1d: {  	s5 =	simm.s32 @p1 $0x1;
	p0 =	seq.s32 s7, s2  }
0x1e: {  	s7 =	smul.u32 @!p0 $0xF7A, s2;
	p2 =	seq.s32 @!p0 s5, $0x0  }
0x1f: {  	s9 =	smul.u32 $0xF7A, s1;
	s8 =	simm.s32 @!p0 $0x1BF5;
	p2 =	por !p2, p0  }
0x20: {  	[sflag:s8] =	ssyncset.s32 @!p0 $0xFFFFF086;
	s6 =	sadd.s32 @!p0 s3, s7;
	s7 =	simm.s32 @!p0 $0x108  }
0x21: {  	s3 =	sadd.s32 s3, s9;
	s6 =	sadd.s32 @!p0 $0x88, s6;
	s7 =	simm.s32 @p2 $0x1082  }
0x22: {  	[simem:s7], [sflag:s8] =	dma.local @!p0 [hbm:s6], $0xF7A  }
0x23: {  	s9 =	sor.u32 $0xD0000000, s2;
	s6 =	simm.s32 $0x108;
	_ =	swait.ge @!p0 [sflag:s8], $0x0  }
0x24: {  	s3 =	sadd.s32 $0x88, s3;
	s6 =	simm.s32 @!p1 $0x1082;
	[sflag:s4] =	ssyncset.s32 $0xFFFFF086  }
0x25: {  	[simem:s6], [sflag:s4] =	dma.local [hbm:s3], $0xF7A  }
0x26: {  	[smem:$0x3FA0] =	sst s1;
	(tag) =	ssettag s2;
	_ =	strace s9  }
0x27: {  	s1 =	sld [smem:$0x3FB0]  }
0x28: {  	s2 =	sld [smem:$0x3FB1]  }
0x29: {  	s4 =	sld [smem:$0x3FB3]  }
0x2a: {  	p0 =	seq.s32 s5, $0x0;
	s5 =	sld [smem:$0x3FB4]  }
0x2b: {  	s6 =	sld [smem:$0x3FB5]  }
0x2c: {  	s7 =	sld [smem:$0x3FB6]  }
0x2d: {  	s3 =	simm.s32 $0x108;
	s8 =	sld [smem:$0x3FB7]  }
0x2e: {  	s3 =	simm.s32 @!p0 $0x1082;
	s9 =	sld [smem:$0x3FB8]  }
0x2f: {  	lr =	sadd.s32 s0, s3;
	s0 =	sld [smem:$0x3FAF]  }
0x30: {  	s3 =	sld [smem:$0x3FB2]  }
0x31: {  	[smem:$0x3FBB] =	sst s10  }
0x32: {  	s10 =	sld [smem:$0x3FB9];
	_ =	sdelay $0x3  }
0x33: {  	p0 =	seq.s32 s10, $0x1;
	s10 =	sld [smem:$0x3FBB];
	_ =	sdelay $0x3  }
0x34: {  	[smem:$0x3FBB] =	sst s10  }
0x35: {  	s10 =	sld [smem:$0x3FBA];
	_ =	sdelay $0x3  }
0x36: {  	p1 =	seq.s32 s10, $0x1;
	s10 =	sld [smem:$0x3FBB];
	_ =	sdelay $0x3  }
0x37: {  	[smem:$0x3FBB] =	sst s10  }
0x38: {  	s10 =	sld [smem:$0x3FBC]  }
0x39: {  	_ = 	snop;
	(pc) =	sbr.ind lr, $3  }
0x3a: {  	_ = 	snop  }
0x3b: {  	_ = 	snop  }
0x3c: {  	p2 =	seq.s32 s10, $0x1;
	s10 =	sld [smem:$0x3FBB]  }
0x3d: {  	_ =	shalt  }
0x3e: {  	_ =	shalt  }
0x3f: {  	_ =	shalt  }
0x40: {  	_ =	shalt  }
0x41: {  	_ =	shalt  }
0x42: {  	_ =	shalt  }
0x43: {  	_ =	shalt  }
0x44: {  	_ =	shalt  }
0x45: {  	_ =	shalt  }
0x46: {  	_ =	shalt  }
0x47: {  	_ =	shalt  }
0x48: {  	_ =	shalt  }
0x49: {  	_ =	shalt  }
0x4a: {  	_ =	shalt  }
0x4b: {  	_ =	shalt  }
0x4c: {  	_ =	shalt  }
0x4d: {  	_ =	shalt  }
0x4e: {  	_ =	shalt  }
0x4f: {  	_ =	shalt  }
0x50: {  	_ =	shalt  }
0x51: {  	_ =	shalt  }
0x52: {  	_ =	shalt  }
0x53: {  	_ =	shalt  }
0x54: {  	_ =	shalt  }
0x55: {  	_ =	shalt  }
0x56: {  	_ =	shalt  }
0x57: {  	_ =	shalt  }
0x58: {  	_ =	shalt  }
0x59: {  	_ =	shalt  }
0x5a: {  	_ =	shalt  }
0x5b: {  	_ =	shalt  }
0x5c: {  	_ =	shalt  }
0x5d: {  	_ =	shalt  }
0x5e: {  	_ =	shalt  }
0x5f: {  	_ =	shalt  }
0x60: {  	_ =	shalt  }
0x61: {  	_ =	shalt  }
0x62: {  	_ =	shalt  }
0x63: {  	_ =	shalt  }
0x64: {  	_ =	shalt  }
0x65: {  	_ =	shalt  }
0x66: {  	_ =	shalt  }
0x67: {  	_ =	shalt  }
0x68: {  	_ =	shalt  }
0x69: {  	_ =	shalt  }
0x6a: {  	_ =	shalt  }
0x6b: {  	_ =	shalt  }
0x6c: {  	_ =	shalt  }
0x6d: {  	_ =	shalt  }
0x6e: {  	_ =	shalt  }
0x6f: {  	_ =	shalt  }
0x70: {  	_ =	shalt  }
0x71: {  	_ =	shalt  }
0x72: {  	_ =	shalt  }
0x73: {  	_ =	shalt  }
0x74: {  	_ =	shalt  }
0x75: {  	_ =	shalt  }
0x76: {  	_ =	shalt  }
0x77: {  	_ =	shalt  }
0x78: {  	_ =	shalt  }
0x79: {  	_ =	shalt  }
0x7a: {  	_ =	shalt  }
0x7b: {  	_ =	shalt  }
0x7c: {  	_ =	shalt  }
0x7d: {  	_ =	shalt  }
0x7e: {  	_ =	shalt  }
0x7f: {  	_ =	shalt  }
0x80: {  	_ =	shalt  }
0x81: {  	_ =	shalt  }
0x82: {  	_ =	shalt  }
0x83: {  	_ =	shalt  }
0x84: {  	_ =	shalt  }
0x85: {  	_ =	shalt  }
0x86: {  	_ =	shalt  }
0x87: {  	_ =	shalt  }
.Lfunc_end0:
.L_simem_size_0:
called_computation_lowered:
.L_overlay_start_0:
0x88: {  	s2 =	sld [smem:$0x3FD9]  }
0x89: {  	s3 =	sld [smem:$0x3FFE];
	_ =	sdelay $0x1  }
0x8a: {  	s1 =	srdreg.scid  }
0x8b: {  	s0 =	sand.u32 $0x1, s1  }
0x8c: {  	s18 =	sshll.u32 s0, $0xA;
	s2 =	sadd.s32 s3, s2  }
0x8d: {  	s2 =	sadd.s32 s2, s18  }
0x8e: {  	[smem:$0x3FC7] =	sst s2  }
0x8f: {  	_ = 	snop  }
0x90: {  	s2 =	sld [smem:$0x3FC9]  }
0x91: {  	s19 =	sld [smem:$0x3FD0];
	(tm) =	ssettm $0x1  }
0x92: {  	s4 =	sld [smem:$0x3FFB];
	_ =	sdelay $0x3  }
0x93: {  	_ =	strace s4  }
0x94: {  	s4 =	sld [smem:$0x3FFC];
	_ =	sdelay $0x3  }
0x95: {  	_ =	strace s4  }
0x96: {  	s4 =	sld [smem:$0x3FFD];
	_ =	sdelay $0x3  }
0x97: {  	_ =	strace s4  }
0x98: {  	_ =	strace $0x8FFFFFFF  }
0x99: {  	s20 =	sld [smem:$0x3FDB];
	_ =	sdelay $0x1  }
0x9a: {  	s5 =	simm.s32 $_scs_section_size  }
0x9b: {  	s6 =	simm.s32 $_size__tile_overlayer_lowered;
	s7 =	simm.s32 $_tile_overlayer_lowered  }
0x9c: {  	s23 =	simm.s32 $0x1BFF;
	s22 =	sshll.u32 s7, $0x1;
	s4 =	sadd.s32 s5, s20  }
0x9d: {  	s8 =	simm.s32 $0x0;
	s21 =	sshll.u32 s6, $0x1;
	s6 =	sadd.s32 s22, s4  }
0x9e: {  	[timem:s8], [sflag:s23] =	dma.local [hbm:s6], s21  }
0x9f: {  	_ =	swait.ge [sflag:s23], s21  }
0xa0: {  	s5 =	ssub.s32 $0x0, s21;
	[sflag:s23] =	ssyncset.done $0x0  }
0xa1: {  	[sflag:s23] =	ssyncadd.s32 s5;
	_ =	sdelay $0x1  }
0xa2: {  	s24 =	simm.s32 $0x1B8B  }
0xa3: {  	_ =	swait.ge [sflag:s24], $0x1  }
0xa4: {  	[sflag:s24] =	ssyncset.done $0x0  }
0xa5: {  	s25 =	simm.s32 $0x1B8E;
	[sflag:s24] =	ssyncadd.s32 $0xFFFFFFFF  }
0xa6: {  	s26 =	simm.s32 $execute0_lowered;
	[smem:$0x3FD2] =	sst s25  }
0xa7: {  	s5 =	sshll.u32 s26, $0x1;
	_ =	strace $0x80000046;
	[dreg:$0x1] =	wrdreg $0xFFFFFFFF  }
0xa8: {  	s28 =	simm.s32 $_size_execute0_lowered;
	s4 =	sadd.s32 s4, s5;
	[dreg:$0x0] =	wrdreg $0x0  }
0xa9: {  	s5 =	sshll.u32 s28, $0x1;
	[dreg:$0x2] =	wrdreg s4  }
0xaa: {  	[dreg:$0x3] =	wrdreg s5  }
0xab: {  	[dreg:$0x4] =	wrdreg $0xC0  }
0xac: {  	_ =	task [dreg:s8], $0x5FFFF  }
0xad: {  	[dreg:$0x1] =	wrdreg $0xFFFFFFFF  }
0xae: {  	[dreg:$0x0] =	wrdreg $0x60  }
0xaf: {  	[dreg:$0x2] =	wrdreg s2  }
0xb0: {  	[dreg:$0x3] =	wrdreg s19  }
0xb1: {  	[dreg:$0x4] =	wrdreg $0x9  }
0xb2: {  	_ =	task.clear_ibuf [dreg:s8], $0x5FFFF;
	_ =	strace $0x90000046  }
0xb3: {  	s29 =	simm.s32 $0x9;
	_ =	strace $0x80000048  }
0xb4: {  	_ =	swait.ge [sflag:s29], $0x1  }
0xb5: {  	[sflag:s29] =	ssyncadd.s32 $0xFFFFFFFF  }
0xb6: {  	_ =	strace $0x90000048  }
0xb7: {  	_ =	sfence  }
0xb8: {  	s30 =	sld [smem:$0x0];
	_ =	sdelay $0x2  }
0xb9: {  	s31 =	sshll.u32 s1, $0xD;
	s1 =	sshrl.u32 s1, $0x2  }
0xba: {  	s3 =	sand.u32 $0x4000, s31;
	s1 =	sadd.s32 s1, s30  }
0xbb: {  	s0 =	sor.u32 s3, s0;
	s1 =	sshll.u32 s1, $0x11  }
0xbc: {  	s0 =	sor.u32 s1, s0  }
0xbd: {  	s0 =	sadd.s32 $0x8F2B, s0  }
0xbe: {  	[sflag:s0] =	ssyncadd.remote.s32 $0x1  }
0xbf: {  	_ =	sfence.sel $0xFFFF  }
0xc0: {  	[dreg:$0x0] =	wrdreg $0xFFFFFFFF;
	(pc) =	sbr.abs _section_cstart, $3  }
0xc1: {  	[dreg:$0x1] =	wrdreg $0xFFFFFFFF  }
0xc2: {  	_ =	task.clear_ibuf [dreg:s8], $0x2FFFF;
	_ =	strace $0x9FFFFFFF  }
0xc3: {  	(tm) =	ssettm $0x7FFFFFFF  }
tec
execute0_lowered:
.L_overlay_start_1:
0x0: {  	(tag) =	ssettag $0x1  }
0x1: {  	s4 =	stileid.u32  }
0x2: {  	s0 =	srdreg.scid;
	s2 =	rddreg [dreg:$0x0];
	s1 =	sshll.u32 s4, $0x1  }
0x3: {  	s3 =	rddreg [dreg:$0x1];
	s0 =	sand.u32 $0x1, s0;
	s1 =	sand.u32 $0xE, s1  }
0x4: {  	s6 =	simm.s32 $0x0;
	s4 =	sshll.u32 s4, $0x15;
	s1 =	sor.u32 s0, s1  }
0x5: {  	s28 =	simm.s32 $0x4000;
	s4 =	sand.u32 $0x1000000, s4;
	s1 =	sshll.u32 s1, $0xA  }
0x6: {  	s29 =	simm.s32 $0x2000;
	s30 =	simm.s32 $0x1;
	s5 =	sor.u32 s4, s1  }
0x7: {  	s31 =	simm.s32 $0x6000;
	s11 =	simm.s32 $0x8;
	s4 =	sshrl.u32 s5, $0x3  }
0x8: {  	s12 =	simm.s32 $0x0;
	[smem:$0x7FF] =	sst s6;
	s17 =	sor.u32 $0x4000, s4  }
0x9: {  	_ =	strace $0x80000047;
	s18 =	sor.u32 $0x8000, s4;
	s7 =	sadd.s32 s2, s17  }
0xa: {  	s19 =	sor.u32 $0xC000, s4;
	s8 =	sadd.s32 s2, s18;
	[dreg:$0x3] =	wrdreg s7  }
0xb: {  	s0 =	ssub.s32 $0x2, s0;
	s10 =	sadd.s32 s2, s19;
	[dreg:$0x4] =	wrdreg s8  }
0xc: {  	s6 =	sadd.s32 s2, s4;
	s1 =	sadd.s32 s3, s17;
	[dreg:$0x5] =	wrdreg s10  }
0xd: {  	s16 =	sshrl.u32 s0, $0x1;
	s20 =	sadd.s32 $0x10000, s6;
	[dreg:$0x6] =	wrdreg s1  }
0xe: {  	s0 =	ssub.s32 s0, s16;
	s21 =	sadd.s32 s3, s18;
	[dreg:$0x7] =	wrdreg s20  }
0xf: {  	s9 =	sadd.s32 s3, s4;
	s22 =	sadd.s32 $0x14000, s6;
	[dreg:$0x8] =	wrdreg s21  }
0x10: {  	s26 =	sor.u32 $0x1FC000, s4;
	s23 =	sadd.s32 s3, s19;
	[dreg:$0x9] =	wrdreg s22  }
0x11: {  	s24 =	sadd.s32 $0x18000, s6;
	s17 =	sor.u32 $0x80000, s5;
	[dreg:$0xa] =	wrdreg s23  }
0x12: {  	s18 =	sor.u32 $0xA0000, s5;
	s25 =	sadd.s32 $0x1F0000, s9;
	[dreg:$0xb] =	wrdreg s24  }
0x13: {  	s19 =	sor.u32 $0xC0000, s5;
	s4 =	sadd.s32 s2, s26;
	[dreg:$0xc] =	wrdreg s25  }
0x14: {  	[dreg:$0xd] =	wrdreg s4;
	s22 =	sadd.s32 $0x1F4000, s9;
	s23 =	sadd.s32 $0x1F8000, s9  }
0x15: {  	s24 =	sadd.s32 s3, s26;
	s25 =	smax.u32 s0, $0x1;
	s26 =	simm.s32 $0x400  }
0x16: {  	s1 =	simm.s32 $0x2;
	s0 =	simm.s32 $0x5;
	s4 =	simm.s32 $0x3  }
0x17: {  	s7 =	simm.s32 $0x6;
	s8 =	simm.s32 $0x4;
	s10 =	simm.s32 $0x7  }
.LBB2_1:
0x18: {  	s13 =	simm.s32 $0x0  }
0x19: {  	[tilespmem:s13], [sflag:$0x1] =	stream.strided.gather [hbm4b:s6+s26], $0x2000, s28, s26, $0x38;
	[tilespmem:$0x8000] =	vst v63  }
0x1a: {  	s20 =	rddreg [dreg:$0x3]  }
0x1b: {  	[tilespmem:s29], [sflag:$0x2] =	stream.strided.gather [hbm4b:s20+s26], $0x2000, s28, s26, $0x38;
	[tilespmem:$0x8000] =	vst v63  }
0x1c: {  	s21 =	rddreg [dreg:$0x4]  }
0x1d: {  	[tilespmem:s28], [sflag:$0x3] =	stream.strided.gather [hbm4b:s21+s26], $0x2000, s28, s26, $0x38;
	[tilespmem:$0x8000] =	vst v63  }
0x1e: {  	v0 =	vimm.f32 $0.0e+00;
	v2 =	vimm.f32 $0.0e+00;
	_ =	swait.ge [sflag:s30], $0x2000  }
0x1f: {  	v1 =	vimm.f32 $0.0e+00;
	v3 =	vimm.f32 $0.0e+00;
	v4 =	vimm.f32 $0.0e+00;
	[sflag:s30] =	ssyncset.done $0x0  }
0x20: {  	v5 =	vimm.f32 $0.0e+00;
	v6 =	vimm.f32 $0.0e+00;
	v7 =	vimm.f32 $0.0e+00;
	s13 =	simm.s32 $0x0;
	[sflag:s30] =	ssyncadd.s32 $0xFFFFE000  }
.LBB2_2:
0x21: {  	s14 =	sshll.u32 s13, $0x7  }
0x22: {  	s14 =	sand.u32 $0x3FFFFF80, s14  }
0x23: {  	v8 =	vld [tilespmem:s14+$0x0]  }
0x24: {  	v9 =	vld [tilespmem:s14+$0x10]  }
0x25: {  	v10 =	vld [tilespmem:s14+$0x20]  }
0x26: {  	v11 =	vld [tilespmem:s14+$0x30]  }
0x27: {  	v12 =	vld [tilespmem:s14+$0x40]  }
0x28: {  	[tilespmem:s14+$0x0] =	vst v7;
	v13 =	vld [tilespmem:s14+$0x50]  }
0x29: {  	[tilespmem:s14+$0x10] =	vst v6;
	v14 =	vld [tilespmem:s14+$0x60]  }
0x2a: {  	[tilespmem:s14+$0x20] =	vst v5;
	v15 =	vld [tilespmem:s14+$0x70]  }
0x2b: {  	[tilespmem:s14+$0x30] =	vst v4;
	v16 =	vld [tilespmem:s14+$0x80]  }
0x2c: {  	[tilespmem:s14+$0x40] =	vst v3;
	v17 =	vld [tilespmem:s14+$0x90]  }
0x2d: {  	[tilespmem:s14+$0x50] =	vst v1;
	v18 =	vld [tilespmem:s14+$0xA0]  }
0x2e: {  	[tilespmem:s14+$0x60] =	vst v2;
	v44 =	vld [tilespmem:s14+$0xC0];
	v7 =	vadd.f32 v8, v7  }
0x2f: {  	[tilespmem:s14+$0x70] =	vst v0;
	v45 =	vld [tilespmem:s14+$0xD0];
	v6 =	vadd.f32 v9, v6  }
0x30: {  	v46 =	vld [tilespmem:s14+$0xE0];
	v5 =	vadd.f32 v10, v5;
	[tilespmem:s14+$0x80] =	vst v7  }
0x31: {  	v47 =	vld [tilespmem:s14+$0xF0];
	v4 =	vadd.f32 v11, v4;
	[tilespmem:s14+$0x90] =	vst v6  }
0x32: {  	v48 =	vld [tilespmem:s14+$0x100];
	v3 =	vadd.f32 v12, v3;
	[tilespmem:s14+$0xA0] =	vst v5  }
0x33: {  	v8 =	vld [tilespmem:s14+$0xB0];
	v1 =	vadd.f32 v13, v1;
	[tilespmem:s14+$0xB0] =	vst v4  }
0x34: {  	v49 =	vld [tilespmem:s14+$0x110];
	v2 =	vadd.f32 v14, v2;
	[tilespmem:s14+$0xC0] =	vst v3  }
0x35: {  	v50 =	vld [tilespmem:s14+$0x120];
	v0 =	vadd.f32 v15, v0;
	[tilespmem:s14+$0xD0] =	vst v1  }
0x36: {  	v51 =	vld [tilespmem:s14+$0x130];
	v7 =	vadd.f32 v16, v7;
	[tilespmem:s14+$0xE0] =	vst v2  }
0x37: {  	v52 =	vld [tilespmem:s14+$0x140];
	v6 =	vadd.f32 v17, v6;
	[tilespmem:s14+$0xF0] =	vst v0  }
0x38: {  	v53 =	vld [tilespmem:s14+$0x150];
	v5 =	vadd.f32 v18, v5;
	[tilespmem:s14+$0x100] =	vst v7  }
0x39: {  	v54 =	vld [tilespmem:s14+$0x170];
	v3 =	vadd.f32 v44, v3;
	[tilespmem:s14+$0x110] =	vst v6  }
0x3a: {  	v55 =	vld [tilespmem:s14+$0x180];
	v1 =	vadd.f32 v45, v1;
	[tilespmem:s14+$0x120] =	vst v5  }
0x3b: {  	v56 =	vld [tilespmem:s14+$0x190];
	v0 =	vadd.f32 v47, v0;
	[tilespmem:s14+$0x140] =	vst v3  }
0x3c: {  	v57 =	vld [tilespmem:s14+$0x1A0];
	v2 =	vadd.f32 v46, v2;
	[tilespmem:s14+$0x150] =	vst v1  }
0x3d: {  	v58 =	vld [tilespmem:s14+$0x1B0];
	v7 =	vadd.f32 v48, v7;
	[tilespmem:s14+$0x170] =	vst v0  }
0x3e: {  	v6 =	vadd.f32 v49, v6;
	v4 =	vadd.f32 v8, v4;
	v8 =	vld [tilespmem:s14+$0x160];
	[tilespmem:s14+$0x160] =	vst v2  }
0x3f: {  	v59 =	vld [tilespmem:s14+$0x1C0];
	v5 =	vadd.f32 v50, v5;
	[tilespmem:s14+$0x180] =	vst v7  }
0x40: {  	v60 =	vld [tilespmem:s14+$0x1D0];
	v3 =	vadd.f32 v52, v3;
	[tilespmem:s14+$0x190] =	vst v6  }
0x41: {  	v61 =	vld [tilespmem:s14+$0x1E0];
	v1 =	vadd.f32 v53, v1;
	[tilespmem:s14+$0x1A0] =	vst v5  }
0x42: {  	v62 =	vld [tilespmem:s14+$0x1F0];
	v0 =	vadd.f32 v54, v0;
	[tilespmem:s14+$0x1C0] =	vst v3  }
0x43: {  	v63 =	vld [tilespmem:s14+$0x200];
	[tilespmem:s14+$0x1D0] =	vst v1  }
0x44: {  	v21 =	vld [tilespmem:s14+$0x220];
	v7 =	vadd.f32 v55, v7;
	[tilespmem:s14+$0x1F0] =	vst v0  }
0x45: {  	v22 =	vld [tilespmem:s14+$0x230];
	v5 =	vadd.f32 v57, v5;
	[tilespmem:s14+$0x130] =	vst v4  }
0x46: {  	v23 =	vld [tilespmem:s14+$0x240];
	v3 =	vadd.f32 v59, v3;
	[tilespmem:s14+$0x200] =	vst v7  }
0x47: {  	v24 =	vld [tilespmem:s14+$0x250];
	v1 =	vadd.f32 v60, v1;
	[tilespmem:s14+$0x220] =	vst v5  }
0x48: {  	v25 =	vld [tilespmem:s14+$0x260];
	v0 =	vadd.f32 v62, v0;
	[tilespmem:s14+$0x240] =	vst v3  }
0x49: {  	v26 =	vld [tilespmem:s14+$0x270];
	v4 =	vadd.f32 v51, v4;
	[tilespmem:s14+$0x250] =	vst v1  }
0x4a: {  	v27 =	vld [tilespmem:s14+$0x280];
	v6 =	vadd.f32 v56, v6;
	[tilespmem:s14+$0x270] =	vst v0  }
0x4b: {  	v28 =	vld [tilespmem:s14+$0x290];
	v7 =	vadd.f32 v63, v7;
	[tilespmem:s14+$0x1B0] =	vst v4  }
0x4c: {  	v5 =	vadd.f32 v21, v5;
	v2 =	vadd.f32 v8, v2;
	v8 =	vld [tilespmem:s14+$0x210];
	[tilespmem:s14+$0x210] =	vst v6  }
0x4d: {  	v29 =	vld [tilespmem:s14+$0x2A0];
	v1 =	vadd.f32 v24, v1;
	[tilespmem:s14+$0x280] =	vst v7  }
0x4e: {  	v31 =	vld [tilespmem:s14+$0x2D0];
	v0 =	vadd.f32 v26, v0;
	[tilespmem:s14+$0x2A0] =	vst v5  }
0x4f: {  	v30 =	vld [tilespmem:s14+$0x2B0];
	v4 =	vadd.f32 v58, v4;
	[tilespmem:s14+$0x2D0] =	vst v1  }
0x50: {  	v33 =	vld [tilespmem:s14+$0x2F0];
	[tilespmem:s14+$0x2F0] =	vst v0  }
0x51: {  	v34 =	vld [tilespmem:s14+$0x300];
	v7 =	vadd.f32 v27, v7;
	[tilespmem:s14+$0x230] =	vst v4  }
0x52: {  	v36 =	vld [tilespmem:s14+$0x320];
	v5 =	vadd.f32 v29, v5;
	[tilespmem:s14+$0x1E0] =	vst v2  }
0x53: {  	v39 =	vld [tilespmem:s14+$0x350];
	v1 =	vadd.f32 v31, v1;
	[tilespmem:s14+$0x300] =	vst v7  }
0x54: {  	v32 =	vld [tilespmem:s14+$0x2E0];
	v4 =	vadd.f32 v22, v4;
	[tilespmem:s14+$0x320] =	vst v5  }
0x55: {  	v35 =	vld [tilespmem:s14+$0x310];
	v2 =	vadd.f32 v61, v2;
	[tilespmem:s14+$0x350] =	vst v1  }
0x56: {  	v37 =	vld [tilespmem:s14+$0x330];
	v7 =	vadd.f32 v34, v7;
	[tilespmem:s14+$0x2B0] =	vst v4  }
0x57: {  	v41 =	vld [tilespmem:s14+$0x380];
	v5 =	vadd.f32 v36, v5;
	[tilespmem:s14+$0x260] =	vst v2  }
0x58: {  	v46 =	vld [tilespmem:s14+$0x3D0];
	v1 =	vadd.f32 v39, v1;
	[tilespmem:s14+$0x380] =	vst v7  }
0x59: {  	v43 =	vld [tilespmem:s14+$0x3A0];
	v3 =	vadd.f32 v23, v3;
	[tilespmem:s14+$0x3A0] =	vst v5  }
0x5a: {  	v38 =	vld [tilespmem:s14+$0x340];
	v4 =	vadd.f32 v30, v4;
	[tilespmem:s14+$0x3D0] =	vst v1  }
0x5b: {  	v2 =	vadd.f32 v25, v2;
	v6 =	vadd.f32 v8, v6;
	v8 =	vld [tilespmem:s14+$0x2C0];
	[tilespmem:s14+$0x2C0] =	vst v3  }
0x5c: {  	v49 =	vld [tilespmem:s14+$0x400];
	v7 =	vadd.f32 v41, v7;
	[tilespmem:s14+$0x330] =	vst v4  }
0x5d: {  	v40 =	vld [tilespmem:s14+$0x360];
	v1 =	vadd.f32 v46, v1;
	[tilespmem:s14+$0x2E0] =	vst v2  }
0x5e: {  	v44 =	vld [tilespmem:s14+$0x3B0];
	[tilespmem:s14+$0x400] =	vst v7  }
0x5f: {  	v53 =	vld [tilespmem:s14+$0x450];
	v4 =	vadd.f32 v37, v4;
	[tilespmem:s14+$0x450] =	vst v1  }
0x60: {  	v42 =	vld [tilespmem:s14+$0x390];
	v2 =	vadd.f32 v32, v2;
	[tilespmem:s14+$0x290] =	vst v6  }
0x61: {  	v56 =	vld [tilespmem:s14+$0x480];
	v7 =	vadd.f32 v49, v7;
	[tilespmem:s14+$0x3B0] =	vst v4  }
0x62: {  	v45 =	vld [tilespmem:s14+$0x3C0];
	v6 =	vadd.f32 v28, v6;
	[tilespmem:s14+$0x360] =	vst v2  }
0x63: {  	v51 =	vld [tilespmem:s14+$0x430];
	v4 =	vadd.f32 v44, v4;
	[tilespmem:s14+$0x480] =	vst v7  }
0x64: {  	v47 =	vld [tilespmem:s14+$0x3E0];
	v0 =	vadd.f32 v33, v0;
	[tilespmem:s14+$0x310] =	vst v6  }
0x65: {  	v48 =	vld [tilespmem:s14+$0x3F0];
	v2 =	vadd.f32 v40, v2;
	[tilespmem:s14+$0x430] =	vst v4  }
0x66: {  	v7 =	vadd.f32 v56, v7;
	v3 =	vadd.f32 v8, v3;
	v8 =	vld [tilespmem:s14+$0x370];
	[tilespmem:s14+$0x370] =	vst v0  }
0x67: {  	v59 =	vld [tilespmem:s14+$0x4B0];
	v6 =	vadd.f32 v35, v6;
	[tilespmem:s14+$0x3E0] =	vst v2  }
0x68: {  	v63 =	vld [tilespmem:s14+$0x500];
	v4 =	vadd.f32 v51, v4;
	[tilespmem:s14+$0x500] =	vst v7  }
0x69: {  	v54 =	vld [tilespmem:s14+$0x460];
	[tilespmem:s14+$0x390] =	vst v6  }
0x6a: {  	v50 =	vld [tilespmem:s14+$0x410];
	v2 =	vadd.f32 v47, v2;
	[tilespmem:s14+$0x4B0] =	vst v4  }
0x6b: {  	v52 =	vld [tilespmem:s14+$0x440];
	v6 =	vadd.f32 v42, v6;
	[tilespmem:s14+$0x340] =	vst v3  }
0x6c: {  	v23 =	vld [tilespmem:s14+$0x530];
	v4 =	vadd.f32 v59, v4;
	[tilespmem:s14+$0x460] =	vst v2  }
0x6d: {  	v55 =	vld [tilespmem:s14+$0x470];
	v3 =	vadd.f32 v38, v3;
	[tilespmem:s14+$0x410] =	vst v6  }
0x6e: {  	v61 =	vld [tilespmem:s14+$0x4E0];
	v2 =	vadd.f32 v54, v2;
	[tilespmem:s14+$0x530] =	vst v4  }
0x6f: {  	v57 =	vld [tilespmem:s14+$0x490];
	v5 =	vadd.f32 v43, v5;
	[tilespmem:s14+$0x3C0] =	vst v3  }
0x70: {  	v60 =	vld [tilespmem:s14+$0x4C0];
	v6 =	vadd.f32 v50, v6;
	[tilespmem:s14+$0x4E0] =	vst v2  }
0x71: {  	v4 =	vadd.f32 v23, v4;
	v0 =	vadd.f32 v8, v0;
	v8 =	vld [tilespmem:s14+$0x420];
	[tilespmem:s14+$0x420] =	vst v5  }
0x72: {  	v26 =	vld [tilespmem:s14+$0x560];
	v3 =	vadd.f32 v45, v3;
	[tilespmem:s14+$0x490] =	vst v6  }
0x73: {  	v30 =	vld [tilespmem:s14+$0x5B0];
	v2 =	vadd.f32 v61, v2;
	[tilespmem:s14+$0x5B0] =	vst v4  }
0x74: {  	v21 =	vld [tilespmem:s14+$0x510];
	[tilespmem:s14+$0x440] =	vst v3  }
0x75: {  	v62 =	vld [tilespmem:s14+$0x4F0];
	v6 =	vadd.f32 v57, v6;
	[tilespmem:s14+$0x560] =	vst v2  }
0x76: {  	v24 =	vld [tilespmem:s14+$0x540];
	v3 =	vadd.f32 v52, v3;
	[tilespmem:s14+$0x3F0] =	vst v0  }
0x77: {  	v33 =	vld [tilespmem:s14+$0x5E0];
	v2 =	vadd.f32 v26, v2;
	[tilespmem:s14+$0x510] =	vst v6  }
0x78: {  	v58 =	vld [tilespmem:s14+$0x4A0];
	v0 =	vadd.f32 v48, v0;
	[tilespmem:s14+$0x4C0] =	vst v3  }
0x79: {  	v28 =	vld [tilespmem:s14+$0x590];
	v6 =	vadd.f32 v21, v6;
	[tilespmem:s14+$0x5E0] =	vst v2  }
0x7a: {  	v27 =	vld [tilespmem:s14+$0x570];
	v1 =	vadd.f32 v53, v1;
	[tilespmem:s14+$0x470] =	vst v0  }
0x7b: {  	v29 =	vld [tilespmem:s14+$0x5A0];
	v3 =	vadd.f32 v60, v3;
	[tilespmem:s14+$0x590] =	vst v6  }
0x7c: {  	v2 =	vadd.f32 v33, v2;
	v5 =	vadd.f32 v8, v5;
	v8 =	vld [tilespmem:s14+$0x4D0];
	[tilespmem:s14+$0x4D0] =	vst v1  }
0x7d: {  	v36 =	vld [tilespmem:s14+$0x610];
	v0 =	vadd.f32 v55, v0;
	[tilespmem:s14+$0x540] =	vst v3  }
0x7e: {  	v40 =	vld [tilespmem:s14+$0x660];
	v6 =	vadd.f32 v28, v6;
	[tilespmem:s14+$0x660] =	vst v2  }
0x7f: {  	v31 =	vld [tilespmem:s14+$0x5C0];
	[tilespmem:s14+$0x4F0] =	vst v0  }
0x80: {  	v22 =	vld [tilespmem:s14+$0x520];
	v3 =	vadd.f32 v24, v3;
	[tilespmem:s14+$0x610] =	vst v6  }
0x81: {  	v34 =	vld [tilespmem:s14+$0x5F0];
	v0 =	vadd.f32 v62, v0;
	[tilespmem:s14+$0x4A0] =	vst v5  }
0x82: {  	v43 =	vld [tilespmem:s14+$0x690];
	v6 =	vadd.f32 v36, v6;
	[tilespmem:s14+$0x5C0] =	vst v3  }
0x83: {  	v39 =	vld [tilespmem:s14+$0x650];
	v5 =	vadd.f32 v58, v5;
	[tilespmem:s14+$0x570] =	vst v0  }
0x84: {  	v38 =	vld [tilespmem:s14+$0x640];
	v3 =	vadd.f32 v31, v3;
	[tilespmem:s14+$0x690] =	vst v6  }
0x85: {  	v25 =	vld [tilespmem:s14+$0x550];
	v7 =	vadd.f32 v63, v7;
	[tilespmem:s14+$0x520] =	vst v5  }
0x86: {  	v41 =	vld [tilespmem:s14+$0x670];
	v0 =	vadd.f32 v27, v0;
	[tilespmem:s14+$0x640] =	vst v3  }
0x87: {  	v6 =	vadd.f32 v43, v6;
	v1 =	vadd.f32 v8, v1;
	v8 =	vld [tilespmem:s14+$0x580];
	[tilespmem:s14+$0x580] =	vst v7  }
0x88: {  	v46 =	vld [tilespmem:s14+$0x6C0];
	v5 =	vadd.f32 v22, v5;
	[tilespmem:s14+$0x5F0] =	vst v0  }
0x89: {  	v50 =	vld [tilespmem:s14+$0x710];
	v3 =	vadd.f32 v38, v3;
	[tilespmem:s14+$0x710] =	vst v6  }
0x8a: {  	v37 =	vld [tilespmem:s14+$0x620];
	[tilespmem:s14+$0x5A0] =	vst v5  }
0x8b: {  	v32 =	vld [tilespmem:s14+$0x5D0];
	v0 =	vadd.f32 v34, v0;
	[tilespmem:s14+$0x6C0] =	vst v3  }
0x8c: {  	v49 =	vld [tilespmem:s14+$0x700];
	v5 =	vadd.f32 v29, v5;
	[tilespmem:s14+$0x550] =	vst v1  }
0x8d: {  	v53 =	vld [tilespmem:s14+$0x740];
	v3 =	vadd.f32 v46, v3;
	[tilespmem:s14+$0x670] =	vst v0  }
0x8e: {  	v44 =	vld [tilespmem:s14+$0x6A0];
	v1 =	vadd.f32 v25, v1;
	[tilespmem:s14+$0x620] =	vst v5  }
0x8f: {  	v48 =	vld [tilespmem:s14+$0x6F0];
	v0 =	vadd.f32 v41, v0;
	[tilespmem:s14+$0x740] =	vst v3  }
0x90: {  	v56 =	vld [tilespmem:s14+$0x770];
	v4 =	vadd.f32 v30, v4;
	[tilespmem:s14+$0x5D0] =	vst v1  }
0x91: {  	v35 =	vld [tilespmem:s14+$0x600];
	v5 =	vadd.f32 v37, v5;
	[tilespmem:s14+$0x6F0] =	vst v0  }
0x92: {  	v3 =	vadd.f32 v53, v3;
	v7 =	vadd.f32 v8, v7;
	v8 =	vld [tilespmem:s14+$0x630];
	[tilespmem:s14+$0x630] =	vst v4  }
0x93: {  	v51 =	vld [tilespmem:s14+$0x720];
	v1 =	vadd.f32 v32, v1;
	[tilespmem:s14+$0x6A0] =	vst v5  }
0x94: {  	v60 =	vld [tilespmem:s14+$0x7C0];
	v0 =	vadd.f32 v48, v0;
	[tilespmem:s14+$0x7C0] =	vst v3  }
0x95: {  	v47 =	vld [tilespmem:s14+$0x6D0];
	[tilespmem:s14+$0x650] =	vst v1  }
0x96: {  	v63 =	vld [tilespmem:s14+$0x7F0];
	v5 =	vadd.f32 v44, v5;
	[tilespmem:s14+$0x770] =	vst v0  }
0x97: {  	v42 =	vld [tilespmem:s14+$0x680];
	v1 =	vadd.f32 v39, v1;
	[tilespmem:s14+$0x600] =	vst v7  }
0x98: {  	v59 =	vld [tilespmem:s14+$0x7B0];
	v0 =	vadd.f32 v56, v0;
	[tilespmem:s14+$0x720] =	vst v5  }
0x99: {  	v54 =	vld [tilespmem:s14+$0x750];
	v7 =	vadd.f32 v35, v7;
	[tilespmem:s14+$0x6D0] =	vst v1  }
0x9a: {  	v45 =	vld [tilespmem:s14+$0x6B0];
	v5 =	vadd.f32 v51, v5;
	[tilespmem:s14+$0x7F0] =	vst v0  }
0x9b: {  	v61 =	vld [tilespmem:s14+$0x7D0];
	v2 =	vadd.f32 v40, v2;
	[tilespmem:s14+$0x680] =	vst v7  }
0x9c: {  	v58 =	vld [tilespmem:s14+$0x7A0];
	v1 =	vadd.f32 v47, v1;
	[tilespmem:s14+$0x7A0] =	vst v5  }
0x9d: {  	v7 =	vadd.f32 v42, v7;
	v4 =	vadd.f32 v8, v4;
	v8 =	vld [tilespmem:s14+$0x6E0];
	[tilespmem:s14+$0x6E0] =	vst v2  }
0x9e: {  	v57 =	vld [tilespmem:s14+$0x780];
	[tilespmem:s14+$0x750] =	vst v1  }
0x9f: {  	v52 =	vld [tilespmem:s14+$0x730];
	v1 =	vadd.f32 v54, v1;
	[tilespmem:s14+$0x700] =	vst v7  }
0xa0: {  	v55 =	vld [tilespmem:s14+$0x760];
	v7 =	vadd.f32 v49, v7;
	[tilespmem:s14+$0x6B0] =	vst v4  }
0xa1: {  	v62 =	vld [tilespmem:s14+$0x7E0];
	v4 =	vadd.f32 v45, v4;
	[tilespmem:s14+$0x7D0] =	vst v1  }
0xa2: {  	p0 =	slt.u32 s13, $0x30;
	v6 =	vadd.f32 v50, v6;
	[tilespmem:s14+$0x780] =	vst v7;
	v2 =	vadd.f32 v8, v2;
	v8 =	vld [tilespmem:s14+$0x790]  }
.Ltmp0:
0xa3: {  	v3 =	vadd.f32 v60, v3;
	v0 =	vadd.f32 v63, v0;
	[tilespmem:s14+$0x730] =	vst v4;
	(pc) =	sbr.rel @p0 .LBB2_2-.Ltmp0, $4  }
0xa4: {  	v5 =	vadd.f32 v58, v5;
	v4 =	vadd.f32 v52, v4;
	[tilespmem:s14+$0x790] =	vst v6  }
0xa5: {  	v1 =	vadd.f32 v61, v1;
	[tilespmem:s14+$0x760] =	vst v2;
	v2 =	vadd.f32 v55, v2  }
0xa6: {  	v7 =	vadd.f32 v57, v7;
	[tilespmem:s14+$0x7B0] =	vst v4;
	v4 =	vadd.f32 v59, v4  }
0xa7: {  	s13 =	sadd.s32 $0x10, s13;
	[tilespmem:s14+$0x7E0] =	vst v2;
	v2 =	vadd.f32 v62, v2;
	v6 =	vadd.f32 v8, v6  }
0xa8: {  	s13 =	simm.s32 $0x0  }
0xa9: {  	[hbm4b:s9+s26] =	stream.strided.scatter [tilespmem:s13], [sflag:$0x5], $0x2000, s28, s26, $0x38;
	[tilespmem:$0x8000] =	vst v63  }
0xaa: {  	s14 =	rddreg [dreg:$0x5]  }
0xab: {  	[tilespmem:s31], [sflag:$0x4] =	stream.strided.gather [hbm4b:s14+s26], $0x2000, s28, s26, $0x38;
	[tilespmem:$0x8000] =	vst v63  }
0xac: {  	_ =	swait.ge [sflag:s1], $0x2000  }
0xad: {  	[sflag:s1] =	ssyncset.done $0x0  }
0xae: {  	[sflag:s1] =	ssyncadd.s32 $0xFFFFE000  }
.LBB2_4:
0xaf: {  	s14 =	sshll.u32 s13, $0x7  }
0xb0: {  	s14 =	sand.u32 $0x3FFFFF80, s14  }
0xb1: {  	v8 =	vld [tilespmem:s14+$0x2000]  }
0xb2: {  	v9 =	vld [tilespmem:s14+$0x2010]  }
0xb3: {  	v10 =	vld [tilespmem:s14+$0x2020]  }
0xb4: {  	v11 =	vld [tilespmem:s14+$0x2030]  }
0xb5: {  	v12 =	vld [tilespmem:s14+$0x2040]  }
0xb6: {  	[tilespmem:s14+$0x2000] =	vst v7;
	v13 =	vld [tilespmem:s14+$0x2050]  }
0xb7: {  	[tilespmem:s14+$0x2010] =	vst v6;
	v14 =	vld [tilespmem:s14+$0x2060]  }
0xb8: {  	[tilespmem:s14+$0x2020] =	vst v5;
	v15 =	vld [tilespmem:s14+$0x2070]  }
0xb9: {  	[tilespmem:s14+$0x2030] =	vst v4;
	v16 =	vld [tilespmem:s14+$0x2080]  }
0xba: {  	[tilespmem:s14+$0x2040] =	vst v3;
	v17 =	vld [tilespmem:s14+$0x2090]  }
0xbb: {  	[tilespmem:s14+$0x2050] =	vst v1;
	v18 =	vld [tilespmem:s14+$0x20A0]  }
0xbc: {  	[tilespmem:s14+$0x2060] =	vst v2;
	v44 =	vld [tilespmem:s14+$0x20C0];
	v7 =	vadd.f32 v8, v7  }
0xbd: {  	[tilespmem:s14+$0x2070] =	vst v0;
	v45 =	vld [tilespmem:s14+$0x20D0];
	v6 =	vadd.f32 v9, v6  }
0xbe: {  	v46 =	vld [tilespmem:s14+$0x20E0];
	v5 =	vadd.f32 v10, v5;
	[tilespmem:s14+$0x2080] =	vst v7  }
0xbf: {  	v47 =	vld [tilespmem:s14+$0x20F0];
	v4 =	vadd.f32 v11, v4;
	[tilespmem:s14+$0x2090] =	vst v6  }
0xc0: {  	v48 =	vld [tilespmem:s14+$0x2100];
	v3 =	vadd.f32 v12, v3;
	[tilespmem:s14+$0x20A0] =	vst v5  }
0xc1: {  	v8 =	vld [tilespmem:s14+$0x20B0];
	v1 =	vadd.f32 v13, v1;
	[tilespmem:s14+$0x20B0] =	vst v4  }
0xc2: {  	v49 =	vld [tilespmem:s14+$0x2110];
	v2 =	vadd.f32 v14, v2;
	[tilespmem:s14+$0x20C0] =	vst v3  }
0xc3: {  	v50 =	vld [tilespmem:s14+$0x2120];
	v0 =	vadd.f32 v15, v0;
	[tilespmem:s14+$0x20D0] =	vst v1  }
0xc4: {  	v51 =	vld [tilespmem:s14+$0x2130];
	v7 =	vadd.f32 v16, v7;
	[tilespmem:s14+$0x20E0] =	vst v2  }
0xc5: {  	v52 =	vld [tilespmem:s14+$0x2140];
	v6 =	vadd.f32 v17, v6;
	[tilespmem:s14+$0x20F0] =	vst v0  }
0xc6: {  	v53 =	vld [tilespmem:s14+$0x2150];
	v5 =	vadd.f32 v18, v5;
	[tilespmem:s14+$0x2100] =	vst v7  }
0xc7: {  	v54 =	vld [tilespmem:s14+$0x2170];
	v3 =	vadd.f32 v44, v3;
	[tilespmem:s14+$0x2110] =	vst v6  }
0xc8: {  	v55 =	vld [tilespmem:s14+$0x2180];
	v1 =	vadd.f32 v45, v1;
	[tilespmem:s14+$0x2120] =	vst v5  }
0xc9: {  	v56 =	vld [tilespmem:s14+$0x2190];
	v0 =	vadd.f32 v47, v0;
	[tilespmem:s14+$0x2140] =	vst v3  }
0xca: {  	v57 =	vld [tilespmem:s14+$0x21A0];
	v2 =	vadd.f32 v46, v2;
	[tilespmem:s14+$0x2150] =	vst v1  }
0xcb: {  	v58 =	vld [tilespmem:s14+$0x21B0];
	v7 =	vadd.f32 v48, v7;
	[tilespmem:s14+$0x2170] =	vst v0  }
0xcc: {  	v6 =	vadd.f32 v49, v6;
	v4 =	vadd.f32 v8, v4;
	v8 =	vld [tilespmem:s14+$0x2160];
	[tilespmem:s14+$0x2160] =	vst v2  }
0xcd: {  	v59 =	vld [tilespmem:s14+$0x21C0];
	v5 =	vadd.f32 v50, v5;
	[tilespmem:s14+$0x2180] =	vst v7  }
0xce: {  	v60 =	vld [tilespmem:s14+$0x21D0];
	v3 =	vadd.f32 v52, v3;
	[tilespmem:s14+$0x2190] =	vst v6  }
0xcf: {  	v61 =	vld [tilespmem:s14+$0x21E0];
	v1 =	vadd.f32 v53, v1;
	[tilespmem:s14+$0x21A0] =	vst v5  }
0xd0: {  	v62 =	vld [tilespmem:s14+$0x21F0];
	v0 =	vadd.f32 v54, v0;
	[tilespmem:s14+$0x21C0] =	vst v3  }
0xd1: {  	v63 =	vld [tilespmem:s14+$0x2200];
	[tilespmem:s14+$0x21D0] =	vst v1  }
0xd2: {  	v21 =	vld [tilespmem:s14+$0x2220];
	v7 =	vadd.f32 v55, v7;
	[tilespmem:s14+$0x21F0] =	vst v0  }
0xd3: {  	v22 =	vld [tilespmem:s14+$0x2230];
	v5 =	vadd.f32 v57, v5;
	[tilespmem:s14+$0x2130] =	vst v4  }
0xd4: {  	v23 =	vld [tilespmem:s14+$0x2240];
	v3 =	vadd.f32 v59, v3;
	[tilespmem:s14+$0x2200] =	vst v7  }
0xd5: {  	v24 =	vld [tilespmem:s14+$0x2250];
	v1 =	vadd.f32 v60, v1;
	[tilespmem:s14+$0x2220] =	vst v5  }
0xd6: {  	v25 =	vld [tilespmem:s14+$0x2260];
	v0 =	vadd.f32 v62, v0;
	[tilespmem:s14+$0x2240] =	vst v3  }
0xd7: {  	v26 =	vld [tilespmem:s14+$0x2270];
	v4 =	vadd.f32 v51, v4;
	[tilespmem:s14+$0x2250] =	vst v1  }
0xd8: {  	v27 =	vld [tilespmem:s14+$0x2280];
	v6 =	vadd.f32 v56, v6;
	[tilespmem:s14+$0x2270] =	vst v0  }
0xd9: {  	v28 =	vld [tilespmem:s14+$0x2290];
	v7 =	vadd.f32 v63, v7;
	[tilespmem:s14+$0x21B0] =	vst v4  }
0xda: {  	v5 =	vadd.f32 v21, v5;
	v2 =	vadd.f32 v8, v2;
	v8 =	vld [tilespmem:s14+$0x2210];
	[tilespmem:s14+$0x2210] =	vst v6  }
0xdb: {  	v29 =	vld [tilespmem:s14+$0x22A0];
	v1 =	vadd.f32 v24, v1;
	[tilespmem:s14+$0x2280] =	vst v7  }
0xdc: {  	v31 =	vld [tilespmem:s14+$0x22D0];
	v0 =	vadd.f32 v26, v0;
	[tilespmem:s14+$0x22A0] =	vst v5  }
0xdd: {  	v30 =	vld [tilespmem:s14+$0x22B0];
	v4 =	vadd.f32 v58, v4;
	[tilespmem:s14+$0x22D0] =	vst v1  }
0xde: {  	v33 =	vld [tilespmem:s14+$0x22F0];
	[tilespmem:s14+$0x22F0] =	vst v0  }
0xdf: {  	v34 =	vld [tilespmem:s14+$0x2300];
	v7 =	vadd.f32 v27, v7;
	[tilespmem:s14+$0x2230] =	vst v4  }
0xe0: {  	v36 =	vld [tilespmem:s14+$0x2320];
	v5 =	vadd.f32 v29, v5;
	[tilespmem:s14+$0x21E0] =	vst v2  }
0xe1: {  	v39 =	vld [tilespmem:s14+$0x2350];
	v1 =	vadd.f32 v31, v1;
	[tilespmem:s14+$0x2300] =	vst v7  }
0xe2: {  	v32 =	vld [tilespmem:s14+$0x22E0];
	v4 =	vadd.f32 v22, v4;
	[tilespmem:s14+$0x2320] =	vst v5  }
0xe3: {  	v35 =	vld [tilespmem:s14+$0x2310];
	v2 =	vadd.f32 v61, v2;
	[tilespmem:s14+$0x2350] =	vst v1  }
0xe4: {  	v37 =	vld [tilespmem:s14+$0x2330];
	v7 =	vadd.f32 v34, v7;
	[tilespmem:s14+$0x22B0] =	vst v4  }
0xe5: {  	v41 =	vld [tilespmem:s14+$0x2380];
	v5 =	vadd.f32 v36, v5;
	[tilespmem:s14+$0x2260] =	vst v2  }
0xe6: {  	v46 =	vld [tilespmem:s14+$0x23D0];
	v1 =	vadd.f32 v39, v1;
	[tilespmem:s14+$0x2380] =	vst v7  }
0xe7: {  	v43 =	vld [tilespmem:s14+$0x23A0];
	v3 =	vadd.f32 v23, v3;
	[tilespmem:s14+$0x23A0] =	vst v5  }
0xe8: {  	v38 =	vld [tilespmem:s14+$0x2340];
	v4 =	vadd.f32 v30, v4;
	[tilespmem:s14+$0x23D0] =	vst v1  }
0xe9: {  	v2 =	vadd.f32 v25, v2;
	v6 =	vadd.f32 v8, v6;
	v8 =	vld [tilespmem:s14+$0x22C0];
	[tilespmem:s14+$0x22C0] =	vst v3  }
0xea: {  	v49 =	vld [tilespmem:s14+$0x2400];
	v7 =	vadd.f32 v41, v7;
	[tilespmem:s14+$0x2330] =	vst v4  }
0xeb: {  	v40 =	vld [tilespmem:s14+$0x2360];
	v1 =	vadd.f32 v46, v1;
	[tilespmem:s14+$0x22E0] =	vst v2  }
0xec: {  	v44 =	vld [tilespmem:s14+$0x23B0];
	[tilespmem:s14+$0x2400] =	vst v7  }
0xed: {  	v53 =	vld [tilespmem:s14+$0x2450];
	v4 =	vadd.f32 v37, v4;
	[tilespmem:s14+$0x2450] =	vst v1  }
0xee: {  	v42 =	vld [tilespmem:s14+$0x2390];
	v2 =	vadd.f32 v32, v2;
	[tilespmem:s14+$0x2290] =	vst v6  }
0xef: {  	v56 =	vld [tilespmem:s14+$0x2480];
	v7 =	vadd.f32 v49, v7;
	[tilespmem:s14+$0x23B0] =	vst v4  }
0xf0: {  	v45 =	vld [tilespmem:s14+$0x23C0];
	v6 =	vadd.f32 v28, v6;
	[tilespmem:s14+$0x2360] =	vst v2  }
0xf1: {  	v51 =	vld [tilespmem:s14+$0x2430];
	v4 =	vadd.f32 v44, v4;
	[tilespmem:s14+$0x2480] =	vst v7  }
0xf2: {  	v47 =	vld [tilespmem:s14+$0x23E0];
	v0 =	vadd.f32 v33, v0;
	[tilespmem:s14+$0x2310] =	vst v6  }
0xf3: {  	v48 =	vld [tilespmem:s14+$0x23F0];
	v2 =	vadd.f32 v40, v2;
	[tilespmem:s14+$0x2430] =	vst v4  }
0xf4: {  	v7 =	vadd.f32 v56, v7;
	v3 =	vadd.f32 v8, v3;
	v8 =	vld [tilespmem:s14+$0x2370];
	[tilespmem:s14+$0x2370] =	vst v0  }
0xf5: {  	v59 =	vld [tilespmem:s14+$0x24B0];
	v6 =	vadd.f32 v35, v6;
	[tilespmem:s14+$0x23E0] =	vst v2  }
0xf6: {  	v63 =	vld [tilespmem:s14+$0x2500];
	v4 =	vadd.f32 v51, v4;
	[tilespmem:s14+$0x2500] =	vst v7  }
0xf7: {  	v54 =	vld [tilespmem:s14+$0x2460];
	[tilespmem:s14+$0x2390] =	vst v6  }
0xf8: {  	v50 =	vld [tilespmem:s14+$0x2410];
	v2 =	vadd.f32 v47, v2;
	[tilespmem:s14+$0x24B0] =	vst v4  }
0xf9: {  	v52 =	vld [tilespmem:s14+$0x2440];
	v6 =	vadd.f32 v42, v6;
	[tilespmem:s14+$0x2340] =	vst v3  }
0xfa: {  	v23 =	vld [tilespmem:s14+$0x2530];
	v4 =	vadd.f32 v59, v4;
	[tilespmem:s14+$0x2460] =	vst v2  }
0xfb: {  	v55 =	vld [tilespmem:s14+$0x2470];
	v3 =	vadd.f32 v38, v3;
	[tilespmem:s14+$0x2410] =	vst v6  }
0xfc: {  	v61 =	vld [tilespmem:s14+$0x24E0];
	v2 =	vadd.f32 v54, v2;
	[tilespmem:s14+$0x2530] =	vst v4  }
0xfd: {  	v57 =	vld [tilespmem:s14+$0x2490];
	v5 =	vadd.f32 v43, v5;
	[tilespmem:s14+$0x23C0] =	vst v3  }
0xfe: {  	v60 =	vld [tilespmem:s14+$0x24C0];
	v6 =	vadd.f32 v50, v6;
	[tilespmem:s14+$0x24E0] =	vst v2  }
0xff: {  	v4 =	vadd.f32 v23, v4;
	v0 =	vadd.f32 v8, v0;
	v8 =	vld [tilespmem:s14+$0x2420];
	[tilespmem:s14+$0x2420] =	vst v5  }
0x100: {  	v26 =	vld [tilespmem:s14+$0x2560];
	v3 =	vadd.f32 v45, v3;
	[tilespmem:s14+$0x2490] =	vst v6  }
0x101: {  	v30 =	vld [tilespmem:s14+$0x25B0];
	v2 =	vadd.f32 v61, v2;
	[tilespmem:s14+$0x25B0] =	vst v4  }
0x102: {  	v21 =	vld [tilespmem:s14+$0x2510];
	[tilespmem:s14+$0x2440] =	vst v3  }
0x103: {  	v62 =	vld [tilespmem:s14+$0x24F0];
	v6 =	vadd.f32 v57, v6;
	[tilespmem:s14+$0x2560] =	vst v2  }
0x104: {  	v24 =	vld [tilespmem:s14+$0x2540];
	v3 =	vadd.f32 v52, v3;
	[tilespmem:s14+$0x23F0] =	vst v0  }
0x105: {  	v33 =	vld [tilespmem:s14+$0x25E0];
	v2 =	vadd.f32 v26, v2;
	[tilespmem:s14+$0x2510] =	vst v6  }
0x106: {  	v58 =	vld [tilespmem:s14+$0x24A0];
	v0 =	vadd.f32 v48, v0;
	[tilespmem:s14+$0x24C0] =	vst v3  }
0x107: {  	v28 =	vld [tilespmem:s14+$0x2590];
	v6 =	vadd.f32 v21, v6;
	[tilespmem:s14+$0x25E0] =	vst v2  }
0x108: {  	v27 =	vld [tilespmem:s14+$0x2570];
	v1 =	vadd.f32 v53, v1;
	[tilespmem:s14+$0x2470] =	vst v0  }
0x109: {  	v29 =	vld [tilespmem:s14+$0x25A0];
	v3 =	vadd.f32 v60, v3;
	[tilespmem:s14+$0x2590] =	vst v6  }
0x10a: {  	v2 =	vadd.f32 v33, v2;
	v5 =	vadd.f32 v8, v5;
	v8 =	vld [tilespmem:s14+$0x24D0];
	[tilespmem:s14+$0x24D0] =	vst v1  }
0x10b: {  	v36 =	vld [tilespmem:s14+$0x2610];
	v0 =	vadd.f32 v55, v0;
	[tilespmem:s14+$0x2540] =	vst v3  }
0x10c: {  	v40 =	vld [tilespmem:s14+$0x2660];
	v6 =	vadd.f32 v28, v6;
	[tilespmem:s14+$0x2660] =	vst v2  }
0x10d: {  	v31 =	vld [tilespmem:s14+$0x25C0];
	[tilespmem:s14+$0x24F0] =	vst v0  }
0x10e: {  	v22 =	vld [tilespmem:s14+$0x2520];
	v3 =	vadd.f32 v24, v3;
	[tilespmem:s14+$0x2610] =	vst v6  }
0x10f: {  	v34 =	vld [tilespmem:s14+$0x25F0];
	v0 =	vadd.f32 v62, v0;
	[tilespmem:s14+$0x24A0] =	vst v5  }
0x110: {  	v43 =	vld [tilespmem:s14+$0x2690];
	v6 =	vadd.f32 v36, v6;
	[tilespmem:s14+$0x25C0] =	vst v3  }
0x111: {  	v39 =	vld [tilespmem:s14+$0x2650];
	v5 =	vadd.f32 v58, v5;
	[tilespmem:s14+$0x2570] =	vst v0  }
0x112: {  	v38 =	vld [tilespmem:s14+$0x2640];
	v3 =	vadd.f32 v31, v3;
	[tilespmem:s14+$0x2690] =	vst v6  }
0x113: {  	v25 =	vld [tilespmem:s14+$0x2550];
	v7 =	vadd.f32 v63, v7;
	[tilespmem:s14+$0x2520] =	vst v5  }
0x114: {  	v41 =	vld [tilespmem:s14+$0x2670];
	v0 =	vadd.f32 v27, v0;
	[tilespmem:s14+$0x2640] =	vst v3  }
0x115: {  	v6 =	vadd.f32 v43, v6;
	v1 =	vadd.f32 v8, v1;
	v8 =	vld [tilespmem:s14+$0x2580];
	[tilespmem:s14+$0x2580] =	vst v7  }
0x116: {  	v46 =	vld [tilespmem:s14+$0x26C0];
	v5 =	vadd.f32 v22, v5;
	[tilespmem:s14+$0x25F0] =	vst v0  }
0x117: {  	v50 =	vld [tilespmem:s14+$0x2710];
	v3 =	vadd.f32 v38, v3;
	[tilespmem:s14+$0x2710] =	vst v6  }
0x118: {  	v37 =	vld [tilespmem:s14+$0x2620];
	[tilespmem:s14+$0x25A0] =	vst v5  }
0x119: {  	v32 =	vld [tilespmem:s14+$0x25D0];
	v0 =	vadd.f32 v34, v0;
	[tilespmem:s14+$0x26C0] =	vst v3  }
0x11a: {  	v49 =	vld [tilespmem:s14+$0x2700];
	v5 =	vadd.f32 v29, v5;
	[tilespmem:s14+$0x2550] =	vst v1  }
0x11b: {  	v53 =	vld [tilespmem:s14+$0x2740];
	v3 =	vadd.f32 v46, v3;
	[tilespmem:s14+$0x2670] =	vst v0  }
0x11c: {  	v44 =	vld [tilespmem:s14+$0x26A0];
	v1 =	vadd.f32 v25, v1;
	[tilespmem:s14+$0x2620] =	vst v5  }
0x11d: {  	v48 =	vld [tilespmem:s14+$0x26F0];
	v0 =	vadd.f32 v41, v0;
	[tilespmem:s14+$0x2740] =	vst v3  }
0x11e: {  	v56 =	vld [tilespmem:s14+$0x2770];
	v4 =	vadd.f32 v30, v4;
	[tilespmem:s14+$0x25D0] =	vst v1  }
0x11f: {  	v35 =	vld [tilespmem:s14+$0x2600];
	v5 =	vadd.f32 v37, v5;
	[tilespmem:s14+$0x26F0] =	vst v0  }
0x120: {  	v3 =	vadd.f32 v53, v3;
	v7 =	vadd.f32 v8, v7;
	v8 =	vld [tilespmem:s14+$0x2630];
	[tilespmem:s14+$0x2630] =	vst v4  }
0x121: {  	v51 =	vld [tilespmem:s14+$0x2720];
	v1 =	vadd.f32 v32, v1;
	[tilespmem:s14+$0x26A0] =	vst v5  }
0x122: {  	v60 =	vld [tilespmem:s14+$0x27C0];
	v0 =	vadd.f32 v48, v0;
	[tilespmem:s14+$0x27C0] =	vst v3  }
0x123: {  	v47 =	vld [tilespmem:s14+$0x26D0];
	[tilespmem:s14+$0x2650] =	vst v1  }
0x124: {  	v63 =	vld [tilespmem:s14+$0x27F0];
	v5 =	vadd.f32 v44, v5;
	[tilespmem:s14+$0x2770] =	vst v0  }
0x125: {  	v42 =	vld [tilespmem:s14+$0x2680];
	v1 =	vadd.f32 v39, v1;
	[tilespmem:s14+$0x2600] =	vst v7  }
0x126: {  	v59 =	vld [tilespmem:s14+$0x27B0];
	v0 =	vadd.f32 v56, v0;
	[tilespmem:s14+$0x2720] =	vst v5  }
0x127: {  	v54 =	vld [tilespmem:s14+$0x2750];
	v7 =	vadd.f32 v35, v7;
	[tilespmem:s14+$0x26D0] =	vst v1  }
0x128: {  	v45 =	vld [tilespmem:s14+$0x26B0];
	v5 =	vadd.f32 v51, v5;
	[tilespmem:s14+$0x27F0] =	vst v0  }
0x129: {  	v61 =	vld [tilespmem:s14+$0x27D0];
	v2 =	vadd.f32 v40, v2;
	[tilespmem:s14+$0x2680] =	vst v7  }
0x12a: {  	v58 =	vld [tilespmem:s14+$0x27A0];
	v1 =	vadd.f32 v47, v1;
	[tilespmem:s14+$0x27A0] =	vst v5  }
0x12b: {  	v7 =	vadd.f32 v42, v7;
	v4 =	vadd.f32 v8, v4;
	v8 =	vld [tilespmem:s14+$0x26E0];
	[tilespmem:s14+$0x26E0] =	vst v2  }
0x12c: {  	v57 =	vld [tilespmem:s14+$0x2780];
	[tilespmem:s14+$0x2750] =	vst v1  }
0x12d: {  	v52 =	vld [tilespmem:s14+$0x2730];
	v1 =	vadd.f32 v54, v1;
	[tilespmem:s14+$0x2700] =	vst v7  }
0x12e: {  	v55 =	vld [tilespmem:s14+$0x2760];
	v7 =	vadd.f32 v49, v7;
	[tilespmem:s14+$0x26B0] =	vst v4  }
0x12f: {  	v62 =	vld [tilespmem:s14+$0x27E0];
	v4 =	vadd.f32 v45, v4;
	[tilespmem:s14+$0x27D0] =	vst v1  }
0x130: {  	p0 =	slt.u32 s13, $0x30;
	v6 =	vadd.f32 v50, v6;
	[tilespmem:s14+$0x2780] =	vst v7;
	v2 =	vadd.f32 v8, v2;
	v8 =	vld [tilespmem:s14+$0x2790]  }
.Ltmp1:
0x131: {  	v3 =	vadd.f32 v60, v3;
	v0 =	vadd.f32 v63, v0;
	[tilespmem:s14+$0x2730] =	vst v4;
	(pc) =	sbr.rel @p0 .LBB2_4-.Ltmp1, $4  }
0x132: {  	v5 =	vadd.f32 v58, v5;
	v4 =	vadd.f32 v52, v4;
	[tilespmem:s14+$0x2790] =	vst v6  }
0x133: {  	v1 =	vadd.f32 v61, v1;
	[tilespmem:s14+$0x2760] =	vst v2;
	v2 =	vadd.f32 v55, v2  }
0x134: {  	v7 =	vadd.f32 v57, v7;
	[tilespmem:s14+$0x27B0] =	vst v4;
	v4 =	vadd.f32 v59, v4  }
0x135: {  	s13 =	sadd.s32 $0x10, s13;
	[tilespmem:s14+$0x27E0] =	vst v2;
	v2 =	vadd.f32 v62, v2;
	v6 =	vadd.f32 v8, v6  }
0x136: {  	s13 =	rddreg [dreg:$0x6]  }
0x137: {  	[hbm4b:s13+s26] =	stream.strided.scatter [tilespmem:s29], [sflag:$0x6], $0x2000, s28, s26, $0x38;
	[tilespmem:$0x8000] =	vst v63  }
0x138: {  	_ =	swait.ge [sflag:s0], $0x2000  }
0x139: {  	[sflag:s0] =	ssyncset.done $0x0  }
0x13a: {  	s13 =	simm.s32 $0x0;
	s14 =	rddreg [dreg:$0x7];
	[sflag:s0] =	ssyncadd.s32 $0xFFFFE000  }
0x13b: {  	[tilespmem:s13], [sflag:$0x1] =	stream.strided.gather [hbm4b:s14+s26], $0x2000, s28, s26, $0x38;
	[tilespmem:$0x8000] =	vst v63  }
0x13c: {  	_ =	swait.ge [sflag:s4], $0x2000  }
0x13d: {  	[sflag:s4] =	ssyncset.done $0x0  }
0x13e: {  	[sflag:s4] =	ssyncadd.s32 $0xFFFFE000  }
.LBB2_6:
0x13f: {  	s14 =	sshll.u32 s13, $0x7  }
0x140: {  	s14 =	sand.u32 $0x3FFFFF80, s14  }
0x141: {  	v8 =	vld [tilespmem:s14+$0x4000]  }
0x142: {  	v9 =	vld [tilespmem:s14+$0x4010]  }
0x143: {  	v10 =	vld [tilespmem:s14+$0x4020]  }
0x144: {  	v11 =	vld [tilespmem:s14+$0x4030]  }
0x145: {  	v12 =	vld [tilespmem:s14+$0x4040]  }
0x146: {  	[tilespmem:s14+$0x4000] =	vst v7;
	v13 =	vld [tilespmem:s14+$0x4050]  }
0x147: {  	[tilespmem:s14+$0x4010] =	vst v6;
	v14 =	vld [tilespmem:s14+$0x4060]  }
0x148: {  	[tilespmem:s14+$0x4020] =	vst v5;
	v15 =	vld [tilespmem:s14+$0x4070]  }
0x149: {  	[tilespmem:s14+$0x4030] =	vst v4;
	v16 =	vld [tilespmem:s14+$0x4080]  }
0x14a: {  	[tilespmem:s14+$0x4040] =	vst v3;
	v17 =	vld [tilespmem:s14+$0x4090]  }
0x14b: {  	[tilespmem:s14+$0x4050] =	vst v1;
	v18 =	vld [tilespmem:s14+$0x40A0]  }
0x14c: {  	[tilespmem:s14+$0x4060] =	vst v2;
	v44 =	vld [tilespmem:s14+$0x40C0];
	v7 =	vadd.f32 v8, v7  }
0x14d: {  	[tilespmem:s14+$0x4070] =	vst v0;
	v45 =	vld [tilespmem:s14+$0x40D0];
	v6 =	vadd.f32 v9, v6  }
0x14e: {  	v46 =	vld [tilespmem:s14+$0x40E0];
	v5 =	vadd.f32 v10, v5;
	[tilespmem:s14+$0x4080] =	vst v7  }
0x14f: {  	v47 =	vld [tilespmem:s14+$0x40F0];
	v4 =	vadd.f32 v11, v4;
	[tilespmem:s14+$0x4090] =	vst v6  }
0x150: {  	v48 =	vld [tilespmem:s14+$0x4100];
	v3 =	vadd.f32 v12, v3;
	[tilespmem:s14+$0x40A0] =	vst v5  }
0x151: {  	v8 =	vld [tilespmem:s14+$0x40B0];
	v1 =	vadd.f32 v13, v1;
	[tilespmem:s14+$0x40B0] =	vst v4  }
0x152: {  	v49 =	vld [tilespmem:s14+$0x4110];
	v2 =	vadd.f32 v14, v2;
	[tilespmem:s14+$0x40C0] =	vst v3  }
0x153: {  	v50 =	vld [tilespmem:s14+$0x4120];
	v0 =	vadd.f32 v15, v0;
	[tilespmem:s14+$0x40D0] =	vst v1  }
0x154: {  	v51 =	vld [tilespmem:s14+$0x4130];
	v7 =	vadd.f32 v16, v7;
	[tilespmem:s14+$0x40E0] =	vst v2  }
0x155: {  	v52 =	vld [tilespmem:s14+$0x4140];
	v6 =	vadd.f32 v17, v6;
	[tilespmem:s14+$0x40F0] =	vst v0  }
0x156: {  	v53 =	vld [tilespmem:s14+$0x4150];
	v5 =	vadd.f32 v18, v5;
	[tilespmem:s14+$0x4100] =	vst v7  }
0x157: {  	v54 =	vld [tilespmem:s14+$0x4170];
	v3 =	vadd.f32 v44, v3;
	[tilespmem:s14+$0x4110] =	vst v6  }
0x158: {  	v55 =	vld [tilespmem:s14+$0x4180];
	v1 =	vadd.f32 v45, v1;
	[tilespmem:s14+$0x4120] =	vst v5  }
0x159: {  	v56 =	vld [tilespmem:s14+$0x4190];
	v0 =	vadd.f32 v47, v0;
	[tilespmem:s14+$0x4140] =	vst v3  }
0x15a: {  	v57 =	vld [tilespmem:s14+$0x41A0];
	v2 =	vadd.f32 v46, v2;
	[tilespmem:s14+$0x4150] =	vst v1  }
0x15b: {  	v58 =	vld [tilespmem:s14+$0x41B0];
	v7 =	vadd.f32 v48, v7;
	[tilespmem:s14+$0x4170] =	vst v0  }
0x15c: {  	v6 =	vadd.f32 v49, v6;
	v4 =	vadd.f32 v8, v4;
	v8 =	vld [tilespmem:s14+$0x4160];
	[tilespmem:s14+$0x4160] =	vst v2  }
0x15d: {  	v59 =	vld [tilespmem:s14+$0x41C0];
	v5 =	vadd.f32 v50, v5;
	[tilespmem:s14+$0x4180] =	vst v7  }
0x15e: {  	v60 =	vld [tilespmem:s14+$0x41D0];
	v3 =	vadd.f32 v52, v3;
	[tilespmem:s14+$0x4190] =	vst v6  }
0x15f: {  	v61 =	vld [tilespmem:s14+$0x41E0];
	v1 =	vadd.f32 v53, v1;
	[tilespmem:s14+$0x41A0] =	vst v5  }
0x160: {  	v62 =	vld [tilespmem:s14+$0x41F0];
	v0 =	vadd.f32 v54, v0;
	[tilespmem:s14+$0x41C0] =	vst v3  }
0x161: {  	v63 =	vld [tilespmem:s14+$0x4200];
	[tilespmem:s14+$0x41D0] =	vst v1  }
0x162: {  	v21 =	vld [tilespmem:s14+$0x4220];
	v7 =	vadd.f32 v55, v7;
	[tilespmem:s14+$0x41F0] =	vst v0  }
0x163: {  	v22 =	vld [tilespmem:s14+$0x4230];
	v5 =	vadd.f32 v57, v5;
	[tilespmem:s14+$0x4130] =	vst v4  }
0x164: {  	v23 =	vld [tilespmem:s14+$0x4240];
	v3 =	vadd.f32 v59, v3;
	[tilespmem:s14+$0x4200] =	vst v7  }
0x165: {  	v24 =	vld [tilespmem:s14+$0x4250];
	v1 =	vadd.f32 v60, v1;
	[tilespmem:s14+$0x4220] =	vst v5  }
0x166: {  	v25 =	vld [tilespmem:s14+$0x4260];
	v0 =	vadd.f32 v62, v0;
	[tilespmem:s14+$0x4240] =	vst v3  }
0x167: {  	v26 =	vld [tilespmem:s14+$0x4270];
	v4 =	vadd.f32 v51, v4;
	[tilespmem:s14+$0x4250] =	vst v1  }
0x168: {  	v27 =	vld [tilespmem:s14+$0x4280];
	v6 =	vadd.f32 v56, v6;
	[tilespmem:s14+$0x4270] =	vst v0  }
0x169: {  	v28 =	vld [tilespmem:s14+$0x4290];
	v7 =	vadd.f32 v63, v7;
	[tilespmem:s14+$0x41B0] =	vst v4  }
0x16a: {  	v5 =	vadd.f32 v21, v5;
	v2 =	vadd.f32 v8, v2;
	v8 =	vld [tilespmem:s14+$0x4210];
	[tilespmem:s14+$0x4210] =	vst v6  }
0x16b: {  	v29 =	vld [tilespmem:s14+$0x42A0];
	v1 =	vadd.f32 v24, v1;
	[tilespmem:s14+$0x4280] =	vst v7  }
0x16c: {  	v31 =	vld [tilespmem:s14+$0x42D0];
	v0 =	vadd.f32 v26, v0;
	[tilespmem:s14+$0x42A0] =	vst v5  }
0x16d: {  	v30 =	vld [tilespmem:s14+$0x42B0];
	v4 =	vadd.f32 v58, v4;
	[tilespmem:s14+$0x42D0] =	vst v1  }
0x16e: {  	v33 =	vld [tilespmem:s14+$0x42F0];
	[tilespmem:s14+$0x42F0] =	vst v0  }
0x16f: {  	v34 =	vld [tilespmem:s14+$0x4300];
	v7 =	vadd.f32 v27, v7;
	[tilespmem:s14+$0x4230] =	vst v4  }
0x170: {  	v36 =	vld [tilespmem:s14+$0x4320];
	v5 =	vadd.f32 v29, v5;
	[tilespmem:s14+$0x41E0] =	vst v2  }
0x171: {  	v39 =	vld [tilespmem:s14+$0x4350];
	v1 =	vadd.f32 v31, v1;
	[tilespmem:s14+$0x4300] =	vst v7  }
0x172: {  	v32 =	vld [tilespmem:s14+$0x42E0];
	v4 =	vadd.f32 v22, v4;
	[tilespmem:s14+$0x4320] =	vst v5  }
0x173: {  	v35 =	vld [tilespmem:s14+$0x4310];
	v2 =	vadd.f32 v61, v2;
	[tilespmem:s14+$0x4350] =	vst v1  }
0x174: {  	v37 =	vld [tilespmem:s14+$0x4330];
	v7 =	vadd.f32 v34, v7;
	[tilespmem:s14+$0x42B0] =	vst v4  }
0x175: {  	v41 =	vld [tilespmem:s14+$0x4380];
	v5 =	vadd.f32 v36, v5;
	[tilespmem:s14+$0x4260] =	vst v2  }
0x176: {  	v46 =	vld [tilespmem:s14+$0x43D0];
	v1 =	vadd.f32 v39, v1;
	[tilespmem:s14+$0x4380] =	vst v7  }
0x177: {  	v43 =	vld [tilespmem:s14+$0x43A0];
	v3 =	vadd.f32 v23, v3;
	[tilespmem:s14+$0x43A0] =	vst v5  }
0x178: {  	v38 =	vld [tilespmem:s14+$0x4340];
	v4 =	vadd.f32 v30, v4;
	[tilespmem:s14+$0x43D0] =	vst v1  }
0x179: {  	v2 =	vadd.f32 v25, v2;
	v6 =	vadd.f32 v8, v6;
	v8 =	vld [tilespmem:s14+$0x42C0];
	[tilespmem:s14+$0x42C0] =	vst v3  }
0x17a: {  	v49 =	vld [tilespmem:s14+$0x4400];
	v7 =	vadd.f32 v41, v7;
	[tilespmem:s14+$0x4330] =	vst v4  }
0x17b: {  	v40 =	vld [tilespmem:s14+$0x4360];
	v1 =	vadd.f32 v46, v1;
	[tilespmem:s14+$0x42E0] =	vst v2  }
0x17c: {  	v44 =	vld [tilespmem:s14+$0x43B0];
	[tilespmem:s14+$0x4400] =	vst v7  }
0x17d: {  	v53 =	vld [tilespmem:s14+$0x4450];
	v4 =	vadd.f32 v37, v4;
	[tilespmem:s14+$0x4450] =	vst v1  }
0x17e: {  	v42 =	vld [tilespmem:s14+$0x4390];
	v2 =	vadd.f32 v32, v2;
	[tilespmem:s14+$0x4290] =	vst v6  }
0x17f: {  	v56 =	vld [tilespmem:s14+$0x4480];
	v7 =	vadd.f32 v49, v7;
	[tilespmem:s14+$0x43B0] =	vst v4  }
0x180: {  	v45 =	vld [tilespmem:s14+$0x43C0];
	v6 =	vadd.f32 v28, v6;
	[tilespmem:s14+$0x4360] =	vst v2  }
0x181: {  	v51 =	vld [tilespmem:s14+$0x4430];
	v4 =	vadd.f32 v44, v4;
	[tilespmem:s14+$0x4480] =	vst v7  }
0x182: {  	v47 =	vld [tilespmem:s14+$0x43E0];
	v0 =	vadd.f32 v33, v0;
	[tilespmem:s14+$0x4310] =	vst v6  }
0x183: {  	v48 =	vld [tilespmem:s14+$0x43F0];
	v2 =	vadd.f32 v40, v2;
	[tilespmem:s14+$0x4430] =	vst v4  }
0x184: {  	v7 =	vadd.f32 v56, v7;
	v3 =	vadd.f32 v8, v3;
	v8 =	vld [tilespmem:s14+$0x4370];
	[tilespmem:s14+$0x4370] =	vst v0  }
0x185: {  	v59 =	vld [tilespmem:s14+$0x44B0];
	v6 =	vadd.f32 v35, v6;
	[tilespmem:s14+$0x43E0] =	vst v2  }
0x186: {  	v63 =	vld [tilespmem:s14+$0x4500];
	v4 =	vadd.f32 v51, v4;
	[tilespmem:s14+$0x4500] =	vst v7  }
0x187: {  	v54 =	vld [tilespmem:s14+$0x4460];
	[tilespmem:s14+$0x4390] =	vst v6  }
0x188: {  	v50 =	vld [tilespmem:s14+$0x4410];
	v2 =	vadd.f32 v47, v2;
	[tilespmem:s14+$0x44B0] =	vst v4  }
0x189: {  	v52 =	vld [tilespmem:s14+$0x4440];
	v6 =	vadd.f32 v42, v6;
	[tilespmem:s14+$0x4340] =	vst v3  }
0x18a: {  	v23 =	vld [tilespmem:s14+$0x4530];
	v4 =	vadd.f32 v59, v4;
	[tilespmem:s14+$0x4460] =	vst v2  }
0x18b: {  	v55 =	vld [tilespmem:s14+$0x4470];
	v3 =	vadd.f32 v38, v3;
	[tilespmem:s14+$0x4410] =	vst v6  }
0x18c: {  	v61 =	vld [tilespmem:s14+$0x44E0];
	v2 =	vadd.f32 v54, v2;
	[tilespmem:s14+$0x4530] =	vst v4  }
0x18d: {  	v57 =	vld [tilespmem:s14+$0x4490];
	v5 =	vadd.f32 v43, v5;
	[tilespmem:s14+$0x43C0] =	vst v3  }
0x18e: {  	v60 =	vld [tilespmem:s14+$0x44C0];
	v6 =	vadd.f32 v50, v6;
	[tilespmem:s14+$0x44E0] =	vst v2  }
0x18f: {  	v4 =	vadd.f32 v23, v4;
	v0 =	vadd.f32 v8, v0;
	v8 =	vld [tilespmem:s14+$0x4420];
	[tilespmem:s14+$0x4420] =	vst v5  }
0x190: {  	v26 =	vld [tilespmem:s14+$0x4560];
	v3 =	vadd.f32 v45, v3;
	[tilespmem:s14+$0x4490] =	vst v6  }
0x191: {  	v30 =	vld [tilespmem:s14+$0x45B0];
	v2 =	vadd.f32 v61, v2;
	[tilespmem:s14+$0x45B0] =	vst v4  }
0x192: {  	v21 =	vld [tilespmem:s14+$0x4510];
	[tilespmem:s14+$0x4440] =	vst v3  }
0x193: {  	v62 =	vld [tilespmem:s14+$0x44F0];
	v6 =	vadd.f32 v57, v6;
	[tilespmem:s14+$0x4560] =	vst v2  }
0x194: {  	v24 =	vld [tilespmem:s14+$0x4540];
	v3 =	vadd.f32 v52, v3;
	[tilespmem:s14+$0x43F0] =	vst v0  }
0x195: {  	v33 =	vld [tilespmem:s14+$0x45E0];
	v2 =	vadd.f32 v26, v2;
	[tilespmem:s14+$0x4510] =	vst v6  }
0x196: {  	v58 =	vld [tilespmem:s14+$0x44A0];
	v0 =	vadd.f32 v48, v0;
	[tilespmem:s14+$0x44C0] =	vst v3  }
0x197: {  	v28 =	vld [tilespmem:s14+$0x4590];
	v6 =	vadd.f32 v21, v6;
	[tilespmem:s14+$0x45E0] =	vst v2  }
0x198: {  	v27 =	vld [tilespmem:s14+$0x4570];
	v1 =	vadd.f32 v53, v1;
	[tilespmem:s14+$0x4470] =	vst v0  }
0x199: {  	v29 =	vld [tilespmem:s14+$0x45A0];
	v3 =	vadd.f32 v60, v3;
	[tilespmem:s14+$0x4590] =	vst v6  }
0x19a: {  	v2 =	vadd.f32 v33, v2;
	v5 =	vadd.f32 v8, v5;
	v8 =	vld [tilespmem:s14+$0x44D0];
	[tilespmem:s14+$0x44D0] =	vst v1  }
0x19b: {  	v36 =	vld [tilespmem:s14+$0x4610];
	v0 =	vadd.f32 v55, v0;
	[tilespmem:s14+$0x4540] =	vst v3  }
0x19c: {  	v40 =	vld [tilespmem:s14+$0x4660];
	v6 =	vadd.f32 v28, v6;
	[tilespmem:s14+$0x4660] =	vst v2  }
0x19d: {  	v31 =	vld [tilespmem:s14+$0x45C0];
	[tilespmem:s14+$0x44F0] =	vst v0  }
0x19e: {  	v22 =	vld [tilespmem:s14+$0x4520];
	v3 =	vadd.f32 v24, v3;
	[tilespmem:s14+$0x4610] =	vst v6  }
0x19f: {  	v34 =	vld [tilespmem:s14+$0x45F0];
	v0 =	vadd.f32 v62, v0;
	[tilespmem:s14+$0x44A0] =	vst v5  }
0x1a0: {  	v43 =	vld [tilespmem:s14+$0x4690];
	v6 =	vadd.f32 v36, v6;
	[tilespmem:s14+$0x45C0] =	vst v3  }
0x1a1: {  	v39 =	vld [tilespmem:s14+$0x4650];
	v5 =	vadd.f32 v58, v5;
	[tilespmem:s14+$0x4570] =	vst v0  }
0x1a2: {  	v38 =	vld [tilespmem:s14+$0x4640];
	v3 =	vadd.f32 v31, v3;
	[tilespmem:s14+$0x4690] =	vst v6  }
0x1a3: {  	v25 =	vld [tilespmem:s14+$0x4550];
	v7 =	vadd.f32 v63, v7;
	[tilespmem:s14+$0x4520] =	vst v5  }
0x1a4: {  	v41 =	vld [tilespmem:s14+$0x4670];
	v0 =	vadd.f32 v27, v0;
	[tilespmem:s14+$0x4640] =	vst v3  }
0x1a5: {  	v6 =	vadd.f32 v43, v6;
	v1 =	vadd.f32 v8, v1;
	v8 =	vld [tilespmem:s14+$0x4580];
	[tilespmem:s14+$0x4580] =	vst v7  }
0x1a6: {  	v46 =	vld [tilespmem:s14+$0x46C0];
	v5 =	vadd.f32 v22, v5;
	[tilespmem:s14+$0x45F0] =	vst v0  }
0x1a7: {  	v50 =	vld [tilespmem:s14+$0x4710];
	v3 =	vadd.f32 v38, v3;
	[tilespmem:s14+$0x4710] =	vst v6  }
0x1a8: {  	v37 =	vld [tilespmem:s14+$0x4620];
	[tilespmem:s14+$0x45A0] =	vst v5  }
0x1a9: {  	v32 =	vld [tilespmem:s14+$0x45D0];
	v0 =	vadd.f32 v34, v0;
	[tilespmem:s14+$0x46C0] =	vst v3  }
0x1aa: {  	v49 =	vld [tilespmem:s14+$0x4700];
	v5 =	vadd.f32 v29, v5;
	[tilespmem:s14+$0x4550] =	vst v1  }
0x1ab: {  	v53 =	vld [tilespmem:s14+$0x4740];
	v3 =	vadd.f32 v46, v3;
	[tilespmem:s14+$0x4670] =	vst v0  }
0x1ac: {  	v44 =	vld [tilespmem:s14+$0x46A0];
	v1 =	vadd.f32 v25, v1;
	[tilespmem:s14+$0x4620] =	vst v5  }
0x1ad: {  	v48 =	vld [tilespmem:s14+$0x46F0];
	v0 =	vadd.f32 v41, v0;
	[tilespmem:s14+$0x4740] =	vst v3  }
0x1ae: {  	v56 =	vld [tilespmem:s14+$0x4770];
	v4 =	vadd.f32 v30, v4;
	[tilespmem:s14+$0x45D0] =	vst v1  }
0x1af: {  	v35 =	vld [tilespmem:s14+$0x4600];
	v5 =	vadd.f32 v37, v5;
	[tilespmem:s14+$0x46F0] =	vst v0  }
0x1b0: {  	v3 =	vadd.f32 v53, v3;
	v7 =	vadd.f32 v8, v7;
	v8 =	vld [tilespmem:s14+$0x4630];
	[tilespmem:s14+$0x4630] =	vst v4  }
0x1b1: {  	v51 =	vld [tilespmem:s14+$0x4720];
	v1 =	vadd.f32 v32, v1;
	[tilespmem:s14+$0x46A0] =	vst v5  }
0x1b2: {  	v60 =	vld [tilespmem:s14+$0x47C0];
	v0 =	vadd.f32 v48, v0;
	[tilespmem:s14+$0x47C0] =	vst v3  }
0x1b3: {  	v47 =	vld [tilespmem:s14+$0x46D0];
	[tilespmem:s14+$0x4650] =	vst v1  }
0x1b4: {  	v63 =	vld [tilespmem:s14+$0x47F0];
	v5 =	vadd.f32 v44, v5;
	[tilespmem:s14+$0x4770] =	vst v0  }
0x1b5: {  	v42 =	vld [tilespmem:s14+$0x4680];
	v1 =	vadd.f32 v39, v1;
	[tilespmem:s14+$0x4600] =	vst v7  }
0x1b6: {  	v59 =	vld [tilespmem:s14+$0x47B0];
	v0 =	vadd.f32 v56, v0;
	[tilespmem:s14+$0x4720] =	vst v5  }
0x1b7: {  	v54 =	vld [tilespmem:s14+$0x4750];
	v7 =	vadd.f32 v35, v7;
	[tilespmem:s14+$0x46D0] =	vst v1  }
0x1b8: {  	v45 =	vld [tilespmem:s14+$0x46B0];
	v5 =	vadd.f32 v51, v5;
	[tilespmem:s14+$0x47F0] =	vst v0  }
0x1b9: {  	v61 =	vld [tilespmem:s14+$0x47D0];
	v2 =	vadd.f32 v40, v2;
	[tilespmem:s14+$0x4680] =	vst v7  }
0x1ba: {  	v58 =	vld [tilespmem:s14+$0x47A0];
	v1 =	vadd.f32 v47, v1;
	[tilespmem:s14+$0x47A0] =	vst v5  }
0x1bb: {  	v7 =	vadd.f32 v42, v7;
	v4 =	vadd.f32 v8, v4;
	v8 =	vld [tilespmem:s14+$0x46E0];
	[tilespmem:s14+$0x46E0] =	vst v2  }
0x1bc: {  	v57 =	vld [tilespmem:s14+$0x4780];
	[tilespmem:s14+$0x4750] =	vst v1  }
0x1bd: {  	v52 =	vld [tilespmem:s14+$0x4730];
	v1 =	vadd.f32 v54, v1;
	[tilespmem:s14+$0x4700] =	vst v7  }
0x1be: {  	v55 =	vld [tilespmem:s14+$0x4760];
	v7 =	vadd.f32 v49, v7;
	[tilespmem:s14+$0x46B0] =	vst v4  }
0x1bf: {  	v62 =	vld [tilespmem:s14+$0x47E0];
	v4 =	vadd.f32 v45, v4;
	[tilespmem:s14+$0x47D0] =	vst v1  }
0x1c0: {  	p0 =	slt.u32 s13, $0x30;
	v6 =	vadd.f32 v50, v6;
	[tilespmem:s14+$0x4780] =	vst v7;
	v2 =	vadd.f32 v8, v2;
	v8 =	vld [tilespmem:s14+$0x4790]  }
.Ltmp2:
0x1c1: {  	v3 =	vadd.f32 v60, v3;
	v0 =	vadd.f32 v63, v0;
	[tilespmem:s14+$0x4730] =	vst v4;
	(pc) =	sbr.rel @p0 .LBB2_6-.Ltmp2, $4  }
0x1c2: {  	v5 =	vadd.f32 v58, v5;
	v4 =	vadd.f32 v52, v4;
	[tilespmem:s14+$0x4790] =	vst v6  }
0x1c3: {  	v1 =	vadd.f32 v61, v1;
	[tilespmem:s14+$0x4760] =	vst v2;
	v2 =	vadd.f32 v55, v2  }
0x1c4: {  	v7 =	vadd.f32 v57, v7;
	[tilespmem:s14+$0x47B0] =	vst v4;
	v4 =	vadd.f32 v59, v4  }
0x1c5: {  	s13 =	sadd.s32 $0x10, s13;
	[tilespmem:s14+$0x47E0] =	vst v2;
	v2 =	vadd.f32 v62, v2;
	v6 =	vadd.f32 v8, v6  }
0x1c6: {  	s13 =	rddreg [dreg:$0x8]  }
0x1c7: {  	[hbm4b:s13+s26] =	stream.strided.scatter [tilespmem:s28], [sflag:$0x7], $0x2000, s28, s26, $0x38;
	[tilespmem:$0x8000] =	vst v63  }
0x1c8: {  	_ =	swait.ge [sflag:s7], $0x2000  }
0x1c9: {  	[sflag:s7] =	ssyncset.done $0x0  }
0x1ca: {  	s21 =	rddreg [dreg:$0x9];
	[sflag:s7] =	ssyncadd.s32 $0xFFFFE000  }
0x1cb: {  	[tilespmem:s29], [sflag:$0x2] =	stream.strided.gather [hbm4b:s21+s26], $0x2000, s28, s26, $0x38;
	[tilespmem:$0x8000] =	vst v63  }
0x1cc: {  	_ =	swait.ge [sflag:s8], $0x2000  }
0x1cd: {  	[sflag:s8] =	ssyncset.done $0x0  }
0x1ce: {  	s13 =	simm.s32 $0x0;
	[sflag:s8] =	ssyncadd.s32 $0xFFFFE000  }
.LBB2_8:
0x1cf: {  	s14 =	sshll.u32 s13, $0x7  }
0x1d0: {  	s14 =	sand.u32 $0x3FFFFF80, s14  }
0x1d1: {  	v8 =	vld [tilespmem:s14+$0x6000]  }
0x1d2: {  	v9 =	vld [tilespmem:s14+$0x6010]  }
0x1d3: {  	v10 =	vld [tilespmem:s14+$0x6020]  }
0x1d4: {  	v11 =	vld [tilespmem:s14+$0x6030]  }
0x1d5: {  	v12 =	vld [tilespmem:s14+$0x6040]  }
0x1d6: {  	[tilespmem:s14+$0x6000] =	vst v7;
	v13 =	vld [tilespmem:s14+$0x6050]  }
0x1d7: {  	[tilespmem:s14+$0x6010] =	vst v6;
	v14 =	vld [tilespmem:s14+$0x6060]  }
0x1d8: {  	[tilespmem:s14+$0x6020] =	vst v5;
	v15 =	vld [tilespmem:s14+$0x6070]  }
0x1d9: {  	[tilespmem:s14+$0x6030] =	vst v4;
	v16 =	vld [tilespmem:s14+$0x6080]  }
0x1da: {  	[tilespmem:s14+$0x6040] =	vst v3;
	v17 =	vld [tilespmem:s14+$0x6090]  }
0x1db: {  	[tilespmem:s14+$0x6050] =	vst v1;
	v18 =	vld [tilespmem:s14+$0x60A0]  }
0x1dc: {  	[tilespmem:s14+$0x6060] =	vst v2;
	v44 =	vld [tilespmem:s14+$0x60C0];
	v7 =	vadd.f32 v8, v7  }
0x1dd: {  	[tilespmem:s14+$0x6070] =	vst v0;
	v45 =	vld [tilespmem:s14+$0x60D0];
	v6 =	vadd.f32 v9, v6  }
0x1de: {  	v46 =	vld [tilespmem:s14+$0x60E0];
	v5 =	vadd.f32 v10, v5;
	[tilespmem:s14+$0x6080] =	vst v7  }
0x1df: {  	v47 =	vld [tilespmem:s14+$0x60F0];
	v4 =	vadd.f32 v11, v4;
	[tilespmem:s14+$0x6090] =	vst v6  }
0x1e0: {  	v48 =	vld [tilespmem:s14+$0x6100];
	v3 =	vadd.f32 v12, v3;
	[tilespmem:s14+$0x60A0] =	vst v5  }
0x1e1: {  	v8 =	vld [tilespmem:s14+$0x60B0];
	v1 =	vadd.f32 v13, v1;
	[tilespmem:s14+$0x60B0] =	vst v4  }
0x1e2: {  	v49 =	vld [tilespmem:s14+$0x6110];
	v2 =	vadd.f32 v14, v2;
	[tilespmem:s14+$0x60C0] =	vst v3  }
0x1e3: {  	v50 =	vld [tilespmem:s14+$0x6120];
	v0 =	vadd.f32 v15, v0;
	[tilespmem:s14+$0x60D0] =	vst v1  }
0x1e4: {  	v51 =	vld [tilespmem:s14+$0x6130];
	v7 =	vadd.f32 v16, v7;
	[tilespmem:s14+$0x60E0] =	vst v2  }
0x1e5: {  	v52 =	vld [tilespmem:s14+$0x6140];
	v6 =	vadd.f32 v17, v6;
	[tilespmem:s14+$0x60F0] =	vst v0  }
0x1e6: {  	v53 =	vld [tilespmem:s14+$0x6150];
	v5 =	vadd.f32 v18, v5;
	[tilespmem:s14+$0x6100] =	vst v7  }
0x1e7: {  	v54 =	vld [tilespmem:s14+$0x6170];
	v3 =	vadd.f32 v44, v3;
	[tilespmem:s14+$0x6110] =	vst v6  }
0x1e8: {  	v55 =	vld [tilespmem:s14+$0x6180];
	v1 =	vadd.f32 v45, v1;
	[tilespmem:s14+$0x6120] =	vst v5  }
0x1e9: {  	v56 =	vld [tilespmem:s14+$0x6190];
	v0 =	vadd.f32 v47, v0;
	[tilespmem:s14+$0x6140] =	vst v3  }
0x1ea: {  	v57 =	vld [tilespmem:s14+$0x61A0];
	v2 =	vadd.f32 v46, v2;
	[tilespmem:s14+$0x6150] =	vst v1  }
0x1eb: {  	v58 =	vld [tilespmem:s14+$0x61B0];
	v7 =	vadd.f32 v48, v7;
	[tilespmem:s14+$0x6170] =	vst v0  }
0x1ec: {  	v6 =	vadd.f32 v49, v6;
	v4 =	vadd.f32 v8, v4;
	v8 =	vld [tilespmem:s14+$0x6160];
	[tilespmem:s14+$0x6160] =	vst v2  }
0x1ed: {  	v59 =	vld [tilespmem:s14+$0x61C0];
	v5 =	vadd.f32 v50, v5;
	[tilespmem:s14+$0x6180] =	vst v7  }
0x1ee: {  	v60 =	vld [tilespmem:s14+$0x61D0];
	v3 =	vadd.f32 v52, v3;
	[tilespmem:s14+$0x6190] =	vst v6  }
0x1ef: {  	v61 =	vld [tilespmem:s14+$0x61E0];
	v1 =	vadd.f32 v53, v1;
	[tilespmem:s14+$0x61A0] =	vst v5  }
0x1f0: {  	v62 =	vld [tilespmem:s14+$0x61F0];
	v0 =	vadd.f32 v54, v0;
	[tilespmem:s14+$0x61C0] =	vst v3  }
0x1f1: {  	v63 =	vld [tilespmem:s14+$0x6200];
	[tilespmem:s14+$0x61D0] =	vst v1  }
0x1f2: {  	v21 =	vld [tilespmem:s14+$0x6220];
	v7 =	vadd.f32 v55, v7;
	[tilespmem:s14+$0x61F0] =	vst v0  }
0x1f3: {  	v22 =	vld [tilespmem:s14+$0x6230];
	v5 =	vadd.f32 v57, v5;
	[tilespmem:s14+$0x6130] =	vst v4  }
0x1f4: {  	v23 =	vld [tilespmem:s14+$0x6240];
	v3 =	vadd.f32 v59, v3;
	[tilespmem:s14+$0x6200] =	vst v7  }
0x1f5: {  	v24 =	vld [tilespmem:s14+$0x6250];
	v1 =	vadd.f32 v60, v1;
	[tilespmem:s14+$0x6220] =	vst v5  }
0x1f6: {  	v25 =	vld [tilespmem:s14+$0x6260];
	v0 =	vadd.f32 v62, v0;
	[tilespmem:s14+$0x6240] =	vst v3  }
0x1f7: {  	v26 =	vld [tilespmem:s14+$0x6270];
	v4 =	vadd.f32 v51, v4;
	[tilespmem:s14+$0x6250] =	vst v1  }
0x1f8: {  	v27 =	vld [tilespmem:s14+$0x6280];
	v6 =	vadd.f32 v56, v6;
	[tilespmem:s14+$0x6270] =	vst v0  }
0x1f9: {  	v28 =	vld [tilespmem:s14+$0x6290];
	v7 =	vadd.f32 v63, v7;
	[tilespmem:s14+$0x61B0] =	vst v4  }
0x1fa: {  	v5 =	vadd.f32 v21, v5;
	v2 =	vadd.f32 v8, v2;
	v8 =	vld [tilespmem:s14+$0x6210];
	[tilespmem:s14+$0x6210] =	vst v6  }
0x1fb: {  	v29 =	vld [tilespmem:s14+$0x62A0];
	v1 =	vadd.f32 v24, v1;
	[tilespmem:s14+$0x6280] =	vst v7  }
0x1fc: {  	v31 =	vld [tilespmem:s14+$0x62D0];
	v0 =	vadd.f32 v26, v0;
	[tilespmem:s14+$0x62A0] =	vst v5  }
0x1fd: {  	v30 =	vld [tilespmem:s14+$0x62B0];
	v4 =	vadd.f32 v58, v4;
	[tilespmem:s14+$0x62D0] =	vst v1  }
0x1fe: {  	v33 =	vld [tilespmem:s14+$0x62F0];
	[tilespmem:s14+$0x62F0] =	vst v0  }
0x1ff: {  	v34 =	vld [tilespmem:s14+$0x6300];
	v7 =	vadd.f32 v27, v7;
	[tilespmem:s14+$0x6230] =	vst v4  }
0x200: {  	v36 =	vld [tilespmem:s14+$0x6320];
	v5 =	vadd.f32 v29, v5;
	[tilespmem:s14+$0x61E0] =	vst v2  }
0x201: {  	v39 =	vld [tilespmem:s14+$0x6350];
	v1 =	vadd.f32 v31, v1;
	[tilespmem:s14+$0x6300] =	vst v7  }
0x202: {  	v32 =	vld [tilespmem:s14+$0x62E0];
	v4 =	vadd.f32 v22, v4;
	[tilespmem:s14+$0x6320] =	vst v5  }
0x203: {  	v35 =	vld [tilespmem:s14+$0x6310];
	v2 =	vadd.f32 v61, v2;
	[tilespmem:s14+$0x6350] =	vst v1  }
0x204: {  	v37 =	vld [tilespmem:s14+$0x6330];
	v7 =	vadd.f32 v34, v7;
	[tilespmem:s14+$0x62B0] =	vst v4  }
0x205: {  	v41 =	vld [tilespmem:s14+$0x6380];
	v5 =	vadd.f32 v36, v5;
	[tilespmem:s14+$0x6260] =	vst v2  }
0x206: {  	v46 =	vld [tilespmem:s14+$0x63D0];
	v1 =	vadd.f32 v39, v1;
	[tilespmem:s14+$0x6380] =	vst v7  }
0x207: {  	v43 =	vld [tilespmem:s14+$0x63A0];
	v3 =	vadd.f32 v23, v3;
	[tilespmem:s14+$0x63A0] =	vst v5  }
0x208: {  	v38 =	vld [tilespmem:s14+$0x6340];
	v4 =	vadd.f32 v30, v4;
	[tilespmem:s14+$0x63D0] =	vst v1  }
0x209: {  	v2 =	vadd.f32 v25, v2;
	v6 =	vadd.f32 v8, v6;
	v8 =	vld [tilespmem:s14+$0x62C0];
	[tilespmem:s14+$0x62C0] =	vst v3  }
0x20a: {  	v49 =	vld [tilespmem:s14+$0x6400];
	v7 =	vadd.f32 v41, v7;
	[tilespmem:s14+$0x6330] =	vst v4  }
0x20b: {  	v40 =	vld [tilespmem:s14+$0x6360];
	v1 =	vadd.f32 v46, v1;
	[tilespmem:s14+$0x62E0] =	vst v2  }
0x20c: {  	v44 =	vld [tilespmem:s14+$0x63B0];
	[tilespmem:s14+$0x6400] =	vst v7  }
0x20d: {  	v53 =	vld [tilespmem:s14+$0x6450];
	v4 =	vadd.f32 v37, v4;
	[tilespmem:s14+$0x6450] =	vst v1  }
0x20e: {  	v42 =	vld [tilespmem:s14+$0x6390];
	v2 =	vadd.f32 v32, v2;
	[tilespmem:s14+$0x6290] =	vst v6  }
0x20f: {  	v56 =	vld [tilespmem:s14+$0x6480];
	v7 =	vadd.f32 v49, v7;
	[tilespmem:s14+$0x63B0] =	vst v4  }
0x210: {  	v45 =	vld [tilespmem:s14+$0x63C0];
	v6 =	vadd.f32 v28, v6;
	[tilespmem:s14+$0x6360] =	vst v2  }
0x211: {  	v51 =	vld [tilespmem:s14+$0x6430];
	v4 =	vadd.f32 v44, v4;
	[tilespmem:s14+$0x6480] =	vst v7  }
0x212: {  	v47 =	vld [tilespmem:s14+$0x63E0];
	v0 =	vadd.f32 v33, v0;
	[tilespmem:s14+$0x6310] =	vst v6  }
0x213: {  	v48 =	vld [tilespmem:s14+$0x63F0];
	v2 =	vadd.f32 v40, v2;
	[tilespmem:s14+$0x6430] =	vst v4  }
0x214: {  	v7 =	vadd.f32 v56, v7;
	v3 =	vadd.f32 v8, v3;
	v8 =	vld [tilespmem:s14+$0x6370];
	[tilespmem:s14+$0x6370] =	vst v0  }
0x215: {  	v59 =	vld [tilespmem:s14+$0x64B0];
	v6 =	vadd.f32 v35, v6;
	[tilespmem:s14+$0x63E0] =	vst v2  }
0x216: {  	v63 =	vld [tilespmem:s14+$0x6500];
	v4 =	vadd.f32 v51, v4;
	[tilespmem:s14+$0x6500] =	vst v7  }
0x217: {  	v54 =	vld [tilespmem:s14+$0x6460];
	[tilespmem:s14+$0x6390] =	vst v6  }
0x218: {  	v50 =	vld [tilespmem:s14+$0x6410];
	v2 =	vadd.f32 v47, v2;
	[tilespmem:s14+$0x64B0] =	vst v4  }
0x219: {  	v52 =	vld [tilespmem:s14+$0x6440];
	v6 =	vadd.f32 v42, v6;
	[tilespmem:s14+$0x6340] =	vst v3  }
0x21a: {  	v23 =	vld [tilespmem:s14+$0x6530];
	v4 =	vadd.f32 v59, v4;
	[tilespmem:s14+$0x6460] =	vst v2  }
0x21b: {  	v55 =	vld [tilespmem:s14+$0x6470];
	v3 =	vadd.f32 v38, v3;
	[tilespmem:s14+$0x6410] =	vst v6  }
0x21c: {  	v61 =	vld [tilespmem:s14+$0x64E0];
	v2 =	vadd.f32 v54, v2;
	[tilespmem:s14+$0x6530] =	vst v4  }
0x21d: {  	v57 =	vld [tilespmem:s14+$0x6490];
	v5 =	vadd.f32 v43, v5;
	[tilespmem:s14+$0x63C0] =	vst v3  }
0x21e: {  	v60 =	vld [tilespmem:s14+$0x64C0];
	v6 =	vadd.f32 v50, v6;
	[tilespmem:s14+$0x64E0] =	vst v2  }
0x21f: {  	v4 =	vadd.f32 v23, v4;
	v0 =	vadd.f32 v8, v0;
	v8 =	vld [tilespmem:s14+$0x6420];
	[tilespmem:s14+$0x6420] =	vst v5  }
0x220: {  	v26 =	vld [tilespmem:s14+$0x6560];
	v3 =	vadd.f32 v45, v3;
	[tilespmem:s14+$0x6490] =	vst v6  }
0x221: {  	v30 =	vld [tilespmem:s14+$0x65B0];
	v2 =	vadd.f32 v61, v2;
	[tilespmem:s14+$0x65B0] =	vst v4  }
0x222: {  	v21 =	vld [tilespmem:s14+$0x6510];
	[tilespmem:s14+$0x6440] =	vst v3  }
0x223: {  	v62 =	vld [tilespmem:s14+$0x64F0];
	v6 =	vadd.f32 v57, v6;
	[tilespmem:s14+$0x6560] =	vst v2  }
0x224: {  	v24 =	vld [tilespmem:s14+$0x6540];
	v3 =	vadd.f32 v52, v3;
	[tilespmem:s14+$0x63F0] =	vst v0  }
0x225: {  	v33 =	vld [tilespmem:s14+$0x65E0];
	v2 =	vadd.f32 v26, v2;
	[tilespmem:s14+$0x6510] =	vst v6  }
0x226: {  	v58 =	vld [tilespmem:s14+$0x64A0];
	v0 =	vadd.f32 v48, v0;
	[tilespmem:s14+$0x64C0] =	vst v3  }
0x227: {  	v28 =	vld [tilespmem:s14+$0x6590];
	v6 =	vadd.f32 v21, v6;
	[tilespmem:s14+$0x65E0] =	vst v2  }
0x228: {  	v27 =	vld [tilespmem:s14+$0x6570];
	v1 =	vadd.f32 v53, v1;
	[tilespmem:s14+$0x6470] =	vst v0  }
0x229: {  	v29 =	vld [tilespmem:s14+$0x65A0];
	v3 =	vadd.f32 v60, v3;
	[tilespmem:s14+$0x6590] =	vst v6  }
0x22a: {  	v2 =	vadd.f32 v33, v2;
	v5 =	vadd.f32 v8, v5;
	v8 =	vld [tilespmem:s14+$0x64D0];
	[tilespmem:s14+$0x64D0] =	vst v1  }
0x22b: {  	v36 =	vld [tilespmem:s14+$0x6610];
	v0 =	vadd.f32 v55, v0;
	[tilespmem:s14+$0x6540] =	vst v3  }
0x22c: {  	v40 =	vld [tilespmem:s14+$0x6660];
	v6 =	vadd.f32 v28, v6;
	[tilespmem:s14+$0x6660] =	vst v2  }
0x22d: {  	v31 =	vld [tilespmem:s14+$0x65C0];
	[tilespmem:s14+$0x64F0] =	vst v0  }
0x22e: {  	v22 =	vld [tilespmem:s14+$0x6520];
	v3 =	vadd.f32 v24, v3;
	[tilespmem:s14+$0x6610] =	vst v6  }
0x22f: {  	v34 =	vld [tilespmem:s14+$0x65F0];
	v0 =	vadd.f32 v62, v0;
	[tilespmem:s14+$0x64A0] =	vst v5  }
0x230: {  	v43 =	vld [tilespmem:s14+$0x6690];
	v6 =	vadd.f32 v36, v6;
	[tilespmem:s14+$0x65C0] =	vst v3  }
0x231: {  	v39 =	vld [tilespmem:s14+$0x6650];
	v5 =	vadd.f32 v58, v5;
	[tilespmem:s14+$0x6570] =	vst v0  }
0x232: {  	v38 =	vld [tilespmem:s14+$0x6640];
	v3 =	vadd.f32 v31, v3;
	[tilespmem:s14+$0x6690] =	vst v6  }
0x233: {  	v25 =	vld [tilespmem:s14+$0x6550];
	v7 =	vadd.f32 v63, v7;
	[tilespmem:s14+$0x6520] =	vst v5  }
0x234: {  	v41 =	vld [tilespmem:s14+$0x6670];
	v0 =	vadd.f32 v27, v0;
	[tilespmem:s14+$0x6640] =	vst v3  }
0x235: {  	v6 =	vadd.f32 v43, v6;
	v1 =	vadd.f32 v8, v1;
	v8 =	vld [tilespmem:s14+$0x6580];
	[tilespmem:s14+$0x6580] =	vst v7  }
0x236: {  	v46 =	vld [tilespmem:s14+$0x66C0];
	v5 =	vadd.f32 v22, v5;
	[tilespmem:s14+$0x65F0] =	vst v0  }
0x237: {  	v50 =	vld [tilespmem:s14+$0x6710];
	v3 =	vadd.f32 v38, v3;
	[tilespmem:s14+$0x6710] =	vst v6  }
0x238: {  	v37 =	vld [tilespmem:s14+$0x6620];
	[tilespmem:s14+$0x65A0] =	vst v5  }
0x239: {  	v32 =	vld [tilespmem:s14+$0x65D0];
	v0 =	vadd.f32 v34, v0;
	[tilespmem:s14+$0x66C0] =	vst v3  }
0x23a: {  	v49 =	vld [tilespmem:s14+$0x6700];
	v5 =	vadd.f32 v29, v5;
	[tilespmem:s14+$0x6550] =	vst v1  }
0x23b: {  	v53 =	vld [tilespmem:s14+$0x6740];
	v3 =	vadd.f32 v46, v3;
	[tilespmem:s14+$0x6670] =	vst v0  }
0x23c: {  	v44 =	vld [tilespmem:s14+$0x66A0];
	v1 =	vadd.f32 v25, v1;
	[tilespmem:s14+$0x6620] =	vst v5  }
0x23d: {  	v48 =	vld [tilespmem:s14+$0x66F0];
	v0 =	vadd.f32 v41, v0;
	[tilespmem:s14+$0x6740] =	vst v3  }
0x23e: {  	v56 =	vld [tilespmem:s14+$0x6770];
	v4 =	vadd.f32 v30, v4;
	[tilespmem:s14+$0x65D0] =	vst v1  }
0x23f: {  	v35 =	vld [tilespmem:s14+$0x6600];
	v5 =	vadd.f32 v37, v5;
	[tilespmem:s14+$0x66F0] =	vst v0  }
0x240: {  	v3 =	vadd.f32 v53, v3;
	v7 =	vadd.f32 v8, v7;
	v8 =	vld [tilespmem:s14+$0x6630];
	[tilespmem:s14+$0x6630] =	vst v4  }
0x241: {  	v51 =	vld [tilespmem:s14+$0x6720];
	v1 =	vadd.f32 v32, v1;
	[tilespmem:s14+$0x66A0] =	vst v5  }
0x242: {  	v60 =	vld [tilespmem:s14+$0x67C0];
	v0 =	vadd.f32 v48, v0;
	[tilespmem:s14+$0x67C0] =	vst v3  }
0x243: {  	v47 =	vld [tilespmem:s14+$0x66D0];
	[tilespmem:s14+$0x6650] =	vst v1  }
0x244: {  	v63 =	vld [tilespmem:s14+$0x67F0];
	v5 =	vadd.f32 v44, v5;
	[tilespmem:s14+$0x6770] =	vst v0  }
0x245: {  	v42 =	vld [tilespmem:s14+$0x6680];
	v1 =	vadd.f32 v39, v1;
	[tilespmem:s14+$0x6600] =	vst v7  }
0x246: {  	v59 =	vld [tilespmem:s14+$0x67B0];
	v0 =	vadd.f32 v56, v0;
	[tilespmem:s14+$0x6720] =	vst v5  }
0x247: {  	v54 =	vld [tilespmem:s14+$0x6750];
	v7 =	vadd.f32 v35, v7;
	[tilespmem:s14+$0x66D0] =	vst v1  }
0x248: {  	v45 =	vld [tilespmem:s14+$0x66B0];
	v5 =	vadd.f32 v51, v5;
	[tilespmem:s14+$0x67F0] =	vst v0  }
0x249: {  	v61 =	vld [tilespmem:s14+$0x67D0];
	v2 =	vadd.f32 v40, v2;
	[tilespmem:s14+$0x6680] =	vst v7  }
0x24a: {  	v58 =	vld [tilespmem:s14+$0x67A0];
	v1 =	vadd.f32 v47, v1;
	[tilespmem:s14+$0x67A0] =	vst v5  }
0x24b: {  	v7 =	vadd.f32 v42, v7;
	v4 =	vadd.f32 v8, v4;
	v8 =	vld [tilespmem:s14+$0x66E0];
	[tilespmem:s14+$0x66E0] =	vst v2  }
0x24c: {  	v57 =	vld [tilespmem:s14+$0x6780];
	[tilespmem:s14+$0x6750] =	vst v1  }
0x24d: {  	v52 =	vld [tilespmem:s14+$0x6730];
	v1 =	vadd.f32 v54, v1;
	[tilespmem:s14+$0x6700] =	vst v7  }
0x24e: {  	v55 =	vld [tilespmem:s14+$0x6760];
	v7 =	vadd.f32 v49, v7;
	[tilespmem:s14+$0x66B0] =	vst v4  }
0x24f: {  	v62 =	vld [tilespmem:s14+$0x67E0];
	v4 =	vadd.f32 v45, v4;
	[tilespmem:s14+$0x67D0] =	vst v1  }
0x250: {  	p0 =	slt.u32 s13, $0x30;
	v6 =	vadd.f32 v50, v6;
	[tilespmem:s14+$0x6780] =	vst v7;
	v2 =	vadd.f32 v8, v2;
	v8 =	vld [tilespmem:s14+$0x6790]  }
.Ltmp3:
0x251: {  	v3 =	vadd.f32 v60, v3;
	v0 =	vadd.f32 v63, v0;
	[tilespmem:s14+$0x6730] =	vst v4;
	(pc) =	sbr.rel @p0 .LBB2_8-.Ltmp3, $4  }
0x252: {  	v5 =	vadd.f32 v58, v5;
	v4 =	vadd.f32 v52, v4;
	[tilespmem:s14+$0x6790] =	vst v6  }
0x253: {  	v1 =	vadd.f32 v61, v1;
	[tilespmem:s14+$0x6760] =	vst v2;
	v2 =	vadd.f32 v55, v2  }
0x254: {  	v7 =	vadd.f32 v57, v7;
	[tilespmem:s14+$0x67B0] =	vst v4;
	v4 =	vadd.f32 v59, v4  }
0x255: {  	s13 =	sadd.s32 $0x10, s13;
	[tilespmem:s14+$0x67E0] =	vst v2;
	v2 =	vadd.f32 v62, v2;
	v6 =	vadd.f32 v8, v6  }
0x256: {  	s13 =	rddreg [dreg:$0xa]  }
0x257: {  	[hbm4b:s13+s26] =	stream.strided.scatter [tilespmem:s31], [sflag:$0x8], $0x2000, s28, s26, $0x38;
	[tilespmem:$0x8000] =	vst v63  }
0x258: {  	_ =	swait.ge [sflag:s10], $0x2000  }
0x259: {  	[sflag:s10] =	ssyncset.done $0x0  }
0x25a: {  	s13 =	simm.s32 $0x1;
	s21 =	rddreg [dreg:$0xb];
	[sflag:s10] =	ssyncadd.s32 $0xFFFFE000  }
0x25b: {  	[tilespmem:s28], [sflag:$0x3] =	stream.strided.gather [hbm4b:s21+s26], $0x2000, s28, s26, $0x38;
	[tilespmem:$0x8000] =	vst v63  }
.LBB2_10:
0x25c: {  	_ =	swait.ge [sflag:s30], $0x2000  }
0x25d: {  	[sflag:s30] =	ssyncset.done $0x0  }
0x25e: {  	s14 =	simm.s32 $0x0;
	[sflag:s30] =	ssyncadd.s32 $0xFFFFE000  }
.LBB2_11:
0x25f: {  	s15 =	sshll.u32 s14, $0x7  }
0x260: {  	s15 =	sand.u32 $0x3FFFFF80, s15  }
0x261: {  	v8 =	vld [tilespmem:s15+$0x0]  }
0x262: {  	v9 =	vld [tilespmem:s15+$0x10]  }
0x263: {  	v10 =	vld [tilespmem:s15+$0x20]  }
0x264: {  	v11 =	vld [tilespmem:s15+$0x30]  }
0x265: {  	v12 =	vld [tilespmem:s15+$0x40]  }
0x266: {  	[tilespmem:s15+$0x0] =	vst v7;
	v13 =	vld [tilespmem:s15+$0x50]  }
0x267: {  	[tilespmem:s15+$0x10] =	vst v6;
	v14 =	vld [tilespmem:s15+$0x60]  }
0x268: {  	[tilespmem:s15+$0x20] =	vst v5;
	v15 =	vld [tilespmem:s15+$0x70]  }
0x269: {  	[tilespmem:s15+$0x30] =	vst v4;
	v16 =	vld [tilespmem:s15+$0x80]  }
0x26a: {  	[tilespmem:s15+$0x40] =	vst v3;
	v17 =	vld [tilespmem:s15+$0x90]  }
0x26b: {  	[tilespmem:s15+$0x50] =	vst v1;
	v18 =	vld [tilespmem:s15+$0xA0]  }
0x26c: {  	[tilespmem:s15+$0x60] =	vst v2;
	v44 =	vld [tilespmem:s15+$0xC0];
	v7 =	vadd.f32 v8, v7  }
0x26d: {  	[tilespmem:s15+$0x70] =	vst v0;
	v45 =	vld [tilespmem:s15+$0xD0];
	v6 =	vadd.f32 v9, v6  }
0x26e: {  	v46 =	vld [tilespmem:s15+$0xE0];
	v5 =	vadd.f32 v10, v5;
	[tilespmem:s15+$0x80] =	vst v7  }
0x26f: {  	v47 =	vld [tilespmem:s15+$0xF0];
	v4 =	vadd.f32 v11, v4;
	[tilespmem:s15+$0x90] =	vst v6  }
0x270: {  	v48 =	vld [tilespmem:s15+$0x100];
	v3 =	vadd.f32 v12, v3;
	[tilespmem:s15+$0xA0] =	vst v5  }
0x271: {  	v8 =	vld [tilespmem:s15+$0xB0];
	v1 =	vadd.f32 v13, v1;
	[tilespmem:s15+$0xB0] =	vst v4  }
0x272: {  	v49 =	vld [tilespmem:s15+$0x110];
	v2 =	vadd.f32 v14, v2;
	[tilespmem:s15+$0xC0] =	vst v3  }
0x273: {  	v50 =	vld [tilespmem:s15+$0x120];
	v0 =	vadd.f32 v15, v0;
	[tilespmem:s15+$0xD0] =	vst v1  }
0x274: {  	v51 =	vld [tilespmem:s15+$0x130];
	v7 =	vadd.f32 v16, v7;
	[tilespmem:s15+$0xE0] =	vst v2  }
0x275: {  	v52 =	vld [tilespmem:s15+$0x140];
	v6 =	vadd.f32 v17, v6;
	[tilespmem:s15+$0xF0] =	vst v0  }
0x276: {  	v53 =	vld [tilespmem:s15+$0x150];
	v5 =	vadd.f32 v18, v5;
	[tilespmem:s15+$0x100] =	vst v7  }
0x277: {  	v54 =	vld [tilespmem:s15+$0x170];
	v3 =	vadd.f32 v44, v3;
	[tilespmem:s15+$0x110] =	vst v6  }
0x278: {  	v55 =	vld [tilespmem:s15+$0x180];
	v1 =	vadd.f32 v45, v1;
	[tilespmem:s15+$0x120] =	vst v5  }
0x279: {  	v56 =	vld [tilespmem:s15+$0x190];
	v0 =	vadd.f32 v47, v0;
	[tilespmem:s15+$0x140] =	vst v3  }
0x27a: {  	v57 =	vld [tilespmem:s15+$0x1A0];
	v2 =	vadd.f32 v46, v2;
	[tilespmem:s15+$0x150] =	vst v1  }
0x27b: {  	v58 =	vld [tilespmem:s15+$0x1B0];
	v7 =	vadd.f32 v48, v7;
	[tilespmem:s15+$0x170] =	vst v0  }
0x27c: {  	v6 =	vadd.f32 v49, v6;
	v4 =	vadd.f32 v8, v4;
	v8 =	vld [tilespmem:s15+$0x160];
	[tilespmem:s15+$0x160] =	vst v2  }
0x27d: {  	v59 =	vld [tilespmem:s15+$0x1C0];
	v5 =	vadd.f32 v50, v5;
	[tilespmem:s15+$0x180] =	vst v7  }
0x27e: {  	v60 =	vld [tilespmem:s15+$0x1D0];
	v3 =	vadd.f32 v52, v3;
	[tilespmem:s15+$0x190] =	vst v6  }
0x27f: {  	v61 =	vld [tilespmem:s15+$0x1E0];
	v1 =	vadd.f32 v53, v1;
	[tilespmem:s15+$0x1A0] =	vst v5  }
0x280: {  	v62 =	vld [tilespmem:s15+$0x1F0];
	v0 =	vadd.f32 v54, v0;
	[tilespmem:s15+$0x1C0] =	vst v3  }
0x281: {  	v63 =	vld [tilespmem:s15+$0x200];
	[tilespmem:s15+$0x1D0] =	vst v1  }
0x282: {  	v21 =	vld [tilespmem:s15+$0x220];
	v7 =	vadd.f32 v55, v7;
	[tilespmem:s15+$0x1F0] =	vst v0  }
0x283: {  	v22 =	vld [tilespmem:s15+$0x230];
	v5 =	vadd.f32 v57, v5;
	[tilespmem:s15+$0x130] =	vst v4  }
0x284: {  	v23 =	vld [tilespmem:s15+$0x240];
	v3 =	vadd.f32 v59, v3;
	[tilespmem:s15+$0x200] =	vst v7  }
0x285: {  	v24 =	vld [tilespmem:s15+$0x250];
	v1 =	vadd.f32 v60, v1;
	[tilespmem:s15+$0x220] =	vst v5  }
0x286: {  	v25 =	vld [tilespmem:s15+$0x260];
	v0 =	vadd.f32 v62, v0;
	[tilespmem:s15+$0x240] =	vst v3  }
0x287: {  	v26 =	vld [tilespmem:s15+$0x270];
	v4 =	vadd.f32 v51, v4;
	[tilespmem:s15+$0x250] =	vst v1  }
0x288: {  	v27 =	vld [tilespmem:s15+$0x280];
	v6 =	vadd.f32 v56, v6;
	[tilespmem:s15+$0x270] =	vst v0  }
0x289: {  	v28 =	vld [tilespmem:s15+$0x290];
	v7 =	vadd.f32 v63, v7;
	[tilespmem:s15+$0x1B0] =	vst v4  }
0x28a: {  	v5 =	vadd.f32 v21, v5;
	v2 =	vadd.f32 v8, v2;
	v8 =	vld [tilespmem:s15+$0x210];
	[tilespmem:s15+$0x210] =	vst v6  }
0x28b: {  	v29 =	vld [tilespmem:s15+$0x2A0];
	v1 =	vadd.f32 v24, v1;
	[tilespmem:s15+$0x280] =	vst v7  }
0x28c: {  	v31 =	vld [tilespmem:s15+$0x2D0];
	v0 =	vadd.f32 v26, v0;
	[tilespmem:s15+$0x2A0] =	vst v5  }
0x28d: {  	v30 =	vld [tilespmem:s15+$0x2B0];
	v4 =	vadd.f32 v58, v4;
	[tilespmem:s15+$0x2D0] =	vst v1  }
0x28e: {  	v33 =	vld [tilespmem:s15+$0x2F0];
	[tilespmem:s15+$0x2F0] =	vst v0  }
0x28f: {  	v34 =	vld [tilespmem:s15+$0x300];
	v7 =	vadd.f32 v27, v7;
	[tilespmem:s15+$0x230] =	vst v4  }
0x290: {  	v36 =	vld [tilespmem:s15+$0x320];
	v5 =	vadd.f32 v29, v5;
	[tilespmem:s15+$0x1E0] =	vst v2  }
0x291: {  	v39 =	vld [tilespmem:s15+$0x350];
	v1 =	vadd.f32 v31, v1;
	[tilespmem:s15+$0x300] =	vst v7  }
0x292: {  	v32 =	vld [tilespmem:s15+$0x2E0];
	v4 =	vadd.f32 v22, v4;
	[tilespmem:s15+$0x320] =	vst v5  }
0x293: {  	v35 =	vld [tilespmem:s15+$0x310];
	v2 =	vadd.f32 v61, v2;
	[tilespmem:s15+$0x350] =	vst v1  }
0x294: {  	v37 =	vld [tilespmem:s15+$0x330];
	v7 =	vadd.f32 v34, v7;
	[tilespmem:s15+$0x2B0] =	vst v4  }
0x295: {  	v41 =	vld [tilespmem:s15+$0x380];
	v5 =	vadd.f32 v36, v5;
	[tilespmem:s15+$0x260] =	vst v2  }
0x296: {  	v46 =	vld [tilespmem:s15+$0x3D0];
	v1 =	vadd.f32 v39, v1;
	[tilespmem:s15+$0x380] =	vst v7  }
0x297: {  	v43 =	vld [tilespmem:s15+$0x3A0];
	v3 =	vadd.f32 v23, v3;
	[tilespmem:s15+$0x3A0] =	vst v5  }
0x298: {  	v38 =	vld [tilespmem:s15+$0x340];
	v4 =	vadd.f32 v30, v4;
	[tilespmem:s15+$0x3D0] =	vst v1  }
0x299: {  	v2 =	vadd.f32 v25, v2;
	v6 =	vadd.f32 v8, v6;
	v8 =	vld [tilespmem:s15+$0x2C0];
	[tilespmem:s15+$0x2C0] =	vst v3  }
0x29a: {  	v49 =	vld [tilespmem:s15+$0x400];
	v7 =	vadd.f32 v41, v7;
	[tilespmem:s15+$0x330] =	vst v4  }
0x29b: {  	v40 =	vld [tilespmem:s15+$0x360];
	v1 =	vadd.f32 v46, v1;
	[tilespmem:s15+$0x2E0] =	vst v2  }
0x29c: {  	v44 =	vld [tilespmem:s15+$0x3B0];
	[tilespmem:s15+$0x400] =	vst v7  }
0x29d: {  	v53 =	vld [tilespmem:s15+$0x450];
	v4 =	vadd.f32 v37, v4;
	[tilespmem:s15+$0x450] =	vst v1  }
0x29e: {  	v42 =	vld [tilespmem:s15+$0x390];
	v2 =	vadd.f32 v32, v2;
	[tilespmem:s15+$0x290] =	vst v6  }
0x29f: {  	v56 =	vld [tilespmem:s15+$0x480];
	v7 =	vadd.f32 v49, v7;
	[tilespmem:s15+$0x3B0] =	vst v4  }
0x2a0: {  	v45 =	vld [tilespmem:s15+$0x3C0];
	v6 =	vadd.f32 v28, v6;
	[tilespmem:s15+$0x360] =	vst v2  }
0x2a1: {  	v51 =	vld [tilespmem:s15+$0x430];
	v4 =	vadd.f32 v44, v4;
	[tilespmem:s15+$0x480] =	vst v7  }
0x2a2: {  	v47 =	vld [tilespmem:s15+$0x3E0];
	v0 =	vadd.f32 v33, v0;
	[tilespmem:s15+$0x310] =	vst v6  }
0x2a3: {  	v48 =	vld [tilespmem:s15+$0x3F0];
	v2 =	vadd.f32 v40, v2;
	[tilespmem:s15+$0x430] =	vst v4  }
0x2a4: {  	v7 =	vadd.f32 v56, v7;
	v3 =	vadd.f32 v8, v3;
	v8 =	vld [tilespmem:s15+$0x370];
	[tilespmem:s15+$0x370] =	vst v0  }
0x2a5: {  	v59 =	vld [tilespmem:s15+$0x4B0];
	v6 =	vadd.f32 v35, v6;
	[tilespmem:s15+$0x3E0] =	vst v2  }
0x2a6: {  	v63 =	vld [tilespmem:s15+$0x500];
	v4 =	vadd.f32 v51, v4;
	[tilespmem:s15+$0x500] =	vst v7  }
0x2a7: {  	v54 =	vld [tilespmem:s15+$0x460];
	[tilespmem:s15+$0x390] =	vst v6  }
0x2a8: {  	v50 =	vld [tilespmem:s15+$0x410];
	v2 =	vadd.f32 v47, v2;
	[tilespmem:s15+$0x4B0] =	vst v4  }
0x2a9: {  	v52 =	vld [tilespmem:s15+$0x440];
	v6 =	vadd.f32 v42, v6;
	[tilespmem:s15+$0x340] =	vst v3  }
0x2aa: {  	v23 =	vld [tilespmem:s15+$0x530];
	v4 =	vadd.f32 v59, v4;
	[tilespmem:s15+$0x460] =	vst v2  }
0x2ab: {  	v55 =	vld [tilespmem:s15+$0x470];
	v3 =	vadd.f32 v38, v3;
	[tilespmem:s15+$0x410] =	vst v6  }
0x2ac: {  	v61 =	vld [tilespmem:s15+$0x4E0];
	v2 =	vadd.f32 v54, v2;
	[tilespmem:s15+$0x530] =	vst v4  }
0x2ad: {  	v57 =	vld [tilespmem:s15+$0x490];
	v5 =	vadd.f32 v43, v5;
	[tilespmem:s15+$0x3C0] =	vst v3  }
0x2ae: {  	v60 =	vld [tilespmem:s15+$0x4C0];
	v6 =	vadd.f32 v50, v6;
	[tilespmem:s15+$0x4E0] =	vst v2  }
0x2af: {  	v4 =	vadd.f32 v23, v4;
	v0 =	vadd.f32 v8, v0;
	v8 =	vld [tilespmem:s15+$0x420];
	[tilespmem:s15+$0x420] =	vst v5  }
0x2b0: {  	v26 =	vld [tilespmem:s15+$0x560];
	v3 =	vadd.f32 v45, v3;
	[tilespmem:s15+$0x490] =	vst v6  }
0x2b1: {  	v30 =	vld [tilespmem:s15+$0x5B0];
	v2 =	vadd.f32 v61, v2;
	[tilespmem:s15+$0x5B0] =	vst v4  }
0x2b2: {  	v21 =	vld [tilespmem:s15+$0x510];
	[tilespmem:s15+$0x440] =	vst v3  }
0x2b3: {  	v62 =	vld [tilespmem:s15+$0x4F0];
	v6 =	vadd.f32 v57, v6;
	[tilespmem:s15+$0x560] =	vst v2  }
0x2b4: {  	v24 =	vld [tilespmem:s15+$0x540];
	v3 =	vadd.f32 v52, v3;
	[tilespmem:s15+$0x3F0] =	vst v0  }
0x2b5: {  	v33 =	vld [tilespmem:s15+$0x5E0];
	v2 =	vadd.f32 v26, v2;
	[tilespmem:s15+$0x510] =	vst v6  }
0x2b6: {  	v58 =	vld [tilespmem:s15+$0x4A0];
	v0 =	vadd.f32 v48, v0;
	[tilespmem:s15+$0x4C0] =	vst v3  }
0x2b7: {  	v28 =	vld [tilespmem:s15+$0x590];
	v6 =	vadd.f32 v21, v6;
	[tilespmem:s15+$0x5E0] =	vst v2  }
0x2b8: {  	v27 =	vld [tilespmem:s15+$0x570];
	v1 =	vadd.f32 v53, v1;
	[tilespmem:s15+$0x470] =	vst v0  }
0x2b9: {  	v29 =	vld [tilespmem:s15+$0x5A0];
	v3 =	vadd.f32 v60, v3;
	[tilespmem:s15+$0x590] =	vst v6  }
0x2ba: {  	v2 =	vadd.f32 v33, v2;
	v5 =	vadd.f32 v8, v5;
	v8 =	vld [tilespmem:s15+$0x4D0];
	[tilespmem:s15+$0x4D0] =	vst v1  }
0x2bb: {  	v36 =	vld [tilespmem:s15+$0x610];
	v0 =	vadd.f32 v55, v0;
	[tilespmem:s15+$0x540] =	vst v3  }
0x2bc: {  	v40 =	vld [tilespmem:s15+$0x660];
	v6 =	vadd.f32 v28, v6;
	[tilespmem:s15+$0x660] =	vst v2  }
0x2bd: {  	v31 =	vld [tilespmem:s15+$0x5C0];
	[tilespmem:s15+$0x4F0] =	vst v0  }
0x2be: {  	v22 =	vld [tilespmem:s15+$0x520];
	v3 =	vadd.f32 v24, v3;
	[tilespmem:s15+$0x610] =	vst v6  }
0x2bf: {  	v34 =	vld [tilespmem:s15+$0x5F0];
	v0 =	vadd.f32 v62, v0;
	[tilespmem:s15+$0x4A0] =	vst v5  }
0x2c0: {  	v43 =	vld [tilespmem:s15+$0x690];
	v6 =	vadd.f32 v36, v6;
	[tilespmem:s15+$0x5C0] =	vst v3  }
0x2c1: {  	v39 =	vld [tilespmem:s15+$0x650];
	v5 =	vadd.f32 v58, v5;
	[tilespmem:s15+$0x570] =	vst v0  }
0x2c2: {  	v38 =	vld [tilespmem:s15+$0x640];
	v3 =	vadd.f32 v31, v3;
	[tilespmem:s15+$0x690] =	vst v6  }
0x2c3: {  	v25 =	vld [tilespmem:s15+$0x550];
	v7 =	vadd.f32 v63, v7;
	[tilespmem:s15+$0x520] =	vst v5  }
0x2c4: {  	v41 =	vld [tilespmem:s15+$0x670];
	v0 =	vadd.f32 v27, v0;
	[tilespmem:s15+$0x640] =	vst v3  }
0x2c5: {  	v6 =	vadd.f32 v43, v6;
	v1 =	vadd.f32 v8, v1;
	v8 =	vld [tilespmem:s15+$0x580];
	[tilespmem:s15+$0x580] =	vst v7  }
0x2c6: {  	v46 =	vld [tilespmem:s15+$0x6C0];
	v5 =	vadd.f32 v22, v5;
	[tilespmem:s15+$0x5F0] =	vst v0  }
0x2c7: {  	v50 =	vld [tilespmem:s15+$0x710];
	v3 =	vadd.f32 v38, v3;
	[tilespmem:s15+$0x710] =	vst v6  }
0x2c8: {  	v37 =	vld [tilespmem:s15+$0x620];
	[tilespmem:s15+$0x5A0] =	vst v5  }
0x2c9: {  	v32 =	vld [tilespmem:s15+$0x5D0];
	v0 =	vadd.f32 v34, v0;
	[tilespmem:s15+$0x6C0] =	vst v3  }
0x2ca: {  	v49 =	vld [tilespmem:s15+$0x700];
	v5 =	vadd.f32 v29, v5;
	[tilespmem:s15+$0x550] =	vst v1  }
0x2cb: {  	v53 =	vld [tilespmem:s15+$0x740];
	v3 =	vadd.f32 v46, v3;
	[tilespmem:s15+$0x670] =	vst v0  }
0x2cc: {  	v44 =	vld [tilespmem:s15+$0x6A0];
	v1 =	vadd.f32 v25, v1;
	[tilespmem:s15+$0x620] =	vst v5  }
0x2cd: {  	v48 =	vld [tilespmem:s15+$0x6F0];
	v0 =	vadd.f32 v41, v0;
	[tilespmem:s15+$0x740] =	vst v3  }
0x2ce: {  	v56 =	vld [tilespmem:s15+$0x770];
	v4 =	vadd.f32 v30, v4;
	[tilespmem:s15+$0x5D0] =	vst v1  }
0x2cf: {  	v35 =	vld [tilespmem:s15+$0x600];
	v5 =	vadd.f32 v37, v5;
	[tilespmem:s15+$0x6F0] =	vst v0  }
0x2d0: {  	v3 =	vadd.f32 v53, v3;
	v7 =	vadd.f32 v8, v7;
	v8 =	vld [tilespmem:s15+$0x630];
	[tilespmem:s15+$0x630] =	vst v4  }
0x2d1: {  	v51 =	vld [tilespmem:s15+$0x720];
	v1 =	vadd.f32 v32, v1;
	[tilespmem:s15+$0x6A0] =	vst v5  }
0x2d2: {  	v60 =	vld [tilespmem:s15+$0x7C0];
	v0 =	vadd.f32 v48, v0;
	[tilespmem:s15+$0x7C0] =	vst v3  }
0x2d3: {  	v47 =	vld [tilespmem:s15+$0x6D0];
	[tilespmem:s15+$0x650] =	vst v1  }
0x2d4: {  	v63 =	vld [tilespmem:s15+$0x7F0];
	v5 =	vadd.f32 v44, v5;
	[tilespmem:s15+$0x770] =	vst v0  }
0x2d5: {  	v42 =	vld [tilespmem:s15+$0x680];
	v1 =	vadd.f32 v39, v1;
	[tilespmem:s15+$0x600] =	vst v7  }
0x2d6: {  	v59 =	vld [tilespmem:s15+$0x7B0];
	v0 =	vadd.f32 v56, v0;
	[tilespmem:s15+$0x720] =	vst v5  }
0x2d7: {  	v54 =	vld [tilespmem:s15+$0x750];
	v7 =	vadd.f32 v35, v7;
	[tilespmem:s15+$0x6D0] =	vst v1  }
0x2d8: {  	v45 =	vld [tilespmem:s15+$0x6B0];
	v5 =	vadd.f32 v51, v5;
	[tilespmem:s15+$0x7F0] =	vst v0  }
0x2d9: {  	v61 =	vld [tilespmem:s15+$0x7D0];
	v2 =	vadd.f32 v40, v2;
	[tilespmem:s15+$0x680] =	vst v7  }
0x2da: {  	v58 =	vld [tilespmem:s15+$0x7A0];
	v1 =	vadd.f32 v47, v1;
	[tilespmem:s15+$0x7A0] =	vst v5  }
0x2db: {  	v7 =	vadd.f32 v42, v7;
	v4 =	vadd.f32 v8, v4;
	v8 =	vld [tilespmem:s15+$0x6E0];
	[tilespmem:s15+$0x6E0] =	vst v2  }
0x2dc: {  	v57 =	vld [tilespmem:s15+$0x780];
	[tilespmem:s15+$0x750] =	vst v1  }
0x2dd: {  	v52 =	vld [tilespmem:s15+$0x730];
	v1 =	vadd.f32 v54, v1;
	[tilespmem:s15+$0x700] =	vst v7  }
0x2de: {  	v55 =	vld [tilespmem:s15+$0x760];
	v7 =	vadd.f32 v49, v7;
	[tilespmem:s15+$0x6B0] =	vst v4  }
0x2df: {  	v62 =	vld [tilespmem:s15+$0x7E0];
	v4 =	vadd.f32 v45, v4;
	[tilespmem:s15+$0x7D0] =	vst v1  }
0x2e0: {  	p0 =	slt.u32 s14, $0x30;
	v6 =	vadd.f32 v50, v6;
	[tilespmem:s15+$0x780] =	vst v7;
	v2 =	vadd.f32 v8, v2;
	v8 =	vld [tilespmem:s15+$0x790]  }
.Ltmp4:
0x2e1: {  	v3 =	vadd.f32 v60, v3;
	v0 =	vadd.f32 v63, v0;
	[tilespmem:s15+$0x730] =	vst v4;
	(pc) =	sbr.rel @p0 .LBB2_11-.Ltmp4, $4  }
0x2e2: {  	v5 =	vadd.f32 v58, v5;
	v4 =	vadd.f32 v52, v4;
	[tilespmem:s15+$0x790] =	vst v6  }
0x2e3: {  	v1 =	vadd.f32 v61, v1;
	[tilespmem:s15+$0x760] =	vst v2;
	v2 =	vadd.f32 v55, v2  }
0x2e4: {  	v7 =	vadd.f32 v57, v7;
	[tilespmem:s15+$0x7B0] =	vst v4;
	v4 =	vadd.f32 v59, v4  }
0x2e5: {  	s14 =	sadd.s32 $0x10, s14;
	[tilespmem:s15+$0x7E0] =	vst v2;
	v2 =	vadd.f32 v62, v2;
	v6 =	vadd.f32 v8, v6  }
0x2e6: {  	s14 =	sshll.u32 s13, $0x13  }
0x2e7: {  	s15 =	sor.u32 s14, s5  }
0x2e8: {  	s16 =	sshrl.u32 s15, $0x3  }
0x2e9: {  	s20 =	simm.s32 $0x0;
	s15 =	sadd.s32 s3, s16  }
0x2ea: {  	[hbm4b:s15+s26] =	stream.strided.scatter [tilespmem:s20], [sflag:$0x5], $0x2000, s28, s26, $0x38;
	[tilespmem:$0x8000] =	vst v63  }
0x2eb: {  	_ =	swait.ge [sflag:s11], $0x2000  }
0x2ec: {  	s15 =	sor.u32 $0xC000, s16;
	[sflag:s11] =	ssyncset.done $0x0  }
0x2ed: {  	s21 =	sadd.s32 s2, s15;
	[sflag:s11] =	ssyncadd.s32 $0xFFFFE000  }
0x2ee: {  	[tilespmem:s31], [sflag:$0x4] =	stream.strided.gather [hbm4b:s21+s26], $0x2000, s28, s26, $0x38;
	[tilespmem:$0x8000] =	vst v63  }
0x2ef: {  	_ =	swait.ge [sflag:s1], $0x2000  }
0x2f0: {  	[sflag:s1] =	ssyncset.done $0x0  }
0x2f1: {  	[sflag:s1] =	ssyncadd.s32 $0xFFFFE000  }
.LBB2_13:
0x2f2: {  	s21 =	sshll.u32 s20, $0x7  }
0x2f3: {  	s21 =	sand.u32 $0x3FFFFF80, s21  }
0x2f4: {  	v8 =	vld [tilespmem:s21+$0x2000]  }
0x2f5: {  	v9 =	vld [tilespmem:s21+$0x2010]  }
0x2f6: {  	v10 =	vld [tilespmem:s21+$0x2020]  }
0x2f7: {  	v11 =	vld [tilespmem:s21+$0x2030]  }
0x2f8: {  	v12 =	vld [tilespmem:s21+$0x2040]  }
0x2f9: {  	[tilespmem:s21+$0x2000] =	vst v7;
	v13 =	vld [tilespmem:s21+$0x2050]  }
0x2fa: {  	[tilespmem:s21+$0x2010] =	vst v6;
	v14 =	vld [tilespmem:s21+$0x2060]  }
0x2fb: {  	[tilespmem:s21+$0x2020] =	vst v5;
	v15 =	vld [tilespmem:s21+$0x2070]  }
0x2fc: {  	[tilespmem:s21+$0x2030] =	vst v4;
	v16 =	vld [tilespmem:s21+$0x2080]  }
0x2fd: {  	[tilespmem:s21+$0x2040] =	vst v3;
	v17 =	vld [tilespmem:s21+$0x2090]  }
0x2fe: {  	[tilespmem:s21+$0x2050] =	vst v1;
	v18 =	vld [tilespmem:s21+$0x20A0]  }
0x2ff: {  	[tilespmem:s21+$0x2060] =	vst v2;
	v44 =	vld [tilespmem:s21+$0x20C0];
	v7 =	vadd.f32 v8, v7  }
0x300: {  	[tilespmem:s21+$0x2070] =	vst v0;
	v45 =	vld [tilespmem:s21+$0x20D0];
	v6 =	vadd.f32 v9, v6  }
0x301: {  	v46 =	vld [tilespmem:s21+$0x20E0];
	v5 =	vadd.f32 v10, v5;
	[tilespmem:s21+$0x2080] =	vst v7  }
0x302: {  	v47 =	vld [tilespmem:s21+$0x20F0];
	v4 =	vadd.f32 v11, v4;
	[tilespmem:s21+$0x2090] =	vst v6  }
0x303: {  	v48 =	vld [tilespmem:s21+$0x2100];
	v3 =	vadd.f32 v12, v3;
	[tilespmem:s21+$0x20A0] =	vst v5  }
0x304: {  	v8 =	vld [tilespmem:s21+$0x20B0];
	v1 =	vadd.f32 v13, v1;
	[tilespmem:s21+$0x20B0] =	vst v4  }
0x305: {  	v49 =	vld [tilespmem:s21+$0x2110];
	v2 =	vadd.f32 v14, v2;
	[tilespmem:s21+$0x20C0] =	vst v3  }
0x306: {  	v50 =	vld [tilespmem:s21+$0x2120];
	v0 =	vadd.f32 v15, v0;
	[tilespmem:s21+$0x20D0] =	vst v1  }
0x307: {  	v51 =	vld [tilespmem:s21+$0x2130];
	v7 =	vadd.f32 v16, v7;
	[tilespmem:s21+$0x20E0] =	vst v2  }
0x308: {  	v52 =	vld [tilespmem:s21+$0x2140];
	v6 =	vadd.f32 v17, v6;
	[tilespmem:s21+$0x20F0] =	vst v0  }
0x309: {  	v53 =	vld [tilespmem:s21+$0x2150];
	v5 =	vadd.f32 v18, v5;
	[tilespmem:s21+$0x2100] =	vst v7  }
0x30a: {  	v54 =	vld [tilespmem:s21+$0x2170];
	v3 =	vadd.f32 v44, v3;
	[tilespmem:s21+$0x2110] =	vst v6  }
0x30b: {  	v55 =	vld [tilespmem:s21+$0x2180];
	v1 =	vadd.f32 v45, v1;
	[tilespmem:s21+$0x2120] =	vst v5  }
0x30c: {  	v56 =	vld [tilespmem:s21+$0x2190];
	v0 =	vadd.f32 v47, v0;
	[tilespmem:s21+$0x2140] =	vst v3  }
0x30d: {  	v57 =	vld [tilespmem:s21+$0x21A0];
	v2 =	vadd.f32 v46, v2;
	[tilespmem:s21+$0x2150] =	vst v1  }
0x30e: {  	v58 =	vld [tilespmem:s21+$0x21B0];
	v7 =	vadd.f32 v48, v7;
	[tilespmem:s21+$0x2170] =	vst v0  }
0x30f: {  	v6 =	vadd.f32 v49, v6;
	v4 =	vadd.f32 v8, v4;
	v8 =	vld [tilespmem:s21+$0x2160];
	[tilespmem:s21+$0x2160] =	vst v2  }
0x310: {  	v59 =	vld [tilespmem:s21+$0x21C0];
	v5 =	vadd.f32 v50, v5;
	[tilespmem:s21+$0x2180] =	vst v7  }
0x311: {  	v60 =	vld [tilespmem:s21+$0x21D0];
	v3 =	vadd.f32 v52, v3;
	[tilespmem:s21+$0x2190] =	vst v6  }
0x312: {  	v61 =	vld [tilespmem:s21+$0x21E0];
	v1 =	vadd.f32 v53, v1;
	[tilespmem:s21+$0x21A0] =	vst v5  }
0x313: {  	v62 =	vld [tilespmem:s21+$0x21F0];
	v0 =	vadd.f32 v54, v0;
	[tilespmem:s21+$0x21C0] =	vst v3  }
0x314: {  	v63 =	vld [tilespmem:s21+$0x2200];
	[tilespmem:s21+$0x21D0] =	vst v1  }
0x315: {  	v21 =	vld [tilespmem:s21+$0x2220];
	v7 =	vadd.f32 v55, v7;
	[tilespmem:s21+$0x21F0] =	vst v0  }
0x316: {  	v22 =	vld [tilespmem:s21+$0x2230];
	v5 =	vadd.f32 v57, v5;
	[tilespmem:s21+$0x2130] =	vst v4  }
0x317: {  	v23 =	vld [tilespmem:s21+$0x2240];
	v3 =	vadd.f32 v59, v3;
	[tilespmem:s21+$0x2200] =	vst v7  }
0x318: {  	v24 =	vld [tilespmem:s21+$0x2250];
	v1 =	vadd.f32 v60, v1;
	[tilespmem:s21+$0x2220] =	vst v5  }
0x319: {  	v25 =	vld [tilespmem:s21+$0x2260];
	v0 =	vadd.f32 v62, v0;
	[tilespmem:s21+$0x2240] =	vst v3  }
0x31a: {  	v26 =	vld [tilespmem:s21+$0x2270];
	v4 =	vadd.f32 v51, v4;
	[tilespmem:s21+$0x2250] =	vst v1  }
0x31b: {  	v27 =	vld [tilespmem:s21+$0x2280];
	v6 =	vadd.f32 v56, v6;
	[tilespmem:s21+$0x2270] =	vst v0  }
0x31c: {  	v28 =	vld [tilespmem:s21+$0x2290];
	v7 =	vadd.f32 v63, v7;
	[tilespmem:s21+$0x21B0] =	vst v4  }
0x31d: {  	v5 =	vadd.f32 v21, v5;
	v2 =	vadd.f32 v8, v2;
	v8 =	vld [tilespmem:s21+$0x2210];
	[tilespmem:s21+$0x2210] =	vst v6  }
0x31e: {  	v29 =	vld [tilespmem:s21+$0x22A0];
	v1 =	vadd.f32 v24, v1;
	[tilespmem:s21+$0x2280] =	vst v7  }
0x31f: {  	v31 =	vld [tilespmem:s21+$0x22D0];
	v0 =	vadd.f32 v26, v0;
	[tilespmem:s21+$0x22A0] =	vst v5  }
0x320: {  	v30 =	vld [tilespmem:s21+$0x22B0];
	v4 =	vadd.f32 v58, v4;
	[tilespmem:s21+$0x22D0] =	vst v1  }
0x321: {  	v33 =	vld [tilespmem:s21+$0x22F0];
	[tilespmem:s21+$0x22F0] =	vst v0  }
0x322: {  	v34 =	vld [tilespmem:s21+$0x2300];
	v7 =	vadd.f32 v27, v7;
	[tilespmem:s21+$0x2230] =	vst v4  }
0x323: {  	v36 =	vld [tilespmem:s21+$0x2320];
	v5 =	vadd.f32 v29, v5;
	[tilespmem:s21+$0x21E0] =	vst v2  }
0x324: {  	v39 =	vld [tilespmem:s21+$0x2350];
	v1 =	vadd.f32 v31, v1;
	[tilespmem:s21+$0x2300] =	vst v7  }
0x325: {  	v32 =	vld [tilespmem:s21+$0x22E0];
	v4 =	vadd.f32 v22, v4;
	[tilespmem:s21+$0x2320] =	vst v5  }
0x326: {  	v35 =	vld [tilespmem:s21+$0x2310];
	v2 =	vadd.f32 v61, v2;
	[tilespmem:s21+$0x2350] =	vst v1  }
0x327: {  	v37 =	vld [tilespmem:s21+$0x2330];
	v7 =	vadd.f32 v34, v7;
	[tilespmem:s21+$0x22B0] =	vst v4  }
0x328: {  	v41 =	vld [tilespmem:s21+$0x2380];
	v5 =	vadd.f32 v36, v5;
	[tilespmem:s21+$0x2260] =	vst v2  }
0x329: {  	v46 =	vld [tilespmem:s21+$0x23D0];
	v1 =	vadd.f32 v39, v1;
	[tilespmem:s21+$0x2380] =	vst v7  }
0x32a: {  	v43 =	vld [tilespmem:s21+$0x23A0];
	v3 =	vadd.f32 v23, v3;
	[tilespmem:s21+$0x23A0] =	vst v5  }
0x32b: {  	v38 =	vld [tilespmem:s21+$0x2340];
	v4 =	vadd.f32 v30, v4;
	[tilespmem:s21+$0x23D0] =	vst v1  }
0x32c: {  	v2 =	vadd.f32 v25, v2;
	v6 =	vadd.f32 v8, v6;
	v8 =	vld [tilespmem:s21+$0x22C0];
	[tilespmem:s21+$0x22C0] =	vst v3  }
0x32d: {  	v49 =	vld [tilespmem:s21+$0x2400];
	v7 =	vadd.f32 v41, v7;
	[tilespmem:s21+$0x2330] =	vst v4  }
0x32e: {  	v40 =	vld [tilespmem:s21+$0x2360];
	v1 =	vadd.f32 v46, v1;
	[tilespmem:s21+$0x22E0] =	vst v2  }
0x32f: {  	v44 =	vld [tilespmem:s21+$0x23B0];
	[tilespmem:s21+$0x2400] =	vst v7  }
0x330: {  	v53 =	vld [tilespmem:s21+$0x2450];
	v4 =	vadd.f32 v37, v4;
	[tilespmem:s21+$0x2450] =	vst v1  }
0x331: {  	v42 =	vld [tilespmem:s21+$0x2390];
	v2 =	vadd.f32 v32, v2;
	[tilespmem:s21+$0x2290] =	vst v6  }
0x332: {  	v56 =	vld [tilespmem:s21+$0x2480];
	v7 =	vadd.f32 v49, v7;
	[tilespmem:s21+$0x23B0] =	vst v4  }
0x333: {  	v45 =	vld [tilespmem:s21+$0x23C0];
	v6 =	vadd.f32 v28, v6;
	[tilespmem:s21+$0x2360] =	vst v2  }
0x334: {  	v51 =	vld [tilespmem:s21+$0x2430];
	v4 =	vadd.f32 v44, v4;
	[tilespmem:s21+$0x2480] =	vst v7  }
0x335: {  	v47 =	vld [tilespmem:s21+$0x23E0];
	v0 =	vadd.f32 v33, v0;
	[tilespmem:s21+$0x2310] =	vst v6  }
0x336: {  	v48 =	vld [tilespmem:s21+$0x23F0];
	v2 =	vadd.f32 v40, v2;
	[tilespmem:s21+$0x2430] =	vst v4  }
0x337: {  	v7 =	vadd.f32 v56, v7;
	v3 =	vadd.f32 v8, v3;
	v8 =	vld [tilespmem:s21+$0x2370];
	[tilespmem:s21+$0x2370] =	vst v0  }
0x338: {  	v59 =	vld [tilespmem:s21+$0x24B0];
	v6 =	vadd.f32 v35, v6;
	[tilespmem:s21+$0x23E0] =	vst v2  }
0x339: {  	v63 =	vld [tilespmem:s21+$0x2500];
	v4 =	vadd.f32 v51, v4;
	[tilespmem:s21+$0x2500] =	vst v7  }
0x33a: {  	v54 =	vld [tilespmem:s21+$0x2460];
	[tilespmem:s21+$0x2390] =	vst v6  }
0x33b: {  	v50 =	vld [tilespmem:s21+$0x2410];
	v2 =	vadd.f32 v47, v2;
	[tilespmem:s21+$0x24B0] =	vst v4  }
0x33c: {  	v52 =	vld [tilespmem:s21+$0x2440];
	v6 =	vadd.f32 v42, v6;
	[tilespmem:s21+$0x2340] =	vst v3  }
0x33d: {  	v23 =	vld [tilespmem:s21+$0x2530];
	v4 =	vadd.f32 v59, v4;
	[tilespmem:s21+$0x2460] =	vst v2  }
0x33e: {  	v55 =	vld [tilespmem:s21+$0x2470];
	v3 =	vadd.f32 v38, v3;
	[tilespmem:s21+$0x2410] =	vst v6  }
0x33f: {  	v61 =	vld [tilespmem:s21+$0x24E0];
	v2 =	vadd.f32 v54, v2;
	[tilespmem:s21+$0x2530] =	vst v4  }
0x340: {  	v57 =	vld [tilespmem:s21+$0x2490];
	v5 =	vadd.f32 v43, v5;
	[tilespmem:s21+$0x23C0] =	vst v3  }
0x341: {  	v60 =	vld [tilespmem:s21+$0x24C0];
	v6 =	vadd.f32 v50, v6;
	[tilespmem:s21+$0x24E0] =	vst v2  }
0x342: {  	v4 =	vadd.f32 v23, v4;
	v0 =	vadd.f32 v8, v0;
	v8 =	vld [tilespmem:s21+$0x2420];
	[tilespmem:s21+$0x2420] =	vst v5  }
0x343: {  	v26 =	vld [tilespmem:s21+$0x2560];
	v3 =	vadd.f32 v45, v3;
	[tilespmem:s21+$0x2490] =	vst v6  }
0x344: {  	v30 =	vld [tilespmem:s21+$0x25B0];
	v2 =	vadd.f32 v61, v2;
	[tilespmem:s21+$0x25B0] =	vst v4  }
0x345: {  	v21 =	vld [tilespmem:s21+$0x2510];
	[tilespmem:s21+$0x2440] =	vst v3  }
0x346: {  	v62 =	vld [tilespmem:s21+$0x24F0];
	v6 =	vadd.f32 v57, v6;
	[tilespmem:s21+$0x2560] =	vst v2  }
0x347: {  	v24 =	vld [tilespmem:s21+$0x2540];
	v3 =	vadd.f32 v52, v3;
	[tilespmem:s21+$0x23F0] =	vst v0  }
0x348: {  	v33 =	vld [tilespmem:s21+$0x25E0];
	v2 =	vadd.f32 v26, v2;
	[tilespmem:s21+$0x2510] =	vst v6  }
0x349: {  	v58 =	vld [tilespmem:s21+$0x24A0];
	v0 =	vadd.f32 v48, v0;
	[tilespmem:s21+$0x24C0] =	vst v3  }
0x34a: {  	v28 =	vld [tilespmem:s21+$0x2590];
	v6 =	vadd.f32 v21, v6;
	[tilespmem:s21+$0x25E0] =	vst v2  }
0x34b: {  	v27 =	vld [tilespmem:s21+$0x2570];
	v1 =	vadd.f32 v53, v1;
	[tilespmem:s21+$0x2470] =	vst v0  }
0x34c: {  	v29 =	vld [tilespmem:s21+$0x25A0];
	v3 =	vadd.f32 v60, v3;
	[tilespmem:s21+$0x2590] =	vst v6  }
0x34d: {  	v2 =	vadd.f32 v33, v2;
	v5 =	vadd.f32 v8, v5;
	v8 =	vld [tilespmem:s21+$0x24D0];
	[tilespmem:s21+$0x24D0] =	vst v1  }
0x34e: {  	v36 =	vld [tilespmem:s21+$0x2610];
	v0 =	vadd.f32 v55, v0;
	[tilespmem:s21+$0x2540] =	vst v3  }
0x34f: {  	v40 =	vld [tilespmem:s21+$0x2660];
	v6 =	vadd.f32 v28, v6;
	[tilespmem:s21+$0x2660] =	vst v2  }
0x350: {  	v31 =	vld [tilespmem:s21+$0x25C0];
	[tilespmem:s21+$0x24F0] =	vst v0  }
0x351: {  	v22 =	vld [tilespmem:s21+$0x2520];
	v3 =	vadd.f32 v24, v3;
	[tilespmem:s21+$0x2610] =	vst v6  }
0x352: {  	v34 =	vld [tilespmem:s21+$0x25F0];
	v0 =	vadd.f32 v62, v0;
	[tilespmem:s21+$0x24A0] =	vst v5  }
0x353: {  	v43 =	vld [tilespmem:s21+$0x2690];
	v6 =	vadd.f32 v36, v6;
	[tilespmem:s21+$0x25C0] =	vst v3  }
0x354: {  	v39 =	vld [tilespmem:s21+$0x2650];
	v5 =	vadd.f32 v58, v5;
	[tilespmem:s21+$0x2570] =	vst v0  }
0x355: {  	v38 =	vld [tilespmem:s21+$0x2640];
	v3 =	vadd.f32 v31, v3;
	[tilespmem:s21+$0x2690] =	vst v6  }
0x356: {  	v25 =	vld [tilespmem:s21+$0x2550];
	v7 =	vadd.f32 v63, v7;
	[tilespmem:s21+$0x2520] =	vst v5  }
0x357: {  	v41 =	vld [tilespmem:s21+$0x2670];
	v0 =	vadd.f32 v27, v0;
	[tilespmem:s21+$0x2640] =	vst v3  }
0x358: {  	v6 =	vadd.f32 v43, v6;
	v1 =	vadd.f32 v8, v1;
	v8 =	vld [tilespmem:s21+$0x2580];
	[tilespmem:s21+$0x2580] =	vst v7  }
0x359: {  	v46 =	vld [tilespmem:s21+$0x26C0];
	v5 =	vadd.f32 v22, v5;
	[tilespmem:s21+$0x25F0] =	vst v0  }
0x35a: {  	v50 =	vld [tilespmem:s21+$0x2710];
	v3 =	vadd.f32 v38, v3;
	[tilespmem:s21+$0x2710] =	vst v6  }
0x35b: {  	v37 =	vld [tilespmem:s21+$0x2620];
	[tilespmem:s21+$0x25A0] =	vst v5  }
0x35c: {  	v32 =	vld [tilespmem:s21+$0x25D0];
	v0 =	vadd.f32 v34, v0;
	[tilespmem:s21+$0x26C0] =	vst v3  }
0x35d: {  	v49 =	vld [tilespmem:s21+$0x2700];
	v5 =	vadd.f32 v29, v5;
	[tilespmem:s21+$0x2550] =	vst v1  }
0x35e: {  	v53 =	vld [tilespmem:s21+$0x2740];
	v3 =	vadd.f32 v46, v3;
	[tilespmem:s21+$0x2670] =	vst v0  }
0x35f: {  	v44 =	vld [tilespmem:s21+$0x26A0];
	v1 =	vadd.f32 v25, v1;
	[tilespmem:s21+$0x2620] =	vst v5  }
0x360: {  	v48 =	vld [tilespmem:s21+$0x26F0];
	v0 =	vadd.f32 v41, v0;
	[tilespmem:s21+$0x2740] =	vst v3  }
0x361: {  	v56 =	vld [tilespmem:s21+$0x2770];
	v4 =	vadd.f32 v30, v4;
	[tilespmem:s21+$0x25D0] =	vst v1  }
0x362: {  	v35 =	vld [tilespmem:s21+$0x2600];
	v5 =	vadd.f32 v37, v5;
	[tilespmem:s21+$0x26F0] =	vst v0  }
0x363: {  	v3 =	vadd.f32 v53, v3;
	v7 =	vadd.f32 v8, v7;
	v8 =	vld [tilespmem:s21+$0x2630];
	[tilespmem:s21+$0x2630] =	vst v4  }
0x364: {  	v51 =	vld [tilespmem:s21+$0x2720];
	v1 =	vadd.f32 v32, v1;
	[tilespmem:s21+$0x26A0] =	vst v5  }
0x365: {  	v60 =	vld [tilespmem:s21+$0x27C0];
	v0 =	vadd.f32 v48, v0;
	[tilespmem:s21+$0x27C0] =	vst v3  }
0x366: {  	v47 =	vld [tilespmem:s21+$0x26D0];
	[tilespmem:s21+$0x2650] =	vst v1  }
0x367: {  	v63 =	vld [tilespmem:s21+$0x27F0];
	v5 =	vadd.f32 v44, v5;
	[tilespmem:s21+$0x2770] =	vst v0  }
0x368: {  	v42 =	vld [tilespmem:s21+$0x2680];
	v1 =	vadd.f32 v39, v1;
	[tilespmem:s21+$0x2600] =	vst v7  }
0x369: {  	v59 =	vld [tilespmem:s21+$0x27B0];
	v0 =	vadd.f32 v56, v0;
	[tilespmem:s21+$0x2720] =	vst v5  }
0x36a: {  	v54 =	vld [tilespmem:s21+$0x2750];
	v7 =	vadd.f32 v35, v7;
	[tilespmem:s21+$0x26D0] =	vst v1  }
0x36b: {  	v45 =	vld [tilespmem:s21+$0x26B0];
	v5 =	vadd.f32 v51, v5;
	[tilespmem:s21+$0x27F0] =	vst v0  }
0x36c: {  	v61 =	vld [tilespmem:s21+$0x27D0];
	v2 =	vadd.f32 v40, v2;
	[tilespmem:s21+$0x2680] =	vst v7  }
0x36d: {  	v58 =	vld [tilespmem:s21+$0x27A0];
	v1 =	vadd.f32 v47, v1;
	[tilespmem:s21+$0x27A0] =	vst v5  }
0x36e: {  	v7 =	vadd.f32 v42, v7;
	v4 =	vadd.f32 v8, v4;
	v8 =	vld [tilespmem:s21+$0x26E0];
	[tilespmem:s21+$0x26E0] =	vst v2  }
0x36f: {  	v57 =	vld [tilespmem:s21+$0x2780];
	[tilespmem:s21+$0x2750] =	vst v1  }
0x370: {  	v52 =	vld [tilespmem:s21+$0x2730];
	v1 =	vadd.f32 v54, v1;
	[tilespmem:s21+$0x2700] =	vst v7  }
0x371: {  	v55 =	vld [tilespmem:s21+$0x2760];
	v7 =	vadd.f32 v49, v7;
	[tilespmem:s21+$0x26B0] =	vst v4  }
0x372: {  	v62 =	vld [tilespmem:s21+$0x27E0];
	v4 =	vadd.f32 v45, v4;
	[tilespmem:s21+$0x27D0] =	vst v1  }
0x373: {  	p0 =	slt.u32 s20, $0x30;
	v6 =	vadd.f32 v50, v6;
	[tilespmem:s21+$0x2780] =	vst v7;
	v2 =	vadd.f32 v8, v2;
	v8 =	vld [tilespmem:s21+$0x2790]  }
.Ltmp5:
0x374: {  	v3 =	vadd.f32 v60, v3;
	v0 =	vadd.f32 v63, v0;
	[tilespmem:s21+$0x2730] =	vst v4;
	(pc) =	sbr.rel @p0 .LBB2_13-.Ltmp5, $4  }
0x375: {  	v5 =	vadd.f32 v58, v5;
	v4 =	vadd.f32 v52, v4;
	[tilespmem:s21+$0x2790] =	vst v6  }
0x376: {  	v1 =	vadd.f32 v61, v1;
	[tilespmem:s21+$0x2760] =	vst v2;
	v2 =	vadd.f32 v55, v2  }
0x377: {  	v7 =	vadd.f32 v57, v7;
	[tilespmem:s21+$0x27B0] =	vst v4;
	v4 =	vadd.f32 v59, v4  }
0x378: {  	s20 =	sadd.s32 $0x10, s20;
	[tilespmem:s21+$0x27E0] =	vst v2;
	v2 =	vadd.f32 v62, v2;
	v6 =	vadd.f32 v8, v6  }
0x379: {  	s20 =	sor.u32 $0x4000, s16  }
0x37a: {  	s20 =	sadd.s32 s3, s20  }
0x37b: {  	[hbm4b:s20+s26] =	stream.strided.scatter [tilespmem:s29], [sflag:$0x6], $0x2000, s28, s26, $0x38;
	[tilespmem:$0x8000] =	vst v63  }
0x37c: {  	s21 =	sadd.s32 s14, s17;
	_ =	swait.ge [sflag:s0], $0x2000  }
0x37d: {  	s20 =	sshrl.u32 s21, $0x3;
	[sflag:s0] =	ssyncset.done $0x0  }
0x37e: {  	s21 =	sadd.s32 s2, s20;
	s20 =	simm.s32 $0x0;
	[sflag:s0] =	ssyncadd.s32 $0xFFFFE000  }
0x37f: {  	[tilespmem:s20], [sflag:$0x1] =	stream.strided.gather [hbm4b:s21+s26], $0x2000, s28, s26, $0x38;
	[tilespmem:$0x8000] =	vst v63  }
0x380: {  	_ =	swait.ge [sflag:s4], $0x2000  }
0x381: {  	[sflag:s4] =	ssyncset.done $0x0  }
0x382: {  	[sflag:s4] =	ssyncadd.s32 $0xFFFFE000  }
.LBB2_15:
0x383: {  	s21 =	sshll.u32 s20, $0x7  }
0x384: {  	s21 =	sand.u32 $0x3FFFFF80, s21  }
0x385: {  	v8 =	vld [tilespmem:s21+$0x4000]  }
0x386: {  	v9 =	vld [tilespmem:s21+$0x4010]  }
0x387: {  	v10 =	vld [tilespmem:s21+$0x4020]  }
0x388: {  	v11 =	vld [tilespmem:s21+$0x4030]  }
0x389: {  	v12 =	vld [tilespmem:s21+$0x4040]  }
0x38a: {  	[tilespmem:s21+$0x4000] =	vst v7;
	v13 =	vld [tilespmem:s21+$0x4050]  }
0x38b: {  	[tilespmem:s21+$0x4010] =	vst v6;
	v14 =	vld [tilespmem:s21+$0x4060]  }
0x38c: {  	[tilespmem:s21+$0x4020] =	vst v5;
	v15 =	vld [tilespmem:s21+$0x4070]  }
0x38d: {  	[tilespmem:s21+$0x4030] =	vst v4;
	v16 =	vld [tilespmem:s21+$0x4080]  }
0x38e: {  	[tilespmem:s21+$0x4040] =	vst v3;
	v17 =	vld [tilespmem:s21+$0x4090]  }
0x38f: {  	[tilespmem:s21+$0x4050] =	vst v1;
	v18 =	vld [tilespmem:s21+$0x40A0]  }
0x390: {  	[tilespmem:s21+$0x4060] =	vst v2;
	v44 =	vld [tilespmem:s21+$0x40C0];
	v7 =	vadd.f32 v8, v7  }
0x391: {  	[tilespmem:s21+$0x4070] =	vst v0;
	v45 =	vld [tilespmem:s21+$0x40D0];
	v6 =	vadd.f32 v9, v6  }
0x392: {  	v46 =	vld [tilespmem:s21+$0x40E0];
	v5 =	vadd.f32 v10, v5;
	[tilespmem:s21+$0x4080] =	vst v7  }
0x393: {  	v47 =	vld [tilespmem:s21+$0x40F0];
	v4 =	vadd.f32 v11, v4;
	[tilespmem:s21+$0x4090] =	vst v6  }
0x394: {  	v48 =	vld [tilespmem:s21+$0x4100];
	v3 =	vadd.f32 v12, v3;
	[tilespmem:s21+$0x40A0] =	vst v5  }
0x395: {  	v8 =	vld [tilespmem:s21+$0x40B0];
	v1 =	vadd.f32 v13, v1;
	[tilespmem:s21+$0x40B0] =	vst v4  }
0x396: {  	v49 =	vld [tilespmem:s21+$0x4110];
	v2 =	vadd.f32 v14, v2;
	[tilespmem:s21+$0x40C0] =	vst v3  }
0x397: {  	v50 =	vld [tilespmem:s21+$0x4120];
	v0 =	vadd.f32 v15, v0;
	[tilespmem:s21+$0x40D0] =	vst v1  }
0x398: {  	v51 =	vld [tilespmem:s21+$0x4130];
	v7 =	vadd.f32 v16, v7;
	[tilespmem:s21+$0x40E0] =	vst v2  }
0x399: {  	v52 =	vld [tilespmem:s21+$0x4140];
	v6 =	vadd.f32 v17, v6;
	[tilespmem:s21+$0x40F0] =	vst v0  }
0x39a: {  	v53 =	vld [tilespmem:s21+$0x4150];
	v5 =	vadd.f32 v18, v5;
	[tilespmem:s21+$0x4100] =	vst v7  }
0x39b: {  	v54 =	vld [tilespmem:s21+$0x4170];
	v3 =	vadd.f32 v44, v3;
	[tilespmem:s21+$0x4110] =	vst v6  }
0x39c: {  	v55 =	vld [tilespmem:s21+$0x4180];
	v1 =	vadd.f32 v45, v1;
	[tilespmem:s21+$0x4120] =	vst v5  }
0x39d: {  	v56 =	vld [tilespmem:s21+$0x4190];
	v0 =	vadd.f32 v47, v0;
	[tilespmem:s21+$0x4140] =	vst v3  }
0x39e: {  	v57 =	vld [tilespmem:s21+$0x41A0];
	v2 =	vadd.f32 v46, v2;
	[tilespmem:s21+$0x4150] =	vst v1  }
0x39f: {  	v58 =	vld [tilespmem:s21+$0x41B0];
	v7 =	vadd.f32 v48, v7;
	[tilespmem:s21+$0x4170] =	vst v0  }
0x3a0: {  	v6 =	vadd.f32 v49, v6;
	v4 =	vadd.f32 v8, v4;
	v8 =	vld [tilespmem:s21+$0x4160];
	[tilespmem:s21+$0x4160] =	vst v2  }
0x3a1: {  	v59 =	vld [tilespmem:s21+$0x41C0];
	v5 =	vadd.f32 v50, v5;
	[tilespmem:s21+$0x4180] =	vst v7  }
0x3a2: {  	v60 =	vld [tilespmem:s21+$0x41D0];
	v3 =	vadd.f32 v52, v3;
	[tilespmem:s21+$0x4190] =	vst v6  }
0x3a3: {  	v61 =	vld [tilespmem:s21+$0x41E0];
	v1 =	vadd.f32 v53, v1;
	[tilespmem:s21+$0x41A0] =	vst v5  }
0x3a4: {  	v62 =	vld [tilespmem:s21+$0x41F0];
	v0 =	vadd.f32 v54, v0;
	[tilespmem:s21+$0x41C0] =	vst v3  }
0x3a5: {  	v63 =	vld [tilespmem:s21+$0x4200];
	[tilespmem:s21+$0x41D0] =	vst v1  }
0x3a6: {  	v21 =	vld [tilespmem:s21+$0x4220];
	v7 =	vadd.f32 v55, v7;
	[tilespmem:s21+$0x41F0] =	vst v0  }
0x3a7: {  	v22 =	vld [tilespmem:s21+$0x4230];
	v5 =	vadd.f32 v57, v5;
	[tilespmem:s21+$0x4130] =	vst v4  }
0x3a8: {  	v23 =	vld [tilespmem:s21+$0x4240];
	v3 =	vadd.f32 v59, v3;
	[tilespmem:s21+$0x4200] =	vst v7  }
0x3a9: {  	v24 =	vld [tilespmem:s21+$0x4250];
	v1 =	vadd.f32 v60, v1;
	[tilespmem:s21+$0x4220] =	vst v5  }
0x3aa: {  	v25 =	vld [tilespmem:s21+$0x4260];
	v0 =	vadd.f32 v62, v0;
	[tilespmem:s21+$0x4240] =	vst v3  }
0x3ab: {  	v26 =	vld [tilespmem:s21+$0x4270];
	v4 =	vadd.f32 v51, v4;
	[tilespmem:s21+$0x4250] =	vst v1  }
0x3ac: {  	v27 =	vld [tilespmem:s21+$0x4280];
	v6 =	vadd.f32 v56, v6;
	[tilespmem:s21+$0x4270] =	vst v0  }
0x3ad: {  	v28 =	vld [tilespmem:s21+$0x4290];
	v7 =	vadd.f32 v63, v7;
	[tilespmem:s21+$0x41B0] =	vst v4  }
0x3ae: {  	v5 =	vadd.f32 v21, v5;
	v2 =	vadd.f32 v8, v2;
	v8 =	vld [tilespmem:s21+$0x4210];
	[tilespmem:s21+$0x4210] =	vst v6  }
0x3af: {  	v29 =	vld [tilespmem:s21+$0x42A0];
	v1 =	vadd.f32 v24, v1;
	[tilespmem:s21+$0x4280] =	vst v7  }
0x3b0: {  	v31 =	vld [tilespmem:s21+$0x42D0];
	v0 =	vadd.f32 v26, v0;
	[tilespmem:s21+$0x42A0] =	vst v5  }
0x3b1: {  	v30 =	vld [tilespmem:s21+$0x42B0];
	v4 =	vadd.f32 v58, v4;
	[tilespmem:s21+$0x42D0] =	vst v1  }
0x3b2: {  	v33 =	vld [tilespmem:s21+$0x42F0];
	[tilespmem:s21+$0x42F0] =	vst v0  }
0x3b3: {  	v34 =	vld [tilespmem:s21+$0x4300];
	v7 =	vadd.f32 v27, v7;
	[tilespmem:s21+$0x4230] =	vst v4  }
0x3b4: {  	v36 =	vld [tilespmem:s21+$0x4320];
	v5 =	vadd.f32 v29, v5;
	[tilespmem:s21+$0x41E0] =	vst v2  }
0x3b5: {  	v39 =	vld [tilespmem:s21+$0x4350];
	v1 =	vadd.f32 v31, v1;
	[tilespmem:s21+$0x4300] =	vst v7  }
0x3b6: {  	v32 =	vld [tilespmem:s21+$0x42E0];
	v4 =	vadd.f32 v22, v4;
	[tilespmem:s21+$0x4320] =	vst v5  }
0x3b7: {  	v35 =	vld [tilespmem:s21+$0x4310];
	v2 =	vadd.f32 v61, v2;
	[tilespmem:s21+$0x4350] =	vst v1  }
0x3b8: {  	v37 =	vld [tilespmem:s21+$0x4330];
	v7 =	vadd.f32 v34, v7;
	[tilespmem:s21+$0x42B0] =	vst v4  }
0x3b9: {  	v41 =	vld [tilespmem:s21+$0x4380];
	v5 =	vadd.f32 v36, v5;
	[tilespmem:s21+$0x4260] =	vst v2  }
0x3ba: {  	v46 =	vld [tilespmem:s21+$0x43D0];
	v1 =	vadd.f32 v39, v1;
	[tilespmem:s21+$0x4380] =	vst v7  }
0x3bb: {  	v43 =	vld [tilespmem:s21+$0x43A0];
	v3 =	vadd.f32 v23, v3;
	[tilespmem:s21+$0x43A0] =	vst v5  }
0x3bc: {  	v38 =	vld [tilespmem:s21+$0x4340];
	v4 =	vadd.f32 v30, v4;
	[tilespmem:s21+$0x43D0] =	vst v1  }
0x3bd: {  	v2 =	vadd.f32 v25, v2;
	v6 =	vadd.f32 v8, v6;
	v8 =	vld [tilespmem:s21+$0x42C0];
	[tilespmem:s21+$0x42C0] =	vst v3  }
0x3be: {  	v49 =	vld [tilespmem:s21+$0x4400];
	v7 =	vadd.f32 v41, v7;
	[tilespmem:s21+$0x4330] =	vst v4  }
0x3bf: {  	v40 =	vld [tilespmem:s21+$0x4360];
	v1 =	vadd.f32 v46, v1;
	[tilespmem:s21+$0x42E0] =	vst v2  }
0x3c0: {  	v44 =	vld [tilespmem:s21+$0x43B0];
	[tilespmem:s21+$0x4400] =	vst v7  }
0x3c1: {  	v53 =	vld [tilespmem:s21+$0x4450];
	v4 =	vadd.f32 v37, v4;
	[tilespmem:s21+$0x4450] =	vst v1  }
0x3c2: {  	v42 =	vld [tilespmem:s21+$0x4390];
	v2 =	vadd.f32 v32, v2;
	[tilespmem:s21+$0x4290] =	vst v6  }
0x3c3: {  	v56 =	vld [tilespmem:s21+$0x4480];
	v7 =	vadd.f32 v49, v7;
	[tilespmem:s21+$0x43B0] =	vst v4  }
0x3c4: {  	v45 =	vld [tilespmem:s21+$0x43C0];
	v6 =	vadd.f32 v28, v6;
	[tilespmem:s21+$0x4360] =	vst v2  }
0x3c5: {  	v51 =	vld [tilespmem:s21+$0x4430];
	v4 =	vadd.f32 v44, v4;
	[tilespmem:s21+$0x4480] =	vst v7  }
0x3c6: {  	v47 =	vld [tilespmem:s21+$0x43E0];
	v0 =	vadd.f32 v33, v0;
	[tilespmem:s21+$0x4310] =	vst v6  }
0x3c7: {  	v48 =	vld [tilespmem:s21+$0x43F0];
	v2 =	vadd.f32 v40, v2;
	[tilespmem:s21+$0x4430] =	vst v4  }
0x3c8: {  	v7 =	vadd.f32 v56, v7;
	v3 =	vadd.f32 v8, v3;
	v8 =	vld [tilespmem:s21+$0x4370];
	[tilespmem:s21+$0x4370] =	vst v0  }
0x3c9: {  	v59 =	vld [tilespmem:s21+$0x44B0];
	v6 =	vadd.f32 v35, v6;
	[tilespmem:s21+$0x43E0] =	vst v2  }
0x3ca: {  	v63 =	vld [tilespmem:s21+$0x4500];
	v4 =	vadd.f32 v51, v4;
	[tilespmem:s21+$0x4500] =	vst v7  }
0x3cb: {  	v54 =	vld [tilespmem:s21+$0x4460];
	[tilespmem:s21+$0x4390] =	vst v6  }
0x3cc: {  	v50 =	vld [tilespmem:s21+$0x4410];
	v2 =	vadd.f32 v47, v2;
	[tilespmem:s21+$0x44B0] =	vst v4  }
0x3cd: {  	v52 =	vld [tilespmem:s21+$0x4440];
	v6 =	vadd.f32 v42, v6;
	[tilespmem:s21+$0x4340] =	vst v3  }
0x3ce: {  	v23 =	vld [tilespmem:s21+$0x4530];
	v4 =	vadd.f32 v59, v4;
	[tilespmem:s21+$0x4460] =	vst v2  }
0x3cf: {  	v55 =	vld [tilespmem:s21+$0x4470];
	v3 =	vadd.f32 v38, v3;
	[tilespmem:s21+$0x4410] =	vst v6  }
0x3d0: {  	v61 =	vld [tilespmem:s21+$0x44E0];
	v2 =	vadd.f32 v54, v2;
	[tilespmem:s21+$0x4530] =	vst v4  }
0x3d1: {  	v57 =	vld [tilespmem:s21+$0x4490];
	v5 =	vadd.f32 v43, v5;
	[tilespmem:s21+$0x43C0] =	vst v3  }
0x3d2: {  	v60 =	vld [tilespmem:s21+$0x44C0];
	v6 =	vadd.f32 v50, v6;
	[tilespmem:s21+$0x44E0] =	vst v2  }
0x3d3: {  	v4 =	vadd.f32 v23, v4;
	v0 =	vadd.f32 v8, v0;
	v8 =	vld [tilespmem:s21+$0x4420];
	[tilespmem:s21+$0x4420] =	vst v5  }
0x3d4: {  	v26 =	vld [tilespmem:s21+$0x4560];
	v3 =	vadd.f32 v45, v3;
	[tilespmem:s21+$0x4490] =	vst v6  }
0x3d5: {  	v30 =	vld [tilespmem:s21+$0x45B0];
	v2 =	vadd.f32 v61, v2;
	[tilespmem:s21+$0x45B0] =	vst v4  }
0x3d6: {  	v21 =	vld [tilespmem:s21+$0x4510];
	[tilespmem:s21+$0x4440] =	vst v3  }
0x3d7: {  	v62 =	vld [tilespmem:s21+$0x44F0];
	v6 =	vadd.f32 v57, v6;
	[tilespmem:s21+$0x4560] =	vst v2  }
0x3d8: {  	v24 =	vld [tilespmem:s21+$0x4540];
	v3 =	vadd.f32 v52, v3;
	[tilespmem:s21+$0x43F0] =	vst v0  }
0x3d9: {  	v33 =	vld [tilespmem:s21+$0x45E0];
	v2 =	vadd.f32 v26, v2;
	[tilespmem:s21+$0x4510] =	vst v6  }
0x3da: {  	v58 =	vld [tilespmem:s21+$0x44A0];
	v0 =	vadd.f32 v48, v0;
	[tilespmem:s21+$0x44C0] =	vst v3  }
0x3db: {  	v28 =	vld [tilespmem:s21+$0x4590];
	v6 =	vadd.f32 v21, v6;
	[tilespmem:s21+$0x45E0] =	vst v2  }
0x3dc: {  	v27 =	vld [tilespmem:s21+$0x4570];
	v1 =	vadd.f32 v53, v1;
	[tilespmem:s21+$0x4470] =	vst v0  }
0x3dd: {  	v29 =	vld [tilespmem:s21+$0x45A0];
	v3 =	vadd.f32 v60, v3;
	[tilespmem:s21+$0x4590] =	vst v6  }
0x3de: {  	v2 =	vadd.f32 v33, v2;
	v5 =	vadd.f32 v8, v5;
	v8 =	vld [tilespmem:s21+$0x44D0];
	[tilespmem:s21+$0x44D0] =	vst v1  }
0x3df: {  	v36 =	vld [tilespmem:s21+$0x4610];
	v0 =	vadd.f32 v55, v0;
	[tilespmem:s21+$0x4540] =	vst v3  }
0x3e0: {  	v40 =	vld [tilespmem:s21+$0x4660];
	v6 =	vadd.f32 v28, v6;
	[tilespmem:s21+$0x4660] =	vst v2  }
0x3e1: {  	v31 =	vld [tilespmem:s21+$0x45C0];
	[tilespmem:s21+$0x44F0] =	vst v0  }
0x3e2: {  	v22 =	vld [tilespmem:s21+$0x4520];
	v3 =	vadd.f32 v24, v3;
	[tilespmem:s21+$0x4610] =	vst v6  }
0x3e3: {  	v34 =	vld [tilespmem:s21+$0x45F0];
	v0 =	vadd.f32 v62, v0;
	[tilespmem:s21+$0x44A0] =	vst v5  }
0x3e4: {  	v43 =	vld [tilespmem:s21+$0x4690];
	v6 =	vadd.f32 v36, v6;
	[tilespmem:s21+$0x45C0] =	vst v3  }
0x3e5: {  	v39 =	vld [tilespmem:s21+$0x4650];
	v5 =	vadd.f32 v58, v5;
	[tilespmem:s21+$0x4570] =	vst v0  }
0x3e6: {  	v38 =	vld [tilespmem:s21+$0x4640];
	v3 =	vadd.f32 v31, v3;
	[tilespmem:s21+$0x4690] =	vst v6  }
0x3e7: {  	v25 =	vld [tilespmem:s21+$0x4550];
	v7 =	vadd.f32 v63, v7;
	[tilespmem:s21+$0x4520] =	vst v5  }
0x3e8: {  	v41 =	vld [tilespmem:s21+$0x4670];
	v0 =	vadd.f32 v27, v0;
	[tilespmem:s21+$0x4640] =	vst v3  }
0x3e9: {  	v6 =	vadd.f32 v43, v6;
	v1 =	vadd.f32 v8, v1;
	v8 =	vld [tilespmem:s21+$0x4580];
	[tilespmem:s21+$0x4580] =	vst v7  }
0x3ea: {  	v46 =	vld [tilespmem:s21+$0x46C0];
	v5 =	vadd.f32 v22, v5;
	[tilespmem:s21+$0x45F0] =	vst v0  }
0x3eb: {  	v50 =	vld [tilespmem:s21+$0x4710];
	v3 =	vadd.f32 v38, v3;
	[tilespmem:s21+$0x4710] =	vst v6  }
0x3ec: {  	v37 =	vld [tilespmem:s21+$0x4620];
	[tilespmem:s21+$0x45A0] =	vst v5  }
0x3ed: {  	v32 =	vld [tilespmem:s21+$0x45D0];
	v0 =	vadd.f32 v34, v0;
	[tilespmem:s21+$0x46C0] =	vst v3  }
0x3ee: {  	v49 =	vld [tilespmem:s21+$0x4700];
	v5 =	vadd.f32 v29, v5;
	[tilespmem:s21+$0x4550] =	vst v1  }
0x3ef: {  	v53 =	vld [tilespmem:s21+$0x4740];
	v3 =	vadd.f32 v46, v3;
	[tilespmem:s21+$0x4670] =	vst v0  }
0x3f0: {  	v44 =	vld [tilespmem:s21+$0x46A0];
	v1 =	vadd.f32 v25, v1;
	[tilespmem:s21+$0x4620] =	vst v5  }
0x3f1: {  	v48 =	vld [tilespmem:s21+$0x46F0];
	v0 =	vadd.f32 v41, v0;
	[tilespmem:s21+$0x4740] =	vst v3  }
0x3f2: {  	v56 =	vld [tilespmem:s21+$0x4770];
	v4 =	vadd.f32 v30, v4;
	[tilespmem:s21+$0x45D0] =	vst v1  }
0x3f3: {  	v35 =	vld [tilespmem:s21+$0x4600];
	v5 =	vadd.f32 v37, v5;
	[tilespmem:s21+$0x46F0] =	vst v0  }
0x3f4: {  	v3 =	vadd.f32 v53, v3;
	v7 =	vadd.f32 v8, v7;
	v8 =	vld [tilespmem:s21+$0x4630];
	[tilespmem:s21+$0x4630] =	vst v4  }
0x3f5: {  	v51 =	vld [tilespmem:s21+$0x4720];
	v1 =	vadd.f32 v32, v1;
	[tilespmem:s21+$0x46A0] =	vst v5  }
0x3f6: {  	v60 =	vld [tilespmem:s21+$0x47C0];
	v0 =	vadd.f32 v48, v0;
	[tilespmem:s21+$0x47C0] =	vst v3  }
0x3f7: {  	v47 =	vld [tilespmem:s21+$0x46D0];
	[tilespmem:s21+$0x4650] =	vst v1  }
0x3f8: {  	v63 =	vld [tilespmem:s21+$0x47F0];
	v5 =	vadd.f32 v44, v5;
	[tilespmem:s21+$0x4770] =	vst v0  }
0x3f9: {  	v42 =	vld [tilespmem:s21+$0x4680];
	v1 =	vadd.f32 v39, v1;
	[tilespmem:s21+$0x4600] =	vst v7  }
0x3fa: {  	v59 =	vld [tilespmem:s21+$0x47B0];
	v0 =	vadd.f32 v56, v0;
	[tilespmem:s21+$0x4720] =	vst v5  }
0x3fb: {  	v54 =	vld [tilespmem:s21+$0x4750];
	v7 =	vadd.f32 v35, v7;
	[tilespmem:s21+$0x46D0] =	vst v1  }
0x3fc: {  	v45 =	vld [tilespmem:s21+$0x46B0];
	v5 =	vadd.f32 v51, v5;
	[tilespmem:s21+$0x47F0] =	vst v0  }
0x3fd: {  	v61 =	vld [tilespmem:s21+$0x47D0];
	v2 =	vadd.f32 v40, v2;
	[tilespmem:s21+$0x4680] =	vst v7  }
0x3fe: {  	v58 =	vld [tilespmem:s21+$0x47A0];
	v1 =	vadd.f32 v47, v1;
	[tilespmem:s21+$0x47A0] =	vst v5  }
0x3ff: {  	v7 =	vadd.f32 v42, v7;
	v4 =	vadd.f32 v8, v4;
	v8 =	vld [tilespmem:s21+$0x46E0];
	[tilespmem:s21+$0x46E0] =	vst v2  }
0x400: {  	v57 =	vld [tilespmem:s21+$0x4780];
	[tilespmem:s21+$0x4750] =	vst v1  }
0x401: {  	v52 =	vld [tilespmem:s21+$0x4730];
	v1 =	vadd.f32 v54, v1;
	[tilespmem:s21+$0x4700] =	vst v7  }
0x402: {  	v55 =	vld [tilespmem:s21+$0x4760];
	v7 =	vadd.f32 v49, v7;
	[tilespmem:s21+$0x46B0] =	vst v4  }
0x403: {  	v62 =	vld [tilespmem:s21+$0x47E0];
	v4 =	vadd.f32 v45, v4;
	[tilespmem:s21+$0x47D0] =	vst v1  }
0x404: {  	p0 =	slt.u32 s20, $0x30;
	v6 =	vadd.f32 v50, v6;
	[tilespmem:s21+$0x4780] =	vst v7;
	v2 =	vadd.f32 v8, v2;
	v8 =	vld [tilespmem:s21+$0x4790]  }
.Ltmp6:
0x405: {  	v3 =	vadd.f32 v60, v3;
	v0 =	vadd.f32 v63, v0;
	[tilespmem:s21+$0x4730] =	vst v4;
	(pc) =	sbr.rel @p0 .LBB2_15-.Ltmp6, $4  }
0x406: {  	v5 =	vadd.f32 v58, v5;
	v4 =	vadd.f32 v52, v4;
	[tilespmem:s21+$0x4790] =	vst v6  }
0x407: {  	v1 =	vadd.f32 v61, v1;
	[tilespmem:s21+$0x4760] =	vst v2;
	v2 =	vadd.f32 v55, v2  }
0x408: {  	v7 =	vadd.f32 v57, v7;
	[tilespmem:s21+$0x47B0] =	vst v4;
	v4 =	vadd.f32 v59, v4  }
0x409: {  	s20 =	sadd.s32 $0x10, s20;
	[tilespmem:s21+$0x47E0] =	vst v2;
	v2 =	vadd.f32 v62, v2;
	v6 =	vadd.f32 v8, v6  }
0x40a: {  	s16 =	sor.u32 $0x8000, s16  }
0x40b: {  	s16 =	sadd.s32 s3, s16  }
0x40c: {  	[hbm4b:s16+s26] =	stream.strided.scatter [tilespmem:s28], [sflag:$0x7], $0x2000, s28, s26, $0x38;
	[tilespmem:$0x8000] =	vst v63  }
0x40d: {  	s21 =	sadd.s32 s14, s18;
	_ =	swait.ge [sflag:s7], $0x2000  }
0x40e: {  	s16 =	sshrl.u32 s21, $0x3;
	[sflag:s7] =	ssyncset.done $0x0  }
0x40f: {  	s16 =	sadd.s32 s2, s16;
	[sflag:s7] =	ssyncadd.s32 $0xFFFFE000  }
0x410: {  	[tilespmem:s29], [sflag:$0x2] =	stream.strided.gather [hbm4b:s16+s26], $0x2000, s28, s26, $0x38;
	[tilespmem:$0x8000] =	vst v63  }
0x411: {  	_ =	swait.ge [sflag:s8], $0x2000  }
0x412: {  	[sflag:s8] =	ssyncset.done $0x0  }
0x413: {  	s16 =	simm.s32 $0x0;
	[sflag:s8] =	ssyncadd.s32 $0xFFFFE000  }
.LBB2_17:
0x414: {  	s20 =	sshll.u32 s16, $0x7  }
0x415: {  	s20 =	sand.u32 $0x3FFFFF80, s20  }
0x416: {  	v8 =	vld [tilespmem:s20+$0x6000]  }
0x417: {  	v9 =	vld [tilespmem:s20+$0x6010]  }
0x418: {  	v10 =	vld [tilespmem:s20+$0x6020]  }
0x419: {  	v11 =	vld [tilespmem:s20+$0x6030]  }
0x41a: {  	v12 =	vld [tilespmem:s20+$0x6040]  }
0x41b: {  	[tilespmem:s20+$0x6000] =	vst v7;
	v13 =	vld [tilespmem:s20+$0x6050]  }
0x41c: {  	[tilespmem:s20+$0x6010] =	vst v6;
	v14 =	vld [tilespmem:s20+$0x6060]  }
0x41d: {  	[tilespmem:s20+$0x6020] =	vst v5;
	v15 =	vld [tilespmem:s20+$0x6070]  }
0x41e: {  	[tilespmem:s20+$0x6030] =	vst v4;
	v16 =	vld [tilespmem:s20+$0x6080]  }
0x41f: {  	[tilespmem:s20+$0x6040] =	vst v3;
	v17 =	vld [tilespmem:s20+$0x6090]  }
0x420: {  	[tilespmem:s20+$0x6050] =	vst v1;
	v18 =	vld [tilespmem:s20+$0x60A0]  }
0x421: {  	[tilespmem:s20+$0x6060] =	vst v2;
	v44 =	vld [tilespmem:s20+$0x60C0];
	v7 =	vadd.f32 v8, v7  }
0x422: {  	[tilespmem:s20+$0x6070] =	vst v0;
	v45 =	vld [tilespmem:s20+$0x60D0];
	v6 =	vadd.f32 v9, v6  }
0x423: {  	v46 =	vld [tilespmem:s20+$0x60E0];
	v5 =	vadd.f32 v10, v5;
	[tilespmem:s20+$0x6080] =	vst v7  }
0x424: {  	v47 =	vld [tilespmem:s20+$0x60F0];
	v4 =	vadd.f32 v11, v4;
	[tilespmem:s20+$0x6090] =	vst v6  }
0x425: {  	v48 =	vld [tilespmem:s20+$0x6100];
	v3 =	vadd.f32 v12, v3;
	[tilespmem:s20+$0x60A0] =	vst v5  }
0x426: {  	v8 =	vld [tilespmem:s20+$0x60B0];
	v1 =	vadd.f32 v13, v1;
	[tilespmem:s20+$0x60B0] =	vst v4  }
0x427: {  	v49 =	vld [tilespmem:s20+$0x6110];
	v2 =	vadd.f32 v14, v2;
	[tilespmem:s20+$0x60C0] =	vst v3  }
0x428: {  	v50 =	vld [tilespmem:s20+$0x6120];
	v0 =	vadd.f32 v15, v0;
	[tilespmem:s20+$0x60D0] =	vst v1  }
0x429: {  	v51 =	vld [tilespmem:s20+$0x6130];
	v7 =	vadd.f32 v16, v7;
	[tilespmem:s20+$0x60E0] =	vst v2  }
0x42a: {  	v52 =	vld [tilespmem:s20+$0x6140];
	v6 =	vadd.f32 v17, v6;
	[tilespmem:s20+$0x60F0] =	vst v0  }
0x42b: {  	v53 =	vld [tilespmem:s20+$0x6150];
	v5 =	vadd.f32 v18, v5;
	[tilespmem:s20+$0x6100] =	vst v7  }
0x42c: {  	v54 =	vld [tilespmem:s20+$0x6170];
	v3 =	vadd.f32 v44, v3;
	[tilespmem:s20+$0x6110] =	vst v6  }
0x42d: {  	v55 =	vld [tilespmem:s20+$0x6180];
	v1 =	vadd.f32 v45, v1;
	[tilespmem:s20+$0x6120] =	vst v5  }
0x42e: {  	v56 =	vld [tilespmem:s20+$0x6190];
	v0 =	vadd.f32 v47, v0;
	[tilespmem:s20+$0x6140] =	vst v3  }
0x42f: {  	v57 =	vld [tilespmem:s20+$0x61A0];
	v2 =	vadd.f32 v46, v2;
	[tilespmem:s20+$0x6150] =	vst v1  }
0x430: {  	v58 =	vld [tilespmem:s20+$0x61B0];
	v7 =	vadd.f32 v48, v7;
	[tilespmem:s20+$0x6170] =	vst v0  }
0x431: {  	v6 =	vadd.f32 v49, v6;
	v4 =	vadd.f32 v8, v4;
	v8 =	vld [tilespmem:s20+$0x6160];
	[tilespmem:s20+$0x6160] =	vst v2  }
0x432: {  	v59 =	vld [tilespmem:s20+$0x61C0];
	v5 =	vadd.f32 v50, v5;
	[tilespmem:s20+$0x6180] =	vst v7  }
0x433: {  	v60 =	vld [tilespmem:s20+$0x61D0];
	v3 =	vadd.f32 v52, v3;
	[tilespmem:s20+$0x6190] =	vst v6  }
0x434: {  	v61 =	vld [tilespmem:s20+$0x61E0];
	v1 =	vadd.f32 v53, v1;
	[tilespmem:s20+$0x61A0] =	vst v5  }
0x435: {  	v62 =	vld [tilespmem:s20+$0x61F0];
	v0 =	vadd.f32 v54, v0;
	[tilespmem:s20+$0x61C0] =	vst v3  }
0x436: {  	v63 =	vld [tilespmem:s20+$0x6200];
	[tilespmem:s20+$0x61D0] =	vst v1  }
0x437: {  	v21 =	vld [tilespmem:s20+$0x6220];
	v7 =	vadd.f32 v55, v7;
	[tilespmem:s20+$0x61F0] =	vst v0  }
0x438: {  	v22 =	vld [tilespmem:s20+$0x6230];
	v5 =	vadd.f32 v57, v5;
	[tilespmem:s20+$0x6130] =	vst v4  }
0x439: {  	v23 =	vld [tilespmem:s20+$0x6240];
	v3 =	vadd.f32 v59, v3;
	[tilespmem:s20+$0x6200] =	vst v7  }
0x43a: {  	v24 =	vld [tilespmem:s20+$0x6250];
	v1 =	vadd.f32 v60, v1;
	[tilespmem:s20+$0x6220] =	vst v5  }
0x43b: {  	v25 =	vld [tilespmem:s20+$0x6260];
	v0 =	vadd.f32 v62, v0;
	[tilespmem:s20+$0x6240] =	vst v3  }
0x43c: {  	v26 =	vld [tilespmem:s20+$0x6270];
	v4 =	vadd.f32 v51, v4;
	[tilespmem:s20+$0x6250] =	vst v1  }
0x43d: {  	v27 =	vld [tilespmem:s20+$0x6280];
	v6 =	vadd.f32 v56, v6;
	[tilespmem:s20+$0x6270] =	vst v0  }
0x43e: {  	v28 =	vld [tilespmem:s20+$0x6290];
	v7 =	vadd.f32 v63, v7;
	[tilespmem:s20+$0x61B0] =	vst v4  }
0x43f: {  	v5 =	vadd.f32 v21, v5;
	v2 =	vadd.f32 v8, v2;
	v8 =	vld [tilespmem:s20+$0x6210];
	[tilespmem:s20+$0x6210] =	vst v6  }
0x440: {  	v29 =	vld [tilespmem:s20+$0x62A0];
	v1 =	vadd.f32 v24, v1;
	[tilespmem:s20+$0x6280] =	vst v7  }
0x441: {  	v31 =	vld [tilespmem:s20+$0x62D0];
	v0 =	vadd.f32 v26, v0;
	[tilespmem:s20+$0x62A0] =	vst v5  }
0x442: {  	v30 =	vld [tilespmem:s20+$0x62B0];
	v4 =	vadd.f32 v58, v4;
	[tilespmem:s20+$0x62D0] =	vst v1  }
0x443: {  	v33 =	vld [tilespmem:s20+$0x62F0];
	[tilespmem:s20+$0x62F0] =	vst v0  }
0x444: {  	v34 =	vld [tilespmem:s20+$0x6300];
	v7 =	vadd.f32 v27, v7;
	[tilespmem:s20+$0x6230] =	vst v4  }
0x445: {  	v36 =	vld [tilespmem:s20+$0x6320];
	v5 =	vadd.f32 v29, v5;
	[tilespmem:s20+$0x61E0] =	vst v2  }
0x446: {  	v39 =	vld [tilespmem:s20+$0x6350];
	v1 =	vadd.f32 v31, v1;
	[tilespmem:s20+$0x6300] =	vst v7  }
0x447: {  	v32 =	vld [tilespmem:s20+$0x62E0];
	v4 =	vadd.f32 v22, v4;
	[tilespmem:s20+$0x6320] =	vst v5  }
0x448: {  	v35 =	vld [tilespmem:s20+$0x6310];
	v2 =	vadd.f32 v61, v2;
	[tilespmem:s20+$0x6350] =	vst v1  }
0x449: {  	v37 =	vld [tilespmem:s20+$0x6330];
	v7 =	vadd.f32 v34, v7;
	[tilespmem:s20+$0x62B0] =	vst v4  }
0x44a: {  	v41 =	vld [tilespmem:s20+$0x6380];
	v5 =	vadd.f32 v36, v5;
	[tilespmem:s20+$0x6260] =	vst v2  }
0x44b: {  	v46 =	vld [tilespmem:s20+$0x63D0];
	v1 =	vadd.f32 v39, v1;
	[tilespmem:s20+$0x6380] =	vst v7  }
0x44c: {  	v43 =	vld [tilespmem:s20+$0x63A0];
	v3 =	vadd.f32 v23, v3;
	[tilespmem:s20+$0x63A0] =	vst v5  }
0x44d: {  	v38 =	vld [tilespmem:s20+$0x6340];
	v4 =	vadd.f32 v30, v4;
	[tilespmem:s20+$0x63D0] =	vst v1  }
0x44e: {  	v2 =	vadd.f32 v25, v2;
	v6 =	vadd.f32 v8, v6;
	v8 =	vld [tilespmem:s20+$0x62C0];
	[tilespmem:s20+$0x62C0] =	vst v3  }
0x44f: {  	v49 =	vld [tilespmem:s20+$0x6400];
	v7 =	vadd.f32 v41, v7;
	[tilespmem:s20+$0x6330] =	vst v4  }
0x450: {  	v40 =	vld [tilespmem:s20+$0x6360];
	v1 =	vadd.f32 v46, v1;
	[tilespmem:s20+$0x62E0] =	vst v2  }
0x451: {  	v44 =	vld [tilespmem:s20+$0x63B0];
	[tilespmem:s20+$0x6400] =	vst v7  }
0x452: {  	v53 =	vld [tilespmem:s20+$0x6450];
	v4 =	vadd.f32 v37, v4;
	[tilespmem:s20+$0x6450] =	vst v1  }
0x453: {  	v42 =	vld [tilespmem:s20+$0x6390];
	v2 =	vadd.f32 v32, v2;
	[tilespmem:s20+$0x6290] =	vst v6  }
0x454: {  	v56 =	vld [tilespmem:s20+$0x6480];
	v7 =	vadd.f32 v49, v7;
	[tilespmem:s20+$0x63B0] =	vst v4  }
0x455: {  	v45 =	vld [tilespmem:s20+$0x63C0];
	v6 =	vadd.f32 v28, v6;
	[tilespmem:s20+$0x6360] =	vst v2  }
0x456: {  	v51 =	vld [tilespmem:s20+$0x6430];
	v4 =	vadd.f32 v44, v4;
	[tilespmem:s20+$0x6480] =	vst v7  }
0x457: {  	v47 =	vld [tilespmem:s20+$0x63E0];
	v0 =	vadd.f32 v33, v0;
	[tilespmem:s20+$0x6310] =	vst v6  }
0x458: {  	v48 =	vld [tilespmem:s20+$0x63F0];
	v2 =	vadd.f32 v40, v2;
	[tilespmem:s20+$0x6430] =	vst v4  }
0x459: {  	v7 =	vadd.f32 v56, v7;
	v3 =	vadd.f32 v8, v3;
	v8 =	vld [tilespmem:s20+$0x6370];
	[tilespmem:s20+$0x6370] =	vst v0  }
0x45a: {  	v59 =	vld [tilespmem:s20+$0x64B0];
	v6 =	vadd.f32 v35, v6;
	[tilespmem:s20+$0x63E0] =	vst v2  }
0x45b: {  	v63 =	vld [tilespmem:s20+$0x6500];
	v4 =	vadd.f32 v51, v4;
	[tilespmem:s20+$0x6500] =	vst v7  }
0x45c: {  	v54 =	vld [tilespmem:s20+$0x6460];
	[tilespmem:s20+$0x6390] =	vst v6  }
0x45d: {  	v50 =	vld [tilespmem:s20+$0x6410];
	v2 =	vadd.f32 v47, v2;
	[tilespmem:s20+$0x64B0] =	vst v4  }
0x45e: {  	v52 =	vld [tilespmem:s20+$0x6440];
	v6 =	vadd.f32 v42, v6;
	[tilespmem:s20+$0x6340] =	vst v3  }
0x45f: {  	v23 =	vld [tilespmem:s20+$0x6530];
	v4 =	vadd.f32 v59, v4;
	[tilespmem:s20+$0x6460] =	vst v2  }
0x460: {  	v55 =	vld [tilespmem:s20+$0x6470];
	v3 =	vadd.f32 v38, v3;
	[tilespmem:s20+$0x6410] =	vst v6  }
0x461: {  	v61 =	vld [tilespmem:s20+$0x64E0];
	v2 =	vadd.f32 v54, v2;
	[tilespmem:s20+$0x6530] =	vst v4  }
0x462: {  	v57 =	vld [tilespmem:s20+$0x6490];
	v5 =	vadd.f32 v43, v5;
	[tilespmem:s20+$0x63C0] =	vst v3  }
0x463: {  	v60 =	vld [tilespmem:s20+$0x64C0];
	v6 =	vadd.f32 v50, v6;
	[tilespmem:s20+$0x64E0] =	vst v2  }
0x464: {  	v4 =	vadd.f32 v23, v4;
	v0 =	vadd.f32 v8, v0;
	v8 =	vld [tilespmem:s20+$0x6420];
	[tilespmem:s20+$0x6420] =	vst v5  }
0x465: {  	v26 =	vld [tilespmem:s20+$0x6560];
	v3 =	vadd.f32 v45, v3;
	[tilespmem:s20+$0x6490] =	vst v6  }
0x466: {  	v30 =	vld [tilespmem:s20+$0x65B0];
	v2 =	vadd.f32 v61, v2;
	[tilespmem:s20+$0x65B0] =	vst v4  }
0x467: {  	v21 =	vld [tilespmem:s20+$0x6510];
	[tilespmem:s20+$0x6440] =	vst v3  }
0x468: {  	v62 =	vld [tilespmem:s20+$0x64F0];
	v6 =	vadd.f32 v57, v6;
	[tilespmem:s20+$0x6560] =	vst v2  }
0x469: {  	v24 =	vld [tilespmem:s20+$0x6540];
	v3 =	vadd.f32 v52, v3;
	[tilespmem:s20+$0x63F0] =	vst v0  }
0x46a: {  	v33 =	vld [tilespmem:s20+$0x65E0];
	v2 =	vadd.f32 v26, v2;
	[tilespmem:s20+$0x6510] =	vst v6  }
0x46b: {  	v58 =	vld [tilespmem:s20+$0x64A0];
	v0 =	vadd.f32 v48, v0;
	[tilespmem:s20+$0x64C0] =	vst v3  }
0x46c: {  	v28 =	vld [tilespmem:s20+$0x6590];
	v6 =	vadd.f32 v21, v6;
	[tilespmem:s20+$0x65E0] =	vst v2  }
0x46d: {  	v27 =	vld [tilespmem:s20+$0x6570];
	v1 =	vadd.f32 v53, v1;
	[tilespmem:s20+$0x6470] =	vst v0  }
0x46e: {  	v29 =	vld [tilespmem:s20+$0x65A0];
	v3 =	vadd.f32 v60, v3;
	[tilespmem:s20+$0x6590] =	vst v6  }
0x46f: {  	v2 =	vadd.f32 v33, v2;
	v5 =	vadd.f32 v8, v5;
	v8 =	vld [tilespmem:s20+$0x64D0];
	[tilespmem:s20+$0x64D0] =	vst v1  }
0x470: {  	v36 =	vld [tilespmem:s20+$0x6610];
	v0 =	vadd.f32 v55, v0;
	[tilespmem:s20+$0x6540] =	vst v3  }
0x471: {  	v40 =	vld [tilespmem:s20+$0x6660];
	v6 =	vadd.f32 v28, v6;
	[tilespmem:s20+$0x6660] =	vst v2  }
0x472: {  	v31 =	vld [tilespmem:s20+$0x65C0];
	[tilespmem:s20+$0x64F0] =	vst v0  }
0x473: {  	v22 =	vld [tilespmem:s20+$0x6520];
	v3 =	vadd.f32 v24, v3;
	[tilespmem:s20+$0x6610] =	vst v6  }
0x474: {  	v34 =	vld [tilespmem:s20+$0x65F0];
	v0 =	vadd.f32 v62, v0;
	[tilespmem:s20+$0x64A0] =	vst v5  }
0x475: {  	v43 =	vld [tilespmem:s20+$0x6690];
	v6 =	vadd.f32 v36, v6;
	[tilespmem:s20+$0x65C0] =	vst v3  }
0x476: {  	v39 =	vld [tilespmem:s20+$0x6650];
	v5 =	vadd.f32 v58, v5;
	[tilespmem:s20+$0x6570] =	vst v0  }
0x477: {  	v38 =	vld [tilespmem:s20+$0x6640];
	v3 =	vadd.f32 v31, v3;
	[tilespmem:s20+$0x6690] =	vst v6  }
0x478: {  	v25 =	vld [tilespmem:s20+$0x6550];
	v7 =	vadd.f32 v63, v7;
	[tilespmem:s20+$0x6520] =	vst v5  }
0x479: {  	v41 =	vld [tilespmem:s20+$0x6670];
	v0 =	vadd.f32 v27, v0;
	[tilespmem:s20+$0x6640] =	vst v3  }
0x47a: {  	v6 =	vadd.f32 v43, v6;
	v1 =	vadd.f32 v8, v1;
	v8 =	vld [tilespmem:s20+$0x6580];
	[tilespmem:s20+$0x6580] =	vst v7  }
0x47b: {  	v46 =	vld [tilespmem:s20+$0x66C0];
	v5 =	vadd.f32 v22, v5;
	[tilespmem:s20+$0x65F0] =	vst v0  }
0x47c: {  	v50 =	vld [tilespmem:s20+$0x6710];
	v3 =	vadd.f32 v38, v3;
	[tilespmem:s20+$0x6710] =	vst v6  }
0x47d: {  	v37 =	vld [tilespmem:s20+$0x6620];
	[tilespmem:s20+$0x65A0] =	vst v5  }
0x47e: {  	v32 =	vld [tilespmem:s20+$0x65D0];
	v0 =	vadd.f32 v34, v0;
	[tilespmem:s20+$0x66C0] =	vst v3  }
0x47f: {  	v49 =	vld [tilespmem:s20+$0x6700];
	v5 =	vadd.f32 v29, v5;
	[tilespmem:s20+$0x6550] =	vst v1  }
0x480: {  	v53 =	vld [tilespmem:s20+$0x6740];
	v3 =	vadd.f32 v46, v3;
	[tilespmem:s20+$0x6670] =	vst v0  }
0x481: {  	v44 =	vld [tilespmem:s20+$0x66A0];
	v1 =	vadd.f32 v25, v1;
	[tilespmem:s20+$0x6620] =	vst v5  }
0x482: {  	v48 =	vld [tilespmem:s20+$0x66F0];
	v0 =	vadd.f32 v41, v0;
	[tilespmem:s20+$0x6740] =	vst v3  }
0x483: {  	v56 =	vld [tilespmem:s20+$0x6770];
	v4 =	vadd.f32 v30, v4;
	[tilespmem:s20+$0x65D0] =	vst v1  }
0x484: {  	v35 =	vld [tilespmem:s20+$0x6600];
	v5 =	vadd.f32 v37, v5;
	[tilespmem:s20+$0x66F0] =	vst v0  }
0x485: {  	v3 =	vadd.f32 v53, v3;
	v7 =	vadd.f32 v8, v7;
	v8 =	vld [tilespmem:s20+$0x6630];
	[tilespmem:s20+$0x6630] =	vst v4  }
0x486: {  	v51 =	vld [tilespmem:s20+$0x6720];
	v1 =	vadd.f32 v32, v1;
	[tilespmem:s20+$0x66A0] =	vst v5  }
0x487: {  	v60 =	vld [tilespmem:s20+$0x67C0];
	v0 =	vadd.f32 v48, v0;
	[tilespmem:s20+$0x67C0] =	vst v3  }
0x488: {  	v47 =	vld [tilespmem:s20+$0x66D0];
	[tilespmem:s20+$0x6650] =	vst v1  }
0x489: {  	v63 =	vld [tilespmem:s20+$0x67F0];
	v5 =	vadd.f32 v44, v5;
	[tilespmem:s20+$0x6770] =	vst v0  }
0x48a: {  	v42 =	vld [tilespmem:s20+$0x6680];
	v1 =	vadd.f32 v39, v1;
	[tilespmem:s20+$0x6600] =	vst v7  }
0x48b: {  	v59 =	vld [tilespmem:s20+$0x67B0];
	v0 =	vadd.f32 v56, v0;
	[tilespmem:s20+$0x6720] =	vst v5  }
0x48c: {  	v54 =	vld [tilespmem:s20+$0x6750];
	v7 =	vadd.f32 v35, v7;
	[tilespmem:s20+$0x66D0] =	vst v1  }
0x48d: {  	v45 =	vld [tilespmem:s20+$0x66B0];
	v5 =	vadd.f32 v51, v5;
	[tilespmem:s20+$0x67F0] =	vst v0  }
0x48e: {  	v61 =	vld [tilespmem:s20+$0x67D0];
	v2 =	vadd.f32 v40, v2;
	[tilespmem:s20+$0x6680] =	vst v7  }
0x48f: {  	v58 =	vld [tilespmem:s20+$0x67A0];
	v1 =	vadd.f32 v47, v1;
	[tilespmem:s20+$0x67A0] =	vst v5  }
0x490: {  	v7 =	vadd.f32 v42, v7;
	v4 =	vadd.f32 v8, v4;
	v8 =	vld [tilespmem:s20+$0x66E0];
	[tilespmem:s20+$0x66E0] =	vst v2  }
0x491: {  	v57 =	vld [tilespmem:s20+$0x6780];
	[tilespmem:s20+$0x6750] =	vst v1  }
0x492: {  	v52 =	vld [tilespmem:s20+$0x6730];
	v1 =	vadd.f32 v54, v1;
	[tilespmem:s20+$0x6700] =	vst v7  }
0x493: {  	v55 =	vld [tilespmem:s20+$0x6760];
	v7 =	vadd.f32 v49, v7;
	[tilespmem:s20+$0x66B0] =	vst v4  }
0x494: {  	v62 =	vld [tilespmem:s20+$0x67E0];
	v4 =	vadd.f32 v45, v4;
	[tilespmem:s20+$0x67D0] =	vst v1  }
0x495: {  	p0 =	slt.u32 s16, $0x30;
	v6 =	vadd.f32 v50, v6;
	[tilespmem:s20+$0x6780] =	vst v7;
	v2 =	vadd.f32 v8, v2;
	v8 =	vld [tilespmem:s20+$0x6790]  }
.Ltmp7:
0x496: {  	v3 =	vadd.f32 v60, v3;
	v0 =	vadd.f32 v63, v0;
	[tilespmem:s20+$0x6730] =	vst v4;
	(pc) =	sbr.rel @p0 .LBB2_17-.Ltmp7, $4  }
0x497: {  	v5 =	vadd.f32 v58, v5;
	v4 =	vadd.f32 v52, v4;
	[tilespmem:s20+$0x6790] =	vst v6  }
0x498: {  	v1 =	vadd.f32 v61, v1;
	[tilespmem:s20+$0x6760] =	vst v2;
	v2 =	vadd.f32 v55, v2  }
0x499: {  	v7 =	vadd.f32 v57, v7;
	[tilespmem:s20+$0x67B0] =	vst v4;
	v4 =	vadd.f32 v59, v4  }
0x49a: {  	s16 =	sadd.s32 $0x10, s16;
	[tilespmem:s20+$0x67E0] =	vst v2;
	v2 =	vadd.f32 v62, v2;
	v6 =	vadd.f32 v8, v6  }
0x49b: {  	s15 =	sadd.s32 s3, s15;
	s13 =	sadd.s32 $0x1, s13  }
0x49c: {  	[hbm4b:s15+s26] =	stream.strided.scatter [tilespmem:s31], [sflag:$0x8], $0x2000, s28, s26, $0x38;
	[tilespmem:$0x8000] =	vst v63  }
0x49d: {  	p0 =	sne.s32 s13, $0x1F  }
.Ltmp8:
0x49e: {  	_ = 	snop;
	(pc) =	sbr.rel @p0 .LBB2_10-.Ltmp8, $4  }
0x49f: {  	s14 =	sadd.s32 s14, s19;
	_ =	swait.ge [sflag:s10], $0x2000  }
0x4a0: {  	s14 =	sshrl.u32 s14, $0x3;
	[sflag:s10] =	ssyncset.done $0x0  }
0x4a1: {  	s14 =	sadd.s32 s2, s14;
	[sflag:s10] =	ssyncadd.s32 $0xFFFFE000  }
0x4a2: {  	[tilespmem:s28], [sflag:$0x3] =	stream.strided.gather [hbm4b:s14+s26], $0x2000, s28, s26, $0x38;
	[tilespmem:$0x8000] =	vst v63  }
0x4a3: {  	_ =	swait.ge [sflag:s30], $0x2000  }
0x4a4: {  	[sflag:s30] =	ssyncset.done $0x0  }
0x4a5: {  	s13 =	simm.s32 $0x0;
	[sflag:s30] =	ssyncadd.s32 $0xFFFFE000  }
.LBB2_20:
0x4a6: {  	s14 =	sshll.u32 s13, $0x7  }
0x4a7: {  	s14 =	sand.u32 $0x3FFFFF80, s14  }
0x4a8: {  	v8 =	vld [tilespmem:s14+$0x0]  }
0x4a9: {  	v9 =	vld [tilespmem:s14+$0x10]  }
0x4aa: {  	v10 =	vld [tilespmem:s14+$0x20]  }
0x4ab: {  	v11 =	vld [tilespmem:s14+$0x30]  }
0x4ac: {  	v12 =	vld [tilespmem:s14+$0x40]  }
0x4ad: {  	[tilespmem:s14+$0x0] =	vst v7;
	v13 =	vld [tilespmem:s14+$0x50]  }
0x4ae: {  	[tilespmem:s14+$0x10] =	vst v6;
	v14 =	vld [tilespmem:s14+$0x60]  }
0x4af: {  	[tilespmem:s14+$0x20] =	vst v5;
	v15 =	vld [tilespmem:s14+$0x70]  }
0x4b0: {  	[tilespmem:s14+$0x30] =	vst v4;
	v16 =	vld [tilespmem:s14+$0x80]  }
0x4b1: {  	[tilespmem:s14+$0x40] =	vst v3;
	v17 =	vld [tilespmem:s14+$0x90]  }
0x4b2: {  	[tilespmem:s14+$0x50] =	vst v1;
	v18 =	vld [tilespmem:s14+$0xA0]  }
0x4b3: {  	[tilespmem:s14+$0x60] =	vst v2;
	v44 =	vld [tilespmem:s14+$0xC0];
	v7 =	vadd.f32 v8, v7  }
0x4b4: {  	[tilespmem:s14+$0x70] =	vst v0;
	v45 =	vld [tilespmem:s14+$0xD0];
	v6 =	vadd.f32 v9, v6  }
0x4b5: {  	v46 =	vld [tilespmem:s14+$0xE0];
	v5 =	vadd.f32 v10, v5;
	[tilespmem:s14+$0x80] =	vst v7  }
0x4b6: {  	v47 =	vld [tilespmem:s14+$0xF0];
	v4 =	vadd.f32 v11, v4;
	[tilespmem:s14+$0x90] =	vst v6  }
0x4b7: {  	v48 =	vld [tilespmem:s14+$0x100];
	v3 =	vadd.f32 v12, v3;
	[tilespmem:s14+$0xA0] =	vst v5  }
0x4b8: {  	v8 =	vld [tilespmem:s14+$0xB0];
	v1 =	vadd.f32 v13, v1;
	[tilespmem:s14+$0xB0] =	vst v4  }
0x4b9: {  	v49 =	vld [tilespmem:s14+$0x110];
	v2 =	vadd.f32 v14, v2;
	[tilespmem:s14+$0xC0] =	vst v3  }
0x4ba: {  	v50 =	vld [tilespmem:s14+$0x120];
	v0 =	vadd.f32 v15, v0;
	[tilespmem:s14+$0xD0] =	vst v1  }
0x4bb: {  	v51 =	vld [tilespmem:s14+$0x130];
	v7 =	vadd.f32 v16, v7;
	[tilespmem:s14+$0xE0] =	vst v2  }
0x4bc: {  	v52 =	vld [tilespmem:s14+$0x140];
	v6 =	vadd.f32 v17, v6;
	[tilespmem:s14+$0xF0] =	vst v0  }
0x4bd: {  	v53 =	vld [tilespmem:s14+$0x150];
	v5 =	vadd.f32 v18, v5;
	[tilespmem:s14+$0x100] =	vst v7  }
0x4be: {  	v54 =	vld [tilespmem:s14+$0x170];
	v3 =	vadd.f32 v44, v3;
	[tilespmem:s14+$0x110] =	vst v6  }
0x4bf: {  	v55 =	vld [tilespmem:s14+$0x180];
	v1 =	vadd.f32 v45, v1;
	[tilespmem:s14+$0x120] =	vst v5  }
0x4c0: {  	v56 =	vld [tilespmem:s14+$0x190];
	v0 =	vadd.f32 v47, v0;
	[tilespmem:s14+$0x140] =	vst v3  }
0x4c1: {  	v57 =	vld [tilespmem:s14+$0x1A0];
	v2 =	vadd.f32 v46, v2;
	[tilespmem:s14+$0x150] =	vst v1  }
0x4c2: {  	v58 =	vld [tilespmem:s14+$0x1B0];
	v7 =	vadd.f32 v48, v7;
	[tilespmem:s14+$0x170] =	vst v0  }
0x4c3: {  	v6 =	vadd.f32 v49, v6;
	v4 =	vadd.f32 v8, v4;
	v8 =	vld [tilespmem:s14+$0x160];
	[tilespmem:s14+$0x160] =	vst v2  }
0x4c4: {  	v59 =	vld [tilespmem:s14+$0x1C0];
	v5 =	vadd.f32 v50, v5;
	[tilespmem:s14+$0x180] =	vst v7  }
0x4c5: {  	v60 =	vld [tilespmem:s14+$0x1D0];
	v3 =	vadd.f32 v52, v3;
	[tilespmem:s14+$0x190] =	vst v6  }
0x4c6: {  	v61 =	vld [tilespmem:s14+$0x1E0];
	v1 =	vadd.f32 v53, v1;
	[tilespmem:s14+$0x1A0] =	vst v5  }
0x4c7: {  	v62 =	vld [tilespmem:s14+$0x1F0];
	v0 =	vadd.f32 v54, v0;
	[tilespmem:s14+$0x1C0] =	vst v3  }
0x4c8: {  	v63 =	vld [tilespmem:s14+$0x200];
	[tilespmem:s14+$0x1D0] =	vst v1  }
0x4c9: {  	v21 =	vld [tilespmem:s14+$0x220];
	v7 =	vadd.f32 v55, v7;
	[tilespmem:s14+$0x1F0] =	vst v0  }
0x4ca: {  	v22 =	vld [tilespmem:s14+$0x230];
	v5 =	vadd.f32 v57, v5;
	[tilespmem:s14+$0x130] =	vst v4  }
0x4cb: {  	v23 =	vld [tilespmem:s14+$0x240];
	v3 =	vadd.f32 v59, v3;
	[tilespmem:s14+$0x200] =	vst v7  }
0x4cc: {  	v24 =	vld [tilespmem:s14+$0x250];
	v1 =	vadd.f32 v60, v1;
	[tilespmem:s14+$0x220] =	vst v5  }
0x4cd: {  	v25 =	vld [tilespmem:s14+$0x260];
	v0 =	vadd.f32 v62, v0;
	[tilespmem:s14+$0x240] =	vst v3  }
0x4ce: {  	v26 =	vld [tilespmem:s14+$0x270];
	v4 =	vadd.f32 v51, v4;
	[tilespmem:s14+$0x250] =	vst v1  }
0x4cf: {  	v27 =	vld [tilespmem:s14+$0x280];
	v6 =	vadd.f32 v56, v6;
	[tilespmem:s14+$0x270] =	vst v0  }
0x4d0: {  	v28 =	vld [tilespmem:s14+$0x290];
	v7 =	vadd.f32 v63, v7;
	[tilespmem:s14+$0x1B0] =	vst v4  }
0x4d1: {  	v5 =	vadd.f32 v21, v5;
	v2 =	vadd.f32 v8, v2;
	v8 =	vld [tilespmem:s14+$0x210];
	[tilespmem:s14+$0x210] =	vst v6  }
0x4d2: {  	v29 =	vld [tilespmem:s14+$0x2A0];
	v1 =	vadd.f32 v24, v1;
	[tilespmem:s14+$0x280] =	vst v7  }
0x4d3: {  	v31 =	vld [tilespmem:s14+$0x2D0];
	v0 =	vadd.f32 v26, v0;
	[tilespmem:s14+$0x2A0] =	vst v5  }
0x4d4: {  	v30 =	vld [tilespmem:s14+$0x2B0];
	v4 =	vadd.f32 v58, v4;
	[tilespmem:s14+$0x2D0] =	vst v1  }
0x4d5: {  	v33 =	vld [tilespmem:s14+$0x2F0];
	[tilespmem:s14+$0x2F0] =	vst v0  }
0x4d6: {  	v34 =	vld [tilespmem:s14+$0x300];
	v7 =	vadd.f32 v27, v7;
	[tilespmem:s14+$0x230] =	vst v4  }
0x4d7: {  	v36 =	vld [tilespmem:s14+$0x320];
	v5 =	vadd.f32 v29, v5;
	[tilespmem:s14+$0x1E0] =	vst v2  }
0x4d8: {  	v39 =	vld [tilespmem:s14+$0x350];
	v1 =	vadd.f32 v31, v1;
	[tilespmem:s14+$0x300] =	vst v7  }
0x4d9: {  	v32 =	vld [tilespmem:s14+$0x2E0];
	v4 =	vadd.f32 v22, v4;
	[tilespmem:s14+$0x320] =	vst v5  }
0x4da: {  	v35 =	vld [tilespmem:s14+$0x310];
	v2 =	vadd.f32 v61, v2;
	[tilespmem:s14+$0x350] =	vst v1  }
0x4db: {  	v37 =	vld [tilespmem:s14+$0x330];
	v7 =	vadd.f32 v34, v7;
	[tilespmem:s14+$0x2B0] =	vst v4  }
0x4dc: {  	v41 =	vld [tilespmem:s14+$0x380];
	v5 =	vadd.f32 v36, v5;
	[tilespmem:s14+$0x260] =	vst v2  }
0x4dd: {  	v46 =	vld [tilespmem:s14+$0x3D0];
	v1 =	vadd.f32 v39, v1;
	[tilespmem:s14+$0x380] =	vst v7  }
0x4de: {  	v43 =	vld [tilespmem:s14+$0x3A0];
	v3 =	vadd.f32 v23, v3;
	[tilespmem:s14+$0x3A0] =	vst v5  }
0x4df: {  	v38 =	vld [tilespmem:s14+$0x340];
	v4 =	vadd.f32 v30, v4;
	[tilespmem:s14+$0x3D0] =	vst v1  }
0x4e0: {  	v2 =	vadd.f32 v25, v2;
	v6 =	vadd.f32 v8, v6;
	v8 =	vld [tilespmem:s14+$0x2C0];
	[tilespmem:s14+$0x2C0] =	vst v3  }
0x4e1: {  	v49 =	vld [tilespmem:s14+$0x400];
	v7 =	vadd.f32 v41, v7;
	[tilespmem:s14+$0x330] =	vst v4  }
0x4e2: {  	v40 =	vld [tilespmem:s14+$0x360];
	v1 =	vadd.f32 v46, v1;
	[tilespmem:s14+$0x2E0] =	vst v2  }
0x4e3: {  	v44 =	vld [tilespmem:s14+$0x3B0];
	[tilespmem:s14+$0x400] =	vst v7  }
0x4e4: {  	v53 =	vld [tilespmem:s14+$0x450];
	v4 =	vadd.f32 v37, v4;
	[tilespmem:s14+$0x450] =	vst v1  }
0x4e5: {  	v42 =	vld [tilespmem:s14+$0x390];
	v2 =	vadd.f32 v32, v2;
	[tilespmem:s14+$0x290] =	vst v6  }
0x4e6: {  	v56 =	vld [tilespmem:s14+$0x480];
	v7 =	vadd.f32 v49, v7;
	[tilespmem:s14+$0x3B0] =	vst v4  }
0x4e7: {  	v45 =	vld [tilespmem:s14+$0x3C0];
	v6 =	vadd.f32 v28, v6;
	[tilespmem:s14+$0x360] =	vst v2  }
0x4e8: {  	v51 =	vld [tilespmem:s14+$0x430];
	v4 =	vadd.f32 v44, v4;
	[tilespmem:s14+$0x480] =	vst v7  }
0x4e9: {  	v47 =	vld [tilespmem:s14+$0x3E0];
	v0 =	vadd.f32 v33, v0;
	[tilespmem:s14+$0x310] =	vst v6  }
0x4ea: {  	v48 =	vld [tilespmem:s14+$0x3F0];
	v2 =	vadd.f32 v40, v2;
	[tilespmem:s14+$0x430] =	vst v4  }
0x4eb: {  	v7 =	vadd.f32 v56, v7;
	v3 =	vadd.f32 v8, v3;
	v8 =	vld [tilespmem:s14+$0x370];
	[tilespmem:s14+$0x370] =	vst v0  }
0x4ec: {  	v59 =	vld [tilespmem:s14+$0x4B0];
	v6 =	vadd.f32 v35, v6;
	[tilespmem:s14+$0x3E0] =	vst v2  }
0x4ed: {  	v63 =	vld [tilespmem:s14+$0x500];
	v4 =	vadd.f32 v51, v4;
	[tilespmem:s14+$0x500] =	vst v7  }
0x4ee: {  	v54 =	vld [tilespmem:s14+$0x460];
	[tilespmem:s14+$0x390] =	vst v6  }
0x4ef: {  	v50 =	vld [tilespmem:s14+$0x410];
	v2 =	vadd.f32 v47, v2;
	[tilespmem:s14+$0x4B0] =	vst v4  }
0x4f0: {  	v52 =	vld [tilespmem:s14+$0x440];
	v6 =	vadd.f32 v42, v6;
	[tilespmem:s14+$0x340] =	vst v3  }
0x4f1: {  	v23 =	vld [tilespmem:s14+$0x530];
	v4 =	vadd.f32 v59, v4;
	[tilespmem:s14+$0x460] =	vst v2  }
0x4f2: {  	v55 =	vld [tilespmem:s14+$0x470];
	v3 =	vadd.f32 v38, v3;
	[tilespmem:s14+$0x410] =	vst v6  }
0x4f3: {  	v61 =	vld [tilespmem:s14+$0x4E0];
	v2 =	vadd.f32 v54, v2;
	[tilespmem:s14+$0x530] =	vst v4  }
0x4f4: {  	v57 =	vld [tilespmem:s14+$0x490];
	v5 =	vadd.f32 v43, v5;
	[tilespmem:s14+$0x3C0] =	vst v3  }
0x4f5: {  	v60 =	vld [tilespmem:s14+$0x4C0];
	v6 =	vadd.f32 v50, v6;
	[tilespmem:s14+$0x4E0] =	vst v2  }
0x4f6: {  	v4 =	vadd.f32 v23, v4;
	v0 =	vadd.f32 v8, v0;
	v8 =	vld [tilespmem:s14+$0x420];
	[tilespmem:s14+$0x420] =	vst v5  }
0x4f7: {  	v26 =	vld [tilespmem:s14+$0x560];
	v3 =	vadd.f32 v45, v3;
	[tilespmem:s14+$0x490] =	vst v6  }
0x4f8: {  	v30 =	vld [tilespmem:s14+$0x5B0];
	v2 =	vadd.f32 v61, v2;
	[tilespmem:s14+$0x5B0] =	vst v4  }
0x4f9: {  	v21 =	vld [tilespmem:s14+$0x510];
	[tilespmem:s14+$0x440] =	vst v3  }
0x4fa: {  	v62 =	vld [tilespmem:s14+$0x4F0];
	v6 =	vadd.f32 v57, v6;
	[tilespmem:s14+$0x560] =	vst v2  }
0x4fb: {  	v24 =	vld [tilespmem:s14+$0x540];
	v3 =	vadd.f32 v52, v3;
	[tilespmem:s14+$0x3F0] =	vst v0  }
0x4fc: {  	v33 =	vld [tilespmem:s14+$0x5E0];
	v2 =	vadd.f32 v26, v2;
	[tilespmem:s14+$0x510] =	vst v6  }
0x4fd: {  	v58 =	vld [tilespmem:s14+$0x4A0];
	v0 =	vadd.f32 v48, v0;
	[tilespmem:s14+$0x4C0] =	vst v3  }
0x4fe: {  	v28 =	vld [tilespmem:s14+$0x590];
	v6 =	vadd.f32 v21, v6;
	[tilespmem:s14+$0x5E0] =	vst v2  }
0x4ff: {  	v27 =	vld [tilespmem:s14+$0x570];
	v1 =	vadd.f32 v53, v1;
	[tilespmem:s14+$0x470] =	vst v0  }
0x500: {  	v29 =	vld [tilespmem:s14+$0x5A0];
	v3 =	vadd.f32 v60, v3;
	[tilespmem:s14+$0x590] =	vst v6  }
0x501: {  	v2 =	vadd.f32 v33, v2;
	v5 =	vadd.f32 v8, v5;
	v8 =	vld [tilespmem:s14+$0x4D0];
	[tilespmem:s14+$0x4D0] =	vst v1  }
0x502: {  	v36 =	vld [tilespmem:s14+$0x610];
	v0 =	vadd.f32 v55, v0;
	[tilespmem:s14+$0x540] =	vst v3  }
0x503: {  	v40 =	vld [tilespmem:s14+$0x660];
	v6 =	vadd.f32 v28, v6;
	[tilespmem:s14+$0x660] =	vst v2  }
0x504: {  	v31 =	vld [tilespmem:s14+$0x5C0];
	[tilespmem:s14+$0x4F0] =	vst v0  }
0x505: {  	v22 =	vld [tilespmem:s14+$0x520];
	v3 =	vadd.f32 v24, v3;
	[tilespmem:s14+$0x610] =	vst v6  }
0x506: {  	v34 =	vld [tilespmem:s14+$0x5F0];
	v0 =	vadd.f32 v62, v0;
	[tilespmem:s14+$0x4A0] =	vst v5  }
0x507: {  	v43 =	vld [tilespmem:s14+$0x690];
	v6 =	vadd.f32 v36, v6;
	[tilespmem:s14+$0x5C0] =	vst v3  }
0x508: {  	v39 =	vld [tilespmem:s14+$0x650];
	v5 =	vadd.f32 v58, v5;
	[tilespmem:s14+$0x570] =	vst v0  }
0x509: {  	v38 =	vld [tilespmem:s14+$0x640];
	v3 =	vadd.f32 v31, v3;
	[tilespmem:s14+$0x690] =	vst v6  }
0x50a: {  	v25 =	vld [tilespmem:s14+$0x550];
	v7 =	vadd.f32 v63, v7;
	[tilespmem:s14+$0x520] =	vst v5  }
0x50b: {  	v41 =	vld [tilespmem:s14+$0x670];
	v0 =	vadd.f32 v27, v0;
	[tilespmem:s14+$0x640] =	vst v3  }
0x50c: {  	v6 =	vadd.f32 v43, v6;
	v1 =	vadd.f32 v8, v1;
	v8 =	vld [tilespmem:s14+$0x580];
	[tilespmem:s14+$0x580] =	vst v7  }
0x50d: {  	v46 =	vld [tilespmem:s14+$0x6C0];
	v5 =	vadd.f32 v22, v5;
	[tilespmem:s14+$0x5F0] =	vst v0  }
0x50e: {  	v50 =	vld [tilespmem:s14+$0x710];
	v3 =	vadd.f32 v38, v3;
	[tilespmem:s14+$0x710] =	vst v6  }
0x50f: {  	v37 =	vld [tilespmem:s14+$0x620];
	[tilespmem:s14+$0x5A0] =	vst v5  }
0x510: {  	v32 =	vld [tilespmem:s14+$0x5D0];
	v0 =	vadd.f32 v34, v0;
	[tilespmem:s14+$0x6C0] =	vst v3  }
0x511: {  	v49 =	vld [tilespmem:s14+$0x700];
	v5 =	vadd.f32 v29, v5;
	[tilespmem:s14+$0x550] =	vst v1  }
0x512: {  	v53 =	vld [tilespmem:s14+$0x740];
	v3 =	vadd.f32 v46, v3;
	[tilespmem:s14+$0x670] =	vst v0  }
0x513: {  	v44 =	vld [tilespmem:s14+$0x6A0];
	v1 =	vadd.f32 v25, v1;
	[tilespmem:s14+$0x620] =	vst v5  }
0x514: {  	v48 =	vld [tilespmem:s14+$0x6F0];
	v0 =	vadd.f32 v41, v0;
	[tilespmem:s14+$0x740] =	vst v3  }
0x515: {  	v56 =	vld [tilespmem:s14+$0x770];
	v4 =	vadd.f32 v30, v4;
	[tilespmem:s14+$0x5D0] =	vst v1  }
0x516: {  	v35 =	vld [tilespmem:s14+$0x600];
	v5 =	vadd.f32 v37, v5;
	[tilespmem:s14+$0x6F0] =	vst v0  }
0x517: {  	v3 =	vadd.f32 v53, v3;
	v7 =	vadd.f32 v8, v7;
	v8 =	vld [tilespmem:s14+$0x630];
	[tilespmem:s14+$0x630] =	vst v4  }
0x518: {  	v51 =	vld [tilespmem:s14+$0x720];
	v1 =	vadd.f32 v32, v1;
	[tilespmem:s14+$0x6A0] =	vst v5  }
0x519: {  	v60 =	vld [tilespmem:s14+$0x7C0];
	v0 =	vadd.f32 v48, v0;
	[tilespmem:s14+$0x7C0] =	vst v3  }
0x51a: {  	v47 =	vld [tilespmem:s14+$0x6D0];
	[tilespmem:s14+$0x650] =	vst v1  }
0x51b: {  	v63 =	vld [tilespmem:s14+$0x7F0];
	v5 =	vadd.f32 v44, v5;
	[tilespmem:s14+$0x770] =	vst v0  }
0x51c: {  	v42 =	vld [tilespmem:s14+$0x680];
	v1 =	vadd.f32 v39, v1;
	[tilespmem:s14+$0x600] =	vst v7  }
0x51d: {  	v59 =	vld [tilespmem:s14+$0x7B0];
	v0 =	vadd.f32 v56, v0;
	[tilespmem:s14+$0x720] =	vst v5  }
0x51e: {  	v54 =	vld [tilespmem:s14+$0x750];
	v7 =	vadd.f32 v35, v7;
	[tilespmem:s14+$0x6D0] =	vst v1  }
0x51f: {  	v45 =	vld [tilespmem:s14+$0x6B0];
	v5 =	vadd.f32 v51, v5;
	[tilespmem:s14+$0x7F0] =	vst v0  }
0x520: {  	v61 =	vld [tilespmem:s14+$0x7D0];
	v2 =	vadd.f32 v40, v2;
	[tilespmem:s14+$0x680] =	vst v7  }
0x521: {  	v58 =	vld [tilespmem:s14+$0x7A0];
	v1 =	vadd.f32 v47, v1;
	[tilespmem:s14+$0x7A0] =	vst v5  }
0x522: {  	v7 =	vadd.f32 v42, v7;
	v4 =	vadd.f32 v8, v4;
	v8 =	vld [tilespmem:s14+$0x6E0];
	[tilespmem:s14+$0x6E0] =	vst v2  }
0x523: {  	v57 =	vld [tilespmem:s14+$0x780];
	[tilespmem:s14+$0x750] =	vst v1  }
0x524: {  	v52 =	vld [tilespmem:s14+$0x730];
	v1 =	vadd.f32 v54, v1;
	[tilespmem:s14+$0x700] =	vst v7  }
0x525: {  	v55 =	vld [tilespmem:s14+$0x760];
	v7 =	vadd.f32 v49, v7;
	[tilespmem:s14+$0x6B0] =	vst v4  }
0x526: {  	v62 =	vld [tilespmem:s14+$0x7E0];
	v4 =	vadd.f32 v45, v4;
	[tilespmem:s14+$0x7D0] =	vst v1  }
0x527: {  	p0 =	slt.u32 s13, $0x30;
	v6 =	vadd.f32 v50, v6;
	[tilespmem:s14+$0x780] =	vst v7;
	v2 =	vadd.f32 v8, v2;
	v8 =	vld [tilespmem:s14+$0x790]  }
.Ltmp9:
0x528: {  	v3 =	vadd.f32 v60, v3;
	v0 =	vadd.f32 v63, v0;
	[tilespmem:s14+$0x730] =	vst v4;
	(pc) =	sbr.rel @p0 .LBB2_20-.Ltmp9, $4  }
0x529: {  	v5 =	vadd.f32 v58, v5;
	v4 =	vadd.f32 v52, v4;
	[tilespmem:s14+$0x790] =	vst v6  }
0x52a: {  	v1 =	vadd.f32 v61, v1;
	[tilespmem:s14+$0x760] =	vst v2;
	v2 =	vadd.f32 v55, v2  }
0x52b: {  	v7 =	vadd.f32 v57, v7;
	[tilespmem:s14+$0x7B0] =	vst v4;
	v4 =	vadd.f32 v59, v4  }
0x52c: {  	s13 =	sadd.s32 $0x10, s13;
	[tilespmem:s14+$0x7E0] =	vst v2;
	v2 =	vadd.f32 v62, v2;
	v6 =	vadd.f32 v8, v6  }
0x52d: {  	s13 =	simm.s32 $0x0;
	s14 =	rddreg [dreg:$0xc]  }
0x52e: {  	[hbm4b:s14+s26] =	stream.strided.scatter [tilespmem:s13], [sflag:$0x5], $0x2000, s28, s26, $0x38;
	[tilespmem:$0x8000] =	vst v63  }
0x52f: {  	_ =	swait.ge [sflag:s11], $0x2000  }
0x530: {  	[sflag:s11] =	ssyncset.done $0x0  }
0x531: {  	s21 =	rddreg [dreg:$0xd];
	[sflag:s11] =	ssyncadd.s32 $0xFFFFE000  }
0x532: {  	[tilespmem:s31], [sflag:$0x4] =	stream.strided.gather [hbm4b:s21+s26], $0x2000, s28, s26, $0x38;
	[tilespmem:$0x8000] =	vst v63  }
0x533: {  	_ =	swait.ge [sflag:s1], $0x2000  }
0x534: {  	[sflag:s1] =	ssyncset.done $0x0  }
0x535: {  	[sflag:s1] =	ssyncadd.s32 $0xFFFFE000  }
.LBB2_22:
0x536: {  	s14 =	sshll.u32 s13, $0x7  }
0x537: {  	s14 =	sand.u32 $0x3FFFFF80, s14  }
0x538: {  	v8 =	vld [tilespmem:s14+$0x2000]  }
0x539: {  	v9 =	vld [tilespmem:s14+$0x2010]  }
0x53a: {  	v10 =	vld [tilespmem:s14+$0x2020]  }
0x53b: {  	v11 =	vld [tilespmem:s14+$0x2030]  }
0x53c: {  	v12 =	vld [tilespmem:s14+$0x2040]  }
0x53d: {  	[tilespmem:s14+$0x2000] =	vst v7;
	v13 =	vld [tilespmem:s14+$0x2050]  }
0x53e: {  	[tilespmem:s14+$0x2010] =	vst v6;
	v14 =	vld [tilespmem:s14+$0x2060]  }
0x53f: {  	[tilespmem:s14+$0x2020] =	vst v5;
	v15 =	vld [tilespmem:s14+$0x2070]  }
0x540: {  	[tilespmem:s14+$0x2030] =	vst v4;
	v16 =	vld [tilespmem:s14+$0x2080]  }
0x541: {  	[tilespmem:s14+$0x2040] =	vst v3;
	v17 =	vld [tilespmem:s14+$0x2090]  }
0x542: {  	[tilespmem:s14+$0x2050] =	vst v1;
	v18 =	vld [tilespmem:s14+$0x20A0]  }
0x543: {  	[tilespmem:s14+$0x2060] =	vst v2;
	v44 =	vld [tilespmem:s14+$0x20C0];
	v7 =	vadd.f32 v8, v7  }
0x544: {  	[tilespmem:s14+$0x2070] =	vst v0;
	v45 =	vld [tilespmem:s14+$0x20D0];
	v6 =	vadd.f32 v9, v6  }
0x545: {  	v46 =	vld [tilespmem:s14+$0x20E0];
	v5 =	vadd.f32 v10, v5;
	[tilespmem:s14+$0x2080] =	vst v7  }
0x546: {  	v47 =	vld [tilespmem:s14+$0x20F0];
	v4 =	vadd.f32 v11, v4;
	[tilespmem:s14+$0x2090] =	vst v6  }
0x547: {  	v48 =	vld [tilespmem:s14+$0x2100];
	v3 =	vadd.f32 v12, v3;
	[tilespmem:s14+$0x20A0] =	vst v5  }
0x548: {  	v8 =	vld [tilespmem:s14+$0x20B0];
	v1 =	vadd.f32 v13, v1;
	[tilespmem:s14+$0x20B0] =	vst v4  }
0x549: {  	v49 =	vld [tilespmem:s14+$0x2110];
	v2 =	vadd.f32 v14, v2;
	[tilespmem:s14+$0x20C0] =	vst v3  }
0x54a: {  	v50 =	vld [tilespmem:s14+$0x2120];
	v0 =	vadd.f32 v15, v0;
	[tilespmem:s14+$0x20D0] =	vst v1  }
0x54b: {  	v51 =	vld [tilespmem:s14+$0x2130];
	v7 =	vadd.f32 v16, v7;
	[tilespmem:s14+$0x20E0] =	vst v2  }
0x54c: {  	v52 =	vld [tilespmem:s14+$0x2140];
	v6 =	vadd.f32 v17, v6;
	[tilespmem:s14+$0x20F0] =	vst v0  }
0x54d: {  	v53 =	vld [tilespmem:s14+$0x2150];
	v5 =	vadd.f32 v18, v5;
	[tilespmem:s14+$0x2100] =	vst v7  }
0x54e: {  	v54 =	vld [tilespmem:s14+$0x2170];
	v3 =	vadd.f32 v44, v3;
	[tilespmem:s14+$0x2110] =	vst v6  }
0x54f: {  	v55 =	vld [tilespmem:s14+$0x2180];
	v1 =	vadd.f32 v45, v1;
	[tilespmem:s14+$0x2120] =	vst v5  }
0x550: {  	v56 =	vld [tilespmem:s14+$0x2190];
	v0 =	vadd.f32 v47, v0;
	[tilespmem:s14+$0x2140] =	vst v3  }
0x551: {  	v57 =	vld [tilespmem:s14+$0x21A0];
	v2 =	vadd.f32 v46, v2;
	[tilespmem:s14+$0x2150] =	vst v1  }
0x552: {  	v58 =	vld [tilespmem:s14+$0x21B0];
	v7 =	vadd.f32 v48, v7;
	[tilespmem:s14+$0x2170] =	vst v0  }
0x553: {  	v6 =	vadd.f32 v49, v6;
	v4 =	vadd.f32 v8, v4;
	v8 =	vld [tilespmem:s14+$0x2160];
	[tilespmem:s14+$0x2160] =	vst v2  }
0x554: {  	v59 =	vld [tilespmem:s14+$0x21C0];
	v5 =	vadd.f32 v50, v5;
	[tilespmem:s14+$0x2180] =	vst v7  }
0x555: {  	v60 =	vld [tilespmem:s14+$0x21D0];
	v3 =	vadd.f32 v52, v3;
	[tilespmem:s14+$0x2190] =	vst v6  }
0x556: {  	v61 =	vld [tilespmem:s14+$0x21E0];
	v1 =	vadd.f32 v53, v1;
	[tilespmem:s14+$0x21A0] =	vst v5  }
0x557: {  	v62 =	vld [tilespmem:s14+$0x21F0];
	v0 =	vadd.f32 v54, v0;
	[tilespmem:s14+$0x21C0] =	vst v3  }
0x558: {  	v63 =	vld [tilespmem:s14+$0x2200];
	[tilespmem:s14+$0x21D0] =	vst v1  }
0x559: {  	v21 =	vld [tilespmem:s14+$0x2220];
	v7 =	vadd.f32 v55, v7;
	[tilespmem:s14+$0x21F0] =	vst v0  }
0x55a: {  	v22 =	vld [tilespmem:s14+$0x2230];
	v5 =	vadd.f32 v57, v5;
	[tilespmem:s14+$0x2130] =	vst v4  }
0x55b: {  	v23 =	vld [tilespmem:s14+$0x2240];
	v3 =	vadd.f32 v59, v3;
	[tilespmem:s14+$0x2200] =	vst v7  }
0x55c: {  	v24 =	vld [tilespmem:s14+$0x2250];
	v1 =	vadd.f32 v60, v1;
	[tilespmem:s14+$0x2220] =	vst v5  }
0x55d: {  	v25 =	vld [tilespmem:s14+$0x2260];
	v0 =	vadd.f32 v62, v0;
	[tilespmem:s14+$0x2240] =	vst v3  }
0x55e: {  	v26 =	vld [tilespmem:s14+$0x2270];
	v4 =	vadd.f32 v51, v4;
	[tilespmem:s14+$0x2250] =	vst v1  }
0x55f: {  	v27 =	vld [tilespmem:s14+$0x2280];
	v6 =	vadd.f32 v56, v6;
	[tilespmem:s14+$0x2270] =	vst v0  }
0x560: {  	v28 =	vld [tilespmem:s14+$0x2290];
	v7 =	vadd.f32 v63, v7;
	[tilespmem:s14+$0x21B0] =	vst v4  }
0x561: {  	v5 =	vadd.f32 v21, v5;
	v2 =	vadd.f32 v8, v2;
	v8 =	vld [tilespmem:s14+$0x2210];
	[tilespmem:s14+$0x2210] =	vst v6  }
0x562: {  	v29 =	vld [tilespmem:s14+$0x22A0];
	v1 =	vadd.f32 v24, v1;
	[tilespmem:s14+$0x2280] =	vst v7  }
0x563: {  	v31 =	vld [tilespmem:s14+$0x22D0];
	v0 =	vadd.f32 v26, v0;
	[tilespmem:s14+$0x22A0] =	vst v5  }
0x564: {  	v30 =	vld [tilespmem:s14+$0x22B0];
	v4 =	vadd.f32 v58, v4;
	[tilespmem:s14+$0x22D0] =	vst v1  }
0x565: {  	v33 =	vld [tilespmem:s14+$0x22F0];
	[tilespmem:s14+$0x22F0] =	vst v0  }
0x566: {  	v34 =	vld [tilespmem:s14+$0x2300];
	v7 =	vadd.f32 v27, v7;
	[tilespmem:s14+$0x2230] =	vst v4  }
0x567: {  	v36 =	vld [tilespmem:s14+$0x2320];
	v5 =	vadd.f32 v29, v5;
	[tilespmem:s14+$0x21E0] =	vst v2  }
0x568: {  	v39 =	vld [tilespmem:s14+$0x2350];
	v1 =	vadd.f32 v31, v1;
	[tilespmem:s14+$0x2300] =	vst v7  }
0x569: {  	v32 =	vld [tilespmem:s14+$0x22E0];
	v4 =	vadd.f32 v22, v4;
	[tilespmem:s14+$0x2320] =	vst v5  }
0x56a: {  	v35 =	vld [tilespmem:s14+$0x2310];
	v2 =	vadd.f32 v61, v2;
	[tilespmem:s14+$0x2350] =	vst v1  }
0x56b: {  	v37 =	vld [tilespmem:s14+$0x2330];
	v7 =	vadd.f32 v34, v7;
	[tilespmem:s14+$0x22B0] =	vst v4  }
0x56c: {  	v41 =	vld [tilespmem:s14+$0x2380];
	v5 =	vadd.f32 v36, v5;
	[tilespmem:s14+$0x2260] =	vst v2  }
0x56d: {  	v46 =	vld [tilespmem:s14+$0x23D0];
	v1 =	vadd.f32 v39, v1;
	[tilespmem:s14+$0x2380] =	vst v7  }
0x56e: {  	v43 =	vld [tilespmem:s14+$0x23A0];
	v3 =	vadd.f32 v23, v3;
	[tilespmem:s14+$0x23A0] =	vst v5  }
0x56f: {  	v38 =	vld [tilespmem:s14+$0x2340];
	v4 =	vadd.f32 v30, v4;
	[tilespmem:s14+$0x23D0] =	vst v1  }
0x570: {  	v2 =	vadd.f32 v25, v2;
	v6 =	vadd.f32 v8, v6;
	v8 =	vld [tilespmem:s14+$0x22C0];
	[tilespmem:s14+$0x22C0] =	vst v3  }
0x571: {  	v49 =	vld [tilespmem:s14+$0x2400];
	v7 =	vadd.f32 v41, v7;
	[tilespmem:s14+$0x2330] =	vst v4  }
0x572: {  	v40 =	vld [tilespmem:s14+$0x2360];
	v1 =	vadd.f32 v46, v1;
	[tilespmem:s14+$0x22E0] =	vst v2  }
0x573: {  	v44 =	vld [tilespmem:s14+$0x23B0];
	[tilespmem:s14+$0x2400] =	vst v7  }
0x574: {  	v53 =	vld [tilespmem:s14+$0x2450];
	v4 =	vadd.f32 v37, v4;
	[tilespmem:s14+$0x2450] =	vst v1  }
0x575: {  	v42 =	vld [tilespmem:s14+$0x2390];
	v2 =	vadd.f32 v32, v2;
	[tilespmem:s14+$0x2290] =	vst v6  }
0x576: {  	v56 =	vld [tilespmem:s14+$0x2480];
	v7 =	vadd.f32 v49, v7;
	[tilespmem:s14+$0x23B0] =	vst v4  }
0x577: {  	v45 =	vld [tilespmem:s14+$0x23C0];
	v6 =	vadd.f32 v28, v6;
	[tilespmem:s14+$0x2360] =	vst v2  }
0x578: {  	v51 =	vld [tilespmem:s14+$0x2430];
	v4 =	vadd.f32 v44, v4;
	[tilespmem:s14+$0x2480] =	vst v7  }
0x579: {  	v47 =	vld [tilespmem:s14+$0x23E0];
	v0 =	vadd.f32 v33, v0;
	[tilespmem:s14+$0x2310] =	vst v6  }
0x57a: {  	v48 =	vld [tilespmem:s14+$0x23F0];
	v2 =	vadd.f32 v40, v2;
	[tilespmem:s14+$0x2430] =	vst v4  }
0x57b: {  	v7 =	vadd.f32 v56, v7;
	v3 =	vadd.f32 v8, v3;
	v8 =	vld [tilespmem:s14+$0x2370];
	[tilespmem:s14+$0x2370] =	vst v0  }
0x57c: {  	v59 =	vld [tilespmem:s14+$0x24B0];
	v6 =	vadd.f32 v35, v6;
	[tilespmem:s14+$0x23E0] =	vst v2  }
0x57d: {  	v63 =	vld [tilespmem:s14+$0x2500];
	v4 =	vadd.f32 v51, v4;
	[tilespmem:s14+$0x2500] =	vst v7  }
0x57e: {  	v54 =	vld [tilespmem:s14+$0x2460];
	[tilespmem:s14+$0x2390] =	vst v6  }
0x57f: {  	v50 =	vld [tilespmem:s14+$0x2410];
	v2 =	vadd.f32 v47, v2;
	[tilespmem:s14+$0x24B0] =	vst v4  }
0x580: {  	v52 =	vld [tilespmem:s14+$0x2440];
	v6 =	vadd.f32 v42, v6;
	[tilespmem:s14+$0x2340] =	vst v3  }
0x581: {  	v23 =	vld [tilespmem:s14+$0x2530];
	v4 =	vadd.f32 v59, v4;
	[tilespmem:s14+$0x2460] =	vst v2  }
0x582: {  	v55 =	vld [tilespmem:s14+$0x2470];
	v3 =	vadd.f32 v38, v3;
	[tilespmem:s14+$0x2410] =	vst v6  }
0x583: {  	v61 =	vld [tilespmem:s14+$0x24E0];
	v2 =	vadd.f32 v54, v2;
	[tilespmem:s14+$0x2530] =	vst v4  }
0x584: {  	v57 =	vld [tilespmem:s14+$0x2490];
	v5 =	vadd.f32 v43, v5;
	[tilespmem:s14+$0x23C0] =	vst v3  }
0x585: {  	v60 =	vld [tilespmem:s14+$0x24C0];
	v6 =	vadd.f32 v50, v6;
	[tilespmem:s14+$0x24E0] =	vst v2  }
0x586: {  	v4 =	vadd.f32 v23, v4;
	v0 =	vadd.f32 v8, v0;
	v8 =	vld [tilespmem:s14+$0x2420];
	[tilespmem:s14+$0x2420] =	vst v5  }
0x587: {  	v26 =	vld [tilespmem:s14+$0x2560];
	v3 =	vadd.f32 v45, v3;
	[tilespmem:s14+$0x2490] =	vst v6  }
0x588: {  	v30 =	vld [tilespmem:s14+$0x25B0];
	v2 =	vadd.f32 v61, v2;
	[tilespmem:s14+$0x25B0] =	vst v4  }
0x589: {  	v21 =	vld [tilespmem:s14+$0x2510];
	[tilespmem:s14+$0x2440] =	vst v3  }
0x58a: {  	v62 =	vld [tilespmem:s14+$0x24F0];
	v6 =	vadd.f32 v57, v6;
	[tilespmem:s14+$0x2560] =	vst v2  }
0x58b: {  	v24 =	vld [tilespmem:s14+$0x2540];
	v3 =	vadd.f32 v52, v3;
	[tilespmem:s14+$0x23F0] =	vst v0  }
0x58c: {  	v33 =	vld [tilespmem:s14+$0x25E0];
	v2 =	vadd.f32 v26, v2;
	[tilespmem:s14+$0x2510] =	vst v6  }
0x58d: {  	v58 =	vld [tilespmem:s14+$0x24A0];
	v0 =	vadd.f32 v48, v0;
	[tilespmem:s14+$0x24C0] =	vst v3  }
0x58e: {  	v28 =	vld [tilespmem:s14+$0x2590];
	v6 =	vadd.f32 v21, v6;
	[tilespmem:s14+$0x25E0] =	vst v2  }
0x58f: {  	v27 =	vld [tilespmem:s14+$0x2570];
	v1 =	vadd.f32 v53, v1;
	[tilespmem:s14+$0x2470] =	vst v0  }
0x590: {  	v29 =	vld [tilespmem:s14+$0x25A0];
	v3 =	vadd.f32 v60, v3;
	[tilespmem:s14+$0x2590] =	vst v6  }
0x591: {  	v2 =	vadd.f32 v33, v2;
	v5 =	vadd.f32 v8, v5;
	v8 =	vld [tilespmem:s14+$0x24D0];
	[tilespmem:s14+$0x24D0] =	vst v1  }
0x592: {  	v36 =	vld [tilespmem:s14+$0x2610];
	v0 =	vadd.f32 v55, v0;
	[tilespmem:s14+$0x2540] =	vst v3  }
0x593: {  	v40 =	vld [tilespmem:s14+$0x2660];
	v6 =	vadd.f32 v28, v6;
	[tilespmem:s14+$0x2660] =	vst v2  }
0x594: {  	v31 =	vld [tilespmem:s14+$0x25C0];
	[tilespmem:s14+$0x24F0] =	vst v0  }
0x595: {  	v22 =	vld [tilespmem:s14+$0x2520];
	v3 =	vadd.f32 v24, v3;
	[tilespmem:s14+$0x2610] =	vst v6  }
0x596: {  	v34 =	vld [tilespmem:s14+$0x25F0];
	v0 =	vadd.f32 v62, v0;
	[tilespmem:s14+$0x24A0] =	vst v5  }
0x597: {  	v43 =	vld [tilespmem:s14+$0x2690];
	v6 =	vadd.f32 v36, v6;
	[tilespmem:s14+$0x25C0] =	vst v3  }
0x598: {  	v39 =	vld [tilespmem:s14+$0x2650];
	v5 =	vadd.f32 v58, v5;
	[tilespmem:s14+$0x2570] =	vst v0  }
0x599: {  	v38 =	vld [tilespmem:s14+$0x2640];
	v3 =	vadd.f32 v31, v3;
	[tilespmem:s14+$0x2690] =	vst v6  }
0x59a: {  	v25 =	vld [tilespmem:s14+$0x2550];
	v7 =	vadd.f32 v63, v7;
	[tilespmem:s14+$0x2520] =	vst v5  }
0x59b: {  	v41 =	vld [tilespmem:s14+$0x2670];
	v0 =	vadd.f32 v27, v0;
	[tilespmem:s14+$0x2640] =	vst v3  }
0x59c: {  	v6 =	vadd.f32 v43, v6;
	v1 =	vadd.f32 v8, v1;
	v8 =	vld [tilespmem:s14+$0x2580];
	[tilespmem:s14+$0x2580] =	vst v7  }
0x59d: {  	v46 =	vld [tilespmem:s14+$0x26C0];
	v5 =	vadd.f32 v22, v5;
	[tilespmem:s14+$0x25F0] =	vst v0  }
0x59e: {  	v50 =	vld [tilespmem:s14+$0x2710];
	v3 =	vadd.f32 v38, v3;
	[tilespmem:s14+$0x2710] =	vst v6  }
0x59f: {  	v37 =	vld [tilespmem:s14+$0x2620];
	[tilespmem:s14+$0x25A0] =	vst v5  }
0x5a0: {  	v32 =	vld [tilespmem:s14+$0x25D0];
	v0 =	vadd.f32 v34, v0;
	[tilespmem:s14+$0x26C0] =	vst v3  }
0x5a1: {  	v49 =	vld [tilespmem:s14+$0x2700];
	v5 =	vadd.f32 v29, v5;
	[tilespmem:s14+$0x2550] =	vst v1  }
0x5a2: {  	v53 =	vld [tilespmem:s14+$0x2740];
	v3 =	vadd.f32 v46, v3;
	[tilespmem:s14+$0x2670] =	vst v0  }
0x5a3: {  	v44 =	vld [tilespmem:s14+$0x26A0];
	v1 =	vadd.f32 v25, v1;
	[tilespmem:s14+$0x2620] =	vst v5  }
0x5a4: {  	v48 =	vld [tilespmem:s14+$0x26F0];
	v0 =	vadd.f32 v41, v0;
	[tilespmem:s14+$0x2740] =	vst v3  }
0x5a5: {  	v56 =	vld [tilespmem:s14+$0x2770];
	v4 =	vadd.f32 v30, v4;
	[tilespmem:s14+$0x25D0] =	vst v1  }
0x5a6: {  	v35 =	vld [tilespmem:s14+$0x2600];
	v5 =	vadd.f32 v37, v5;
	[tilespmem:s14+$0x26F0] =	vst v0  }
0x5a7: {  	v3 =	vadd.f32 v53, v3;
	v7 =	vadd.f32 v8, v7;
	v8 =	vld [tilespmem:s14+$0x2630];
	[tilespmem:s14+$0x2630] =	vst v4  }
0x5a8: {  	v51 =	vld [tilespmem:s14+$0x2720];
	v1 =	vadd.f32 v32, v1;
	[tilespmem:s14+$0x26A0] =	vst v5  }
0x5a9: {  	v60 =	vld [tilespmem:s14+$0x27C0];
	v0 =	vadd.f32 v48, v0;
	[tilespmem:s14+$0x27C0] =	vst v3  }
0x5aa: {  	v47 =	vld [tilespmem:s14+$0x26D0];
	[tilespmem:s14+$0x2650] =	vst v1  }
0x5ab: {  	v63 =	vld [tilespmem:s14+$0x27F0];
	v5 =	vadd.f32 v44, v5;
	[tilespmem:s14+$0x2770] =	vst v0  }
0x5ac: {  	v42 =	vld [tilespmem:s14+$0x2680];
	v1 =	vadd.f32 v39, v1;
	[tilespmem:s14+$0x2600] =	vst v7  }
0x5ad: {  	v59 =	vld [tilespmem:s14+$0x27B0];
	v0 =	vadd.f32 v56, v0;
	[tilespmem:s14+$0x2720] =	vst v5  }
0x5ae: {  	v54 =	vld [tilespmem:s14+$0x2750];
	v7 =	vadd.f32 v35, v7;
	[tilespmem:s14+$0x26D0] =	vst v1  }
0x5af: {  	v45 =	vld [tilespmem:s14+$0x26B0];
	v5 =	vadd.f32 v51, v5;
	[tilespmem:s14+$0x27F0] =	vst v0  }
0x5b0: {  	v61 =	vld [tilespmem:s14+$0x27D0];
	v2 =	vadd.f32 v40, v2;
	[tilespmem:s14+$0x2680] =	vst v7  }
0x5b1: {  	v58 =	vld [tilespmem:s14+$0x27A0];
	v1 =	vadd.f32 v47, v1;
	[tilespmem:s14+$0x27A0] =	vst v5  }
0x5b2: {  	v7 =	vadd.f32 v42, v7;
	v4 =	vadd.f32 v8, v4;
	v8 =	vld [tilespmem:s14+$0x26E0];
	[tilespmem:s14+$0x26E0] =	vst v2  }
0x5b3: {  	v57 =	vld [tilespmem:s14+$0x2780];
	[tilespmem:s14+$0x2750] =	vst v1  }
0x5b4: {  	v52 =	vld [tilespmem:s14+$0x2730];
	v1 =	vadd.f32 v54, v1;
	[tilespmem:s14+$0x2700] =	vst v7  }
0x5b5: {  	v55 =	vld [tilespmem:s14+$0x2760];
	v7 =	vadd.f32 v49, v7;
	[tilespmem:s14+$0x26B0] =	vst v4  }
0x5b6: {  	v62 =	vld [tilespmem:s14+$0x27E0];
	v4 =	vadd.f32 v45, v4;
	[tilespmem:s14+$0x27D0] =	vst v1  }
0x5b7: {  	p0 =	slt.u32 s13, $0x30;
	v6 =	vadd.f32 v50, v6;
	[tilespmem:s14+$0x2780] =	vst v7;
	v2 =	vadd.f32 v8, v2;
	v8 =	vld [tilespmem:s14+$0x2790]  }
.Ltmp10:
0x5b8: {  	v3 =	vadd.f32 v60, v3;
	v0 =	vadd.f32 v63, v0;
	[tilespmem:s14+$0x2730] =	vst v4;
	(pc) =	sbr.rel @p0 .LBB2_22-.Ltmp10, $4  }
0x5b9: {  	v5 =	vadd.f32 v58, v5;
	v4 =	vadd.f32 v52, v4;
	[tilespmem:s14+$0x2790] =	vst v6  }
0x5ba: {  	v1 =	vadd.f32 v61, v1;
	[tilespmem:s14+$0x2760] =	vst v2;
	v2 =	vadd.f32 v55, v2  }
0x5bb: {  	v7 =	vadd.f32 v57, v7;
	[tilespmem:s14+$0x27B0] =	vst v4;
	v4 =	vadd.f32 v59, v4  }
0x5bc: {  	s13 =	sadd.s32 $0x10, s13;
	[tilespmem:s14+$0x27E0] =	vst v2;
	v2 =	vadd.f32 v62, v2;
	v6 =	vadd.f32 v8, v6  }
0x5bd: {  	[hbm4b:s22+s26] =	stream.strided.scatter [tilespmem:s29], [sflag:$0x6], $0x2000, s28, s26, $0x38;
	[tilespmem:$0x8000] =	vst v63  }
0x5be: {  	_ =	swait.ge [sflag:s4], $0x2000  }
0x5bf: {  	[sflag:s4] =	ssyncset.done $0x0  }
0x5c0: {  	s13 =	simm.s32 $0x0;
	[sflag:s4] =	ssyncadd.s32 $0xFFFFE000  }
.LBB2_24:
0x5c1: {  	s14 =	sshll.u32 s13, $0x7  }
0x5c2: {  	s14 =	sand.u32 $0x3FFFFF80, s14  }
0x5c3: {  	v8 =	vld [tilespmem:s14+$0x4000]  }
0x5c4: {  	v9 =	vld [tilespmem:s14+$0x4010]  }
0x5c5: {  	v10 =	vld [tilespmem:s14+$0x4020]  }
0x5c6: {  	v11 =	vld [tilespmem:s14+$0x4030]  }
0x5c7: {  	v12 =	vld [tilespmem:s14+$0x4040]  }
0x5c8: {  	[tilespmem:s14+$0x4000] =	vst v7;
	v13 =	vld [tilespmem:s14+$0x4050]  }
0x5c9: {  	[tilespmem:s14+$0x4010] =	vst v6;
	v14 =	vld [tilespmem:s14+$0x4060]  }
0x5ca: {  	[tilespmem:s14+$0x4020] =	vst v5;
	v15 =	vld [tilespmem:s14+$0x4070]  }
0x5cb: {  	[tilespmem:s14+$0x4030] =	vst v4;
	v16 =	vld [tilespmem:s14+$0x4080]  }
0x5cc: {  	[tilespmem:s14+$0x4040] =	vst v3;
	v17 =	vld [tilespmem:s14+$0x4090]  }
0x5cd: {  	[tilespmem:s14+$0x4050] =	vst v1;
	v18 =	vld [tilespmem:s14+$0x40A0]  }
0x5ce: {  	[tilespmem:s14+$0x4060] =	vst v2;
	v44 =	vld [tilespmem:s14+$0x40C0];
	v7 =	vadd.f32 v8, v7  }
0x5cf: {  	[tilespmem:s14+$0x4070] =	vst v0;
	v45 =	vld [tilespmem:s14+$0x40D0];
	v6 =	vadd.f32 v9, v6  }
0x5d0: {  	v46 =	vld [tilespmem:s14+$0x40E0];
	v5 =	vadd.f32 v10, v5;
	[tilespmem:s14+$0x4080] =	vst v7  }
0x5d1: {  	v47 =	vld [tilespmem:s14+$0x40F0];
	v4 =	vadd.f32 v11, v4;
	[tilespmem:s14+$0x4090] =	vst v6  }
0x5d2: {  	v48 =	vld [tilespmem:s14+$0x4100];
	v3 =	vadd.f32 v12, v3;
	[tilespmem:s14+$0x40A0] =	vst v5  }
0x5d3: {  	v8 =	vld [tilespmem:s14+$0x40B0];
	v1 =	vadd.f32 v13, v1;
	[tilespmem:s14+$0x40B0] =	vst v4  }
0x5d4: {  	v49 =	vld [tilespmem:s14+$0x4110];
	v2 =	vadd.f32 v14, v2;
	[tilespmem:s14+$0x40C0] =	vst v3  }
0x5d5: {  	v50 =	vld [tilespmem:s14+$0x4120];
	v0 =	vadd.f32 v15, v0;
	[tilespmem:s14+$0x40D0] =	vst v1  }
0x5d6: {  	v51 =	vld [tilespmem:s14+$0x4130];
	v7 =	vadd.f32 v16, v7;
	[tilespmem:s14+$0x40E0] =	vst v2  }
0x5d7: {  	v52 =	vld [tilespmem:s14+$0x4140];
	v6 =	vadd.f32 v17, v6;
	[tilespmem:s14+$0x40F0] =	vst v0  }
0x5d8: {  	v53 =	vld [tilespmem:s14+$0x4150];
	v5 =	vadd.f32 v18, v5;
	[tilespmem:s14+$0x4100] =	vst v7  }
0x5d9: {  	v54 =	vld [tilespmem:s14+$0x4170];
	v3 =	vadd.f32 v44, v3;
	[tilespmem:s14+$0x4110] =	vst v6  }
0x5da: {  	v55 =	vld [tilespmem:s14+$0x4180];
	v1 =	vadd.f32 v45, v1;
	[tilespmem:s14+$0x4120] =	vst v5  }
0x5db: {  	v56 =	vld [tilespmem:s14+$0x4190];
	v0 =	vadd.f32 v47, v0;
	[tilespmem:s14+$0x4140] =	vst v3  }
0x5dc: {  	v57 =	vld [tilespmem:s14+$0x41A0];
	v2 =	vadd.f32 v46, v2;
	[tilespmem:s14+$0x4150] =	vst v1  }
0x5dd: {  	v58 =	vld [tilespmem:s14+$0x41B0];
	v7 =	vadd.f32 v48, v7;
	[tilespmem:s14+$0x4170] =	vst v0  }
0x5de: {  	v6 =	vadd.f32 v49, v6;
	v4 =	vadd.f32 v8, v4;
	v8 =	vld [tilespmem:s14+$0x4160];
	[tilespmem:s14+$0x4160] =	vst v2  }
0x5df: {  	v59 =	vld [tilespmem:s14+$0x41C0];
	v5 =	vadd.f32 v50, v5;
	[tilespmem:s14+$0x4180] =	vst v7  }
0x5e0: {  	v60 =	vld [tilespmem:s14+$0x41D0];
	v3 =	vadd.f32 v52, v3;
	[tilespmem:s14+$0x4190] =	vst v6  }
0x5e1: {  	v61 =	vld [tilespmem:s14+$0x41E0];
	v1 =	vadd.f32 v53, v1;
	[tilespmem:s14+$0x41A0] =	vst v5  }
0x5e2: {  	v62 =	vld [tilespmem:s14+$0x41F0];
	v0 =	vadd.f32 v54, v0;
	[tilespmem:s14+$0x41C0] =	vst v3  }
0x5e3: {  	v63 =	vld [tilespmem:s14+$0x4200];
	[tilespmem:s14+$0x41D0] =	vst v1  }
0x5e4: {  	v21 =	vld [tilespmem:s14+$0x4220];
	v7 =	vadd.f32 v55, v7;
	[tilespmem:s14+$0x41F0] =	vst v0  }
0x5e5: {  	v22 =	vld [tilespmem:s14+$0x4230];
	v5 =	vadd.f32 v57, v5;
	[tilespmem:s14+$0x4130] =	vst v4  }
0x5e6: {  	v23 =	vld [tilespmem:s14+$0x4240];
	v3 =	vadd.f32 v59, v3;
	[tilespmem:s14+$0x4200] =	vst v7  }
0x5e7: {  	v24 =	vld [tilespmem:s14+$0x4250];
	v1 =	vadd.f32 v60, v1;
	[tilespmem:s14+$0x4220] =	vst v5  }
0x5e8: {  	v25 =	vld [tilespmem:s14+$0x4260];
	v0 =	vadd.f32 v62, v0;
	[tilespmem:s14+$0x4240] =	vst v3  }
0x5e9: {  	v26 =	vld [tilespmem:s14+$0x4270];
	v4 =	vadd.f32 v51, v4;
	[tilespmem:s14+$0x4250] =	vst v1  }
0x5ea: {  	v27 =	vld [tilespmem:s14+$0x4280];
	v6 =	vadd.f32 v56, v6;
	[tilespmem:s14+$0x4270] =	vst v0  }
0x5eb: {  	v28 =	vld [tilespmem:s14+$0x4290];
	v7 =	vadd.f32 v63, v7;
	[tilespmem:s14+$0x41B0] =	vst v4  }
0x5ec: {  	v5 =	vadd.f32 v21, v5;
	v2 =	vadd.f32 v8, v2;
	v8 =	vld [tilespmem:s14+$0x4210];
	[tilespmem:s14+$0x4210] =	vst v6  }
0x5ed: {  	v29 =	vld [tilespmem:s14+$0x42A0];
	v1 =	vadd.f32 v24, v1;
	[tilespmem:s14+$0x4280] =	vst v7  }
0x5ee: {  	v31 =	vld [tilespmem:s14+$0x42D0];
	v0 =	vadd.f32 v26, v0;
	[tilespmem:s14+$0x42A0] =	vst v5  }
0x5ef: {  	v30 =	vld [tilespmem:s14+$0x42B0];
	v4 =	vadd.f32 v58, v4;
	[tilespmem:s14+$0x42D0] =	vst v1  }
0x5f0: {  	v33 =	vld [tilespmem:s14+$0x42F0];
	[tilespmem:s14+$0x42F0] =	vst v0  }
0x5f1: {  	v34 =	vld [tilespmem:s14+$0x4300];
	v7 =	vadd.f32 v27, v7;
	[tilespmem:s14+$0x4230] =	vst v4  }
0x5f2: {  	v36 =	vld [tilespmem:s14+$0x4320];
	v5 =	vadd.f32 v29, v5;
	[tilespmem:s14+$0x41E0] =	vst v2  }
0x5f3: {  	v39 =	vld [tilespmem:s14+$0x4350];
	v1 =	vadd.f32 v31, v1;
	[tilespmem:s14+$0x4300] =	vst v7  }
0x5f4: {  	v32 =	vld [tilespmem:s14+$0x42E0];
	v4 =	vadd.f32 v22, v4;
	[tilespmem:s14+$0x4320] =	vst v5  }
0x5f5: {  	v35 =	vld [tilespmem:s14+$0x4310];
	v2 =	vadd.f32 v61, v2;
	[tilespmem:s14+$0x4350] =	vst v1  }
0x5f6: {  	v37 =	vld [tilespmem:s14+$0x4330];
	v7 =	vadd.f32 v34, v7;
	[tilespmem:s14+$0x42B0] =	vst v4  }
0x5f7: {  	v41 =	vld [tilespmem:s14+$0x4380];
	v5 =	vadd.f32 v36, v5;
	[tilespmem:s14+$0x4260] =	vst v2  }
0x5f8: {  	v46 =	vld [tilespmem:s14+$0x43D0];
	v1 =	vadd.f32 v39, v1;
	[tilespmem:s14+$0x4380] =	vst v7  }
0x5f9: {  	v43 =	vld [tilespmem:s14+$0x43A0];
	v3 =	vadd.f32 v23, v3;
	[tilespmem:s14+$0x43A0] =	vst v5  }
0x5fa: {  	v38 =	vld [tilespmem:s14+$0x4340];
	v4 =	vadd.f32 v30, v4;
	[tilespmem:s14+$0x43D0] =	vst v1  }
0x5fb: {  	v2 =	vadd.f32 v25, v2;
	v6 =	vadd.f32 v8, v6;
	v8 =	vld [tilespmem:s14+$0x42C0];
	[tilespmem:s14+$0x42C0] =	vst v3  }
0x5fc: {  	v49 =	vld [tilespmem:s14+$0x4400];
	v7 =	vadd.f32 v41, v7;
	[tilespmem:s14+$0x4330] =	vst v4  }
0x5fd: {  	v40 =	vld [tilespmem:s14+$0x4360];
	v1 =	vadd.f32 v46, v1;
	[tilespmem:s14+$0x42E0] =	vst v2  }
0x5fe: {  	v44 =	vld [tilespmem:s14+$0x43B0];
	[tilespmem:s14+$0x4400] =	vst v7  }
0x5ff: {  	v53 =	vld [tilespmem:s14+$0x4450];
	v4 =	vadd.f32 v37, v4;
	[tilespmem:s14+$0x4450] =	vst v1  }
0x600: {  	v42 =	vld [tilespmem:s14+$0x4390];
	v2 =	vadd.f32 v32, v2;
	[tilespmem:s14+$0x4290] =	vst v6  }
0x601: {  	v56 =	vld [tilespmem:s14+$0x4480];
	v7 =	vadd.f32 v49, v7;
	[tilespmem:s14+$0x43B0] =	vst v4  }
0x602: {  	v45 =	vld [tilespmem:s14+$0x43C0];
	v6 =	vadd.f32 v28, v6;
	[tilespmem:s14+$0x4360] =	vst v2  }
0x603: {  	v51 =	vld [tilespmem:s14+$0x4430];
	v4 =	vadd.f32 v44, v4;
	[tilespmem:s14+$0x4480] =	vst v7  }
0x604: {  	v47 =	vld [tilespmem:s14+$0x43E0];
	v0 =	vadd.f32 v33, v0;
	[tilespmem:s14+$0x4310] =	vst v6  }
0x605: {  	v48 =	vld [tilespmem:s14+$0x43F0];
	v2 =	vadd.f32 v40, v2;
	[tilespmem:s14+$0x4430] =	vst v4  }
0x606: {  	v7 =	vadd.f32 v56, v7;
	v3 =	vadd.f32 v8, v3;
	v8 =	vld [tilespmem:s14+$0x4370];
	[tilespmem:s14+$0x4370] =	vst v0  }
0x607: {  	v59 =	vld [tilespmem:s14+$0x44B0];
	v6 =	vadd.f32 v35, v6;
	[tilespmem:s14+$0x43E0] =	vst v2  }
0x608: {  	v63 =	vld [tilespmem:s14+$0x4500];
	v4 =	vadd.f32 v51, v4;
	[tilespmem:s14+$0x4500] =	vst v7  }
0x609: {  	v54 =	vld [tilespmem:s14+$0x4460];
	[tilespmem:s14+$0x4390] =	vst v6  }
0x60a: {  	v50 =	vld [tilespmem:s14+$0x4410];
	v2 =	vadd.f32 v47, v2;
	[tilespmem:s14+$0x44B0] =	vst v4  }
0x60b: {  	v52 =	vld [tilespmem:s14+$0x4440];
	v6 =	vadd.f32 v42, v6;
	[tilespmem:s14+$0x4340] =	vst v3  }
0x60c: {  	v23 =	vld [tilespmem:s14+$0x4530];
	v4 =	vadd.f32 v59, v4;
	[tilespmem:s14+$0x4460] =	vst v2  }
0x60d: {  	v55 =	vld [tilespmem:s14+$0x4470];
	v3 =	vadd.f32 v38, v3;
	[tilespmem:s14+$0x4410] =	vst v6  }
0x60e: {  	v61 =	vld [tilespmem:s14+$0x44E0];
	v2 =	vadd.f32 v54, v2;
	[tilespmem:s14+$0x4530] =	vst v4  }
0x60f: {  	v57 =	vld [tilespmem:s14+$0x4490];
	v5 =	vadd.f32 v43, v5;
	[tilespmem:s14+$0x43C0] =	vst v3  }
0x610: {  	v60 =	vld [tilespmem:s14+$0x44C0];
	v6 =	vadd.f32 v50, v6;
	[tilespmem:s14+$0x44E0] =	vst v2  }
0x611: {  	v4 =	vadd.f32 v23, v4;
	v0 =	vadd.f32 v8, v0;
	v8 =	vld [tilespmem:s14+$0x4420];
	[tilespmem:s14+$0x4420] =	vst v5  }
0x612: {  	v26 =	vld [tilespmem:s14+$0x4560];
	v3 =	vadd.f32 v45, v3;
	[tilespmem:s14+$0x4490] =	vst v6  }
0x613: {  	v30 =	vld [tilespmem:s14+$0x45B0];
	v2 =	vadd.f32 v61, v2;
	[tilespmem:s14+$0x45B0] =	vst v4  }
0x614: {  	v21 =	vld [tilespmem:s14+$0x4510];
	[tilespmem:s14+$0x4440] =	vst v3  }
0x615: {  	v62 =	vld [tilespmem:s14+$0x44F0];
	v6 =	vadd.f32 v57, v6;
	[tilespmem:s14+$0x4560] =	vst v2  }
0x616: {  	v24 =	vld [tilespmem:s14+$0x4540];
	v3 =	vadd.f32 v52, v3;
	[tilespmem:s14+$0x43F0] =	vst v0  }
0x617: {  	v33 =	vld [tilespmem:s14+$0x45E0];
	v2 =	vadd.f32 v26, v2;
	[tilespmem:s14+$0x4510] =	vst v6  }
0x618: {  	v58 =	vld [tilespmem:s14+$0x44A0];
	v0 =	vadd.f32 v48, v0;
	[tilespmem:s14+$0x44C0] =	vst v3  }
0x619: {  	v28 =	vld [tilespmem:s14+$0x4590];
	v6 =	vadd.f32 v21, v6;
	[tilespmem:s14+$0x45E0] =	vst v2  }
0x61a: {  	v27 =	vld [tilespmem:s14+$0x4570];
	v1 =	vadd.f32 v53, v1;
	[tilespmem:s14+$0x4470] =	vst v0  }
0x61b: {  	v29 =	vld [tilespmem:s14+$0x45A0];
	v3 =	vadd.f32 v60, v3;
	[tilespmem:s14+$0x4590] =	vst v6  }
0x61c: {  	v2 =	vadd.f32 v33, v2;
	v5 =	vadd.f32 v8, v5;
	v8 =	vld [tilespmem:s14+$0x44D0];
	[tilespmem:s14+$0x44D0] =	vst v1  }
0x61d: {  	v36 =	vld [tilespmem:s14+$0x4610];
	v0 =	vadd.f32 v55, v0;
	[tilespmem:s14+$0x4540] =	vst v3  }
0x61e: {  	v40 =	vld [tilespmem:s14+$0x4660];
	v6 =	vadd.f32 v28, v6;
	[tilespmem:s14+$0x4660] =	vst v2  }
0x61f: {  	v31 =	vld [tilespmem:s14+$0x45C0];
	[tilespmem:s14+$0x44F0] =	vst v0  }
0x620: {  	v22 =	vld [tilespmem:s14+$0x4520];
	v3 =	vadd.f32 v24, v3;
	[tilespmem:s14+$0x4610] =	vst v6  }
0x621: {  	v34 =	vld [tilespmem:s14+$0x45F0];
	v0 =	vadd.f32 v62, v0;
	[tilespmem:s14+$0x44A0] =	vst v5  }
0x622: {  	v43 =	vld [tilespmem:s14+$0x4690];
	v6 =	vadd.f32 v36, v6;
	[tilespmem:s14+$0x45C0] =	vst v3  }
0x623: {  	v39 =	vld [tilespmem:s14+$0x4650];
	v5 =	vadd.f32 v58, v5;
	[tilespmem:s14+$0x4570] =	vst v0  }
0x624: {  	v38 =	vld [tilespmem:s14+$0x4640];
	v3 =	vadd.f32 v31, v3;
	[tilespmem:s14+$0x4690] =	vst v6  }
0x625: {  	v25 =	vld [tilespmem:s14+$0x4550];
	v7 =	vadd.f32 v63, v7;
	[tilespmem:s14+$0x4520] =	vst v5  }
0x626: {  	v41 =	vld [tilespmem:s14+$0x4670];
	v0 =	vadd.f32 v27, v0;
	[tilespmem:s14+$0x4640] =	vst v3  }
0x627: {  	v6 =	vadd.f32 v43, v6;
	v1 =	vadd.f32 v8, v1;
	v8 =	vld [tilespmem:s14+$0x4580];
	[tilespmem:s14+$0x4580] =	vst v7  }
0x628: {  	v46 =	vld [tilespmem:s14+$0x46C0];
	v5 =	vadd.f32 v22, v5;
	[tilespmem:s14+$0x45F0] =	vst v0  }
0x629: {  	v50 =	vld [tilespmem:s14+$0x4710];
	v3 =	vadd.f32 v38, v3;
	[tilespmem:s14+$0x4710] =	vst v6  }
0x62a: {  	v37 =	vld [tilespmem:s14+$0x4620];
	[tilespmem:s14+$0x45A0] =	vst v5  }
0x62b: {  	v32 =	vld [tilespmem:s14+$0x45D0];
	v0 =	vadd.f32 v34, v0;
	[tilespmem:s14+$0x46C0] =	vst v3  }
0x62c: {  	v49 =	vld [tilespmem:s14+$0x4700];
	v5 =	vadd.f32 v29, v5;
	[tilespmem:s14+$0x4550] =	vst v1  }
0x62d: {  	v53 =	vld [tilespmem:s14+$0x4740];
	v3 =	vadd.f32 v46, v3;
	[tilespmem:s14+$0x4670] =	vst v0  }
0x62e: {  	v44 =	vld [tilespmem:s14+$0x46A0];
	v1 =	vadd.f32 v25, v1;
	[tilespmem:s14+$0x4620] =	vst v5  }
0x62f: {  	v48 =	vld [tilespmem:s14+$0x46F0];
	v0 =	vadd.f32 v41, v0;
	[tilespmem:s14+$0x4740] =	vst v3  }
0x630: {  	v56 =	vld [tilespmem:s14+$0x4770];
	v4 =	vadd.f32 v30, v4;
	[tilespmem:s14+$0x45D0] =	vst v1  }
0x631: {  	v35 =	vld [tilespmem:s14+$0x4600];
	v5 =	vadd.f32 v37, v5;
	[tilespmem:s14+$0x46F0] =	vst v0  }
0x632: {  	v3 =	vadd.f32 v53, v3;
	v7 =	vadd.f32 v8, v7;
	v8 =	vld [tilespmem:s14+$0x4630];
	[tilespmem:s14+$0x4630] =	vst v4  }
0x633: {  	v51 =	vld [tilespmem:s14+$0x4720];
	v1 =	vadd.f32 v32, v1;
	[tilespmem:s14+$0x46A0] =	vst v5  }
0x634: {  	v60 =	vld [tilespmem:s14+$0x47C0];
	v0 =	vadd.f32 v48, v0;
	[tilespmem:s14+$0x47C0] =	vst v3  }
0x635: {  	v47 =	vld [tilespmem:s14+$0x46D0];
	[tilespmem:s14+$0x4650] =	vst v1  }
0x636: {  	v63 =	vld [tilespmem:s14+$0x47F0];
	v5 =	vadd.f32 v44, v5;
	[tilespmem:s14+$0x4770] =	vst v0  }
0x637: {  	v42 =	vld [tilespmem:s14+$0x4680];
	v1 =	vadd.f32 v39, v1;
	[tilespmem:s14+$0x4600] =	vst v7  }
0x638: {  	v59 =	vld [tilespmem:s14+$0x47B0];
	v0 =	vadd.f32 v56, v0;
	[tilespmem:s14+$0x4720] =	vst v5  }
0x639: {  	v54 =	vld [tilespmem:s14+$0x4750];
	v7 =	vadd.f32 v35, v7;
	[tilespmem:s14+$0x46D0] =	vst v1  }
0x63a: {  	v45 =	vld [tilespmem:s14+$0x46B0];
	v5 =	vadd.f32 v51, v5;
	[tilespmem:s14+$0x47F0] =	vst v0  }
0x63b: {  	v61 =	vld [tilespmem:s14+$0x47D0];
	v2 =	vadd.f32 v40, v2;
	[tilespmem:s14+$0x4680] =	vst v7  }
0x63c: {  	v58 =	vld [tilespmem:s14+$0x47A0];
	v1 =	vadd.f32 v47, v1;
	[tilespmem:s14+$0x47A0] =	vst v5  }
0x63d: {  	v7 =	vadd.f32 v42, v7;
	v4 =	vadd.f32 v8, v4;
	v8 =	vld [tilespmem:s14+$0x46E0];
	[tilespmem:s14+$0x46E0] =	vst v2  }
0x63e: {  	v57 =	vld [tilespmem:s14+$0x4780];
	[tilespmem:s14+$0x4750] =	vst v1  }
0x63f: {  	v52 =	vld [tilespmem:s14+$0x4730];
	v1 =	vadd.f32 v54, v1;
	[tilespmem:s14+$0x4700] =	vst v7  }
0x640: {  	v55 =	vld [tilespmem:s14+$0x4760];
	v7 =	vadd.f32 v49, v7;
	[tilespmem:s14+$0x46B0] =	vst v4  }
0x641: {  	v62 =	vld [tilespmem:s14+$0x47E0];
	v4 =	vadd.f32 v45, v4;
	[tilespmem:s14+$0x47D0] =	vst v1  }
0x642: {  	p0 =	slt.u32 s13, $0x30;
	v6 =	vadd.f32 v50, v6;
	[tilespmem:s14+$0x4780] =	vst v7;
	v2 =	vadd.f32 v8, v2;
	v8 =	vld [tilespmem:s14+$0x4790]  }
.Ltmp11:
0x643: {  	v3 =	vadd.f32 v60, v3;
	v0 =	vadd.f32 v63, v0;
	[tilespmem:s14+$0x4730] =	vst v4;
	(pc) =	sbr.rel @p0 .LBB2_24-.Ltmp11, $4  }
0x644: {  	v5 =	vadd.f32 v58, v5;
	v4 =	vadd.f32 v52, v4;
	[tilespmem:s14+$0x4790] =	vst v6  }
0x645: {  	v1 =	vadd.f32 v61, v1;
	[tilespmem:s14+$0x4760] =	vst v2;
	v2 =	vadd.f32 v55, v2  }
0x646: {  	v7 =	vadd.f32 v57, v7;
	[tilespmem:s14+$0x47B0] =	vst v4;
	v4 =	vadd.f32 v59, v4  }
0x647: {  	s13 =	sadd.s32 $0x10, s13;
	[tilespmem:s14+$0x47E0] =	vst v2;
	v2 =	vadd.f32 v62, v2;
	v6 =	vadd.f32 v8, v6  }
0x648: {  	[hbm4b:s23+s26] =	stream.strided.scatter [tilespmem:s28], [sflag:$0x7], $0x2000, s28, s26, $0x38;
	[tilespmem:$0x8000] =	vst v63  }
0x649: {  	_ =	swait.ge [sflag:s8], $0x2000  }
0x64a: {  	[sflag:s8] =	ssyncset.done $0x0  }
0x64b: {  	s13 =	simm.s32 $0x0;
	[sflag:s8] =	ssyncadd.s32 $0xFFFFE000  }
.LBB2_26:
0x64c: {  	s14 =	sshll.u32 s13, $0x7  }
0x64d: {  	s14 =	sand.u32 $0x3FFFFF80, s14  }
0x64e: {  	v8 =	vld [tilespmem:s14+$0x6000]  }
0x64f: {  	v9 =	vld [tilespmem:s14+$0x6010]  }
0x650: {  	v10 =	vld [tilespmem:s14+$0x6020]  }
0x651: {  	v11 =	vld [tilespmem:s14+$0x6030]  }
0x652: {  	v12 =	vld [tilespmem:s14+$0x6040]  }
0x653: {  	[tilespmem:s14+$0x6000] =	vst v7;
	v13 =	vld [tilespmem:s14+$0x6050]  }
0x654: {  	[tilespmem:s14+$0x6010] =	vst v6;
	v14 =	vld [tilespmem:s14+$0x6060]  }
0x655: {  	[tilespmem:s14+$0x6020] =	vst v5;
	v15 =	vld [tilespmem:s14+$0x6070]  }
0x656: {  	[tilespmem:s14+$0x6030] =	vst v4;
	v16 =	vld [tilespmem:s14+$0x6080]  }
0x657: {  	[tilespmem:s14+$0x6040] =	vst v3;
	v17 =	vld [tilespmem:s14+$0x6090]  }
0x658: {  	[tilespmem:s14+$0x6050] =	vst v1;
	v18 =	vld [tilespmem:s14+$0x60A0]  }
0x659: {  	[tilespmem:s14+$0x6060] =	vst v2;
	v44 =	vld [tilespmem:s14+$0x60C0];
	v7 =	vadd.f32 v8, v7  }
0x65a: {  	[tilespmem:s14+$0x6070] =	vst v0;
	v45 =	vld [tilespmem:s14+$0x60D0];
	v6 =	vadd.f32 v9, v6  }
0x65b: {  	v46 =	vld [tilespmem:s14+$0x60E0];
	v5 =	vadd.f32 v10, v5;
	[tilespmem:s14+$0x6080] =	vst v7  }
0x65c: {  	v47 =	vld [tilespmem:s14+$0x60F0];
	v4 =	vadd.f32 v11, v4;
	[tilespmem:s14+$0x6090] =	vst v6  }
0x65d: {  	v48 =	vld [tilespmem:s14+$0x6100];
	v3 =	vadd.f32 v12, v3;
	[tilespmem:s14+$0x60A0] =	vst v5  }
0x65e: {  	v8 =	vld [tilespmem:s14+$0x60B0];
	v1 =	vadd.f32 v13, v1;
	[tilespmem:s14+$0x60B0] =	vst v4  }
0x65f: {  	v49 =	vld [tilespmem:s14+$0x6110];
	v2 =	vadd.f32 v14, v2;
	[tilespmem:s14+$0x60C0] =	vst v3  }
0x660: {  	v50 =	vld [tilespmem:s14+$0x6120];
	v0 =	vadd.f32 v15, v0;
	[tilespmem:s14+$0x60D0] =	vst v1  }
0x661: {  	v51 =	vld [tilespmem:s14+$0x6130];
	v7 =	vadd.f32 v16, v7;
	[tilespmem:s14+$0x60E0] =	vst v2  }
0x662: {  	v52 =	vld [tilespmem:s14+$0x6140];
	v6 =	vadd.f32 v17, v6;
	[tilespmem:s14+$0x60F0] =	vst v0  }
0x663: {  	v53 =	vld [tilespmem:s14+$0x6150];
	v5 =	vadd.f32 v18, v5;
	[tilespmem:s14+$0x6100] =	vst v7  }
0x664: {  	v54 =	vld [tilespmem:s14+$0x6170];
	v3 =	vadd.f32 v44, v3;
	[tilespmem:s14+$0x6110] =	vst v6  }
0x665: {  	v55 =	vld [tilespmem:s14+$0x6180];
	v1 =	vadd.f32 v45, v1;
	[tilespmem:s14+$0x6120] =	vst v5  }
0x666: {  	v56 =	vld [tilespmem:s14+$0x6190];
	v0 =	vadd.f32 v47, v0;
	[tilespmem:s14+$0x6140] =	vst v3  }
0x667: {  	v57 =	vld [tilespmem:s14+$0x61A0];
	v2 =	vadd.f32 v46, v2;
	[tilespmem:s14+$0x6150] =	vst v1  }
0x668: {  	v58 =	vld [tilespmem:s14+$0x61B0];
	v7 =	vadd.f32 v48, v7;
	[tilespmem:s14+$0x6170] =	vst v0  }
0x669: {  	v6 =	vadd.f32 v49, v6;
	v4 =	vadd.f32 v8, v4;
	v8 =	vld [tilespmem:s14+$0x6160];
	[tilespmem:s14+$0x6160] =	vst v2  }
0x66a: {  	v59 =	vld [tilespmem:s14+$0x61C0];
	v5 =	vadd.f32 v50, v5;
	[tilespmem:s14+$0x6180] =	vst v7  }
0x66b: {  	v60 =	vld [tilespmem:s14+$0x61D0];
	v3 =	vadd.f32 v52, v3;
	[tilespmem:s14+$0x6190] =	vst v6  }
0x66c: {  	v61 =	vld [tilespmem:s14+$0x61E0];
	v1 =	vadd.f32 v53, v1;
	[tilespmem:s14+$0x61A0] =	vst v5  }
0x66d: {  	v62 =	vld [tilespmem:s14+$0x61F0];
	v0 =	vadd.f32 v54, v0;
	[tilespmem:s14+$0x61C0] =	vst v3  }
0x66e: {  	v63 =	vld [tilespmem:s14+$0x6200];
	[tilespmem:s14+$0x61D0] =	vst v1  }
0x66f: {  	v21 =	vld [tilespmem:s14+$0x6220];
	v7 =	vadd.f32 v55, v7;
	[tilespmem:s14+$0x61F0] =	vst v0  }
0x670: {  	v22 =	vld [tilespmem:s14+$0x6230];
	v5 =	vadd.f32 v57, v5;
	[tilespmem:s14+$0x6130] =	vst v4  }
0x671: {  	v23 =	vld [tilespmem:s14+$0x6240];
	v3 =	vadd.f32 v59, v3;
	[tilespmem:s14+$0x6200] =	vst v7  }
0x672: {  	v24 =	vld [tilespmem:s14+$0x6250];
	v1 =	vadd.f32 v60, v1;
	[tilespmem:s14+$0x6220] =	vst v5  }
0x673: {  	v25 =	vld [tilespmem:s14+$0x6260];
	v0 =	vadd.f32 v62, v0;
	[tilespmem:s14+$0x6240] =	vst v3  }
0x674: {  	v26 =	vld [tilespmem:s14+$0x6270];
	v4 =	vadd.f32 v51, v4;
	[tilespmem:s14+$0x6250] =	vst v1  }
0x675: {  	v27 =	vld [tilespmem:s14+$0x6280];
	v6 =	vadd.f32 v56, v6;
	[tilespmem:s14+$0x6270] =	vst v0  }
0x676: {  	v28 =	vld [tilespmem:s14+$0x6290];
	v7 =	vadd.f32 v63, v7;
	[tilespmem:s14+$0x61B0] =	vst v4  }
0x677: {  	v5 =	vadd.f32 v21, v5;
	v2 =	vadd.f32 v8, v2;
	v8 =	vld [tilespmem:s14+$0x6210];
	[tilespmem:s14+$0x6210] =	vst v6  }
0x678: {  	v29 =	vld [tilespmem:s14+$0x62A0];
	v1 =	vadd.f32 v24, v1;
	[tilespmem:s14+$0x6280] =	vst v7  }
0x679: {  	v31 =	vld [tilespmem:s14+$0x62D0];
	v0 =	vadd.f32 v26, v0;
	[tilespmem:s14+$0x62A0] =	vst v5  }
0x67a: {  	v30 =	vld [tilespmem:s14+$0x62B0];
	v4 =	vadd.f32 v58, v4;
	[tilespmem:s14+$0x62D0] =	vst v1  }
0x67b: {  	v33 =	vld [tilespmem:s14+$0x62F0];
	[tilespmem:s14+$0x62F0] =	vst v0  }
0x67c: {  	v34 =	vld [tilespmem:s14+$0x6300];
	v7 =	vadd.f32 v27, v7;
	[tilespmem:s14+$0x6230] =	vst v4  }
0x67d: {  	v36 =	vld [tilespmem:s14+$0x6320];
	v5 =	vadd.f32 v29, v5;
	[tilespmem:s14+$0x61E0] =	vst v2  }
0x67e: {  	v39 =	vld [tilespmem:s14+$0x6350];
	v1 =	vadd.f32 v31, v1;
	[tilespmem:s14+$0x6300] =	vst v7  }
0x67f: {  	v32 =	vld [tilespmem:s14+$0x62E0];
	v4 =	vadd.f32 v22, v4;
	[tilespmem:s14+$0x6320] =	vst v5  }
0x680: {  	v35 =	vld [tilespmem:s14+$0x6310];
	v2 =	vadd.f32 v61, v2;
	[tilespmem:s14+$0x6350] =	vst v1  }
0x681: {  	v37 =	vld [tilespmem:s14+$0x6330];
	v7 =	vadd.f32 v34, v7;
	[tilespmem:s14+$0x62B0] =	vst v4  }
0x682: {  	v41 =	vld [tilespmem:s14+$0x6380];
	v5 =	vadd.f32 v36, v5;
	[tilespmem:s14+$0x6260] =	vst v2  }
0x683: {  	v46 =	vld [tilespmem:s14+$0x63D0];
	v1 =	vadd.f32 v39, v1;
	[tilespmem:s14+$0x6380] =	vst v7  }
0x684: {  	v43 =	vld [tilespmem:s14+$0x63A0];
	v3 =	vadd.f32 v23, v3;
	[tilespmem:s14+$0x63A0] =	vst v5  }
0x685: {  	v38 =	vld [tilespmem:s14+$0x6340];
	v4 =	vadd.f32 v30, v4;
	[tilespmem:s14+$0x63D0] =	vst v1  }
0x686: {  	v2 =	vadd.f32 v25, v2;
	v6 =	vadd.f32 v8, v6;
	v8 =	vld [tilespmem:s14+$0x62C0];
	[tilespmem:s14+$0x62C0] =	vst v3  }
0x687: {  	v49 =	vld [tilespmem:s14+$0x6400];
	v7 =	vadd.f32 v41, v7;
	[tilespmem:s14+$0x6330] =	vst v4  }
0x688: {  	v40 =	vld [tilespmem:s14+$0x6360];
	v1 =	vadd.f32 v46, v1;
	[tilespmem:s14+$0x62E0] =	vst v2  }
0x689: {  	v44 =	vld [tilespmem:s14+$0x63B0];
	[tilespmem:s14+$0x6400] =	vst v7  }
0x68a: {  	v53 =	vld [tilespmem:s14+$0x6450];
	v4 =	vadd.f32 v37, v4;
	[tilespmem:s14+$0x6450] =	vst v1  }
0x68b: {  	v42 =	vld [tilespmem:s14+$0x6390];
	v2 =	vadd.f32 v32, v2;
	[tilespmem:s14+$0x6290] =	vst v6  }
0x68c: {  	v56 =	vld [tilespmem:s14+$0x6480];
	v7 =	vadd.f32 v49, v7;
	[tilespmem:s14+$0x63B0] =	vst v4  }
0x68d: {  	v45 =	vld [tilespmem:s14+$0x63C0];
	v6 =	vadd.f32 v28, v6;
	[tilespmem:s14+$0x6360] =	vst v2  }
0x68e: {  	v51 =	vld [tilespmem:s14+$0x6430];
	v4 =	vadd.f32 v44, v4;
	[tilespmem:s14+$0x6480] =	vst v7  }
0x68f: {  	v47 =	vld [tilespmem:s14+$0x63E0];
	v0 =	vadd.f32 v33, v0;
	[tilespmem:s14+$0x6310] =	vst v6  }
0x690: {  	v48 =	vld [tilespmem:s14+$0x63F0];
	v2 =	vadd.f32 v40, v2;
	[tilespmem:s14+$0x6430] =	vst v4  }
0x691: {  	v7 =	vadd.f32 v56, v7;
	v3 =	vadd.f32 v8, v3;
	v8 =	vld [tilespmem:s14+$0x6370];
	[tilespmem:s14+$0x6370] =	vst v0  }
0x692: {  	v59 =	vld [tilespmem:s14+$0x64B0];
	v6 =	vadd.f32 v35, v6;
	[tilespmem:s14+$0x63E0] =	vst v2  }
0x693: {  	v63 =	vld [tilespmem:s14+$0x6500];
	v4 =	vadd.f32 v51, v4;
	[tilespmem:s14+$0x6500] =	vst v7  }
0x694: {  	v54 =	vld [tilespmem:s14+$0x6460];
	[tilespmem:s14+$0x6390] =	vst v6  }
0x695: {  	v50 =	vld [tilespmem:s14+$0x6410];
	v2 =	vadd.f32 v47, v2;
	[tilespmem:s14+$0x64B0] =	vst v4  }
0x696: {  	v52 =	vld [tilespmem:s14+$0x6440];
	v6 =	vadd.f32 v42, v6;
	[tilespmem:s14+$0x6340] =	vst v3  }
0x697: {  	v23 =	vld [tilespmem:s14+$0x6530];
	v4 =	vadd.f32 v59, v4;
	[tilespmem:s14+$0x6460] =	vst v2  }
0x698: {  	v55 =	vld [tilespmem:s14+$0x6470];
	v3 =	vadd.f32 v38, v3;
	[tilespmem:s14+$0x6410] =	vst v6  }
0x699: {  	v61 =	vld [tilespmem:s14+$0x64E0];
	v2 =	vadd.f32 v54, v2;
	[tilespmem:s14+$0x6530] =	vst v4  }
0x69a: {  	v57 =	vld [tilespmem:s14+$0x6490];
	v5 =	vadd.f32 v43, v5;
	[tilespmem:s14+$0x63C0] =	vst v3  }
0x69b: {  	v60 =	vld [tilespmem:s14+$0x64C0];
	v6 =	vadd.f32 v50, v6;
	[tilespmem:s14+$0x64E0] =	vst v2  }
0x69c: {  	v4 =	vadd.f32 v23, v4;
	v0 =	vadd.f32 v8, v0;
	v8 =	vld [tilespmem:s14+$0x6420];
	[tilespmem:s14+$0x6420] =	vst v5  }
0x69d: {  	v26 =	vld [tilespmem:s14+$0x6560];
	v3 =	vadd.f32 v45, v3;
	[tilespmem:s14+$0x6490] =	vst v6  }
0x69e: {  	v30 =	vld [tilespmem:s14+$0x65B0];
	v2 =	vadd.f32 v61, v2;
	[tilespmem:s14+$0x65B0] =	vst v4  }
0x69f: {  	v21 =	vld [tilespmem:s14+$0x6510];
	[tilespmem:s14+$0x6440] =	vst v3  }
0x6a0: {  	v62 =	vld [tilespmem:s14+$0x64F0];
	v6 =	vadd.f32 v57, v6;
	[tilespmem:s14+$0x6560] =	vst v2  }
0x6a1: {  	v24 =	vld [tilespmem:s14+$0x6540];
	v3 =	vadd.f32 v52, v3;
	[tilespmem:s14+$0x63F0] =	vst v0  }
0x6a2: {  	v33 =	vld [tilespmem:s14+$0x65E0];
	v2 =	vadd.f32 v26, v2;
	[tilespmem:s14+$0x6510] =	vst v6  }
0x6a3: {  	v58 =	vld [tilespmem:s14+$0x64A0];
	v0 =	vadd.f32 v48, v0;
	[tilespmem:s14+$0x64C0] =	vst v3  }
0x6a4: {  	v28 =	vld [tilespmem:s14+$0x6590];
	v6 =	vadd.f32 v21, v6;
	[tilespmem:s14+$0x65E0] =	vst v2  }
0x6a5: {  	v27 =	vld [tilespmem:s14+$0x6570];
	v1 =	vadd.f32 v53, v1;
	[tilespmem:s14+$0x6470] =	vst v0  }
0x6a6: {  	v29 =	vld [tilespmem:s14+$0x65A0];
	v3 =	vadd.f32 v60, v3;
	[tilespmem:s14+$0x6590] =	vst v6  }
0x6a7: {  	v2 =	vadd.f32 v33, v2;
	v5 =	vadd.f32 v8, v5;
	v8 =	vld [tilespmem:s14+$0x64D0];
	[tilespmem:s14+$0x64D0] =	vst v1  }
0x6a8: {  	v36 =	vld [tilespmem:s14+$0x6610];
	v0 =	vadd.f32 v55, v0;
	[tilespmem:s14+$0x6540] =	vst v3  }
0x6a9: {  	v40 =	vld [tilespmem:s14+$0x6660];
	v6 =	vadd.f32 v28, v6;
	[tilespmem:s14+$0x6660] =	vst v2  }
0x6aa: {  	v31 =	vld [tilespmem:s14+$0x65C0];
	[tilespmem:s14+$0x64F0] =	vst v0  }
0x6ab: {  	v22 =	vld [tilespmem:s14+$0x6520];
	v3 =	vadd.f32 v24, v3;
	[tilespmem:s14+$0x6610] =	vst v6  }
0x6ac: {  	v34 =	vld [tilespmem:s14+$0x65F0];
	v0 =	vadd.f32 v62, v0;
	[tilespmem:s14+$0x64A0] =	vst v5  }
0x6ad: {  	v43 =	vld [tilespmem:s14+$0x6690];
	v6 =	vadd.f32 v36, v6;
	[tilespmem:s14+$0x65C0] =	vst v3  }
0x6ae: {  	v39 =	vld [tilespmem:s14+$0x6650];
	v5 =	vadd.f32 v58, v5;
	[tilespmem:s14+$0x6570] =	vst v0  }
0x6af: {  	v38 =	vld [tilespmem:s14+$0x6640];
	v3 =	vadd.f32 v31, v3;
	[tilespmem:s14+$0x6690] =	vst v6  }
0x6b0: {  	v25 =	vld [tilespmem:s14+$0x6550];
	v7 =	vadd.f32 v63, v7;
	[tilespmem:s14+$0x6520] =	vst v5  }
0x6b1: {  	v41 =	vld [tilespmem:s14+$0x6670];
	v0 =	vadd.f32 v27, v0;
	[tilespmem:s14+$0x6640] =	vst v3  }
0x6b2: {  	v6 =	vadd.f32 v43, v6;
	v1 =	vadd.f32 v8, v1;
	v8 =	vld [tilespmem:s14+$0x6580];
	[tilespmem:s14+$0x6580] =	vst v7  }
0x6b3: {  	v46 =	vld [tilespmem:s14+$0x66C0];
	v5 =	vadd.f32 v22, v5;
	[tilespmem:s14+$0x65F0] =	vst v0  }
0x6b4: {  	v50 =	vld [tilespmem:s14+$0x6710];
	v3 =	vadd.f32 v38, v3;
	[tilespmem:s14+$0x6710] =	vst v6  }
0x6b5: {  	v37 =	vld [tilespmem:s14+$0x6620];
	[tilespmem:s14+$0x65A0] =	vst v5  }
0x6b6: {  	v32 =	vld [tilespmem:s14+$0x65D0];
	v0 =	vadd.f32 v34, v0;
	[tilespmem:s14+$0x66C0] =	vst v3  }
0x6b7: {  	v49 =	vld [tilespmem:s14+$0x6700];
	v5 =	vadd.f32 v29, v5;
	[tilespmem:s14+$0x6550] =	vst v1  }
0x6b8: {  	v53 =	vld [tilespmem:s14+$0x6740];
	v3 =	vadd.f32 v46, v3;
	[tilespmem:s14+$0x6670] =	vst v0  }
0x6b9: {  	v44 =	vld [tilespmem:s14+$0x66A0];
	v1 =	vadd.f32 v25, v1;
	[tilespmem:s14+$0x6620] =	vst v5  }
0x6ba: {  	v48 =	vld [tilespmem:s14+$0x66F0];
	v0 =	vadd.f32 v41, v0;
	[tilespmem:s14+$0x6740] =	vst v3  }
0x6bb: {  	v56 =	vld [tilespmem:s14+$0x6770];
	v4 =	vadd.f32 v30, v4;
	[tilespmem:s14+$0x65D0] =	vst v1  }
0x6bc: {  	v35 =	vld [tilespmem:s14+$0x6600];
	v5 =	vadd.f32 v37, v5;
	[tilespmem:s14+$0x66F0] =	vst v0  }
0x6bd: {  	v3 =	vadd.f32 v53, v3;
	v7 =	vadd.f32 v8, v7;
	v8 =	vld [tilespmem:s14+$0x6630];
	[tilespmem:s14+$0x6630] =	vst v4  }
0x6be: {  	v51 =	vld [tilespmem:s14+$0x6720];
	v1 =	vadd.f32 v32, v1;
	[tilespmem:s14+$0x66A0] =	vst v5  }
0x6bf: {  	v60 =	vld [tilespmem:s14+$0x67C0];
	v0 =	vadd.f32 v48, v0;
	[tilespmem:s14+$0x67C0] =	vst v3  }
0x6c0: {  	v47 =	vld [tilespmem:s14+$0x66D0];
	[tilespmem:s14+$0x6650] =	vst v1  }
0x6c1: {  	v63 =	vld [tilespmem:s14+$0x67F0];
	v5 =	vadd.f32 v44, v5;
	[tilespmem:s14+$0x6770] =	vst v0  }
0x6c2: {  	v42 =	vld [tilespmem:s14+$0x6680];
	v1 =	vadd.f32 v39, v1;
	[tilespmem:s14+$0x6600] =	vst v7  }
0x6c3: {  	v59 =	vld [tilespmem:s14+$0x67B0];
	v0 =	vadd.f32 v56, v0;
	[tilespmem:s14+$0x6720] =	vst v5  }
0x6c4: {  	v54 =	vld [tilespmem:s14+$0x6750];
	v7 =	vadd.f32 v35, v7;
	[tilespmem:s14+$0x66D0] =	vst v1  }
0x6c5: {  	v45 =	vld [tilespmem:s14+$0x66B0];
	v5 =	vadd.f32 v51, v5;
	[tilespmem:s14+$0x67F0] =	vst v0  }
0x6c6: {  	v61 =	vld [tilespmem:s14+$0x67D0];
	v2 =	vadd.f32 v40, v2;
	[tilespmem:s14+$0x6680] =	vst v7  }
0x6c7: {  	v58 =	vld [tilespmem:s14+$0x67A0];
	v1 =	vadd.f32 v47, v1;
	[tilespmem:s14+$0x67A0] =	vst v5  }
0x6c8: {  	v7 =	vadd.f32 v42, v7;
	v4 =	vadd.f32 v8, v4;
	v8 =	vld [tilespmem:s14+$0x66E0];
	[tilespmem:s14+$0x66E0] =	vst v2  }
0x6c9: {  	v57 =	vld [tilespmem:s14+$0x6780];
	[tilespmem:s14+$0x6750] =	vst v1  }
0x6ca: {  	v52 =	vld [tilespmem:s14+$0x6730];
	v1 =	vadd.f32 v54, v1;
	[tilespmem:s14+$0x6700] =	vst v7  }
0x6cb: {  	v55 =	vld [tilespmem:s14+$0x6760];
	v7 =	vadd.f32 v49, v7;
	[tilespmem:s14+$0x66B0] =	vst v4  }
0x6cc: {  	v62 =	vld [tilespmem:s14+$0x67E0];
	v4 =	vadd.f32 v45, v4;
	[tilespmem:s14+$0x67D0] =	vst v1  }
0x6cd: {  	p0 =	slt.u32 s13, $0x30;
	v6 =	vadd.f32 v50, v6;
	[tilespmem:s14+$0x6780] =	vst v7;
	v2 =	vadd.f32 v8, v2;
	v8 =	vld [tilespmem:s14+$0x6790]  }
.Ltmp12:
0x6ce: {  	v3 =	vadd.f32 v60, v3;
	v0 =	vadd.f32 v63, v0;
	[tilespmem:s14+$0x6730] =	vst v4;
	(pc) =	sbr.rel @p0 .LBB2_26-.Ltmp12, $4  }
0x6cf: {  	v5 =	vadd.f32 v58, v5;
	v4 =	vadd.f32 v52, v4;
	[tilespmem:s14+$0x6790] =	vst v6  }
0x6d0: {  	v1 =	vadd.f32 v61, v1;
	[tilespmem:s14+$0x6760] =	vst v2;
	v2 =	vadd.f32 v55, v2  }
0x6d1: {  	v7 =	vadd.f32 v57, v7;
	[tilespmem:s14+$0x67B0] =	vst v4;
	v4 =	vadd.f32 v59, v4  }
0x6d2: {  	s13 =	sadd.s32 $0x10, s13;
	[tilespmem:s14+$0x67E0] =	vst v2;
	v2 =	vadd.f32 v62, v2;
	v6 =	vadd.f32 v8, v6  }
0x6d3: {  	[hbm4b:s24+s26] =	stream.strided.scatter [tilespmem:s31], [sflag:$0x8], $0x2000, s28, s26, $0x38;
	[tilespmem:$0x8000] =	vst v63  }
0x6d4: {  	_ =	swait.ge [sflag:s0], $0x2000  }
0x6d5: {  	[sflag:s0] =	ssyncset.done $0x0  }
0x6d6: {  	[sflag:s0] =	ssyncadd.s32 $0xFFFFE000  }
0x6d7: {  	_ =	swait.ge [sflag:s7], $0x2000  }
0x6d8: {  	[sflag:s7] =	ssyncset.done $0x0  }
0x6d9: {  	s12 =	sadd.s32 $0x1, s12;
	[sflag:s7] =	ssyncadd.s32 $0xFFFFE000  }
0x6da: {  	p0 =	sne.s32 s12, s25;
	_ =	swait.ge [sflag:s10], $0x2000  }
.Ltmp13:
0x6db: {  	[sflag:s10] =	ssyncset.done $0x0;
	(pc) =	sbr.rel @p0 .LBB2_1-.Ltmp13, $4  }
0x6dc: {  	[sflag:s10] =	ssyncadd.s32 $0xFFFFE000  }
0x6dd: {  	_ =	swait.ge [sflag:s11], $0x2000  }
0x6de: {  	[sflag:s11] =	ssyncset.done $0x0  }
0x6df: {  	[sflag:s11] =	ssyncadd.s32 $0xFFFFE000  }
0x6e0: {  	_ =	sfence.sel $0x180000  }
0x6e1: {  	[bflag:$0x0] =	sbarrier.arrive $0xFFFF  }
0x6e2: {  	_ =	strace $0x90000047  }
0x6e3: {  	s0 =	stileid.u32;
	[bflag:$0x2] =	sbarrier.arrive $0xFFFF  }
0x6e4: {  	p0 =	sne.s32 s0, $0x0;
	s0 =	rddreg [dreg:$0x2]  }
0x6e5: {  	s0 =	sadd.s32 @!p0 $0x100000, s0  }
0x6e6: {  	[sflag:s0] =	ssyncadd.tile.s32 @!p0 $0x1;
	_ =	shalt  }
.Lfunc_end2:
_tile_overlayer_lowered:
.L_overlay_start_2:
0x6e7: {  	(tag) =	ssettag $0x2  }
0x6e8: {  	s0 =	rddreg [dreg:$0x0];
	s2 =	stileid.u32  }
0x6e9: {  	s1 =	rddreg [dreg:$0x1];
	p0 =	sne.s32 s2, $0x0  }
0x6ea: {  	s3 =	rddreg [dreg:$0x2];
	[bflag:$0x3] =	sbarrier.arrive $0xFFFF;
	s2 =	simm.s32 @!p0 $0x1C09  }
0x6eb: {  	[timem:s3], [sflag:s2] =	dma.local @!p0 [hbm:s0], s1  }
0x6ec: {  	s0 =	simm.s32 @!p0 $0x9  }
0x6ed: {  	_ =	swait.ge @!p0 [sflag:s0], s1  }
0x6ee: {  	s1 =	ssub.s32 @!p0 $0x0, s1;
	[sflag:s0] =	ssyncset.done @!p0 $0x0  }
0x6ef: {  	[sflag:s0] =	ssyncadd.s32 @!p0 s1  }
0x6f0: {  	[bflag:$0x3] =	sbarrier.arrive $0xFFFF  }
0x6f1: {  	_ =	shalt  }

</sc_bundles>
